<compile_context>
chip_gen: v7x
topology: tpu7x:2x2x1
jax: 0.10.2.dev20260603
libtpu: 0.0.44.dev20260713+nightly
codegen_flags: <defaults>
</compile_context>

<pallas_src>
import functools

import jax
import jax.numpy as jnp
from jax import lax
from jax.experimental import pallas as pl
from jax.experimental.pallas import tpu as pltpu
from jax.experimental.pallas import tpu_sc as plsc

N = 10000
E = 320000
D_IN = 128
H = 200
W = 128
NB = 2
NC = 2
NS = 16
L = 16
EPT = E // NS
B = 80
NBLK = EPT // B
F32 = jnp.float32

_ZBASE = 624



def _proj(wh, whp_o, es_o, ed_o, a_s, a_d):
    whp_o[0] = wh[:, :W]
    whp_o[1] = jnp.concatenate([wh[:, W:H], jnp.ones((N, 2 * W - H), F32)],
                               axis=1)
    es_o[...] = jnp.dot(wh, a_s[...], preferred_element_type=F32)
    ed_o[...] = jnp.dot(wh, a_d[...], preferred_element_type=F32)


def _dense_in_body(feat, w_in, b_in, w_g, a_s, a_d, h0_o, whp_o, es_o, ed_o):
    h = jnp.dot(feat[...], w_in[...], preferred_element_type=F32) + b_in[...]
    h0_o[...] = h
    wh = jnp.dot(h, w_g[...], preferred_element_type=F32)
    _proj(wh, whp_o, es_o, ed_o, a_s, a_d)


def _norm(acc, b_g):
    agg = jnp.concatenate([acc[0], acc[1][:, :H - W]], axis=1)
    denom = acc[1][:, H - W:H - W + 1]
    return agg / (denom + 1e-16) + b_g[...]


def _dense_mid_body(acc, w_g, b_g, a_s, a_d, h1_o, whp_o, es_o, ed_o):
    h = _norm(acc, b_g)
    h1_o[...] = h
    wh = jnp.dot(h, w_g[...], preferred_element_type=F32)
    _proj(wh, whp_o, es_o, ed_o, a_s, a_d)


def _dense_out_body(acc, b_g, h0, h1, w_out, b_out, out_o):
    h2 = _norm(acc, b_g)
    out_o[...] = (
        jnp.dot(h0[...], w_out[0:H, :], preferred_element_type=F32)
        + jnp.dot(h1[...], w_out[H:2 * H, :], preferred_element_type=F32)
        + jnp.dot(h2, w_out[2 * H:3 * H, :], preferred_element_type=F32)
        + b_out[...]
    )


def _dense_in(feat, w_in, b_in, w_g, a_s, a_d):
    return pl.pallas_call(
        _dense_in_body,
        out_shape=[
            jax.ShapeDtypeStruct((N, H), F32),
            jax.ShapeDtypeStruct((NB, N, W), F32),
            jax.ShapeDtypeStruct((N, 1), F32),
            jax.ShapeDtypeStruct((N, 1), F32),
        ],
    )(feat, w_in, b_in, w_g, a_s, a_d)


def _dense_mid(acc, w_g, b_g, a_s, a_d):
    return pl.pallas_call(
        _dense_mid_body,
        out_shape=[
            jax.ShapeDtypeStruct((N, H), F32),
            jax.ShapeDtypeStruct((NB, N, W), F32),
            jax.ShapeDtypeStruct((N, 1), F32),
            jax.ShapeDtypeStruct((N, 1), F32),
        ],
    )(acc, w_g, b_g, a_s, a_d)


def _dense_out(acc, b_g, h0, h1, w_out, b_out):
    return pl.pallas_call(
        _dense_out_body,
        out_shape=jax.ShapeDtypeStruct((N, H), F32),
    )(acc, b_g, h0, h1, w_out, b_out)



TILES = NC * NS
BPT_W = E // TILES // B
BA = 125
PB = 128
NBLKA = (E // NS) // BA
ACCR = N + 8


def _sc_w_body(src_hbm, dst_hbm, es_hbm, ed_hbm, w_hbm,
               es_v, ed_v, src_a, dst_a, w_a):
    c = lax.axis_index("c")
    s = lax.axis_index("s")
    tid = c * NS + s

    pltpu.sync_copy(es_hbm, es_v)
    pltpu.sync_copy(ed_hbm, ed_v)
    pltpu.sync_copy(src_hbm.at[tid], src_a)
    pltpu.sync_copy(dst_hbm.at[tid], dst_a)

    def _wblk(b, carry):
        for g in range(B // L):
            sl = pl.ds(g * L, L)
            si = src_a[b, sl]
            di = dst_a[b, sl]
            x = plsc.load_gather(es_v, [si]) + plsc.load_gather(ed_v, [di])
            xl = jnp.where(x > 0, x, 0.2 * x)
            w_a[b, sl] = jnp.exp(xl)
        return carry
    lax.fori_loop(0, BPT_W, _wblk, 0)

    pltpu.sync_copy(w_a, w_hbm.at[tid])


@functools.cache
def _sc_w():
    mesh = plsc.VectorSubcoreMesh(
        core_axis_name="c", subcore_axis_name="s",
        num_cores=NC, num_subcores=NS)
    return pl.kernel(
        _sc_w_body,
        out_type=jax.ShapeDtypeStruct((TILES, BPT_W, B), F32),
        mesh=mesh,
        compiler_params=pltpu.CompilerParams(
            needs_layout_passes=False, use_tc_tiling_on_sc=False),
        scratch_types=[
            pltpu.VMEM((N,), F32),
            pltpu.VMEM((N,), F32),
            pltpu.VMEM((BPT_W, B), jnp.int32),
            pltpu.VMEM((BPT_W, B), jnp.int32),
            pltpu.VMEM((BPT_W, B), F32),
        ],
    )


def _sc_agg_body(src_hbm, dst_hbm, w_hbm, whp_hbm, out_hbm,
                 si0, si1, di0, di1, wv0, wv1, dsc0, dsc1,
                 g0, g1, s0, s1, acc,
                 is0, is1, gs0, gs1, ss0, ss1):
    c = lax.axis_index("c")
    s = lax.axis_index("s")

    def _zero_row(i, carry):
        for cc in range(W // L):
            s0[i, pl.ds(cc * L, L)] = jnp.zeros((L,), F32)
        return carry
    lax.fori_loop(0, B, _zero_row, 0)

    rbase = s * _ZBASE
    nrows = jnp.where(s == NS - 1, N - (NS - 1) * _ZBASE, _ZBASE)
    nfull = nrows // B
    rem = nrows - nfull * B

    def _zacc(k, carry):
        pltpu.sync_copy(s0, acc.at[pl.ds(rbase + k * B, B)])
        return carry
    lax.fori_loop(0, nfull, _zacc, 0)

    @pl.when(rem > 0)
    def _():
        pltpu.sync_copy(s0.at[pl.ds(0, 64)],
                        acc.at[pl.ds(rbase + nfull * B, 64)])

    plsc.subcore_barrier()

    bbase = s * NBLK
    rowoff = c * N

    def _issue_idx(b, sI, dI, wv, isem):
        pltpu.async_copy(src_hbm.at[bbase + b], sI, isem)
        pltpu.async_copy(dst_hbm.at[bbase + b], dI, isem)
        pltpu.async_copy(w_hbm.at[bbase + b], wv, isem)

    def _wait_idx(b, sI, dI, wv, isem):
        pltpu.make_async_copy(src_hbm.at[bbase + b], sI, isem).wait()
        pltpu.make_async_copy(dst_hbm.at[bbase + b], dI, isem).wait()
        pltpu.make_async_copy(w_hbm.at[bbase + b], wv, isem).wait()

    def _rebase_and_gather(sI, gbuf, gsem):
        for g in range(B // L):
            sl = pl.ds(g * L, L)
            sI[sl] = sI[sl] + rowoff
        pltpu.async_copy(whp_hbm.at[sI], gbuf, gsem)

    _issue_idx(0, si0, di0, wv0, is0)
    _issue_idx(1, si1, di1, wv1, is1)
    _wait_idx(0, si0, di0, wv0, is0)
    _rebase_and_gather(si0, g0, gs0)

    def _halfstep(b, sI, dI, wv, dsc, gbuf, sbuf, isem, gsem, ssem,
                  sIn, gn, gsn, isn):
        @pl.when(b + 1 < NBLK)
        def _():
            _wait_idx(b + 1, sIn, dsc, wv, isn)
            _rebase_and_gather(sIn, gn, gsn)
        pltpu.make_async_copy(whp_hbm.at[sI], gbuf, gsem).wait()
        @pl.when(b >= 2)
        def _():
            pltpu.make_async_copy(sbuf, acc.at[dsc], ssem).wait()
        @plsc.parallel_loop(0, B, 1, unroll=4)
        def _(e2):
            wb = plsc.load_gather(wv, [jnp.full((L,), e2, jnp.int32)])
            for cc in range(W // L):
                csl = pl.ds(cc * L, L)
                sbuf[e2, csl] = gbuf[e2, csl] * wb
        for g in range(B // L):
            sl = pl.ds(g * L, L)
            dsc[sl] = dI[sl]
        pltpu.async_copy(sbuf, acc.at[dsc], ssem, add=True)
        @pl.when(b + 2 < NBLK)
        def _():
            _issue_idx(b + 2, sI, dI, wv, isem)

    def _pair(i, carry):
        b0 = 2 * i
        _halfstep(b0, si0, di0, wv0, dsc0, g0, s0, is0, gs0, ss0,
                  si1, g1, gs1, is1)
        _halfstep(b0 + 1, si1, di1, wv1, dsc1, g1, s1, is1, gs1, ss1,
                  si0, g0, gs0, is0)
        return carry
    lax.fori_loop(0, NBLK // 2, _pair, 0)

    pltpu.make_async_copy(s0, acc.at[dsc0], ss0).wait()
    pltpu.make_async_copy(s1, acc.at[dsc1], ss1).wait()

    plsc.subcore_barrier()

    obase = c * N + rbase

    def _wout(k, carry):
        pltpu.sync_copy(acc.at[pl.ds(rbase + k * B, B)],
                        out_hbm.at[pl.ds(obase + k * B, B)])
        return carry
    lax.fori_loop(0, nfull, _wout, 0)

    @pl.when(rem > 0)
    def _():
        pltpu.sync_copy(acc.at[pl.ds(rbase + nfull * B, 64)],
                        out_hbm.at[pl.ds(obase + nfull * B, 64)])


@functools.cache
def _sc_agg():
    mesh = plsc.VectorSubcoreMesh(
        core_axis_name="c", subcore_axis_name="s",
        num_cores=NC, num_subcores=NS)
    return pl.kernel(
        _sc_agg_body,
        out_type=jax.ShapeDtypeStruct((NC * N, W), F32),
        mesh=mesh,
        compiler_params=pltpu.CompilerParams(
            needs_layout_passes=False, use_tc_tiling_on_sc=False),
        scratch_types=[
            pltpu.VMEM((B,), jnp.int32),
            pltpu.VMEM((B,), jnp.int32),
            pltpu.VMEM((B,), jnp.int32),
            pltpu.VMEM((B,), jnp.int32),
            pltpu.VMEM((B,), F32),
            pltpu.VMEM((B,), F32),
            pltpu.VMEM((B,), jnp.int32),
            pltpu.VMEM((B,), jnp.int32),
            pltpu.VMEM((B, W), F32),
            pltpu.VMEM((B, W), F32),
            pltpu.VMEM((B, W), F32),
            pltpu.VMEM((B, W), F32),
            pltpu.VMEM_SHARED((N, W), F32),
            pltpu.SemaphoreType.DMA,
            pltpu.SemaphoreType.DMA,
            pltpu.SemaphoreType.DMA,
            pltpu.SemaphoreType.DMA,
            pltpu.SemaphoreType.DMA,
            pltpu.SemaphoreType.DMA,
        ],
    )



def kernel(features, edge_index, W_in, b_in, W_g, a_src, a_dst, b_g,
           W_out, b_out):
    src2 = edge_index[0].astype(jnp.int32).reshape(E // B, B)
    dst2 = edge_index[1].astype(jnp.int32).reshape(E // B, B)
    src3 = src2.reshape(TILES, BPT_W, B)
    dst3 = dst2.reshape(TILES, BPT_W, B)
    b_in2 = b_in.reshape(1, H)
    b_g2 = b_g.reshape(1, H)
    b_out2 = b_out.reshape(1, H)
    a_s = a_src.reshape(H, 1)
    a_d = a_dst.reshape(H, 1)

    sc_w = _sc_w()
    sc_agg = _sc_agg()
    h0, whp0, es0, ed0 = _dense_in(features, W_in, b_in2, W_g, a_s, a_d)
    w0 = sc_w(src3, dst3, es0.reshape(N), ed0.reshape(N))
    acc0 = sc_agg(src2, dst2, w0.reshape(E // B, B),
                  whp0.reshape(NB * N, W))
    h1, whp1, es1, ed1 = _dense_mid(acc0.reshape(NC, N, W), W_g, b_g2,
                                    a_s, a_d)
    w1 = sc_w(src3, dst3, es1.reshape(N), ed1.reshape(N))
    acc1 = sc_agg(src2, dst2, w1.reshape(E // B, B),
                  whp1.reshape(NB * N, W))
    return _dense_out(acc1.reshape(NC, N, W), b_g2, h0, h1, W_out, b_out2)

# --- scband reference (transcript-rebuilt; emitter-appended) ---
"""Pipeline reference for scband-improved-gat-64020782515017 (READ-ONLY COPY).

The authoritative reference and input builder live on the scoring server;
editing this copy changes nothing except your own understanding.
"""

import jax, jax.numpy as jnp
import numpy as np

N = 10000
E = 320000
D_IN = 128
H = 200
NUM_LAYERS = 2


def setup_inputs(seed: int = 0) -> dict:
    key = jax.random.key(seed)
    ks = jax.random.split(key, 12)
    features = jax.random.normal(ks[0], (N, D_IN), dtype=jnp.float32)
    edge_index = jax.random.randint(ks[1], (2, E), 0, N)
    # input_proj: Linear(128, 200)
    W_in = jax.random.normal(ks[2], (D_IN, H), dtype=jnp.float32) / np.sqrt(D_IN)
    b_in = jnp.zeros((H,), dtype=jnp.float32)
    # shared GAT encoder layer params (same instance appended num_layers times -> weight sharing)
    W_g = jax.random.normal(ks[3], (H, H), dtype=jnp.float32) / np.sqrt(H)
    a_src = jax.random.normal(ks[4], (H,), dtype=jnp.float32) / np.sqrt(H)
    a_dst = jax.random.normal(ks[5], (H,), dtype=jnp.float32) / np.sqrt(H)
    b_g = jnp.zeros((H,), dtype=jnp.float32)
    # out_mlp: Linear((num_layers+1)*hidesize, hidesize)
    W_out = jax.random.normal(ks[6], ((NUM_LAYERS + 1) * H, H), dtype=jnp.float32) / np.sqrt((NUM_LAYERS + 1) * H)
    b_out = jnp.zeros((H,), dtype=jnp.float32)
    return {"features": features, "edge_index": edge_index, "W_in": W_in, "b_in": b_in,
            "W_g": W_g, "a_src": a_src, "a_dst": a_dst, "b_g": b_g,
            "W_out": W_out, "b_out": b_out}


def _gat_layer(h, src, dst, W_g, a_src, a_dst, b_g):
    Wh = h @ W_g
    es = Wh @ a_src
    ed = Wh @ a_dst
    e = jax.nn.leaky_relu(es[src] + ed[dst], negative_slope=0.2)
    m = jax.ops.segment_max(e, dst, num_segments=N)
    m = jnp.where(jnp.isfinite(m), m, 0.0)
    w = jnp.exp(e - m[dst])
    denom = jax.ops.segment_sum(w, dst, num_segments=N)
    agg = jax.ops.segment_sum(Wh[src] * w[:, None], dst, num_segments=N)
    return agg / (denom[:, None] + 1e-16) + b_g


def reference(features, edge_index, W_in, b_in, W_g, a_src, a_dst, b_g, W_out, b_out):
    src = edge_index[0]
    dst = edge_index[1]
    h = features @ W_in + b_in
    outputs = [h]
    for _ in range(NUM_LAYERS):
        h = _gat_layer(h, src, dst, W_g, a_src, a_dst, b_g)
        outputs.append(h)
    cat = jnp.concatenate(outputs, axis=-1)
    return cat @ W_out + b_out

if __name__ == "__main__":
    import jax
    _d = setup_inputs()
    print(jax.jit(kernel)(*tuple(_d.values())))

</pallas_src>

<mosaic_0001>
#map = affine_map<(d0, d1) -> (0, 0)>
module attributes {stable_mosaic.version = 14 : i64} {
  func.func @_sc_agg_body(%arg0: i32, %arg1: i32, %arg2: memref<4000x80xi32, #tpu.memory_space<hbm>>, %arg3: memref<4000x80xi32, #tpu.memory_space<hbm>>, %arg4: memref<4000x80xf32, #tpu.memory_space<hbm>>, %arg5: memref<20000x128xf32, #tpu.memory_space<hbm>>, %arg6: memref<20000x128xf32, #tpu.memory_space<hbm>>, %arg7: memref<80xi32, #tpu.memory_space<vmem>>, %arg8: memref<80xi32, #tpu.memory_space<vmem>>, %arg9: memref<80xi32, #tpu.memory_space<vmem>>, %arg10: memref<80xi32, #tpu.memory_space<vmem>>, %arg11: memref<80xf32, #tpu.memory_space<vmem>>, %arg12: memref<80xf32, #tpu.memory_space<vmem>>, %arg13: memref<80xi32, #tpu.memory_space<vmem>>, %arg14: memref<80xi32, #tpu.memory_space<vmem>>, %arg15: memref<80x128xf32, #tpu.memory_space<vmem>>, %arg16: memref<80x128xf32, #tpu.memory_space<vmem>>, %arg17: memref<80x128xf32, #tpu.memory_space<vmem>>, %arg18: memref<80x128xf32, #tpu.memory_space<vmem>>, %arg19: memref<10000x128xf32, #tpu.memory_space<vmem_shared>>, %arg20: memref<!tpu.dma_semaphore, #tpu.memory_space<semaphore_mem>>, %arg21: memref<!tpu.dma_semaphore, #tpu.memory_space<semaphore_mem>>, %arg22: memref<!tpu.dma_semaphore, #tpu.memory_space<semaphore_mem>>, %arg23: memref<!tpu.dma_semaphore, #tpu.memory_space<semaphore_mem>>, %arg24: memref<!tpu.dma_semaphore, #tpu.memory_space<semaphore_mem>>, %arg25: memref<!tpu.dma_semaphore, #tpu.memory_space<semaphore_mem>>) attributes {dimension_semantics = [#tpu.dimension_semantics<core_parallel>, #tpu.dimension_semantics<subcore_parallel>], iteration_bounds = array<i64: 2, 16>, scalar_prefetch = 0 : i64, scratch_operands = 19 : i64, tpu.core_type = #tpu.core_type<sc_vector_subcore>, window_params = [{transform_indices = #map}, {transform_indices = #map}, {transform_indices = #map}, {transform_indices = #map}, {transform_indices = #map}]} {
    %scan3A = arith.constant 0 : i32
    %scan3A_0 = arith.constant 0 : i32
    %scan3A_1 = arith.constant 80 : i32
    %scan3A_2 = arith.addi %scan3A_0, %scan3A_1 : i32
    %scan3A_3 = arith.constant 1 : i32
    scf.for %scan3A_175 = %scan3A_0 to %scan3A_2 step %scan3A_3  : i32 {
      %broadcast_in_dim3A = arith.constant 0.000000e+00 : f32
      %broadcast_in_dim3A_176 = vector.broadcast %broadcast_in_dim3A : f32 to vector<16xf32>
      %swap3A_177 = arith.index_cast %scan3A_175 : i32 to index
      %swap3A_178 = arith.constant 0 : index
      %swap3A_179 = tpu.vector_load %arg17[%swap3A_177, %swap3A_178] {strides = array<i32>} : memref<80x128xf32, #tpu.memory_space<vmem>>, vector<16xf32>,
      tpu.vector_store %arg17[%swap3A_177, %swap3A_178], %broadcast_in_dim3A_176 {strides = array<i32>} : memref<80x128xf32, #tpu.memory_space<vmem>>, vector<16xf32>,
      %broadcast_in_dim3A_180 = arith.constant 0.000000e+00 : f32
      %broadcast_in_dim3A_181 = vector.broadcast %broadcast_in_dim3A_180 : f32 to vector<16xf32>
      %swap3A_182 = arith.index_cast %scan3A_175 : i32 to index
      %swap3A_183 = arith.constant 16 : index
      %swap3A_184 = tpu.vector_load %arg17[%swap3A_182, %swap3A_183] {strides = array<i32>} : memref<80x128xf32, #tpu.memory_space<vmem>>, vector<16xf32>,
      tpu.vector_store %arg17[%swap3A_182, %swap3A_183], %broadcast_in_dim3A_181 {strides = array<i32>} : memref<80x128xf32, #tpu.memory_space<vmem>>, vector<16xf32>,
      %broadcast_in_dim3A_185 = arith.constant 0.000000e+00 : f32
      %broadcast_in_dim3A_186 = vector.broadcast %broadcast_in_dim3A_185 : f32 to vector<16xf32>
      %swap3A_187 = arith.index_cast %scan3A_175 : i32 to index
      %swap3A_188 = arith.constant 32 : index
      %swap3A_189 = tpu.vector_load %arg17[%swap3A_187, %swap3A_188] {strides = array<i32>} : memref<80x128xf32, #tpu.memory_space<vmem>>, vector<16xf32>,
      tpu.vector_store %arg17[%swap3A_187, %swap3A_188], %broadcast_in_dim3A_186 {strides = array<i32>} : memref<80x128xf32, #tpu.memory_space<vmem>>, vector<16xf32>,
      %broadcast_in_dim3A_190 = arith.constant 0.000000e+00 : f32
      %broadcast_in_dim3A_191 = vector.broadcast %broadcast_in_dim3A_190 : f32 to vector<16xf32>
      %swap3A_192 = arith.index_cast %scan3A_175 : i32 to index
      %swap3A_193 = arith.constant 48 : index
      %swap3A_194 = tpu.vector_load %arg17[%swap3A_192, %swap3A_193] {strides = array<i32>} : memref<80x128xf32, #tpu.memory_space<vmem>>, vector<16xf32>,
      tpu.vector_store %arg17[%swap3A_192, %swap3A_193], %broadcast_in_dim3A_191 {strides = array<i32>} : memref<80x128xf32, #tpu.memory_space<vmem>>, vector<16xf32>,
      %broadcast_in_dim3A_195 = arith.constant 0.000000e+00 : f32
      %broadcast_in_dim3A_196 = vector.broadcast %broadcast_in_dim3A_195 : f32 to vector<16xf32>
      %swap3A_197 = arith.index_cast %scan3A_175 : i32 to index
      %swap3A_198 = arith.constant 64 : index
      %swap3A_199 = tpu.vector_load %arg17[%swap3A_197, %swap3A_198] {strides = array<i32>} : memref<80x128xf32, #tpu.memory_space<vmem>>, vector<16xf32>,
      tpu.vector_store %arg17[%swap3A_197, %swap3A_198], %broadcast_in_dim3A_196 {strides = array<i32>} : memref<80x128xf32, #tpu.memory_space<vmem>>, vector<16xf32>,
      %broadcast_in_dim3A_200 = arith.constant 0.000000e+00 : f32
      %broadcast_in_dim3A_201 = vector.broadcast %broadcast_in_dim3A_200 : f32 to vector<16xf32>
      %swap3A_202 = arith.index_cast %scan3A_175 : i32 to index
      %swap3A_203 = arith.constant 80 : index
      %swap3A_204 = tpu.vector_load %arg17[%swap3A_202, %swap3A_203] {strides = array<i32>} : memref<80x128xf32, #tpu.memory_space<vmem>>, vector<16xf32>,
      tpu.vector_store %arg17[%swap3A_202, %swap3A_203], %broadcast_in_dim3A_201 {strides = array<i32>} : memref<80x128xf32, #tpu.memory_space<vmem>>, vector<16xf32>,
      %broadcast_in_dim3A_205 = arith.constant 0.000000e+00 : f32
      %broadcast_in_dim3A_206 = vector.broadcast %broadcast_in_dim3A_205 : f32 to vector<16xf32>
      %swap3A_207 = arith.index_cast %scan3A_175 : i32 to index
      %swap3A_208 = arith.constant 96 : index
      %swap3A_209 = tpu.vector_load %arg17[%swap3A_207, %swap3A_208] {strides = array<i32>} : memref<80x128xf32, #tpu.memory_space<vmem>>, vector<16xf32>,
      tpu.vector_store %arg17[%swap3A_207, %swap3A_208], %broadcast_in_dim3A_206 {strides = array<i32>} : memref<80x128xf32, #tpu.memory_space<vmem>>, vector<16xf32>,
      %broadcast_in_dim3A_210 = arith.constant 0.000000e+00 : f32
      %broadcast_in_dim3A_211 = vector.broadcast %broadcast_in_dim3A_210 : f32 to vector<16xf32>
      %swap3A_212 = arith.index_cast %scan3A_175 : i32 to index
      %swap3A_213 = arith.constant 112 : index
      %swap3A_214 = tpu.vector_load %arg17[%swap3A_212, %swap3A_213] {strides = array<i32>} : memref<80x128xf32, #tpu.memory_space<vmem>>, vector<16xf32>,
      tpu.vector_store %arg17[%swap3A_212, %swap3A_213], %broadcast_in_dim3A_211 {strides = array<i32>} : memref<80x128xf32, #tpu.memory_space<vmem>>, vector<16xf32>,
    }
    %scan3A_4 = arith.constant 80 : i32
    %mul3A = arith.constant 624 : i32
    %mul3A_5 = arith.muli %arg1, %mul3A : i32
    %eq3A = arith.constant 15 : i32
    %eq3A_6 = arith.cmpi eq, %arg1, %eq3A : i32
    %jit3A = arith.constant 640 : i32
    %jit3A_7 = arith.constant 624 : i32
    %select_n3A = arith.select %eq3A_6, %jit3A, %jit3A_7 : i32
    %jit3A_8 = arith.constant 80 : i32
    %div3A = arith.divsi %select_n3A, %jit3A_8 : i32
    %sign3A = arith.constant 0 : i32
    %sign3A_9 = arith.cmpi sgt, %select_n3A, %sign3A : i32
    %sign3A_10 = arith.extui %sign3A_9 : i1 to i32
    %sign3A_11 = arith.constant 0 : i32
    %sign3A_12 = arith.cmpi slt, %select_n3A, %sign3A_11 : i32
    %sign3A_13 = arith.extui %sign3A_12 : i1 to i32
    %sign3A_14 = arith.subi %sign3A_10, %sign3A_13 : i32
    %sign3A_15 = arith.constant 0 : i32
    %sign3A_16 = arith.cmpi sgt, %jit3A_8, %sign3A_15 : i32
    %sign3A_17 = arith.extui %sign3A_16 : i1 to i32
    %sign3A_18 = arith.constant 0 : i32
    %sign3A_19 = arith.cmpi slt, %jit3A_8, %sign3A_18 : i32
    %sign3A_20 = arith.extui %sign3A_19 : i1 to i32
    %sign3A_21 = arith.subi %sign3A_17, %sign3A_20 : i32
    %ne3A = arith.cmpi ne, %sign3A_14, %sign3A_21 : i32
    %rem3A = arith.remsi %select_n3A, %jit3A_8 : i32
    %ne3A_22 = arith.constant 0 : i32
    %ne3A_23 = arith.cmpi ne, %rem3A, %ne3A_22 : i32
    %and3A = arith.andi %ne3A, %ne3A_23 : i1
    %sub3A = arith.constant 1 : i32
    %sub3A_24 = arith.subi %div3A, %sub3A : i32
    %select_n3A_25 = arith.select %and3A, %sub3A_24, %div3A : i32
    %mul3A_26 = arith.constant 80 : i32
    %mul3A_27 = arith.muli %select_n3A_25, %mul3A_26 : i32
    %sub3A_28 = arith.subi %select_n3A, %mul3A_27 : i32
    %while3A = arith.constant 0 : i32
    %while3A_29 = arith.constant 0 : i32
    %while3A_30 = arith.subi %select_n3A_25, %while3A_29 : i32
    %while3A_31 = arith.addi %while3A_29, %while3A_30 : i32
    %while3A_32 = arith.constant 1 : i32
    %while3A_33 = arith.divsi %while3A_30, %while3A_32 : i32
    %while3A_34 = arith.muli %while3A_33, %while3A_32 : i32
    %while3A_35 = arith.addi %while3A_29, %while3A_34 : i32
    %while3A_36 = arith.constant 1 : i32
    scf.for %while3A_175 = %while3A_29 to %while3A_35 step %while3A_36  : i32 {
      %mul3A_176 = arith.constant 80 : i32
      %mul3A_177 = arith.muli %while3A_175, %mul3A_176 : i32
      %add3A_178 = arith.addi %mul3A_5, %mul3A_177 : i32
      "tpu.region"() ({
        %run_scoped3A = tpu.sem_alloc : memref<!tpu.dma_semaphore, #tpu.memory_space<semaphore_mem>>
        %dma_start3A_179 = arith.constant 0 : i32
        %dma_start3A_180 = tpu.memref_slice %arg19[%add3A_178, %dma_start3A_179] : memref<10000x128xf32, #tpu.memory_space<vmem_shared>> -> memref<80x128xf32, #tpu.memory_space<vmem_shared>>
        %dma_start3A_181 = arith.constant 0 : i32
        %dma_start3A_182 = tpu.memref_slice %arg19[%add3A_178, %dma_start3A_181] : memref<10000x128xf32, #tpu.memory_space<vmem_shared>> -> memref<80x128xf32, #tpu.memory_space<vmem_shared>>
        tpu.enqueue_dma source(%arg17 : memref<80x128xf32, #tpu.memory_space<vmem>>) target(%dma_start3A_182 : memref<80x128xf32, #tpu.memory_space<vmem_shared>>) target_semaphore(%run_scoped3A : memref<!tpu.dma_semaphore, #tpu.memory_space<semaphore_mem>>)
        %dma_wait3A_183 = arith.constant 0 : i32
        %dma_wait3A_184 = tpu.memref_slice %arg19[%add3A_178, %dma_wait3A_183] : memref<10000x128xf32, #tpu.memory_space<vmem_shared>> -> memref<80x128xf32, #tpu.memory_space<vmem_shared>>
        %dma_wait3A_185 = arith.constant 0 : i32
        %dma_wait3A_186 = tpu.memref_slice %arg19[%add3A_178, %dma_wait3A_185] : memref<10000x128xf32, #tpu.memory_space<vmem_shared>> -> memref<80x128xf32, #tpu.memory_space<vmem_shared>>
        tpu.wait_dma2 semaphore(%run_scoped3A : memref<!tpu.dma_semaphore, #tpu.memory_space<semaphore_mem>>) src(%arg17 : memref<80x128xf32, #tpu.memory_space<vmem>>) dst(%dma_wait3A_186 : memref<80x128xf32, #tpu.memory_space<vmem_shared>>)
        tpu.yield
      }) : () -> ()
    }
    %while3A_37 = arith.constant 1 : i32
    scf.for %while3A_175 = %while3A_35 to %while3A_31 step %while3A_37  : i32 {
      %mul3A_176 = arith.constant 80 : i32
      %mul3A_177 = arith.muli %while3A_175, %mul3A_176 : i32
      %add3A_178 = arith.addi %mul3A_5, %mul3A_177 : i32
      "tpu.region"() ({
        %run_scoped3A = tpu.sem_alloc : memref<!tpu.dma_semaphore, #tpu.memory_space<semaphore_mem>>
        %dma_start3A_179 = arith.constant 0 : i32
        %dma_start3A_180 = tpu.memref_slice %arg19[%add3A_178, %dma_start3A_179] : memref<10000x128xf32, #tpu.memory_space<vmem_shared>> -> memref<80x128xf32, #tpu.memory_space<vmem_shared>>
        %dma_start3A_181 = arith.constant 0 : i32
        %dma_start3A_182 = tpu.memref_slice %arg19[%add3A_178, %dma_start3A_181] : memref<10000x128xf32, #tpu.memory_space<vmem_shared>> -> memref<80x128xf32, #tpu.memory_space<vmem_shared>>
        tpu.enqueue_dma source(%arg17 : memref<80x128xf32, #tpu.memory_space<vmem>>) target(%dma_start3A_182 : memref<80x128xf32, #tpu.memory_space<vmem_shared>>) target_semaphore(%run_scoped3A : memref<!tpu.dma_semaphore, #tpu.memory_space<semaphore_mem>>)
        %dma_wait3A_183 = arith.constant 0 : i32
        %dma_wait3A_184 = tpu.memref_slice %arg19[%add3A_178, %dma_wait3A_183] : memref<10000x128xf32, #tpu.memory_space<vmem_shared>> -> memref<80x128xf32, #tpu.memory_space<vmem_shared>>
        %dma_wait3A_185 = arith.constant 0 : i32
        %dma_wait3A_186 = tpu.memref_slice %arg19[%add3A_178, %dma_wait3A_185] : memref<10000x128xf32, #tpu.memory_space<vmem_shared>> -> memref<80x128xf32, #tpu.memory_space<vmem_shared>>
        tpu.wait_dma2 semaphore(%run_scoped3A : memref<!tpu.dma_semaphore, #tpu.memory_space<semaphore_mem>>) src(%arg17 : memref<80x128xf32, #tpu.memory_space<vmem>>) dst(%dma_wait3A_186 : memref<80x128xf32, #tpu.memory_space<vmem_shared>>)
        tpu.yield
      }) : () -> ()
    }
    %gt3A = arith.constant 0 : i32
    %gt3A_38 = arith.cmpi sgt, %sub3A_28, %gt3A : i32
    %convert_element_type3A = arith.extui %gt3A_38 : i1 to i32
    %cond3A = arith.constant 0 : i32
    %cond3A_39 = arith.cmpi ne, %convert_element_type3A, %cond3A : i32
    scf.if %cond3A_39 {
      %mul3A_175 = arith.constant 80 : i32
      %mul3A_176 = arith.muli %select_n3A_25, %mul3A_175 : i32
      %add3A_177 = arith.addi %mul3A_5, %mul3A_176 : i32
      "tpu.region"() ({
        %run_scoped3A = tpu.sem_alloc : memref<!tpu.dma_semaphore, #tpu.memory_space<semaphore_mem>>
        %dma_start3A_178 = arith.constant 0 : i32
        %dma_start3A_179 = arith.constant 0 : i32
        %dma_start3A_180 = tpu.memref_slice %arg17[%dma_start3A_178, %dma_start3A_179] : memref<80x128xf32, #tpu.memory_space<vmem>> -> memref<64x128xf32, #tpu.memory_space<vmem>>
        %dma_start3A_181 = arith.constant 0 : i32
        %dma_start3A_182 = tpu.memref_slice %arg19[%add3A_177, %dma_start3A_181] : memref<10000x128xf32, #tpu.memory_space<vmem_shared>> -> memref<64x128xf32, #tpu.memory_space<vmem_shared>>
        %dma_start3A_183 = arith.constant 0 : i32
        %dma_start3A_184 = tpu.memref_slice %arg19[%add3A_177, %dma_start3A_183] : memref<10000x128xf32, #tpu.memory_space<vmem_shared>> -> memref<64x128xf32, #tpu.memory_space<vmem_shared>>
        %dma_start3A_185 = arith.constant 0 : i32
        %dma_start3A_186 = arith.constant 0 : i32
        %dma_start3A_187 = tpu.memref_slice %arg17[%dma_start3A_185, %dma_start3A_186] : memref<80x128xf32, #tpu.memory_space<vmem>> -> memref<64x128xf32, #tpu.memory_space<vmem>>
        tpu.enqueue_dma source(%dma_start3A_187 : memref<64x128xf32, #tpu.memory_space<vmem>>) target(%dma_start3A_184 : memref<64x128xf32, #tpu.memory_space<vmem_shared>>) target_semaphore(%run_scoped3A : memref<!tpu.dma_semaphore, #tpu.memory_space<semaphore_mem>>)
        %dma_wait3A_188 = arith.constant 0 : i32
        %dma_wait3A_189 = arith.constant 0 : i32
        %dma_wait3A_190 = tpu.memref_slice %arg17[%dma_wait3A_188, %dma_wait3A_189] : memref<80x128xf32, #tpu.memory_space<vmem>> -> memref<64x128xf32, #tpu.memory_space<vmem>>
        %dma_wait3A_191 = arith.constant 0 : i32
        %dma_wait3A_192 = tpu.memref_slice %arg19[%add3A_177, %dma_wait3A_191] : memref<10000x128xf32, #tpu.memory_space<vmem_shared>> -> memref<64x128xf32, #tpu.memory_space<vmem_shared>>
        %dma_wait3A_193 = arith.constant 0 : i32
        %dma_wait3A_194 = tpu.memref_slice %arg19[%add3A_177, %dma_wait3A_193] : memref<10000x128xf32, #tpu.memory_space<vmem_shared>> -> memref<64x128xf32, #tpu.memory_space<vmem_shared>>
        %dma_wait3A_195 = arith.constant 0 : i32
        %dma_wait3A_196 = arith.constant 0 : i32
        %dma_wait3A_197 = tpu.memref_slice %arg17[%dma_wait3A_195, %dma_wait3A_196] : memref<80x128xf32, #tpu.memory_space<vmem>> -> memref<64x128xf32, #tpu.memory_space<vmem>>
        tpu.wait_dma2 semaphore(%run_scoped3A : memref<!tpu.dma_semaphore, #tpu.memory_space<semaphore_mem>>) src(%dma_wait3A_197 : memref<64x128xf32, #tpu.memory_space<vmem>>) dst(%dma_wait3A_194 : memref<64x128xf32, #tpu.memory_space<vmem_shared>>)
        tpu.yield
      }) : () -> ()
    } else {
    }
    %barrier3A = arith.constant 0 : index
    tpu.barrier barrier_id(%barrier3A)
    %mul3A_40 = arith.constant 250 : i32
    %mul3A_41 = arith.muli %arg1, %mul3A_40 : i32
    %mul3A_42 = arith.constant 10000 : i32
    %mul3A_43 = arith.muli %arg0, %mul3A_42 : i32
    %add3A = arith.constant 0 : i32
    %add3A_44 = arith.addi %mul3A_41, %add3A : i32
    %dma_start3A = arith.constant 0 : i32
    %dma_start3A_45 = tpu.memref_slice %arg2[%add3A_44, %dma_start3A] : memref<4000x80xi32, #tpu.memory_space<hbm>> -> memref<1x80xi32, #tpu.memory_space<hbm>>
    %dma_start3A_46 = tpu.memref_squeeze %dma_start3A_45 : memref<1x80xi32, #tpu.memory_space<hbm>> -> memref<80xi32, #tpu.memory_space<hbm>>
    %dma_start3A_47 = arith.constant 0 : i32
    %dma_start3A_48 = tpu.memref_slice %arg2[%add3A_44, %dma_start3A_47] : memref<4000x80xi32, #tpu.memory_space<hbm>> -> memref<1x80xi32, #tpu.memory_space<hbm>>
    %dma_start3A_49 = tpu.memref_squeeze %dma_start3A_48 : memref<1x80xi32, #tpu.memory_space<hbm>> -> memref<80xi32, #tpu.memory_space<hbm>>
    tpu.enqueue_dma source(%dma_start3A_49 : memref<80xi32, #tpu.memory_space<hbm>>) target(%arg7 : memref<80xi32, #tpu.memory_space<vmem>>) target_semaphore(%arg20 : memref<!tpu.dma_semaphore, #tpu.memory_space<semaphore_mem>>)
    %add3A_50 = arith.constant 0 : i32
    %add3A_51 = arith.addi %mul3A_41, %add3A_50 : i32
    %dma_start3A_52 = arith.constant 0 : i32
    %dma_start3A_53 = tpu.memref_slice %arg3[%add3A_51, %dma_start3A_52] : memref<4000x80xi32, #tpu.memory_space<hbm>> -> memref<1x80xi32, #tpu.memory_space<hbm>>
    %dma_start3A_54 = tpu.memref_squeeze %dma_start3A_53 : memref<1x80xi32, #tpu.memory_space<hbm>> -> memref<80xi32, #tpu.memory_space<hbm>>
    %dma_start3A_55 = arith.constant 0 : i32
    %dma_start3A_56 = tpu.memref_slice %arg3[%add3A_51, %dma_start3A_55] : memref<4000x80xi32, #tpu.memory_space<hbm>> -> memref<1x80xi32, #tpu.memory_space<hbm>>
    %dma_start3A_57 = tpu.memref_squeeze %dma_start3A_56 : memref<1x80xi32, #tpu.memory_space<hbm>> -> memref<80xi32, #tpu.memory_space<hbm>>
    tpu.enqueue_dma source(%dma_start3A_57 : memref<80xi32, #tpu.memory_space<hbm>>) target(%arg9 : memref<80xi32, #tpu.memory_space<vmem>>) target_semaphore(%arg20 : memref<!tpu.dma_semaphore, #tpu.memory_space<semaphore_mem>>)
    %add3A_58 = arith.constant 0 : i32
    %add3A_59 = arith.addi %mul3A_41, %add3A_58 : i32
    %dma_start3A_60 = arith.constant 0 : i32
    %dma_start3A_61 = tpu.memref_slice %arg4[%add3A_59, %dma_start3A_60] : memref<4000x80xf32, #tpu.memory_space<hbm>> -> memref<1x80xf32, #tpu.memory_space<hbm>>
    %dma_start3A_62 = tpu.memref_squeeze %dma_start3A_61 : memref<1x80xf32, #tpu.memory_space<hbm>> -> memref<80xf32, #tpu.memory_space<hbm>>
    %dma_start3A_63 = arith.constant 0 : i32
    %dma_start3A_64 = tpu.memref_slice %arg4[%add3A_59, %dma_start3A_63] : memref<4000x80xf32, #tpu.memory_space<hbm>> -> memref<1x80xf32, #tpu.memory_space<hbm>>
    %dma_start3A_65 = tpu.memref_squeeze %dma_start3A_64 : memref<1x80xf32, #tpu.memory_space<hbm>> -> memref<80xf32, #tpu.memory_space<hbm>>
    tpu.enqueue_dma source(%dma_start3A_65 : memref<80xf32, #tpu.memory_space<hbm>>) target(%arg11 : memref<80xf32, #tpu.memory_space<vmem>>) target_semaphore(%arg20 : memref<!tpu.dma_semaphore, #tpu.memory_space<semaphore_mem>>)
    %add3A_66 = arith.constant 1 : i32
    %add3A_67 = arith.addi %mul3A_41, %add3A_66 : i32
    %dma_start3A_68 = arith.constant 0 : i32
    %dma_start3A_69 = tpu.memref_slice %arg2[%add3A_67, %dma_start3A_68] : memref<4000x80xi32, #tpu.memory_space<hbm>> -> memref<1x80xi32, #tpu.memory_space<hbm>>
    %dma_start3A_70 = tpu.memref_squeeze %dma_start3A_69 : memref<1x80xi32, #tpu.memory_space<hbm>> -> memref<80xi32, #tpu.memory_space<hbm>>
    %dma_start3A_71 = arith.constant 0 : i32
    %dma_start3A_72 = tpu.memref_slice %arg2[%add3A_67, %dma_start3A_71] : memref<4000x80xi32, #tpu.memory_space<hbm>> -> memref<1x80xi32, #tpu.memory_space<hbm>>
    %dma_start3A_73 = tpu.memref_squeeze %dma_start3A_72 : memref<1x80xi32, #tpu.memory_space<hbm>> -> memref<80xi32, #tpu.memory_space<hbm>>
    tpu.enqueue_dma source(%dma_start3A_73 : memref<80xi32, #tpu.memory_space<hbm>>) target(%arg8 : memref<80xi32, #tpu.memory_space<vmem>>) target_semaphore(%arg21 : memref<!tpu.dma_semaphore, #tpu.memory_space<semaphore_mem>>)
    %add3A_74 = arith.constant 1 : i32
    %add3A_75 = arith.addi %mul3A_41, %add3A_74 : i32
    %dma_start3A_76 = arith.constant 0 : i32
    %dma_start3A_77 = tpu.memref_slice %arg3[%add3A_75, %dma_start3A_76] : memref<4000x80xi32, #tpu.memory_space<hbm>> -> memref<1x80xi32, #tpu.memory_space<hbm>>
    %dma_start3A_78 = tpu.memref_squeeze %dma_start3A_77 : memref<1x80xi32, #tpu.memory_space<hbm>> -> memref<80xi32, #tpu.memory_space<hbm>>
    %dma_start3A_79 = arith.constant 0 : i32
    %dma_start3A_80 = tpu.memref_slice %arg3[%add3A_75, %dma_start3A_79] : memref<4000x80xi32, #tpu.memory_space<hbm>> -> memref<1x80xi32, #tpu.memory_space<hbm>>
    %dma_start3A_81 = tpu.memref_squeeze %dma_start3A_80 : memref<1x80xi32, #tpu.memory_space<hbm>> -> memref<80xi32, #tpu.memory_space<hbm>>
    tpu.enqueue_dma source(%dma_start3A_81 : memref<80xi32, #tpu.memory_space<hbm>>) target(%arg10 : memref<80xi32, #tpu.memory_space<vmem>>) target_semaphore(%arg21 : memref<!tpu.dma_semaphore, #tpu.memory_space<semaphore_mem>>)
    %add3A_82 = arith.constant 1 : i32
    %add3A_83 = arith.addi %mul3A_41, %add3A_82 : i32
    %dma_start3A_84 = arith.constant 0 : i32
    %dma_start3A_85 = tpu.memref_slice %arg4[%add3A_83, %dma_start3A_84] : memref<4000x80xf32, #tpu.memory_space<hbm>> -> memref<1x80xf32, #tpu.memory_space<hbm>>
    %dma_start3A_86 = tpu.memref_squeeze %dma_start3A_85 : memref<1x80xf32, #tpu.memory_space<hbm>> -> memref<80xf32, #tpu.memory_space<hbm>>
    %dma_start3A_87 = arith.constant 0 : i32
    %dma_start3A_88 = tpu.memref_slice %arg4[%add3A_83, %dma_start3A_87] : memref<4000x80xf32, #tpu.memory_space<hbm>> -> memref<1x80xf32, #tpu.memory_space<hbm>>
    %dma_start3A_89 = tpu.memref_squeeze %dma_start3A_88 : memref<1x80xf32, #tpu.memory_space<hbm>> -> memref<80xf32, #tpu.memory_space<hbm>>
    tpu.enqueue_dma source(%dma_start3A_89 : memref<80xf32, #tpu.memory_space<hbm>>) target(%arg12 : memref<80xf32, #tpu.memory_space<vmem>>) target_semaphore(%arg21 : memref<!tpu.dma_semaphore, #tpu.memory_space<semaphore_mem>>)
    %add3A_90 = arith.constant 0 : i32
    %add3A_91 = arith.addi %mul3A_41, %add3A_90 : i32
    %dma_wait3A = arith.constant 0 : i32
    %dma_wait3A_92 = tpu.memref_slice %arg2[%add3A_91, %dma_wait3A] : memref<4000x80xi32, #tpu.memory_space<hbm>> -> memref<1x80xi32, #tpu.memory_space<hbm>>
    %dma_wait3A_93 = tpu.memref_squeeze %dma_wait3A_92 : memref<1x80xi32, #tpu.memory_space<hbm>> -> memref<80xi32, #tpu.memory_space<hbm>>
    %dma_wait3A_94 = arith.constant 0 : i32
    %dma_wait3A_95 = tpu.memref_slice %arg2[%add3A_91, %dma_wait3A_94] : memref<4000x80xi32, #tpu.memory_space<hbm>> -> memref<1x80xi32, #tpu.memory_space<hbm>>
    %dma_wait3A_96 = tpu.memref_squeeze %dma_wait3A_95 : memref<1x80xi32, #tpu.memory_space<hbm>> -> memref<80xi32, #tpu.memory_space<hbm>>
    tpu.wait_dma2 semaphore(%arg20 : memref<!tpu.dma_semaphore, #tpu.memory_space<semaphore_mem>>) src(%dma_wait3A_96 : memref<80xi32, #tpu.memory_space<hbm>>) dst(%arg7 : memref<80xi32, #tpu.memory_space<vmem>>)
    %add3A_97 = arith.constant 0 : i32
    %add3A_98 = arith.addi %mul3A_41, %add3A_97 : i32
    %dma_wait3A_99 = arith.constant 0 : i32
    %dma_wait3A_100 = tpu.memref_slice %arg3[%add3A_98, %dma_wait3A_99] : memref<4000x80xi32, #tpu.memory_space<hbm>> -> memref<1x80xi32, #tpu.memory_space<hbm>>
    %dma_wait3A_101 = tpu.memref_squeeze %dma_wait3A_100 : memref<1x80xi32, #tpu.memory_space<hbm>> -> memref<80xi32, #tpu.memory_space<hbm>>
    %dma_wait3A_102 = arith.constant 0 : i32
    %dma_wait3A_103 = tpu.memref_slice %arg3[%add3A_98, %dma_wait3A_102] : memref<4000x80xi32, #tpu.memory_space<hbm>> -> memref<1x80xi32, #tpu.memory_space<hbm>>
    %dma_wait3A_104 = tpu.memref_squeeze %dma_wait3A_103 : memref<1x80xi32, #tpu.memory_space<hbm>> -> memref<80xi32, #tpu.memory_space<hbm>>
    tpu.wait_dma2 semaphore(%arg20 : memref<!tpu.dma_semaphore, #tpu.memory_space<semaphore_mem>>) src(%dma_wait3A_104 : memref<80xi32, #tpu.memory_space<hbm>>) dst(%arg9 : memref<80xi32, #tpu.memory_space<vmem>>)
    %add3A_105 = arith.constant 0 : i32
    %add3A_106 = arith.addi %mul3A_41, %add3A_105 : i32
    %dma_wait3A_107 = arith.constant 0 : i32
    %dma_wait3A_108 = tpu.memref_slice %arg4[%add3A_106, %dma_wait3A_107] : memref<4000x80xf32, #tpu.memory_space<hbm>> -> memref<1x80xf32, #tpu.memory_space<hbm>>
    %dma_wait3A_109 = tpu.memref_squeeze %dma_wait3A_108 : memref<1x80xf32, #tpu.memory_space<hbm>> -> memref<80xf32, #tpu.memory_space<hbm>>
    %dma_wait3A_110 = arith.constant 0 : i32
    %dma_wait3A_111 = tpu.memref_slice %arg4[%add3A_106, %dma_wait3A_110] : memref<4000x80xf32, #tpu.memory_space<hbm>> -> memref<1x80xf32, #tpu.memory_space<hbm>>
    %dma_wait3A_112 = tpu.memref_squeeze %dma_wait3A_111 : memref<1x80xf32, #tpu.memory_space<hbm>> -> memref<80xf32, #tpu.memory_space<hbm>>
    tpu.wait_dma2 semaphore(%arg20 : memref<!tpu.dma_semaphore, #tpu.memory_space<semaphore_mem>>) src(%dma_wait3A_112 : memref<80xf32, #tpu.memory_space<hbm>>) dst(%arg11 : memref<80xf32, #tpu.memory_space<vmem>>)
    %get3A = arith.constant 0 : index
    %get3A_113 = tpu.vector_load %arg7[%get3A] {strides = array<i32>} : memref<80xi32, #tpu.memory_space<vmem>>, vector<16xi32>,
    %add3A_114 = vector.broadcast %mul3A_43 : i32 to vector<16xi32>
    %add3A_115 = arith.addi %get3A_113, %add3A_114 : vector<16xi32>
    %swap3A = arith.constant 0 : index
    %swap3A_116 = tpu.vector_load %arg7[%swap3A] {strides = array<i32>} : memref<80xi32, #tpu.memory_space<vmem>>, vector<16xi32>,
    tpu.vector_store %arg7[%swap3A], %add3A_115 {strides = array<i32>} : memref<80xi32, #tpu.memory_space<vmem>>, vector<16xi32>,
    %get3A_117 = arith.constant 16 : index
    %get3A_118 = tpu.vector_load %arg7[%get3A_117] {strides = array<i32>} : memref<80xi32, #tpu.memory_space<vmem>>, vector<16xi32>,
    %add3A_119 = vector.broadcast %mul3A_43 : i32 to vector<16xi32>
    %add3A_120 = arith.addi %get3A_118, %add3A_119 : vector<16xi32>
    %swap3A_121 = arith.constant 16 : index
    %swap3A_122 = tpu.vector_load %arg7[%swap3A_121] {strides = array<i32>} : memref<80xi32, #tpu.memory_space<vmem>>, vector<16xi32>,
    tpu.vector_store %arg7[%swap3A_121], %add3A_120 {strides = array<i32>} : memref<80xi32, #tpu.memory_space<vmem>>, vector<16xi32>,
    %get3A_123 = arith.constant 32 : index
    %get3A_124 = tpu.vector_load %arg7[%get3A_123] {strides = array<i32>} : memref<80xi32, #tpu.memory_space<vmem>>, vector<16xi32>,
    %add3A_125 = vector.broadcast %mul3A_43 : i32 to vector<16xi32>
    %add3A_126 = arith.addi %get3A_124, %add3A_125 : vector<16xi32>
    %swap3A_127 = arith.constant 32 : index
    %swap3A_128 = tpu.vector_load %arg7[%swap3A_127] {strides = array<i32>} : memref<80xi32, #tpu.memory_space<vmem>>, vector<16xi32>,
    tpu.vector_store %arg7[%swap3A_127], %add3A_126 {strides = array<i32>} : memref<80xi32, #tpu.memory_space<vmem>>, vector<16xi32>,
    %get3A_129 = arith.constant 48 : index
    %get3A_130 = tpu.vector_load %arg7[%get3A_129] {strides = array<i32>} : memref<80xi32, #tpu.memory_space<vmem>>, vector<16xi32>,
    %add3A_131 = vector.broadcast %mul3A_43 : i32 to vector<16xi32>
    %add3A_132 = arith.addi %get3A_130, %add3A_131 : vector<16xi32>
    %swap3A_133 = arith.constant 48 : index
    %swap3A_134 = tpu.vector_load %arg7[%swap3A_133] {strides = array<i32>} : memref<80xi32, #tpu.memory_space<vmem>>, vector<16xi32>,
    tpu.vector_store %arg7[%swap3A_133], %add3A_132 {strides = array<i32>} : memref<80xi32, #tpu.memory_space<vmem>>, vector<16xi32>,
    %get3A_135 = arith.constant 64 : index
    %get3A_136 = tpu.vector_load %arg7[%get3A_135] {strides = array<i32>} : memref<80xi32, #tpu.memory_space<vmem>>, vector<16xi32>,
    %add3A_137 = vector.broadcast %mul3A_43 : i32 to vector<16xi32>
    %add3A_138 = arith.addi %get3A_136, %add3A_137 : vector<16xi32>
    %swap3A_139 = arith.constant 64 : index
    %swap3A_140 = tpu.vector_load %arg7[%swap3A_139] {strides = array<i32>} : memref<80xi32, #tpu.memory_space<vmem>>, vector<16xi32>,
    tpu.vector_store %arg7[%swap3A_139], %add3A_138 {strides = array<i32>} : memref<80xi32, #tpu.memory_space<vmem>>, vector<16xi32>,
    %dma_start3A_141 = arith.constant 0 : i32
    %dma_start3A_142 = arith.constant 0 : i32
    %dma_start3A_143 = tpu.memref_slice %arg5[%dma_start3A_141, %dma_start3A_142] : memref<20000x128xf32, #tpu.memory_space<hbm>> -> memref<20000x128xf32, #tpu.memory_space<hbm>>
    tpu.enqueue_indirect_dma source(%dma_start3A_143 : memref<20000x128xf32, #tpu.memory_space<hbm>>) target(%arg15 : memref<80x128xf32, #tpu.memory_space<vmem>>) offsets(%arg7 : memref<80xi32, #tpu.memory_space<vmem>>) semaphore(%arg22 : memref<!tpu.dma_semaphore, #tpu.memory_space<semaphore_mem>>)
    %scan3A_144 = arith.constant 0 : i32
    %scan3A_145 = arith.constant 0 : i32
    %scan3A_146 = arith.constant 125 : i32
    %scan3A_147 = arith.addi %scan3A_145, %scan3A_146 : i32
    %scan3A_148 = arith.constant 1 : i32
    scf.for %scan3A_175 = %scan3A_145 to %scan3A_147 step %scan3A_148  : i32 {
      %mul3A_176 = arith.constant 2 : i32
      %mul3A_177 = arith.muli %mul3A_176, %scan3A_175 : i32
      %add3A_178 = arith.constant 1 : i32
      %add3A_179 = arith.addi %mul3A_177, %add3A_178 : i32
      %lt3A = arith.constant 250 : i32
      %lt3A_180 = arith.cmpi slt, %add3A_179, %lt3A : i32
      %convert_element_type3A_181 = arith.extui %lt3A_180 : i1 to i32
      %cond3A_182 = arith.constant 0 : i32
      %cond3A_183 = arith.cmpi ne, %convert_element_type3A_181, %cond3A_182 : i32
      scf.if %cond3A_183 {
        %add3A_273 = arith.constant 1 : i32
        %add3A_274 = arith.addi %mul3A_177, %add3A_273 : i32
        %add3A_275 = arith.addi %mul3A_41, %add3A_274 : i32
        %dma_wait3A_276 = arith.constant 0 : i32
        %dma_wait3A_277 = tpu.memref_slice %arg2[%add3A_275, %dma_wait3A_276] : memref<4000x80xi32, #tpu.memory_space<hbm>> -> memref<1x80xi32, #tpu.memory_space<hbm>>
        %dma_wait3A_278 = tpu.memref_squeeze %dma_wait3A_277 : memref<1x80xi32, #tpu.memory_space<hbm>> -> memref<80xi32, #tpu.memory_space<hbm>>
        %dma_wait3A_279 = arith.constant 0 : i32
        %dma_wait3A_280 = tpu.memref_slice %arg2[%add3A_275, %dma_wait3A_279] : memref<4000x80xi32, #tpu.memory_space<hbm>> -> memref<1x80xi32, #tpu.memory_space<hbm>>
        %dma_wait3A_281 = tpu.memref_squeeze %dma_wait3A_280 : memref<1x80xi32, #tpu.memory_space<hbm>> -> memref<80xi32, #tpu.memory_space<hbm>>
        tpu.wait_dma2 semaphore(%arg21 : memref<!tpu.dma_semaphore, #tpu.memory_space<semaphore_mem>>) src(%dma_wait3A_281 : memref<80xi32, #tpu.memory_space<hbm>>) dst(%arg8 : memref<80xi32, #tpu.memory_space<vmem>>)
        %add3A_282 = arith.addi %mul3A_41, %add3A_274 : i32
        %dma_wait3A_283 = arith.constant 0 : i32
        %dma_wait3A_284 = tpu.memref_slice %arg3[%add3A_282, %dma_wait3A_283] : memref<4000x80xi32, #tpu.memory_space<hbm>> -> memref<1x80xi32, #tpu.memory_space<hbm>>
        %dma_wait3A_285 = tpu.memref_squeeze %dma_wait3A_284 : memref<1x80xi32, #tpu.memory_space<hbm>> -> memref<80xi32, #tpu.memory_space<hbm>>
        %dma_wait3A_286 = arith.constant 0 : i32
        %dma_wait3A_287 = tpu.memref_slice %arg3[%add3A_282, %dma_wait3A_286] : memref<4000x80xi32, #tpu.memory_space<hbm>> -> memref<1x80xi32, #tpu.memory_space<hbm>>
        %dma_wait3A_288 = tpu.memref_squeeze %dma_wait3A_287 : memref<1x80xi32, #tpu.memory_space<hbm>> -> memref<80xi32, #tpu.memory_space<hbm>>
        tpu.wait_dma2 semaphore(%arg21 : memref<!tpu.dma_semaphore, #tpu.memory_space<semaphore_mem>>) src(%dma_wait3A_288 : memref<80xi32, #tpu.memory_space<hbm>>) dst(%arg13 : memref<80xi32, #tpu.memory_space<vmem>>)
        %add3A_289 = arith.addi %mul3A_41, %add3A_274 : i32
        %dma_wait3A_290 = arith.constant 0 : i32
        %dma_wait3A_291 = tpu.memref_slice %arg4[%add3A_289, %dma_wait3A_290] : memref<4000x80xf32, #tpu.memory_space<hbm>> -> memref<1x80xf32, #tpu.memory_space<hbm>>
        %dma_wait3A_292 = tpu.memref_squeeze %dma_wait3A_291 : memref<1x80xf32, #tpu.memory_space<hbm>> -> memref<80xf32, #tpu.memory_space<hbm>>
        %dma_wait3A_293 = arith.constant 0 : i32
        %dma_wait3A_294 = tpu.memref_slice %arg4[%add3A_289, %dma_wait3A_293] : memref<4000x80xf32, #tpu.memory_space<hbm>> -> memref<1x80xf32, #tpu.memory_space<hbm>>
        %dma_wait3A_295 = tpu.memref_squeeze %dma_wait3A_294 : memref<1x80xf32, #tpu.memory_space<hbm>> -> memref<80xf32, #tpu.memory_space<hbm>>
        tpu.wait_dma2 semaphore(%arg21 : memref<!tpu.dma_semaphore, #tpu.memory_space<semaphore_mem>>) src(%dma_wait3A_295 : memref<80xf32, #tpu.memory_space<hbm>>) dst(%arg11 : memref<80xf32, #tpu.memory_space<vmem>>)
        %get3A_296 = arith.constant 0 : index
        %get3A_297 = tpu.vector_load %arg8[%get3A_296] {strides = array<i32>} : memref<80xi32, #tpu.memory_space<vmem>>, vector<16xi32>,
        %add3A_298 = vector.broadcast %mul3A_43 : i32 to vector<16xi32>
        %add3A_299 = arith.addi %get3A_297, %add3A_298 : vector<16xi32>
        %swap3A_300 = arith.constant 0 : index
        %swap3A_301 = tpu.vector_load %arg8[%swap3A_300] {strides = array<i32>} : memref<80xi32, #tpu.memory_space<vmem>>, vector<16xi32>,
        tpu.vector_store %arg8[%swap3A_300], %add3A_299 {strides = array<i32>} : memref<80xi32, #tpu.memory_space<vmem>>, vector<16xi32>,
        %get3A_302 = arith.constant 16 : index
        %get3A_303 = tpu.vector_load %arg8[%get3A_302] {strides = array<i32>} : memref<80xi32, #tpu.memory_space<vmem>>, vector<16xi32>,
        %add3A_304 = vector.broadcast %mul3A_43 : i32 to vector<16xi32>
        %add3A_305 = arith.addi %get3A_303, %add3A_304 : vector<16xi32>
        %swap3A_306 = arith.constant 16 : index
        %swap3A_307 = tpu.vector_load %arg8[%swap3A_306] {strides = array<i32>} : memref<80xi32, #tpu.memory_space<vmem>>, vector<16xi32>,
        tpu.vector_store %arg8[%swap3A_306], %add3A_305 {strides = array<i32>} : memref<80xi32, #tpu.memory_space<vmem>>, vector<16xi32>,
        %get3A_308 = arith.constant 32 : index
        %get3A_309 = tpu.vector_load %arg8[%get3A_308] {strides = array<i32>} : memref<80xi32, #tpu.memory_space<vmem>>, vector<16xi32>,
        %add3A_310 = vector.broadcast %mul3A_43 : i32 to vector<16xi32>
        %add3A_311 = arith.addi %get3A_309, %add3A_310 : vector<16xi32>
        %swap3A_312 = arith.constant 32 : index
        %swap3A_313 = tpu.vector_load %arg8[%swap3A_312] {strides = array<i32>} : memref<80xi32, #tpu.memory_space<vmem>>, vector<16xi32>,
        tpu.vector_store %arg8[%swap3A_312], %add3A_311 {strides = array<i32>} : memref<80xi32, #tpu.memory_space<vmem>>, vector<16xi32>,
        %get3A_314 = arith.constant 48 : index
        %get3A_315 = tpu.vector_load %arg8[%get3A_314] {strides = array<i32>} : memref<80xi32, #tpu.memory_space<vmem>>, vector<16xi32>,
        %add3A_316 = vector.broadcast %mul3A_43 : i32 to vector<16xi32>
        %add3A_317 = arith.addi %get3A_315, %add3A_316 : vector<16xi32>
        %swap3A_318 = arith.constant 48 : index
        %swap3A_319 = tpu.vector_load %arg8[%swap3A_318] {strides = array<i32>} : memref<80xi32, #tpu.memory_space<vmem>>, vector<16xi32>,
        tpu.vector_store %arg8[%swap3A_318], %add3A_317 {strides = array<i32>} : memref<80xi32, #tpu.memory_space<vmem>>, vector<16xi32>,
        %get3A_320 = arith.constant 64 : index
        %get3A_321 = tpu.vector_load %arg8[%get3A_320] {strides = array<i32>} : memref<80xi32, #tpu.memory_space<vmem>>, vector<16xi32>,
        %add3A_322 = vector.broadcast %mul3A_43 : i32 to vector<16xi32>
        %add3A_323 = arith.addi %get3A_321, %add3A_322 : vector<16xi32>
        %swap3A_324 = arith.constant 64 : index
        %swap3A_325 = tpu.vector_load %arg8[%swap3A_324] {strides = array<i32>} : memref<80xi32, #tpu.memory_space<vmem>>, vector<16xi32>,
        tpu.vector_store %arg8[%swap3A_324], %add3A_323 {strides = array<i32>} : memref<80xi32, #tpu.memory_space<vmem>>, vector<16xi32>,
        %dma_start3A_326 = arith.constant 0 : i32
        %dma_start3A_327 = arith.constant 0 : i32
        %dma_start3A_328 = tpu.memref_slice %arg5[%dma_start3A_326, %dma_start3A_327] : memref<20000x128xf32, #tpu.memory_space<hbm>> -> memref<20000x128xf32, #tpu.memory_space<hbm>>
        tpu.enqueue_indirect_dma source(%dma_start3A_328 : memref<20000x128xf32, #tpu.memory_space<hbm>>) target(%arg16 : memref<80x128xf32, #tpu.memory_space<vmem>>) offsets(%arg8 : memref<80xi32, #tpu.memory_space<vmem>>) semaphore(%arg23 : memref<!tpu.dma_semaphore, #tpu.memory_space<semaphore_mem>>)
      } else {
      }
      %dma_wait3A_184 = arith.constant 0 : i32
      %dma_wait3A_185 = arith.constant 0 : i32
      %dma_wait3A_186 = tpu.memref_slice %arg5[%dma_wait3A_184, %dma_wait3A_185] : memref<20000x128xf32, #tpu.memory_space<hbm>> -> memref<20000x128xf32, #tpu.memory_space<hbm>>
      tpu.wait_indirect_dma semaphore(%arg22 : memref<!tpu.dma_semaphore, #tpu.memory_space<semaphore_mem>>) src(%dma_wait3A_186 : memref<20000x128xf32, #tpu.memory_space<hbm>>) dst(%arg15 : memref<80x128xf32, #tpu.memory_space<vmem>>)
      %ge3A = arith.constant 2 : i32
      %ge3A_187 = arith.cmpi sge, %mul3A_177, %ge3A : i32
      %convert_element_type3A_188 = arith.extui %ge3A_187 : i1 to i32
      %cond3A_189 = arith.constant 0 : i32
      %cond3A_190 = arith.cmpi ne, %convert_element_type3A_188, %cond3A_189 : i32
      scf.if %cond3A_190 {
        %dma_wait3A_273 = arith.constant 0 : i32
        %dma_wait3A_274 = arith.constant 0 : i32
        %dma_wait3A_275 = tpu.memref_slice %arg19[%dma_wait3A_273, %dma_wait3A_274] : memref<10000x128xf32, #tpu.memory_space<vmem_shared>> -> memref<10000x128xf32, #tpu.memory_space<vmem_shared>>
        tpu.wait_indirect_dma semaphore(%arg24 : memref<!tpu.dma_semaphore, #tpu.memory_space<semaphore_mem>>) src(%arg17 : memref<80x128xf32, #tpu.memory_space<vmem>>) dst(%dma_wait3A_275 : memref<10000x128xf32, #tpu.memory_space<vmem_shared>>)
      } else {
      }
      %parallel_loop3A = arith.constant 0 : i32
      %parallel_loop3A_191 = arith.constant 80 : i32
      %parallel_loop3A_192 = arith.constant 1 : i32
      scf.for %parallel_loop3A_273 = %parallel_loop3A to %parallel_loop3A_191 step %parallel_loop3A_192  : i32 {
        %parallel_loop3A_274 = vector.broadcast %parallel_loop3A_273 : i32 to vector<16xi32>
        %parallel_loop3A_275 = tpu.vector_load_idx %arg11[%parallel_loop3A_274] : memref<80xf32, #tpu.memory_space<vmem>>[vector<16xi32>], vector<16xf32>,
        %parallel_loop3A_276 = arith.index_cast %parallel_loop3A_273 : i32 to index
        %parallel_loop3A_277 = arith.constant 0 : index
        %parallel_loop3A_278 = tpu.vector_load %arg15[%parallel_loop3A_276, %parallel_loop3A_277] {strides = array<i32>} : memref<80x128xf32, #tpu.memory_space<vmem>>, vector<16xf32>,
        %parallel_loop3A_279 = arith.mulf %parallel_loop3A_278, %parallel_loop3A_275 : vector<16xf32>
        %parallel_loop3A_280 = arith.index_cast %parallel_loop3A_273 : i32 to index
        %parallel_loop3A_281 = arith.constant 0 : index
        %parallel_loop3A_282 = tpu.vector_load %arg17[%parallel_loop3A_280, %parallel_loop3A_281] {strides = array<i32>} : memref<80x128xf32, #tpu.memory_space<vmem>>, vector<16xf32>,
        tpu.vector_store %arg17[%parallel_loop3A_280, %parallel_loop3A_281], %parallel_loop3A_279 {strides = array<i32>} : memref<80x128xf32, #tpu.memory_space<vmem>>, vector<16xf32>,
        %parallel_loop3A_283 = arith.index_cast %parallel_loop3A_273 : i32 to index
        %parallel_loop3A_284 = arith.constant 16 : index
        %parallel_loop3A_285 = tpu.vector_load %arg15[%parallel_loop3A_283, %parallel_loop3A_284] {strides = array<i32>} : memref<80x128xf32, #tpu.memory_space<vmem>>, vector<16xf32>,
        %parallel_loop3A_286 = arith.mulf %parallel_loop3A_285, %parallel_loop3A_275 : vector<16xf32>
        %parallel_loop3A_287 = arith.index_cast %parallel_loop3A_273 : i32 to index
        %parallel_loop3A_288 = arith.constant 16 : index
        %parallel_loop3A_289 = tpu.vector_load %arg17[%parallel_loop3A_287, %parallel_loop3A_288] {strides = array<i32>} : memref<80x128xf32, #tpu.memory_space<vmem>>, vector<16xf32>,
        tpu.vector_store %arg17[%parallel_loop3A_287, %parallel_loop3A_288], %parallel_loop3A_286 {strides = array<i32>} : memref<80x128xf32, #tpu.memory_space<vmem>>, vector<16xf32>,
        %parallel_loop3A_290 = arith.index_cast %parallel_loop3A_273 : i32 to index
        %parallel_loop3A_291 = arith.constant 32 : index
        %parallel_loop3A_292 = tpu.vector_load %arg15[%parallel_loop3A_290, %parallel_loop3A_291] {strides = array<i32>} : memref<80x128xf32, #tpu.memory_space<vmem>>, vector<16xf32>,
        %parallel_loop3A_293 = arith.mulf %parallel_loop3A_292, %parallel_loop3A_275 : vector<16xf32>
        %parallel_loop3A_294 = arith.index_cast %parallel_loop3A_273 : i32 to index
        %parallel_loop3A_295 = arith.constant 32 : index
        %parallel_loop3A_296 = tpu.vector_load %arg17[%parallel_loop3A_294, %parallel_loop3A_295] {strides = array<i32>} : memref<80x128xf32, #tpu.memory_space<vmem>>, vector<16xf32>,
        tpu.vector_store %arg17[%parallel_loop3A_294, %parallel_loop3A_295], %parallel_loop3A_293 {strides = array<i32>} : memref<80x128xf32, #tpu.memory_space<vmem>>, vector<16xf32>,
        %parallel_loop3A_297 = arith.index_cast %parallel_loop3A_273 : i32 to index
        %parallel_loop3A_298 = arith.constant 48 : index
        %parallel_loop3A_299 = tpu.vector_load %arg15[%parallel_loop3A_297, %parallel_loop3A_298] {strides = array<i32>} : memref<80x128xf32, #tpu.memory_space<vmem>>, vector<16xf32>,
        %parallel_loop3A_300 = arith.mulf %parallel_loop3A_299, %parallel_loop3A_275 : vector<16xf32>
        %parallel_loop3A_301 = arith.index_cast %parallel_loop3A_273 : i32 to index
        %parallel_loop3A_302 = arith.constant 48 : index
        %parallel_loop3A_303 = tpu.vector_load %arg17[%parallel_loop3A_301, %parallel_loop3A_302] {strides = array<i32>} : memref<80x128xf32, #tpu.memory_space<vmem>>, vector<16xf32>,
        tpu.vector_store %arg17[%parallel_loop3A_301, %parallel_loop3A_302], %parallel_loop3A_300 {strides = array<i32>} : memref<80x128xf32, #tpu.memory_space<vmem>>, vector<16xf32>,
        %parallel_loop3A_304 = arith.index_cast %parallel_loop3A_273 : i32 to index
        %parallel_loop3A_305 = arith.constant 64 : index
        %parallel_loop3A_306 = tpu.vector_load %arg15[%parallel_loop3A_304, %parallel_loop3A_305] {strides = array<i32>} : memref<80x128xf32, #tpu.memory_space<vmem>>, vector<16xf32>,
        %parallel_loop3A_307 = arith.mulf %parallel_loop3A_306, %parallel_loop3A_275 : vector<16xf32>
        %parallel_loop3A_308 = arith.index_cast %parallel_loop3A_273 : i32 to index
        %parallel_loop3A_309 = arith.constant 64 : index
        %parallel_loop3A_310 = tpu.vector_load %arg17[%parallel_loop3A_308, %parallel_loop3A_309] {strides = array<i32>} : memref<80x128xf32, #tpu.memory_space<vmem>>, vector<16xf32>,
        tpu.vector_store %arg17[%parallel_loop3A_308, %parallel_loop3A_309], %parallel_loop3A_307 {strides = array<i32>} : memref<80x128xf32, #tpu.memory_space<vmem>>, vector<16xf32>,
        %parallel_loop3A_311 = arith.index_cast %parallel_loop3A_273 : i32 to index
        %parallel_loop3A_312 = arith.constant 80 : index
        %parallel_loop3A_313 = tpu.vector_load %arg15[%parallel_loop3A_311, %parallel_loop3A_312] {strides = array<i32>} : memref<80x128xf32, #tpu.memory_space<vmem>>, vector<16xf32>,
        %parallel_loop3A_314 = arith.mulf %parallel_loop3A_313, %parallel_loop3A_275 : vector<16xf32>
        %parallel_loop3A_315 = arith.index_cast %parallel_loop3A_273 : i32 to index
        %parallel_loop3A_316 = arith.constant 80 : index
        %parallel_loop3A_317 = tpu.vector_load %arg17[%parallel_loop3A_315, %parallel_loop3A_316] {strides = array<i32>} : memref<80x128xf32, #tpu.memory_space<vmem>>, vector<16xf32>,
        tpu.vector_store %arg17[%parallel_loop3A_315, %parallel_loop3A_316], %parallel_loop3A_314 {strides = array<i32>} : memref<80x128xf32, #tpu.memory_space<vmem>>, vector<16xf32>,
        %parallel_loop3A_318 = arith.index_cast %parallel_loop3A_273 : i32 to index
        %parallel_loop3A_319 = arith.constant 96 : index
        %parallel_loop3A_320 = tpu.vector_load %arg15[%parallel_loop3A_318, %parallel_loop3A_319] {strides = array<i32>} : memref<80x128xf32, #tpu.memory_space<vmem>>, vector<16xf32>,
        %parallel_loop3A_321 = arith.mulf %parallel_loop3A_320, %parallel_loop3A_275 : vector<16xf32>
        %parallel_loop3A_322 = arith.index_cast %parallel_loop3A_273 : i32 to index
        %parallel_loop3A_323 = arith.constant 96 : index
        %parallel_loop3A_324 = tpu.vector_load %arg17[%parallel_loop3A_322, %parallel_loop3A_323] {strides = array<i32>} : memref<80x128xf32, #tpu.memory_space<vmem>>, vector<16xf32>,
        tpu.vector_store %arg17[%parallel_loop3A_322, %parallel_loop3A_323], %parallel_loop3A_321 {strides = array<i32>} : memref<80x128xf32, #tpu.memory_space<vmem>>, vector<16xf32>,
        %parallel_loop3A_325 = arith.index_cast %parallel_loop3A_273 : i32 to index
        %parallel_loop3A_326 = arith.constant 112 : index
        %parallel_loop3A_327 = tpu.vector_load %arg15[%parallel_loop3A_325, %parallel_loop3A_326] {strides = array<i32>} : memref<80x128xf32, #tpu.memory_space<vmem>>, vector<16xf32>,
        %parallel_loop3A_328 = arith.mulf %parallel_loop3A_327, %parallel_loop3A_275 : vector<16xf32>
        %parallel_loop3A_329 = arith.index_cast %parallel_loop3A_273 : i32 to index
        %parallel_loop3A_330 = arith.constant 112 : index
        %parallel_loop3A_331 = tpu.vector_load %arg17[%parallel_loop3A_329, %parallel_loop3A_330] {strides = array<i32>} : memref<80x128xf32, #tpu.memory_space<vmem>>, vector<16xf32>,
        tpu.vector_store %arg17[%parallel_loop3A_329, %parallel_loop3A_330], %parallel_loop3A_328 {strides = array<i32>} : memref<80x128xf32, #tpu.memory_space<vmem>>, vector<16xf32>,
      } {sc.loop_unroll_factor = 4 : i64, sc.parallel_access}
      %get3A_193 = arith.constant 0 : index
      %get3A_194 = tpu.vector_load %arg9[%get3A_193] {strides = array<i32>} : memref<80xi32, #tpu.memory_space<vmem>>, vector<16xi32>,
      %swap3A_195 = arith.constant 0 : index
      %swap3A_196 = tpu.vector_load %arg13[%swap3A_195] {strides = array<i32>} : memref<80xi32, #tpu.memory_space<vmem>>, vector<16xi32>,
      tpu.vector_store %arg13[%swap3A_195], %get3A_194 {strides = array<i32>} : memref<80xi32, #tpu.memory_space<vmem>>, vector<16xi32>,
      %get3A_197 = arith.constant 16 : index
      %get3A_198 = tpu.vector_load %arg9[%get3A_197] {strides = array<i32>} : memref<80xi32, #tpu.memory_space<vmem>>, vector<16xi32>,
      %swap3A_199 = arith.constant 16 : index
      %swap3A_200 = tpu.vector_load %arg13[%swap3A_199] {strides = array<i32>} : memref<80xi32, #tpu.memory_space<vmem>>, vector<16xi32>,
      tpu.vector_store %arg13[%swap3A_199], %get3A_198 {strides = array<i32>} : memref<80xi32, #tpu.memory_space<vmem>>, vector<16xi32>,
      %get3A_201 = arith.constant 32 : index
      %get3A_202 = tpu.vector_load %arg9[%get3A_201] {strides = array<i32>} : memref<80xi32, #tpu.memory_space<vmem>>, vector<16xi32>,
      %swap3A_203 = arith.constant 32 : index
      %swap3A_204 = tpu.vector_load %arg13[%swap3A_203] {strides = array<i32>} : memref<80xi32, #tpu.memory_space<vmem>>, vector<16xi32>,
      tpu.vector_store %arg13[%swap3A_203], %get3A_202 {strides = array<i32>} : memref<80xi32, #tpu.memory_space<vmem>>, vector<16xi32>,
      %get3A_205 = arith.constant 48 : index
      %get3A_206 = tpu.vector_load %arg9[%get3A_205] {strides = array<i32>} : memref<80xi32, #tpu.memory_space<vmem>>, vector<16xi32>,
      %swap3A_207 = arith.constant 48 : index
      %swap3A_208 = tpu.vector_load %arg13[%swap3A_207] {strides = array<i32>} : memref<80xi32, #tpu.memory_space<vmem>>, vector<16xi32>,
      tpu.vector_store %arg13[%swap3A_207], %get3A_206 {strides = array<i32>} : memref<80xi32, #tpu.memory_space<vmem>>, vector<16xi32>,
      %get3A_209 = arith.constant 64 : index
      %get3A_210 = tpu.vector_load %arg9[%get3A_209] {strides = array<i32>} : memref<80xi32, #tpu.memory_space<vmem>>, vector<16xi32>,
      %swap3A_211 = arith.constant 64 : index
      %swap3A_212 = tpu.vector_load %arg13[%swap3A_211] {strides = array<i32>} : memref<80xi32, #tpu.memory_space<vmem>>, vector<16xi32>,
      tpu.vector_store %arg13[%swap3A_211], %get3A_210 {strides = array<i32>} : memref<80xi32, #tpu.memory_space<vmem>>, vector<16xi32>,
      %dma_start3A_213 = arith.constant 0 : i32
      %dma_start3A_214 = arith.constant 0 : i32
      %dma_start3A_215 = tpu.memref_slice %arg19[%dma_start3A_213, %dma_start3A_214] : memref<10000x128xf32, #tpu.memory_space<vmem_shared>> -> memref<10000x128xf32, #tpu.memory_space<vmem_shared>>
      tpu.enqueue_indirect_dma source(%arg17 : memref<80x128xf32, #tpu.memory_space<vmem>>) target(%dma_start3A_215 : memref<10000x128xf32, #tpu.memory_space<vmem_shared>>) offsets(%arg13 : memref<80xi32, #tpu.memory_space<vmem>>) semaphore(%arg24 : memref<!tpu.dma_semaphore, #tpu.memory_space<semaphore_mem>>) {add = true}
      %add3A_216 = arith.constant 2 : i32
      %add3A_217 = arith.addi %mul3A_177, %add3A_216 : i32
      %lt3A_218 = arith.constant 250 : i32
      %lt3A_219 = arith.cmpi slt, %add3A_217, %lt3A_218 : i32
      %convert_element_type3A_220 = arith.extui %lt3A_219 : i1 to i32
      %cond3A_221 = arith.constant 0 : i32
      %cond3A_222 = arith.cmpi ne, %convert_element_type3A_220, %cond3A_221 : i32
      scf.if %cond3A_222 {
        %add3A_273 = arith.constant 2 : i32
        %add3A_274 = arith.addi %mul3A_177, %add3A_273 : i32
        %add3A_275 = arith.addi %mul3A_41, %add3A_274 : i32
        %dma_start3A_276 = arith.constant 0 : i32
        %dma_start3A_277 = tpu.memref_slice %arg2[%add3A_275, %dma_start3A_276] : memref<4000x80xi32, #tpu.memory_space<hbm>> -> memref<1x80xi32, #tpu.memory_space<hbm>>
        %dma_start3A_278 = tpu.memref_squeeze %dma_start3A_277 : memref<1x80xi32, #tpu.memory_space<hbm>> -> memref<80xi32, #tpu.memory_space<hbm>>
        %dma_start3A_279 = arith.constant 0 : i32
        %dma_start3A_280 = tpu.memref_slice %arg2[%add3A_275, %dma_start3A_279] : memref<4000x80xi32, #tpu.memory_space<hbm>> -> memref<1x80xi32, #tpu.memory_space<hbm>>
        %dma_start3A_281 = tpu.memref_squeeze %dma_start3A_280 : memref<1x80xi32, #tpu.memory_space<hbm>> -> memref<80xi32, #tpu.memory_space<hbm>>
        tpu.enqueue_dma source(%dma_start3A_281 : memref<80xi32, #tpu.memory_space<hbm>>) target(%arg7 : memref<80xi32, #tpu.memory_space<vmem>>) target_semaphore(%arg20 : memref<!tpu.dma_semaphore, #tpu.memory_space<semaphore_mem>>)
        %add3A_282 = arith.addi %mul3A_41, %add3A_274 : i32
        %dma_start3A_283 = arith.constant 0 : i32
        %dma_start3A_284 = tpu.memref_slice %arg3[%add3A_282, %dma_start3A_283] : memref<4000x80xi32, #tpu.memory_space<hbm>> -> memref<1x80xi32, #tpu.memory_space<hbm>>
        %dma_start3A_285 = tpu.memref_squeeze %dma_start3A_284 : memref<1x80xi32, #tpu.memory_space<hbm>> -> memref<80xi32, #tpu.memory_space<hbm>>
        %dma_start3A_286 = arith.constant 0 : i32
        %dma_start3A_287 = tpu.memref_slice %arg3[%add3A_282, %dma_start3A_286] : memref<4000x80xi32, #tpu.memory_space<hbm>> -> memref<1x80xi32, #tpu.memory_space<hbm>>
        %dma_start3A_288 = tpu.memref_squeeze %dma_start3A_287 : memref<1x80xi32, #tpu.memory_space<hbm>> -> memref<80xi32, #tpu.memory_space<hbm>>
        tpu.enqueue_dma source(%dma_start3A_288 : memref<80xi32, #tpu.memory_space<hbm>>) target(%arg9 : memref<80xi32, #tpu.memory_space<vmem>>) target_semaphore(%arg20 : memref<!tpu.dma_semaphore, #tpu.memory_space<semaphore_mem>>)
        %add3A_289 = arith.addi %mul3A_41, %add3A_274 : i32
        %dma_start3A_290 = arith.constant 0 : i32
        %dma_start3A_291 = tpu.memref_slice %arg4[%add3A_289, %dma_start3A_290] : memref<4000x80xf32, #tpu.memory_space<hbm>> -> memref<1x80xf32, #tpu.memory_space<hbm>>
        %dma_start3A_292 = tpu.memref_squeeze %dma_start3A_291 : memref<1x80xf32, #tpu.memory_space<hbm>> -> memref<80xf32, #tpu.memory_space<hbm>>
        %dma_start3A_293 = arith.constant 0 : i32
        %dma_start3A_294 = tpu.memref_slice %arg4[%add3A_289, %dma_start3A_293] : memref<4000x80xf32, #tpu.memory_space<hbm>> -> memref<1x80xf32, #tpu.memory_space<hbm>>
        %dma_start3A_295 = tpu.memref_squeeze %dma_start3A_294 : memref<1x80xf32, #tpu.memory_space<hbm>> -> memref<80xf32, #tpu.memory_space<hbm>>
        tpu.enqueue_dma source(%dma_start3A_295 : memref<80xf32, #tpu.memory_space<hbm>>) target(%arg11 : memref<80xf32, #tpu.memory_space<vmem>>) target_semaphore(%arg20 : memref<!tpu.dma_semaphore, #tpu.memory_space<semaphore_mem>>)
      } else {
      }
      %add3A_223 = arith.constant 1 : i32
      %add3A_224 = arith.addi %mul3A_177, %add3A_223 : i32
      %add3A_225 = arith.constant 1 : i32
      %add3A_226 = arith.addi %add3A_224, %add3A_225 : i32
      %lt3A_227 = arith.constant 250 : i32
      %lt3A_228 = arith.cmpi slt, %add3A_226, %lt3A_227 : i32
      %convert_element_type3A_229 = arith.extui %lt3A_228 : i1 to i32
      %cond3A_230 = arith.constant 0 : i32
      %cond3A_231 = arith.cmpi ne, %convert_element_type3A_229, %cond3A_230 : i32
      scf.if %cond3A_231 {
        %add3A_273 = arith.constant 1 : i32
        %add3A_274 = arith.addi %add3A_224, %add3A_273 : i32
        %add3A_275 = arith.addi %mul3A_41, %add3A_274 : i32
        %dma_wait3A_276 = arith.constant 0 : i32
        %dma_wait3A_277 = tpu.memref_slice %arg2[%add3A_275, %dma_wait3A_276] : memref<4000x80xi32, #tpu.memory_space<hbm>> -> memref<1x80xi32, #tpu.memory_space<hbm>>
        %dma_wait3A_278 = tpu.memref_squeeze %dma_wait3A_277 : memref<1x80xi32, #tpu.memory_space<hbm>> -> memref<80xi32, #tpu.memory_space<hbm>>
        %dma_wait3A_279 = arith.constant 0 : i32
        %dma_wait3A_280 = tpu.memref_slice %arg2[%add3A_275, %dma_wait3A_279] : memref<4000x80xi32, #tpu.memory_space<hbm>> -> memref<1x80xi32, #tpu.memory_space<hbm>>
        %dma_wait3A_281 = tpu.memref_squeeze %dma_wait3A_280 : memref<1x80xi32, #tpu.memory_space<hbm>> -> memref<80xi32, #tpu.memory_space<hbm>>
        tpu.wait_dma2 semaphore(%arg20 : memref<!tpu.dma_semaphore, #tpu.memory_space<semaphore_mem>>) src(%dma_wait3A_281 : memref<80xi32, #tpu.memory_space<hbm>>) dst(%arg7 : memref<80xi32, #tpu.memory_space<vmem>>)
        %add3A_282 = arith.addi %mul3A_41, %add3A_274 : i32
        %dma_wait3A_283 = arith.constant 0 : i32
        %dma_wait3A_284 = tpu.memref_slice %arg3[%add3A_282, %dma_wait3A_283] : memref<4000x80xi32, #tpu.memory_space<hbm>> -> memref<1x80xi32, #tpu.memory_space<hbm>>
        %dma_wait3A_285 = tpu.memref_squeeze %dma_wait3A_284 : memref<1x80xi32, #tpu.memory_space<hbm>> -> memref<80xi32, #tpu.memory_space<hbm>>
        %dma_wait3A_286 = arith.constant 0 : i32
        %dma_wait3A_287 = tpu.memref_slice %arg3[%add3A_282, %dma_wait3A_286] : memref<4000x80xi32, #tpu.memory_space<hbm>> -> memref<1x80xi32, #tpu.memory_space<hbm>>
        %dma_wait3A_288 = tpu.memref_squeeze %dma_wait3A_287 : memref<1x80xi32, #tpu.memory_space<hbm>> -> memref<80xi32, #tpu.memory_space<hbm>>
        tpu.wait_dma2 semaphore(%arg20 : memref<!tpu.dma_semaphore, #tpu.memory_space<semaphore_mem>>) src(%dma_wait3A_288 : memref<80xi32, #tpu.memory_space<hbm>>) dst(%arg14 : memref<80xi32, #tpu.memory_space<vmem>>)
        %add3A_289 = arith.addi %mul3A_41, %add3A_274 : i32
        %dma_wait3A_290 = arith.constant 0 : i32
        %dma_wait3A_291 = tpu.memref_slice %arg4[%add3A_289, %dma_wait3A_290] : memref<4000x80xf32, #tpu.memory_space<hbm>> -> memref<1x80xf32, #tpu.memory_space<hbm>>
        %dma_wait3A_292 = tpu.memref_squeeze %dma_wait3A_291 : memref<1x80xf32, #tpu.memory_space<hbm>> -> memref<80xf32, #tpu.memory_space<hbm>>
        %dma_wait3A_293 = arith.constant 0 : i32
        %dma_wait3A_294 = tpu.memref_slice %arg4[%add3A_289, %dma_wait3A_293] : memref<4000x80xf32, #tpu.memory_space<hbm>> -> memref<1x80xf32, #tpu.memory_space<hbm>>
        %dma_wait3A_295 = tpu.memref_squeeze %dma_wait3A_294 : memref<1x80xf32, #tpu.memory_space<hbm>> -> memref<80xf32, #tpu.memory_space<hbm>>
        tpu.wait_dma2 semaphore(%arg20 : memref<!tpu.dma_semaphore, #tpu.memory_space<semaphore_mem>>) src(%dma_wait3A_295 : memref<80xf32, #tpu.memory_space<hbm>>) dst(%arg12 : memref<80xf32, #tpu.memory_space<vmem>>)
        %get3A_296 = arith.constant 0 : index
        %get3A_297 = tpu.vector_load %arg7[%get3A_296] {strides = array<i32>} : memref<80xi32, #tpu.memory_space<vmem>>, vector<16xi32>,
        %add3A_298 = vector.broadcast %mul3A_43 : i32 to vector<16xi32>
        %add3A_299 = arith.addi %get3A_297, %add3A_298 : vector<16xi32>
        %swap3A_300 = arith.constant 0 : index
        %swap3A_301 = tpu.vector_load %arg7[%swap3A_300] {strides = array<i32>} : memref<80xi32, #tpu.memory_space<vmem>>, vector<16xi32>,
        tpu.vector_store %arg7[%swap3A_300], %add3A_299 {strides = array<i32>} : memref<80xi32, #tpu.memory_space<vmem>>, vector<16xi32>,
        %get3A_302 = arith.constant 16 : index
        %get3A_303 = tpu.vector_load %arg7[%get3A_302] {strides = array<i32>} : memref<80xi32, #tpu.memory_space<vmem>>, vector<16xi32>,
        %add3A_304 = vector.broadcast %mul3A_43 : i32 to vector<16xi32>
        %add3A_305 = arith.addi %get3A_303, %add3A_304 : vector<16xi32>
        %swap3A_306 = arith.constant 16 : index
        %swap3A_307 = tpu.vector_load %arg7[%swap3A_306] {strides = array<i32>} : memref<80xi32, #tpu.memory_space<vmem>>, vector<16xi32>,
        tpu.vector_store %arg7[%swap3A_306], %add3A_305 {strides = array<i32>} : memref<80xi32, #tpu.memory_space<vmem>>, vector<16xi32>,
        %get3A_308 = arith.constant 32 : index
        %get3A_309 = tpu.vector_load %arg7[%get3A_308] {strides = array<i32>} : memref<80xi32, #tpu.memory_space<vmem>>, vector<16xi32>,
        %add3A_310 = vector.broadcast %mul3A_43 : i32 to vector<16xi32>
        %add3A_311 = arith.addi %get3A_309, %add3A_310 : vector<16xi32>
        %swap3A_312 = arith.constant 32 : index
        %swap3A_313 = tpu.vector_load %arg7[%swap3A_312] {strides = array<i32>} : memref<80xi32, #tpu.memory_space<vmem>>, vector<16xi32>,
        tpu.vector_store %arg7[%swap3A_312], %add3A_311 {strides = array<i32>} : memref<80xi32, #tpu.memory_space<vmem>>, vector<16xi32>,
        %get3A_314 = arith.constant 48 : index
        %get3A_315 = tpu.vector_load %arg7[%get3A_314] {strides = array<i32>} : memref<80xi32, #tpu.memory_space<vmem>>, vector<16xi32>,
        %add3A_316 = vector.broadcast %mul3A_43 : i32 to vector<16xi32>
        %add3A_317 = arith.addi %get3A_315, %add3A_316 : vector<16xi32>
        %swap3A_318 = arith.constant 48 : index
        %swap3A_319 = tpu.vector_load %arg7[%swap3A_318] {strides = array<i32>} : memref<80xi32, #tpu.memory_space<vmem>>, vector<16xi32>,
        tpu.vector_store %arg7[%swap3A_318], %add3A_317 {strides = array<i32>} : memref<80xi32, #tpu.memory_space<vmem>>, vector<16xi32>,
        %get3A_320 = arith.constant 64 : index
        %get3A_321 = tpu.vector_load %arg7[%get3A_320] {strides = array<i32>} : memref<80xi32, #tpu.memory_space<vmem>>, vector<16xi32>,
        %add3A_322 = vector.broadcast %mul3A_43 : i32 to vector<16xi32>
        %add3A_323 = arith.addi %get3A_321, %add3A_322 : vector<16xi32>
        %swap3A_324 = arith.constant 64 : index
        %swap3A_325 = tpu.vector_load %arg7[%swap3A_324] {strides = array<i32>} : memref<80xi32, #tpu.memory_space<vmem>>, vector<16xi32>,
        tpu.vector_store %arg7[%swap3A_324], %add3A_323 {strides = array<i32>} : memref<80xi32, #tpu.memory_space<vmem>>, vector<16xi32>,
        %dma_start3A_326 = arith.constant 0 : i32
        %dma_start3A_327 = arith.constant 0 : i32
        %dma_start3A_328 = tpu.memref_slice %arg5[%dma_start3A_326, %dma_start3A_327] : memref<20000x128xf32, #tpu.memory_space<hbm>> -> memref<20000x128xf32, #tpu.memory_space<hbm>>
        tpu.enqueue_indirect_dma source(%dma_start3A_328 : memref<20000x128xf32, #tpu.memory_space<hbm>>) target(%arg15 : memref<80x128xf32, #tpu.memory_space<vmem>>) offsets(%arg7 : memref<80xi32, #tpu.memory_space<vmem>>) semaphore(%arg22 : memref<!tpu.dma_semaphore, #tpu.memory_space<semaphore_mem>>)
      } else {
      }
      %dma_wait3A_232 = arith.constant 0 : i32
      %dma_wait3A_233 = arith.constant 0 : i32
      %dma_wait3A_234 = tpu.memref_slice %arg5[%dma_wait3A_232, %dma_wait3A_233] : memref<20000x128xf32, #tpu.memory_space<hbm>> -> memref<20000x128xf32, #tpu.memory_space<hbm>>
      tpu.wait_indirect_dma semaphore(%arg23 : memref<!tpu.dma_semaphore, #tpu.memory_space<semaphore_mem>>) src(%dma_wait3A_234 : memref<20000x128xf32, #tpu.memory_space<hbm>>) dst(%arg16 : memref<80x128xf32, #tpu.memory_space<vmem>>)
      %ge3A_235 = arith.constant 2 : i32
      %ge3A_236 = arith.cmpi sge, %add3A_224, %ge3A_235 : i32
      %convert_element_type3A_237 = arith.extui %ge3A_236 : i1 to i32
      %cond3A_238 = arith.constant 0 : i32
      %cond3A_239 = arith.cmpi ne, %convert_element_type3A_237, %cond3A_238 : i32
      scf.if %cond3A_239 {
        %dma_wait3A_273 = arith.constant 0 : i32
        %dma_wait3A_274 = arith.constant 0 : i32
        %dma_wait3A_275 = tpu.memref_slice %arg19[%dma_wait3A_273, %dma_wait3A_274] : memref<10000x128xf32, #tpu.memory_space<vmem_shared>> -> memref<10000x128xf32, #tpu.memory_space<vmem_shared>>
        tpu.wait_indirect_dma semaphore(%arg25 : memref<!tpu.dma_semaphore, #tpu.memory_space<semaphore_mem>>) src(%arg18 : memref<80x128xf32, #tpu.memory_space<vmem>>) dst(%dma_wait3A_275 : memref<10000x128xf32, #tpu.memory_space<vmem_shared>>)
      } else {
      }
      %parallel_loop3A_240 = arith.constant 0 : i32
      %parallel_loop3A_241 = arith.constant 80 : i32
      %parallel_loop3A_242 = arith.constant 1 : i32
      scf.for %parallel_loop3A_273 = %parallel_loop3A_240 to %parallel_loop3A_241 step %parallel_loop3A_242  : i32 {
        %parallel_loop3A_274 = vector.broadcast %parallel_loop3A_273 : i32 to vector<16xi32>
        %parallel_loop3A_275 = tpu.vector_load_idx %arg12[%parallel_loop3A_274] : memref<80xf32, #tpu.memory_space<vmem>>[vector<16xi32>], vector<16xf32>,
        %parallel_loop3A_276 = arith.index_cast %parallel_loop3A_273 : i32 to index
        %parallel_loop3A_277 = arith.constant 0 : index
        %parallel_loop3A_278 = tpu.vector_load %arg16[%parallel_loop3A_276, %parallel_loop3A_277] {strides = array<i32>} : memref<80x128xf32, #tpu.memory_space<vmem>>, vector<16xf32>,
        %parallel_loop3A_279 = arith.mulf %parallel_loop3A_278, %parallel_loop3A_275 : vector<16xf32>
        %parallel_loop3A_280 = arith.index_cast %parallel_loop3A_273 : i32 to index
        %parallel_loop3A_281 = arith.constant 0 : index
        %parallel_loop3A_282 = tpu.vector_load %arg18[%parallel_loop3A_280, %parallel_loop3A_281] {strides = array<i32>} : memref<80x128xf32, #tpu.memory_space<vmem>>, vector<16xf32>,
        tpu.vector_store %arg18[%parallel_loop3A_280, %parallel_loop3A_281], %parallel_loop3A_279 {strides = array<i32>} : memref<80x128xf32, #tpu.memory_space<vmem>>, vector<16xf32>,
        %parallel_loop3A_283 = arith.index_cast %parallel_loop3A_273 : i32 to index
        %parallel_loop3A_284 = arith.constant 16 : index
        %parallel_loop3A_285 = tpu.vector_load %arg16[%parallel_loop3A_283, %parallel_loop3A_284] {strides = array<i32>} : memref<80x128xf32, #tpu.memory_space<vmem>>, vector<16xf32>,
        %parallel_loop3A_286 = arith.mulf %parallel_loop3A_285, %parallel_loop3A_275 : vector<16xf32>
        %parallel_loop3A_287 = arith.index_cast %parallel_loop3A_273 : i32 to index
        %parallel_loop3A_288 = arith.constant 16 : index
        %parallel_loop3A_289 = tpu.vector_load %arg18[%parallel_loop3A_287, %parallel_loop3A_288] {strides = array<i32>} : memref<80x128xf32, #tpu.memory_space<vmem>>, vector<16xf32>,
        tpu.vector_store %arg18[%parallel_loop3A_287, %parallel_loop3A_288], %parallel_loop3A_286 {strides = array<i32>} : memref<80x128xf32, #tpu.memory_space<vmem>>, vector<16xf32>,
        %parallel_loop3A_290 = arith.index_cast %parallel_loop3A_273 : i32 to index
        %parallel_loop3A_291 = arith.constant 32 : index
        %parallel_loop3A_292 = tpu.vector_load %arg16[%parallel_loop3A_290, %parallel_loop3A_291] {strides = array<i32>} : memref<80x128xf32, #tpu.memory_space<vmem>>, vector<16xf32>,
        %parallel_loop3A_293 = arith.mulf %parallel_loop3A_292, %parallel_loop3A_275 : vector<16xf32>
        %parallel_loop3A_294 = arith.index_cast %parallel_loop3A_273 : i32 to index
        %parallel_loop3A_295 = arith.constant 32 : index
        %parallel_loop3A_296 = tpu.vector_load %arg18[%parallel_loop3A_294, %parallel_loop3A_295] {strides = array<i32>} : memref<80x128xf32, #tpu.memory_space<vmem>>, vector<16xf32>,
        tpu.vector_store %arg18[%parallel_loop3A_294, %parallel_loop3A_295], %parallel_loop3A_293 {strides = array<i32>} : memref<80x128xf32, #tpu.memory_space<vmem>>, vector<16xf32>,
        %parallel_loop3A_297 = arith.index_cast %parallel_loop3A_273 : i32 to index
        %parallel_loop3A_298 = arith.constant 48 : index
        %parallel_loop3A_299 = tpu.vector_load %arg16[%parallel_loop3A_297, %parallel_loop3A_298] {strides = array<i32>} : memref<80x128xf32, #tpu.memory_space<vmem>>, vector<16xf32>,
        %parallel_loop3A_300 = arith.mulf %parallel_loop3A_299, %parallel_loop3A_275 : vector<16xf32>
        %parallel_loop3A_301 = arith.index_cast %parallel_loop3A_273 : i32 to index
        %parallel_loop3A_302 = arith.constant 48 : index
        %parallel_loop3A_303 = tpu.vector_load %arg18[%parallel_loop3A_301, %parallel_loop3A_302] {strides = array<i32>} : memref<80x128xf32, #tpu.memory_space<vmem>>, vector<16xf32>,
        tpu.vector_store %arg18[%parallel_loop3A_301, %parallel_loop3A_302], %parallel_loop3A_300 {strides = array<i32>} : memref<80x128xf32, #tpu.memory_space<vmem>>, vector<16xf32>,
        %parallel_loop3A_304 = arith.index_cast %parallel_loop3A_273 : i32 to index
        %parallel_loop3A_305 = arith.constant 64 : index
        %parallel_loop3A_306 = tpu.vector_load %arg16[%parallel_loop3A_304, %parallel_loop3A_305] {strides = array<i32>} : memref<80x128xf32, #tpu.memory_space<vmem>>, vector<16xf32>,
        %parallel_loop3A_307 = arith.mulf %parallel_loop3A_306, %parallel_loop3A_275 : vector<16xf32>
        %parallel_loop3A_308 = arith.index_cast %parallel_loop3A_273 : i32 to index
        %parallel_loop3A_309 = arith.constant 64 : index
        %parallel_loop3A_310 = tpu.vector_load %arg18[%parallel_loop3A_308, %parallel_loop3A_309] {strides = array<i32>} : memref<80x128xf32, #tpu.memory_space<vmem>>, vector<16xf32>,
        tpu.vector_store %arg18[%parallel_loop3A_308, %parallel_loop3A_309], %parallel_loop3A_307 {strides = array<i32>} : memref<80x128xf32, #tpu.memory_space<vmem>>, vector<16xf32>,
        %parallel_loop3A_311 = arith.index_cast %parallel_loop3A_273 : i32 to index
        %parallel_loop3A_312 = arith.constant 80 : index
        %parallel_loop3A_313 = tpu.vector_load %arg16[%parallel_loop3A_311, %parallel_loop3A_312] {strides = array<i32>} : memref<80x128xf32, #tpu.memory_space<vmem>>, vector<16xf32>,
        %parallel_loop3A_314 = arith.mulf %parallel_loop3A_313, %parallel_loop3A_275 : vector<16xf32>
        %parallel_loop3A_315 = arith.index_cast %parallel_loop3A_273 : i32 to index
        %parallel_loop3A_316 = arith.constant 80 : index
        %parallel_loop3A_317 = tpu.vector_load %arg18[%parallel_loop3A_315, %parallel_loop3A_316] {strides = array<i32>} : memref<80x128xf32, #tpu.memory_space<vmem>>, vector<16xf32>,
        tpu.vector_store %arg18[%parallel_loop3A_315, %parallel_loop3A_316], %parallel_loop3A_314 {strides = array<i32>} : memref<80x128xf32, #tpu.memory_space<vmem>>, vector<16xf32>,
        %parallel_loop3A_318 = arith.index_cast %parallel_loop3A_273 : i32 to index
        %parallel_loop3A_319 = arith.constant 96 : index
        %parallel_loop3A_320 = tpu.vector_load %arg16[%parallel_loop3A_318, %parallel_loop3A_319] {strides = array<i32>} : memref<80x128xf32, #tpu.memory_space<vmem>>, vector<16xf32>,
        %parallel_loop3A_321 = arith.mulf %parallel_loop3A_320, %parallel_loop3A_275 : vector<16xf32>
        %parallel_loop3A_322 = arith.index_cast %parallel_loop3A_273 : i32 to index
        %parallel_loop3A_323 = arith.constant 96 : index
        %parallel_loop3A_324 = tpu.vector_load %arg18[%parallel_loop3A_322, %parallel_loop3A_323] {strides = array<i32>} : memref<80x128xf32, #tpu.memory_space<vmem>>, vector<16xf32>,
        tpu.vector_store %arg18[%parallel_loop3A_322, %parallel_loop3A_323], %parallel_loop3A_321 {strides = array<i32>} : memref<80x128xf32, #tpu.memory_space<vmem>>, vector<16xf32>,
        %parallel_loop3A_325 = arith.index_cast %parallel_loop3A_273 : i32 to index
        %parallel_loop3A_326 = arith.constant 112 : index
        %parallel_loop3A_327 = tpu.vector_load %arg16[%parallel_loop3A_325, %parallel_loop3A_326] {strides = array<i32>} : memref<80x128xf32, #tpu.memory_space<vmem>>, vector<16xf32>,
        %parallel_loop3A_328 = arith.mulf %parallel_loop3A_327, %parallel_loop3A_275 : vector<16xf32>
        %parallel_loop3A_329 = arith.index_cast %parallel_loop3A_273 : i32 to index
        %parallel_loop3A_330 = arith.constant 112 : index
        %parallel_loop3A_331 = tpu.vector_load %arg18[%parallel_loop3A_329, %parallel_loop3A_330] {strides = array<i32>} : memref<80x128xf32, #tpu.memory_space<vmem>>, vector<16xf32>,
        tpu.vector_store %arg18[%parallel_loop3A_329, %parallel_loop3A_330], %parallel_loop3A_328 {strides = array<i32>} : memref<80x128xf32, #tpu.memory_space<vmem>>, vector<16xf32>,
      } {sc.loop_unroll_factor = 4 : i64, sc.parallel_access}
      %get3A_243 = arith.constant 0 : index
      %get3A_244 = tpu.vector_load %arg10[%get3A_243] {strides = array<i32>} : memref<80xi32, #tpu.memory_space<vmem>>, vector<16xi32>,
      %swap3A_245 = arith.constant 0 : index
      %swap3A_246 = tpu.vector_load %arg14[%swap3A_245] {strides = array<i32>} : memref<80xi32, #tpu.memory_space<vmem>>, vector<16xi32>,
      tpu.vector_store %arg14[%swap3A_245], %get3A_244 {strides = array<i32>} : memref<80xi32, #tpu.memory_space<vmem>>, vector<16xi32>,
      %get3A_247 = arith.constant 16 : index
      %get3A_248 = tpu.vector_load %arg10[%get3A_247] {strides = array<i32>} : memref<80xi32, #tpu.memory_space<vmem>>, vector<16xi32>,
      %swap3A_249 = arith.constant 16 : index
      %swap3A_250 = tpu.vector_load %arg14[%swap3A_249] {strides = array<i32>} : memref<80xi32, #tpu.memory_space<vmem>>, vector<16xi32>,
      tpu.vector_store %arg14[%swap3A_249], %get3A_248 {strides = array<i32>} : memref<80xi32, #tpu.memory_space<vmem>>, vector<16xi32>,
      %get3A_251 = arith.constant 32 : index
      %get3A_252 = tpu.vector_load %arg10[%get3A_251] {strides = array<i32>} : memref<80xi32, #tpu.memory_space<vmem>>, vector<16xi32>,
      %swap3A_253 = arith.constant 32 : index
      %swap3A_254 = tpu.vector_load %arg14[%swap3A_253] {strides = array<i32>} : memref<80xi32, #tpu.memory_space<vmem>>, vector<16xi32>,
      tpu.vector_store %arg14[%swap3A_253], %get3A_252 {strides = array<i32>} : memref<80xi32, #tpu.memory_space<vmem>>, vector<16xi32>,
      %get3A_255 = arith.constant 48 : index
      %get3A_256 = tpu.vector_load %arg10[%get3A_255] {strides = array<i32>} : memref<80xi32, #tpu.memory_space<vmem>>, vector<16xi32>,
      %swap3A_257 = arith.constant 48 : index
      %swap3A_258 = tpu.vector_load %arg14[%swap3A_257] {strides = array<i32>} : memref<80xi32, #tpu.memory_space<vmem>>, vector<16xi32>,
      tpu.vector_store %arg14[%swap3A_257], %get3A_256 {strides = array<i32>} : memref<80xi32, #tpu.memory_space<vmem>>, vector<16xi32>,
      %get3A_259 = arith.constant 64 : index
      %get3A_260 = tpu.vector_load %arg10[%get3A_259] {strides = array<i32>} : memref<80xi32, #tpu.memory_space<vmem>>, vector<16xi32>,
      %swap3A_261 = arith.constant 64 : index
      %swap3A_262 = tpu.vector_load %arg14[%swap3A_261] {strides = array<i32>} : memref<80xi32, #tpu.memory_space<vmem>>, vector<16xi32>,
      tpu.vector_store %arg14[%swap3A_261], %get3A_260 {strides = array<i32>} : memref<80xi32, #tpu.memory_space<vmem>>, vector<16xi32>,
      %dma_start3A_263 = arith.constant 0 : i32
      %dma_start3A_264 = arith.constant 0 : i32
      %dma_start3A_265 = tpu.memref_slice %arg19[%dma_start3A_263, %dma_start3A_264] : memref<10000x128xf32, #tpu.memory_space<vmem_shared>> -> memref<10000x128xf32, #tpu.memory_space<vmem_shared>>
      tpu.enqueue_indirect_dma source(%arg18 : memref<80x128xf32, #tpu.memory_space<vmem>>) target(%dma_start3A_265 : memref<10000x128xf32, #tpu.memory_space<vmem_shared>>) offsets(%arg14 : memref<80xi32, #tpu.memory_space<vmem>>) semaphore(%arg25 : memref<!tpu.dma_semaphore, #tpu.memory_space<semaphore_mem>>) {add = true}
      %add3A_266 = arith.constant 2 : i32
      %add3A_267 = arith.addi %add3A_224, %add3A_266 : i32
      %lt3A_268 = arith.constant 250 : i32
      %lt3A_269 = arith.cmpi slt, %add3A_267, %lt3A_268 : i32
      %convert_element_type3A_270 = arith.extui %lt3A_269 : i1 to i32
      %cond3A_271 = arith.constant 0 : i32
      %cond3A_272 = arith.cmpi ne, %convert_element_type3A_270, %cond3A_271 : i32
      scf.if %cond3A_272 {
        %add3A_273 = arith.constant 2 : i32
        %add3A_274 = arith.addi %add3A_224, %add3A_273 : i32
        %add3A_275 = arith.addi %mul3A_41, %add3A_274 : i32
        %dma_start3A_276 = arith.constant 0 : i32
        %dma_start3A_277 = tpu.memref_slice %arg2[%add3A_275, %dma_start3A_276] : memref<4000x80xi32, #tpu.memory_space<hbm>> -> memref<1x80xi32, #tpu.memory_space<hbm>>
        %dma_start3A_278 = tpu.memref_squeeze %dma_start3A_277 : memref<1x80xi32, #tpu.memory_space<hbm>> -> memref<80xi32, #tpu.memory_space<hbm>>
        %dma_start3A_279 = arith.constant 0 : i32
        %dma_start3A_280 = tpu.memref_slice %arg2[%add3A_275, %dma_start3A_279] : memref<4000x80xi32, #tpu.memory_space<hbm>> -> memref<1x80xi32, #tpu.memory_space<hbm>>
        %dma_start3A_281 = tpu.memref_squeeze %dma_start3A_280 : memref<1x80xi32, #tpu.memory_space<hbm>> -> memref<80xi32, #tpu.memory_space<hbm>>
        tpu.enqueue_dma source(%dma_start3A_281 : memref<80xi32, #tpu.memory_space<hbm>>) target(%arg8 : memref<80xi32, #tpu.memory_space<vmem>>) target_semaphore(%arg21 : memref<!tpu.dma_semaphore, #tpu.memory_space<semaphore_mem>>)
        %add3A_282 = arith.addi %mul3A_41, %add3A_274 : i32
        %dma_start3A_283 = arith.constant 0 : i32
        %dma_start3A_284 = tpu.memref_slice %arg3[%add3A_282, %dma_start3A_283] : memref<4000x80xi32, #tpu.memory_space<hbm>> -> memref<1x80xi32, #tpu.memory_space<hbm>>
        %dma_start3A_285 = tpu.memref_squeeze %dma_start3A_284 : memref<1x80xi32, #tpu.memory_space<hbm>> -> memref<80xi32, #tpu.memory_space<hbm>>
        %dma_start3A_286 = arith.constant 0 : i32
        %dma_start3A_287 = tpu.memref_slice %arg3[%add3A_282, %dma_start3A_286] : memref<4000x80xi32, #tpu.memory_space<hbm>> -> memref<1x80xi32, #tpu.memory_space<hbm>>
        %dma_start3A_288 = tpu.memref_squeeze %dma_start3A_287 : memref<1x80xi32, #tpu.memory_space<hbm>> -> memref<80xi32, #tpu.memory_space<hbm>>
        tpu.enqueue_dma source(%dma_start3A_288 : memref<80xi32, #tpu.memory_space<hbm>>) target(%arg10 : memref<80xi32, #tpu.memory_space<vmem>>) target_semaphore(%arg21 : memref<!tpu.dma_semaphore, #tpu.memory_space<semaphore_mem>>)
        %add3A_289 = arith.addi %mul3A_41, %add3A_274 : i32
        %dma_start3A_290 = arith.constant 0 : i32
        %dma_start3A_291 = tpu.memref_slice %arg4[%add3A_289, %dma_start3A_290] : memref<4000x80xf32, #tpu.memory_space<hbm>> -> memref<1x80xf32, #tpu.memory_space<hbm>>
        %dma_start3A_292 = tpu.memref_squeeze %dma_start3A_291 : memref<1x80xf32, #tpu.memory_space<hbm>> -> memref<80xf32, #tpu.memory_space<hbm>>
        %dma_start3A_293 = arith.constant 0 : i32
        %dma_start3A_294 = tpu.memref_slice %arg4[%add3A_289, %dma_start3A_293] : memref<4000x80xf32, #tpu.memory_space<hbm>> -> memref<1x80xf32, #tpu.memory_space<hbm>>
        %dma_start3A_295 = tpu.memref_squeeze %dma_start3A_294 : memref<1x80xf32, #tpu.memory_space<hbm>> -> memref<80xf32, #tpu.memory_space<hbm>>
        tpu.enqueue_dma source(%dma_start3A_295 : memref<80xf32, #tpu.memory_space<hbm>>) target(%arg12 : memref<80xf32, #tpu.memory_space<vmem>>) target_semaphore(%arg21 : memref<!tpu.dma_semaphore, #tpu.memory_space<semaphore_mem>>)
      } else {
      }
    }
    %scan3A_149 = arith.constant 125 : i32
    %dma_wait3A_150 = arith.constant 0 : i32
    %dma_wait3A_151 = arith.constant 0 : i32
    %dma_wait3A_152 = tpu.memref_slice %arg19[%dma_wait3A_150, %dma_wait3A_151] : memref<10000x128xf32, #tpu.memory_space<vmem_shared>> -> memref<10000x128xf32, #tpu.memory_space<vmem_shared>>
    tpu.wait_indirect_dma semaphore(%arg24 : memref<!tpu.dma_semaphore, #tpu.memory_space<semaphore_mem>>) src(%arg17 : memref<80x128xf32, #tpu.memory_space<vmem>>) dst(%dma_wait3A_152 : memref<10000x128xf32, #tpu.memory_space<vmem_shared>>)
    %dma_wait3A_153 = arith.constant 0 : i32
    %dma_wait3A_154 = arith.constant 0 : i32
    %dma_wait3A_155 = tpu.memref_slice %arg19[%dma_wait3A_153, %dma_wait3A_154] : memref<10000x128xf32, #tpu.memory_space<vmem_shared>> -> memref<10000x128xf32, #tpu.memory_space<vmem_shared>>
    tpu.wait_indirect_dma semaphore(%arg25 : memref<!tpu.dma_semaphore, #tpu.memory_space<semaphore_mem>>) src(%arg18 : memref<80x128xf32, #tpu.memory_space<vmem>>) dst(%dma_wait3A_155 : memref<10000x128xf32, #tpu.memory_space<vmem_shared>>)
    %barrier3A_156 = arith.constant 0 : index
    tpu.barrier barrier_id(%barrier3A_156)
    %mul3A_157 = arith.constant 10000 : i32
    %mul3A_158 = arith.muli %arg0, %mul3A_157 : i32
    %add3A_159 = arith.addi %mul3A_158, %mul3A_5 : i32
    %while3A_160 = arith.constant 0 : i32
    %while3A_161 = arith.constant 0 : i32
    %while3A_162 = arith.subi %select_n3A_25, %while3A_161 : i32
    %while3A_163 = arith.addi %while3A_161, %while3A_162 : i32
    %while3A_164 = arith.constant 1 : i32
    %while3A_165 = arith.divsi %while3A_162, %while3A_164 : i32
    %while3A_166 = arith.muli %while3A_165, %while3A_164 : i32
    %while3A_167 = arith.addi %while3A_161, %while3A_166 : i32
    %while3A_168 = arith.constant 1 : i32
    scf.for %while3A_175 = %while3A_161 to %while3A_167 step %while3A_168  : i32 {
      %mul3A_176 = arith.constant 80 : i32
      %mul3A_177 = arith.muli %while3A_175, %mul3A_176 : i32
      %add3A_178 = arith.addi %mul3A_5, %mul3A_177 : i32
      %mul3A_179 = arith.constant 80 : i32
      %mul3A_180 = arith.muli %while3A_175, %mul3A_179 : i32
      %add3A_181 = arith.addi %add3A_159, %mul3A_180 : i32
      "tpu.region"() ({
        %run_scoped3A = tpu.sem_alloc : memref<!tpu.dma_semaphore, #tpu.memory_space<semaphore_mem>>
        %dma_start3A_182 = arith.constant 0 : i32
        %dma_start3A_183 = tpu.memref_slice %arg6[%add3A_181, %dma_start3A_182] : memref<20000x128xf32, #tpu.memory_space<hbm>> -> memref<80x128xf32, #tpu.memory_space<hbm>>
        %dma_start3A_184 = arith.constant 0 : i32
        %dma_start3A_185 = tpu.memref_slice %arg19[%add3A_178, %dma_start3A_184] : memref<10000x128xf32, #tpu.memory_space<vmem_shared>> -> memref<80x128xf32, #tpu.memory_space<vmem_shared>>
        tpu.enqueue_dma source(%dma_start3A_185 : memref<80x128xf32, #tpu.memory_space<vmem_shared>>) target(%dma_start3A_183 : memref<80x128xf32, #tpu.memory_space<hbm>>) target_semaphore(%run_scoped3A : memref<!tpu.dma_semaphore, #tpu.memory_space<semaphore_mem>>)
        %dma_wait3A_186 = arith.constant 0 : i32
        %dma_wait3A_187 = tpu.memref_slice %arg6[%add3A_181, %dma_wait3A_186] : memref<20000x128xf32, #tpu.memory_space<hbm>> -> memref<80x128xf32, #tpu.memory_space<hbm>>
        %dma_wait3A_188 = arith.constant 0 : i32
        %dma_wait3A_189 = tpu.memref_slice %arg19[%add3A_178, %dma_wait3A_188] : memref<10000x128xf32, #tpu.memory_space<vmem_shared>> -> memref<80x128xf32, #tpu.memory_space<vmem_shared>>
        tpu.wait_dma2 semaphore(%run_scoped3A : memref<!tpu.dma_semaphore, #tpu.memory_space<semaphore_mem>>) src(%dma_wait3A_189 : memref<80x128xf32, #tpu.memory_space<vmem_shared>>) dst(%dma_wait3A_187 : memref<80x128xf32, #tpu.memory_space<hbm>>)
        tpu.yield
      }) : () -> ()
    }
    %while3A_169 = arith.constant 1 : i32
    scf.for %while3A_175 = %while3A_167 to %while3A_163 step %while3A_169  : i32 {
      %mul3A_176 = arith.constant 80 : i32
      %mul3A_177 = arith.muli %while3A_175, %mul3A_176 : i32
      %add3A_178 = arith.addi %mul3A_5, %mul3A_177 : i32
      %mul3A_179 = arith.constant 80 : i32
      %mul3A_180 = arith.muli %while3A_175, %mul3A_179 : i32
      %add3A_181 = arith.addi %add3A_159, %mul3A_180 : i32
      "tpu.region"() ({
        %run_scoped3A = tpu.sem_alloc : memref<!tpu.dma_semaphore, #tpu.memory_space<semaphore_mem>>
        %dma_start3A_182 = arith.constant 0 : i32
        %dma_start3A_183 = tpu.memref_slice %arg6[%add3A_181, %dma_start3A_182] : memref<20000x128xf32, #tpu.memory_space<hbm>> -> memref<80x128xf32, #tpu.memory_space<hbm>>
        %dma_start3A_184 = arith.constant 0 : i32
        %dma_start3A_185 = tpu.memref_slice %arg19[%add3A_178, %dma_start3A_184] : memref<10000x128xf32, #tpu.memory_space<vmem_shared>> -> memref<80x128xf32, #tpu.memory_space<vmem_shared>>
        tpu.enqueue_dma source(%dma_start3A_185 : memref<80x128xf32, #tpu.memory_space<vmem_shared>>) target(%dma_start3A_183 : memref<80x128xf32, #tpu.memory_space<hbm>>) target_semaphore(%run_scoped3A : memref<!tpu.dma_semaphore, #tpu.memory_space<semaphore_mem>>)
        %dma_wait3A_186 = arith.constant 0 : i32
        %dma_wait3A_187 = tpu.memref_slice %arg6[%add3A_181, %dma_wait3A_186] : memref<20000x128xf32, #tpu.memory_space<hbm>> -> memref<80x128xf32, #tpu.memory_space<hbm>>
        %dma_wait3A_188 = arith.constant 0 : i32
        %dma_wait3A_189 = tpu.memref_slice %arg19[%add3A_178, %dma_wait3A_188] : memref<10000x128xf32, #tpu.memory_space<vmem_shared>> -> memref<80x128xf32, #tpu.memory_space<vmem_shared>>
        tpu.wait_dma2 semaphore(%run_scoped3A : memref<!tpu.dma_semaphore, #tpu.memory_space<semaphore_mem>>) src(%dma_wait3A_189 : memref<80x128xf32, #tpu.memory_space<vmem_shared>>) dst(%dma_wait3A_187 : memref<80x128xf32, #tpu.memory_space<hbm>>)
        tpu.yield
      }) : () -> ()
    }
    %gt3A_170 = arith.constant 0 : i32
    %gt3A_171 = arith.cmpi sgt, %sub3A_28, %gt3A_170 : i32
    %convert_element_type3A_172 = arith.extui %gt3A_171 : i1 to i32
    %cond3A_173 = arith.constant 0 : i32
    %cond3A_174 = arith.cmpi ne, %convert_element_type3A_172, %cond3A_173 : i32
    scf.if %cond3A_174 {
      %mul3A_175 = arith.constant 80 : i32
      %mul3A_176 = arith.muli %select_n3A_25, %mul3A_175 : i32
      %add3A_177 = arith.addi %mul3A_5, %mul3A_176 : i32
      %mul3A_178 = arith.constant 80 : i32
      %mul3A_179 = arith.muli %select_n3A_25, %mul3A_178 : i32
      %add3A_180 = arith.addi %add3A_159, %mul3A_179 : i32
      "tpu.region"() ({
        %run_scoped3A = tpu.sem_alloc : memref<!tpu.dma_semaphore, #tpu.memory_space<semaphore_mem>>
        %dma_start3A_181 = arith.constant 0 : i32
        %dma_start3A_182 = tpu.memref_slice %arg6[%add3A_180, %dma_start3A_181] : memref<20000x128xf32, #tpu.memory_space<hbm>> -> memref<64x128xf32, #tpu.memory_space<hbm>>
        %dma_start3A_183 = arith.constant 0 : i32
        %dma_start3A_184 = tpu.memref_slice %arg19[%add3A_177, %dma_start3A_183] : memref<10000x128xf32, #tpu.memory_space<vmem_shared>> -> memref<64x128xf32, #tpu.memory_space<vmem_shared>>
        tpu.enqueue_dma source(%dma_start3A_184 : memref<64x128xf32, #tpu.memory_space<vmem_shared>>) target(%dma_start3A_182 : memref<64x128xf32, #tpu.memory_space<hbm>>) target_semaphore(%run_scoped3A : memref<!tpu.dma_semaphore, #tpu.memory_space<semaphore_mem>>)
        %dma_wait3A_185 = arith.constant 0 : i32
        %dma_wait3A_186 = tpu.memref_slice %arg6[%add3A_180, %dma_wait3A_185] : memref<20000x128xf32, #tpu.memory_space<hbm>> -> memref<64x128xf32, #tpu.memory_space<hbm>>
        %dma_wait3A_187 = arith.constant 0 : i32
        %dma_wait3A_188 = tpu.memref_slice %arg19[%add3A_177, %dma_wait3A_187] : memref<10000x128xf32, #tpu.memory_space<vmem_shared>> -> memref<64x128xf32, #tpu.memory_space<vmem_shared>>
        tpu.wait_dma2 semaphore(%run_scoped3A : memref<!tpu.dma_semaphore, #tpu.memory_space<semaphore_mem>>) src(%dma_wait3A_188 : memref<64x128xf32, #tpu.memory_space<vmem_shared>>) dst(%dma_wait3A_186 : memref<64x128xf32, #tpu.memory_space<hbm>>)
        tpu.yield
      }) : () -> ()
    } else {
    }
    return
  }
}

#map = affine_map<(d0, d1) -> (0, 0, 0)>
#map1 = affine_map<(d0, d1) -> (0)>
module attributes {stable_mosaic.version = 14 : i64} {
  func.func @_sc_w_body(%arg0: i32, %arg1: i32, %arg2: memref<32x125x80xi32, #tpu.memory_space<hbm>>, %arg3: memref<32x125x80xi32, #tpu.memory_space<hbm>>, %arg4: memref<10000xf32, #tpu.memory_space<hbm>>, %arg5: memref<10000xf32, #tpu.memory_space<hbm>>, %arg6: memref<32x125x80xf32, #tpu.memory_space<hbm>>, %arg7: memref<10000xf32, #tpu.memory_space<vmem>>, %arg8: memref<10000xf32, #tpu.memory_space<vmem>>, %arg9: memref<125x80xi32, #tpu.memory_space<vmem>>, %arg10: memref<125x80xi32, #tpu.memory_space<vmem>>, %arg11: memref<125x80xf32, #tpu.memory_space<vmem>>) attributes {dimension_semantics = [#tpu.dimension_semantics<core_parallel>, #tpu.dimension_semantics<subcore_parallel>], iteration_bounds = array<i64: 2, 16>, scalar_prefetch = 0 : i64, scratch_operands = 5 : i64, tpu.core_type = #tpu.core_type<sc_vector_subcore>, window_params = [{transform_indices = #map}, {transform_indices = #map}, {transform_indices = #map1}, {transform_indices = #map1}, {transform_indices = #map}]} {
    %mul3A = arith.constant 16 : i32
    %mul3A_0 = arith.muli %arg0, %mul3A : i32
    %add3A = arith.addi %mul3A_0, %arg1 : i32
    "tpu.region"() ({
      %run_scoped3A = tpu.sem_alloc : memref<!tpu.dma_semaphore, #tpu.memory_space<semaphore_mem>>
      tpu.enqueue_dma source(%arg4 : memref<10000xf32, #tpu.memory_space<hbm>>) target(%arg7 : memref<10000xf32, #tpu.memory_space<vmem>>) target_semaphore(%run_scoped3A : memref<!tpu.dma_semaphore, #tpu.memory_space<semaphore_mem>>)
      tpu.wait_dma2 semaphore(%run_scoped3A : memref<!tpu.dma_semaphore, #tpu.memory_space<semaphore_mem>>) src(%arg4 : memref<10000xf32, #tpu.memory_space<hbm>>) dst(%arg7 : memref<10000xf32, #tpu.memory_space<vmem>>)
      tpu.yield
    }) : () -> ()
    "tpu.region"() ({
      %run_scoped3A = tpu.sem_alloc : memref<!tpu.dma_semaphore, #tpu.memory_space<semaphore_mem>>
      tpu.enqueue_dma source(%arg5 : memref<10000xf32, #tpu.memory_space<hbm>>) target(%arg8 : memref<10000xf32, #tpu.memory_space<vmem>>) target_semaphore(%run_scoped3A : memref<!tpu.dma_semaphore, #tpu.memory_space<semaphore_mem>>)
      tpu.wait_dma2 semaphore(%run_scoped3A : memref<!tpu.dma_semaphore, #tpu.memory_space<semaphore_mem>>) src(%arg5 : memref<10000xf32, #tpu.memory_space<hbm>>) dst(%arg8 : memref<10000xf32, #tpu.memory_space<vmem>>)
      tpu.yield
    }) : () -> ()
    "tpu.region"() ({
      %run_scoped3A = tpu.sem_alloc : memref<!tpu.dma_semaphore, #tpu.memory_space<semaphore_mem>>
      %dma_start3A = arith.constant 0 : i32
      %dma_start3A_6 = arith.constant 0 : i32
      %dma_start3A_7 = tpu.memref_slice %arg2[%add3A, %dma_start3A, %dma_start3A_6] : memref<32x125x80xi32, #tpu.memory_space<hbm>> -> memref<1x125x80xi32, #tpu.memory_space<hbm>>
      %dma_start3A_8 = tpu.memref_squeeze %dma_start3A_7 : memref<1x125x80xi32, #tpu.memory_space<hbm>> -> memref<125x80xi32, #tpu.memory_space<hbm>>
      %dma_start3A_9 = arith.constant 0 : i32
      %dma_start3A_10 = arith.constant 0 : i32
      %dma_start3A_11 = tpu.memref_slice %arg2[%add3A, %dma_start3A_9, %dma_start3A_10] : memref<32x125x80xi32, #tpu.memory_space<hbm>> -> memref<1x125x80xi32, #tpu.memory_space<hbm>>
      %dma_start3A_12 = tpu.memref_squeeze %dma_start3A_11 : memref<1x125x80xi32, #tpu.memory_space<hbm>> -> memref<125x80xi32, #tpu.memory_space<hbm>>
      tpu.enqueue_dma source(%dma_start3A_12 : memref<125x80xi32, #tpu.memory_space<hbm>>) target(%arg9 : memref<125x80xi32, #tpu.memory_space<vmem>>) target_semaphore(%run_scoped3A : memref<!tpu.dma_semaphore, #tpu.memory_space<semaphore_mem>>)
      %dma_wait3A = arith.constant 0 : i32
      %dma_wait3A_13 = arith.constant 0 : i32
      %dma_wait3A_14 = tpu.memref_slice %arg2[%add3A, %dma_wait3A, %dma_wait3A_13] : memref<32x125x80xi32, #tpu.memory_space<hbm>> -> memref<1x125x80xi32, #tpu.memory_space<hbm>>
      %dma_wait3A_15 = tpu.memref_squeeze %dma_wait3A_14 : memref<1x125x80xi32, #tpu.memory_space<hbm>> -> memref<125x80xi32, #tpu.memory_space<hbm>>
      %dma_wait3A_16 = arith.constant 0 : i32
      %dma_wait3A_17 = arith.constant 0 : i32
      %dma_wait3A_18 = tpu.memref_slice %arg2[%add3A, %dma_wait3A_16, %dma_wait3A_17] : memref<32x125x80xi32, #tpu.memory_space<hbm>> -> memref<1x125x80xi32, #tpu.memory_space<hbm>>
      %dma_wait3A_19 = tpu.memref_squeeze %dma_wait3A_18 : memref<1x125x80xi32, #tpu.memory_space<hbm>> -> memref<125x80xi32, #tpu.memory_space<hbm>>
      tpu.wait_dma2 semaphore(%run_scoped3A : memref<!tpu.dma_semaphore, #tpu.memory_space<semaphore_mem>>) src(%dma_wait3A_19 : memref<125x80xi32, #tpu.memory_space<hbm>>) dst(%arg9 : memref<125x80xi32, #tpu.memory_space<vmem>>)
      tpu.yield
    }) : () -> ()
    "tpu.region"() ({
      %run_scoped3A = tpu.sem_alloc : memref<!tpu.dma_semaphore, #tpu.memory_space<semaphore_mem>>
      %dma_start3A = arith.constant 0 : i32
      %dma_start3A_6 = arith.constant 0 : i32
      %dma_start3A_7 = tpu.memref_slice %arg3[%add3A, %dma_start3A, %dma_start3A_6] : memref<32x125x80xi32, #tpu.memory_space<hbm>> -> memref<1x125x80xi32, #tpu.memory_space<hbm>>
      %dma_start3A_8 = tpu.memref_squeeze %dma_start3A_7 : memref<1x125x80xi32, #tpu.memory_space<hbm>> -> memref<125x80xi32, #tpu.memory_space<hbm>>
      %dma_start3A_9 = arith.constant 0 : i32
      %dma_start3A_10 = arith.constant 0 : i32
      %dma_start3A_11 = tpu.memref_slice %arg3[%add3A, %dma_start3A_9, %dma_start3A_10] : memref<32x125x80xi32, #tpu.memory_space<hbm>> -> memref<1x125x80xi32, #tpu.memory_space<hbm>>
      %dma_start3A_12 = tpu.memref_squeeze %dma_start3A_11 : memref<1x125x80xi32, #tpu.memory_space<hbm>> -> memref<125x80xi32, #tpu.memory_space<hbm>>
      tpu.enqueue_dma source(%dma_start3A_12 : memref<125x80xi32, #tpu.memory_space<hbm>>) target(%arg10 : memref<125x80xi32, #tpu.memory_space<vmem>>) target_semaphore(%run_scoped3A : memref<!tpu.dma_semaphore, #tpu.memory_space<semaphore_mem>>)
      %dma_wait3A = arith.constant 0 : i32
      %dma_wait3A_13 = arith.constant 0 : i32
      %dma_wait3A_14 = tpu.memref_slice %arg3[%add3A, %dma_wait3A, %dma_wait3A_13] : memref<32x125x80xi32, #tpu.memory_space<hbm>> -> memref<1x125x80xi32, #tpu.memory_space<hbm>>
      %dma_wait3A_15 = tpu.memref_squeeze %dma_wait3A_14 : memref<1x125x80xi32, #tpu.memory_space<hbm>> -> memref<125x80xi32, #tpu.memory_space<hbm>>
      %dma_wait3A_16 = arith.constant 0 : i32
      %dma_wait3A_17 = arith.constant 0 : i32
      %dma_wait3A_18 = tpu.memref_slice %arg3[%add3A, %dma_wait3A_16, %dma_wait3A_17] : memref<32x125x80xi32, #tpu.memory_space<hbm>> -> memref<1x125x80xi32, #tpu.memory_space<hbm>>
      %dma_wait3A_19 = tpu.memref_squeeze %dma_wait3A_18 : memref<1x125x80xi32, #tpu.memory_space<hbm>> -> memref<125x80xi32, #tpu.memory_space<hbm>>
      tpu.wait_dma2 semaphore(%run_scoped3A : memref<!tpu.dma_semaphore, #tpu.memory_space<semaphore_mem>>) src(%dma_wait3A_19 : memref<125x80xi32, #tpu.memory_space<hbm>>) dst(%arg10 : memref<125x80xi32, #tpu.memory_space<vmem>>)
      tpu.yield
    }) : () -> ()
    %scan3A = arith.constant 0 : i32
    %scan3A_1 = arith.constant 0 : i32
    %scan3A_2 = arith.constant 125 : i32
    %scan3A_3 = arith.addi %scan3A_1, %scan3A_2 : i32
    %scan3A_4 = arith.constant 1 : i32
    scf.for %scan3A_6 = %scan3A_1 to %scan3A_3 step %scan3A_4  : i32 {
      %get3A = arith.index_cast %scan3A_6 : i32 to index
      %get3A_7 = arith.constant 0 : index
      %get3A_8 = tpu.vector_load %arg9[%get3A, %get3A_7] {strides = array<i32>} : memref<125x80xi32, #tpu.memory_space<vmem>>, vector<16xi32>,
      %get3A_9 = arith.index_cast %scan3A_6 : i32 to index
      %get3A_10 = arith.constant 0 : index
      %get3A_11 = tpu.vector_load %arg10[%get3A_9, %get3A_10] {strides = array<i32>} : memref<125x80xi32, #tpu.memory_space<vmem>>, vector<16xi32>,
      %gather3A = tpu.vector_load_idx %arg7[%get3A_8] : memref<10000xf32, #tpu.memory_space<vmem>>[vector<16xi32>], vector<16xf32>,
      %gather3A_12 = tpu.vector_load_idx %arg8[%get3A_11] : memref<10000xf32, #tpu.memory_space<vmem>>[vector<16xi32>], vector<16xf32>,
      %add3A_13 = arith.addf %gather3A, %gather3A_12 : vector<16xf32>
      %gt3A = arith.constant 0.000000e+00 : f32
      %gt3A_14 = vector.broadcast %gt3A : f32 to vector<16xf32>
      %gt3A_15 = arith.cmpf ogt, %add3A_13, %gt3A_14 : vector<16xf32>
      %mul3A_16 = arith.constant 2.000000e-01 : f32
      %mul3A_17 = vector.broadcast %mul3A_16 : f32 to vector<16xf32>
      %mul3A_18 = arith.mulf %mul3A_17, %add3A_13 : vector<16xf32>
      %select_n3A = arith.select %gt3A_15, %add3A_13, %mul3A_18 : vector<16xi1>, vector<16xf32>
      %exp3A = math.exp %select_n3A : vector<16xf32>
      %swap3A = arith.index_cast %scan3A_6 : i32 to index
      %swap3A_19 = arith.constant 0 : index
      %swap3A_20 = tpu.vector_load %arg11[%swap3A, %swap3A_19] {strides = array<i32>} : memref<125x80xf32, #tpu.memory_space<vmem>>, vector<16xf32>,
      tpu.vector_store %arg11[%swap3A, %swap3A_19], %exp3A {strides = array<i32>} : memref<125x80xf32, #tpu.memory_space<vmem>>, vector<16xf32>,
      %get3A_21 = arith.index_cast %scan3A_6 : i32 to index
      %get3A_22 = arith.constant 16 : index
      %get3A_23 = tpu.vector_load %arg9[%get3A_21, %get3A_22] {strides = array<i32>} : memref<125x80xi32, #tpu.memory_space<vmem>>, vector<16xi32>,
      %get3A_24 = arith.index_cast %scan3A_6 : i32 to index
      %get3A_25 = arith.constant 16 : index
      %get3A_26 = tpu.vector_load %arg10[%get3A_24, %get3A_25] {strides = array<i32>} : memref<125x80xi32, #tpu.memory_space<vmem>>, vector<16xi32>,
      %gather3A_27 = tpu.vector_load_idx %arg7[%get3A_23] : memref<10000xf32, #tpu.memory_space<vmem>>[vector<16xi32>], vector<16xf32>,
      %gather3A_28 = tpu.vector_load_idx %arg8[%get3A_26] : memref<10000xf32, #tpu.memory_space<vmem>>[vector<16xi32>], vector<16xf32>,
      %add3A_29 = arith.addf %gather3A_27, %gather3A_28 : vector<16xf32>
      %gt3A_30 = arith.constant 0.000000e+00 : f32
      %gt3A_31 = vector.broadcast %gt3A_30 : f32 to vector<16xf32>
      %gt3A_32 = arith.cmpf ogt, %add3A_29, %gt3A_31 : vector<16xf32>
      %mul3A_33 = arith.constant 2.000000e-01 : f32
      %mul3A_34 = vector.broadcast %mul3A_33 : f32 to vector<16xf32>
      %mul3A_35 = arith.mulf %mul3A_34, %add3A_29 : vector<16xf32>
      %select_n3A_36 = arith.select %gt3A_32, %add3A_29, %mul3A_35 : vector<16xi1>, vector<16xf32>
      %exp3A_37 = math.exp %select_n3A_36 : vector<16xf32>
      %swap3A_38 = arith.index_cast %scan3A_6 : i32 to index
      %swap3A_39 = arith.constant 16 : index
      %swap3A_40 = tpu.vector_load %arg11[%swap3A_38, %swap3A_39] {strides = array<i32>} : memref<125x80xf32, #tpu.memory_space<vmem>>, vector<16xf32>,
      tpu.vector_store %arg11[%swap3A_38, %swap3A_39], %exp3A_37 {strides = array<i32>} : memref<125x80xf32, #tpu.memory_space<vmem>>, vector<16xf32>,
      %get3A_41 = arith.index_cast %scan3A_6 : i32 to index
      %get3A_42 = arith.constant 32 : index
      %get3A_43 = tpu.vector_load %arg9[%get3A_41, %get3A_42] {strides = array<i32>} : memref<125x80xi32, #tpu.memory_space<vmem>>, vector<16xi32>,
      %get3A_44 = arith.index_cast %scan3A_6 : i32 to index
      %get3A_45 = arith.constant 32 : index
      %get3A_46 = tpu.vector_load %arg10[%get3A_44, %get3A_45] {strides = array<i32>} : memref<125x80xi32, #tpu.memory_space<vmem>>, vector<16xi32>,
      %gather3A_47 = tpu.vector_load_idx %arg7[%get3A_43] : memref<10000xf32, #tpu.memory_space<vmem>>[vector<16xi32>], vector<16xf32>,
      %gather3A_48 = tpu.vector_load_idx %arg8[%get3A_46] : memref<10000xf32, #tpu.memory_space<vmem>>[vector<16xi32>], vector<16xf32>,
      %add3A_49 = arith.addf %gather3A_47, %gather3A_48 : vector<16xf32>
      %gt3A_50 = arith.constant 0.000000e+00 : f32
      %gt3A_51 = vector.broadcast %gt3A_50 : f32 to vector<16xf32>
      %gt3A_52 = arith.cmpf ogt, %add3A_49, %gt3A_51 : vector<16xf32>
      %mul3A_53 = arith.constant 2.000000e-01 : f32
      %mul3A_54 = vector.broadcast %mul3A_53 : f32 to vector<16xf32>
      %mul3A_55 = arith.mulf %mul3A_54, %add3A_49 : vector<16xf32>
      %select_n3A_56 = arith.select %gt3A_52, %add3A_49, %mul3A_55 : vector<16xi1>, vector<16xf32>
      %exp3A_57 = math.exp %select_n3A_56 : vector<16xf32>
      %swap3A_58 = arith.index_cast %scan3A_6 : i32 to index
      %swap3A_59 = arith.constant 32 : index
      %swap3A_60 = tpu.vector_load %arg11[%swap3A_58, %swap3A_59] {strides = array<i32>} : memref<125x80xf32, #tpu.memory_space<vmem>>, vector<16xf32>,
      tpu.vector_store %arg11[%swap3A_58, %swap3A_59], %exp3A_57 {strides = array<i32>} : memref<125x80xf32, #tpu.memory_space<vmem>>, vector<16xf32>,
      %get3A_61 = arith.index_cast %scan3A_6 : i32 to index
      %get3A_62 = arith.constant 48 : index
      %get3A_63 = tpu.vector_load %arg9[%get3A_61, %get3A_62] {strides = array<i32>} : memref<125x80xi32, #tpu.memory_space<vmem>>, vector<16xi32>,
      %get3A_64 = arith.index_cast %scan3A_6 : i32 to index
      %get3A_65 = arith.constant 48 : index
      %get3A_66 = tpu.vector_load %arg10[%get3A_64, %get3A_65] {strides = array<i32>} : memref<125x80xi32, #tpu.memory_space<vmem>>, vector<16xi32>,
      %gather3A_67 = tpu.vector_load_idx %arg7[%get3A_63] : memref<10000xf32, #tpu.memory_space<vmem>>[vector<16xi32>], vector<16xf32>,
      %gather3A_68 = tpu.vector_load_idx %arg8[%get3A_66] : memref<10000xf32, #tpu.memory_space<vmem>>[vector<16xi32>], vector<16xf32>,
      %add3A_69 = arith.addf %gather3A_67, %gather3A_68 : vector<16xf32>
      %gt3A_70 = arith.constant 0.000000e+00 : f32
      %gt3A_71 = vector.broadcast %gt3A_70 : f32 to vector<16xf32>
      %gt3A_72 = arith.cmpf ogt, %add3A_69, %gt3A_71 : vector<16xf32>
      %mul3A_73 = arith.constant 2.000000e-01 : f32
      %mul3A_74 = vector.broadcast %mul3A_73 : f32 to vector<16xf32>
      %mul3A_75 = arith.mulf %mul3A_74, %add3A_69 : vector<16xf32>
      %select_n3A_76 = arith.select %gt3A_72, %add3A_69, %mul3A_75 : vector<16xi1>, vector<16xf32>
      %exp3A_77 = math.exp %select_n3A_76 : vector<16xf32>
      %swap3A_78 = arith.index_cast %scan3A_6 : i32 to index
      %swap3A_79 = arith.constant 48 : index
      %swap3A_80 = tpu.vector_load %arg11[%swap3A_78, %swap3A_79] {strides = array<i32>} : memref<125x80xf32, #tpu.memory_space<vmem>>, vector<16xf32>,
      tpu.vector_store %arg11[%swap3A_78, %swap3A_79], %exp3A_77 {strides = array<i32>} : memref<125x80xf32, #tpu.memory_space<vmem>>, vector<16xf32>,
      %get3A_81 = arith.index_cast %scan3A_6 : i32 to index
      %get3A_82 = arith.constant 64 : index
      %get3A_83 = tpu.vector_load %arg9[%get3A_81, %get3A_82] {strides = array<i32>} : memref<125x80xi32, #tpu.memory_space<vmem>>, vector<16xi32>,
      %get3A_84 = arith.index_cast %scan3A_6 : i32 to index
      %get3A_85 = arith.constant 64 : index
      %get3A_86 = tpu.vector_load %arg10[%get3A_84, %get3A_85] {strides = array<i32>} : memref<125x80xi32, #tpu.memory_space<vmem>>, vector<16xi32>,
      %gather3A_87 = tpu.vector_load_idx %arg7[%get3A_83] : memref<10000xf32, #tpu.memory_space<vmem>>[vector<16xi32>], vector<16xf32>,
      %gather3A_88 = tpu.vector_load_idx %arg8[%get3A_86] : memref<10000xf32, #tpu.memory_space<vmem>>[vector<16xi32>], vector<16xf32>,
      %add3A_89 = arith.addf %gather3A_87, %gather3A_88 : vector<16xf32>
      %gt3A_90 = arith.constant 0.000000e+00 : f32
      %gt3A_91 = vector.broadcast %gt3A_90 : f32 to vector<16xf32>
      %gt3A_92 = arith.cmpf ogt, %add3A_89, %gt3A_91 : vector<16xf32>
      %mul3A_93 = arith.constant 2.000000e-01 : f32
      %mul3A_94 = vector.broadcast %mul3A_93 : f32 to vector<16xf32>
      %mul3A_95 = arith.mulf %mul3A_94, %add3A_89 : vector<16xf32>
      %select_n3A_96 = arith.select %gt3A_92, %add3A_89, %mul3A_95 : vector<16xi1>, vector<16xf32>
      %exp3A_97 = math.exp %select_n3A_96 : vector<16xf32>
      %swap3A_98 = arith.index_cast %scan3A_6 : i32 to index
      %swap3A_99 = arith.constant 64 : index
      %swap3A_100 = tpu.vector_load %arg11[%swap3A_98, %swap3A_99] {strides = array<i32>} : memref<125x80xf32, #tpu.memory_space<vmem>>, vector<16xf32>,
      tpu.vector_store %arg11[%swap3A_98, %swap3A_99], %exp3A_97 {strides = array<i32>} : memref<125x80xf32, #tpu.memory_space<vmem>>, vector<16xf32>,
    }
    %scan3A_5 = arith.constant 125 : i32
    "tpu.region"() ({
      %run_scoped3A = tpu.sem_alloc : memref<!tpu.dma_semaphore, #tpu.memory_space<semaphore_mem>>
      %dma_start3A = arith.constant 0 : i32
      %dma_start3A_6 = arith.constant 0 : i32
      %dma_start3A_7 = tpu.memref_slice %arg6[%add3A, %dma_start3A, %dma_start3A_6] : memref<32x125x80xf32, #tpu.memory_space<hbm>> -> memref<1x125x80xf32, #tpu.memory_space<hbm>>
      %dma_start3A_8 = tpu.memref_squeeze %dma_start3A_7 : memref<1x125x80xf32, #tpu.memory_space<hbm>> -> memref<125x80xf32, #tpu.memory_space<hbm>>
      %dma_start3A_9 = arith.constant 0 : i32
      %dma_start3A_10 = arith.constant 0 : i32
      %dma_start3A_11 = tpu.memref_slice %arg6[%add3A, %dma_start3A_9, %dma_start3A_10] : memref<32x125x80xf32, #tpu.memory_space<hbm>> -> memref<1x125x80xf32, #tpu.memory_space<hbm>>
      %dma_start3A_12 = tpu.memref_squeeze %dma_start3A_11 : memref<1x125x80xf32, #tpu.memory_space<hbm>> -> memref<125x80xf32, #tpu.memory_space<hbm>>
      tpu.enqueue_dma source(%arg11 : memref<125x80xf32, #tpu.memory_space<vmem>>) target(%dma_start3A_12 : memref<125x80xf32, #tpu.memory_space<hbm>>) target_semaphore(%run_scoped3A : memref<!tpu.dma_semaphore, #tpu.memory_space<semaphore_mem>>)
      %dma_wait3A = arith.constant 0 : i32
      %dma_wait3A_13 = arith.constant 0 : i32
      %dma_wait3A_14 = tpu.memref_slice %arg6[%add3A, %dma_wait3A, %dma_wait3A_13] : memref<32x125x80xf32, #tpu.memory_space<hbm>> -> memref<1x125x80xf32, #tpu.memory_space<hbm>>
      %dma_wait3A_15 = tpu.memref_squeeze %dma_wait3A_14 : memref<1x125x80xf32, #tpu.memory_space<hbm>> -> memref<125x80xf32, #tpu.memory_space<hbm>>
      %dma_wait3A_16 = arith.constant 0 : i32
      %dma_wait3A_17 = arith.constant 0 : i32
      %dma_wait3A_18 = tpu.memref_slice %arg6[%add3A, %dma_wait3A_16, %dma_wait3A_17] : memref<32x125x80xf32, #tpu.memory_space<hbm>> -> memref<1x125x80xf32, #tpu.memory_space<hbm>>
      %dma_wait3A_19 = tpu.memref_squeeze %dma_wait3A_18 : memref<1x125x80xf32, #tpu.memory_space<hbm>> -> memref<125x80xf32, #tpu.memory_space<hbm>>
      tpu.wait_dma2 semaphore(%run_scoped3A : memref<!tpu.dma_semaphore, #tpu.memory_space<semaphore_mem>>) src(%arg11 : memref<125x80xf32, #tpu.memory_space<vmem>>) dst(%dma_wait3A_19 : memref<125x80xf32, #tpu.memory_space<hbm>>)
      tpu.yield
    }) : () -> ()
    return
  }
}

#map = affine_map<(d0, d1) -> (0, 0, 0)>
#map1 = affine_map<(d0, d1) -> (0)>
module attributes {stable_mosaic.version = 14 : i64} {
  func.func @_sc_w_body(%arg0: i32, %arg1: i32, %arg2: memref<32x125x80xi32, #tpu.memory_space<hbm>>, %arg3: memref<32x125x80xi32, #tpu.memory_space<hbm>>, %arg4: memref<10000xf32, #tpu.memory_space<hbm>>, %arg5: memref<10000xf32, #tpu.memory_space<hbm>>, %arg6: memref<32x125x80xf32, #tpu.memory_space<hbm>>, %arg7: memref<10000xf32, #tpu.memory_space<vmem>>, %arg8: memref<10000xf32, #tpu.memory_space<vmem>>, %arg9: memref<125x80xi32, #tpu.memory_space<vmem>>, %arg10: memref<125x80xi32, #tpu.memory_space<vmem>>, %arg11: memref<125x80xf32, #tpu.memory_space<vmem>>) attributes {dimension_semantics = [#tpu.dimension_semantics<core_parallel>, #tpu.dimension_semantics<subcore_parallel>], iteration_bounds = array<i64: 2, 16>, scalar_prefetch = 0 : i64, scratch_operands = 5 : i64, tpu.core_type = #tpu.core_type<sc_vector_subcore>, window_params = [{transform_indices = #map}, {transform_indices = #map}, {transform_indices = #map1}, {transform_indices = #map1}, {transform_indices = #map}]} {
    %mul3A = arith.constant 16 : i32
    %mul3A_0 = arith.muli %arg0, %mul3A : i32
    %add3A = arith.addi %mul3A_0, %arg1 : i32
    "tpu.region"() ({
      %run_scoped3A = tpu.sem_alloc : memref<!tpu.dma_semaphore, #tpu.memory_space<semaphore_mem>>
      tpu.enqueue_dma source(%arg4 : memref<10000xf32, #tpu.memory_space<hbm>>) target(%arg7 : memref<10000xf32, #tpu.memory_space<vmem>>) target_semaphore(%run_scoped3A : memref<!tpu.dma_semaphore, #tpu.memory_space<semaphore_mem>>)
      tpu.wait_dma2 semaphore(%run_scoped3A : memref<!tpu.dma_semaphore, #tpu.memory_space<semaphore_mem>>) src(%arg4 : memref<10000xf32, #tpu.memory_space<hbm>>) dst(%arg7 : memref<10000xf32, #tpu.memory_space<vmem>>)
      tpu.yield
    }) : () -> ()
    "tpu.region"() ({
      %run_scoped3A = tpu.sem_alloc : memref<!tpu.dma_semaphore, #tpu.memory_space<semaphore_mem>>
      tpu.enqueue_dma source(%arg5 : memref<10000xf32, #tpu.memory_space<hbm>>) target(%arg8 : memref<10000xf32, #tpu.memory_space<vmem>>) target_semaphore(%run_scoped3A : memref<!tpu.dma_semaphore, #tpu.memory_space<semaphore_mem>>)
      tpu.wait_dma2 semaphore(%run_scoped3A : memref<!tpu.dma_semaphore, #tpu.memory_space<semaphore_mem>>) src(%arg5 : memref<10000xf32, #tpu.memory_space<hbm>>) dst(%arg8 : memref<10000xf32, #tpu.memory_space<vmem>>)
      tpu.yield
    }) : () -> ()
    "tpu.region"() ({
      %run_scoped3A = tpu.sem_alloc : memref<!tpu.dma_semaphore, #tpu.memory_space<semaphore_mem>>
      %dma_start3A = arith.constant 0 : i32
      %dma_start3A_6 = arith.constant 0 : i32
      %dma_start3A_7 = tpu.memref_slice %arg2[%add3A, %dma_start3A, %dma_start3A_6] : memref<32x125x80xi32, #tpu.memory_space<hbm>> -> memref<1x125x80xi32, #tpu.memory_space<hbm>>
      %dma_start3A_8 = tpu.memref_squeeze %dma_start3A_7 : memref<1x125x80xi32, #tpu.memory_space<hbm>> -> memref<125x80xi32, #tpu.memory_space<hbm>>
      %dma_start3A_9 = arith.constant 0 : i32
      %dma_start3A_10 = arith.constant 0 : i32
      %dma_start3A_11 = tpu.memref_slice %arg2[%add3A, %dma_start3A_9, %dma_start3A_10] : memref<32x125x80xi32, #tpu.memory_space<hbm>> -> memref<1x125x80xi32, #tpu.memory_space<hbm>>
      %dma_start3A_12 = tpu.memref_squeeze %dma_start3A_11 : memref<1x125x80xi32, #tpu.memory_space<hbm>> -> memref<125x80xi32, #tpu.memory_space<hbm>>
      tpu.enqueue_dma source(%dma_start3A_12 : memref<125x80xi32, #tpu.memory_space<hbm>>) target(%arg9 : memref<125x80xi32, #tpu.memory_space<vmem>>) target_semaphore(%run_scoped3A : memref<!tpu.dma_semaphore, #tpu.memory_space<semaphore_mem>>)
      %dma_wait3A = arith.constant 0 : i32
      %dma_wait3A_13 = arith.constant 0 : i32
      %dma_wait3A_14 = tpu.memref_slice %arg2[%add3A, %dma_wait3A, %dma_wait3A_13] : memref<32x125x80xi32, #tpu.memory_space<hbm>> -> memref<1x125x80xi32, #tpu.memory_space<hbm>>
      %dma_wait3A_15 = tpu.memref_squeeze %dma_wait3A_14 : memref<1x125x80xi32, #tpu.memory_space<hbm>> -> memref<125x80xi32, #tpu.memory_space<hbm>>
      %dma_wait3A_16 = arith.constant 0 : i32
      %dma_wait3A_17 = arith.constant 0 : i32
      %dma_wait3A_18 = tpu.memref_slice %arg2[%add3A, %dma_wait3A_16, %dma_wait3A_17] : memref<32x125x80xi32, #tpu.memory_space<hbm>> -> memref<1x125x80xi32, #tpu.memory_space<hbm>>
      %dma_wait3A_19 = tpu.memref_squeeze %dma_wait3A_18 : memref<1x125x80xi32, #tpu.memory_space<hbm>> -> memref<125x80xi32, #tpu.memory_space<hbm>>
      tpu.wait_dma2 semaphore(%run_scoped3A : memref<!tpu.dma_semaphore, #tpu.memory_space<semaphore_mem>>) src(%dma_wait3A_19 : memref<125x80xi32, #tpu.memory_space<hbm>>) dst(%arg9 : memref<125x80xi32, #tpu.memory_space<vmem>>)
      tpu.yield
    }) : () -> ()
    "tpu.region"() ({
      %run_scoped3A = tpu.sem_alloc : memref<!tpu.dma_semaphore, #tpu.memory_space<semaphore_mem>>
      %dma_start3A = arith.constant 0 : i32
      %dma_start3A_6 = arith.constant 0 : i32
      %dma_start3A_7 = tpu.memref_slice %arg3[%add3A, %dma_start3A, %dma_start3A_6] : memref<32x125x80xi32, #tpu.memory_space<hbm>> -> memref<1x125x80xi32, #tpu.memory_space<hbm>>
      %dma_start3A_8 = tpu.memref_squeeze %dma_start3A_7 : memref<1x125x80xi32, #tpu.memory_space<hbm>> -> memref<125x80xi32, #tpu.memory_space<hbm>>
      %dma_start3A_9 = arith.constant 0 : i32
      %dma_start3A_10 = arith.constant 0 : i32
      %dma_start3A_11 = tpu.memref_slice %arg3[%add3A, %dma_start3A_9, %dma_start3A_10] : memref<32x125x80xi32, #tpu.memory_space<hbm>> -> memref<1x125x80xi32, #tpu.memory_space<hbm>>
      %dma_start3A_12 = tpu.memref_squeeze %dma_start3A_11 : memref<1x125x80xi32, #tpu.memory_space<hbm>> -> memref<125x80xi32, #tpu.memory_space<hbm>>
      tpu.enqueue_dma source(%dma_start3A_12 : memref<125x80xi32, #tpu.memory_space<hbm>>) target(%arg10 : memref<125x80xi32, #tpu.memory_space<vmem>>) target_semaphore(%run_scoped3A : memref<!tpu.dma_semaphore, #tpu.memory_space<semaphore_mem>>)
      %dma_wait3A = arith.constant 0 : i32
      %dma_wait3A_13 = arith.constant 0 : i32
      %dma_wait3A_14 = tpu.memref_slice %arg3[%add3A, %dma_wait3A, %dma_wait3A_13] : memref<32x125x80xi32, #tpu.memory_space<hbm>> -> memref<1x125x80xi32, #tpu.memory_space<hbm>>
      %dma_wait3A_15 = tpu.memref_squeeze %dma_wait3A_14 : memref<1x125x80xi32, #tpu.memory_space<hbm>> -> memref<125x80xi32, #tpu.memory_space<hbm>>
      %dma_wait3A_16 = arith.constant 0 : i32
      %dma_wait3A_17 = arith.constant 0 : i32
      %dma_wait3A_18 = tpu.memref_slice %arg3[%add3A, %dma_wait3A_16, %dma_wait3A_17] : memref<32x125x80xi32, #tpu.memory_space<hbm>> -> memref<1x125x80xi32, #tpu.memory_space<hbm>>
      %dma_wait3A_19 = tpu.memref_squeeze %dma_wait3A_18 : memref<1x125x80xi32, #tpu.memory_space<hbm>> -> memref<125x80xi32, #tpu.memory_space<hbm>>
      tpu.wait_dma2 semaphore(%run_scoped3A : memref<!tpu.dma_semaphore, #tpu.memory_space<semaphore_mem>>) src(%dma_wait3A_19 : memref<125x80xi32, #tpu.memory_space<hbm>>) dst(%arg10 : memref<125x80xi32, #tpu.memory_space<vmem>>)
      tpu.yield
    }) : () -> ()
    %scan3A = arith.constant 0 : i32
    %scan3A_1 = arith.constant 0 : i32
    %scan3A_2 = arith.constant 125 : i32
    %scan3A_3 = arith.addi %scan3A_1, %scan3A_2 : i32
    %scan3A_4 = arith.constant 1 : i32
    scf.for %scan3A_6 = %scan3A_1 to %scan3A_3 step %scan3A_4  : i32 {
      %get3A = arith.index_cast %scan3A_6 : i32 to index
      %get3A_7 = arith.constant 0 : index
      %get3A_8 = tpu.vector_load %arg9[%get3A, %get3A_7] {strides = array<i32>} : memref<125x80xi32, #tpu.memory_space<vmem>>, vector<16xi32>,
      %get3A_9 = arith.index_cast %scan3A_6 : i32 to index
      %get3A_10 = arith.constant 0 : index
      %get3A_11 = tpu.vector_load %arg10[%get3A_9, %get3A_10] {strides = array<i32>} : memref<125x80xi32, #tpu.memory_space<vmem>>, vector<16xi32>,
      %gather3A = tpu.vector_load_idx %arg7[%get3A_8] : memref<10000xf32, #tpu.memory_space<vmem>>[vector<16xi32>], vector<16xf32>,
      %gather3A_12 = tpu.vector_load_idx %arg8[%get3A_11] : memref<10000xf32, #tpu.memory_space<vmem>>[vector<16xi32>], vector<16xf32>,
      %add3A_13 = arith.addf %gather3A, %gather3A_12 : vector<16xf32>
      %gt3A = arith.constant 0.000000e+00 : f32
      %gt3A_14 = vector.broadcast %gt3A : f32 to vector<16xf32>
      %gt3A_15 = arith.cmpf ogt, %add3A_13, %gt3A_14 : vector<16xf32>
      %mul3A_16 = arith.constant 2.000000e-01 : f32
      %mul3A_17 = vector.broadcast %mul3A_16 : f32 to vector<16xf32>
      %mul3A_18 = arith.mulf %mul3A_17, %add3A_13 : vector<16xf32>
      %select_n3A = arith.select %gt3A_15, %add3A_13, %mul3A_18 : vector<16xi1>, vector<16xf32>
      %exp3A = math.exp %select_n3A : vector<16xf32>
      %swap3A = arith.index_cast %scan3A_6 : i32 to index
      %swap3A_19 = arith.constant 0 : index
      %swap3A_20 = tpu.vector_load %arg11[%swap3A, %swap3A_19] {strides = array<i32>} : memref<125x80xf32, #tpu.memory_space<vmem>>, vector<16xf32>,
      tpu.vector_store %arg11[%swap3A, %swap3A_19], %exp3A {strides = array<i32>} : memref<125x80xf32, #tpu.memory_space<vmem>>, vector<16xf32>,
      %get3A_21 = arith.index_cast %scan3A_6 : i32 to index
      %get3A_22 = arith.constant 16 : index
      %get3A_23 = tpu.vector_load %arg9[%get3A_21, %get3A_22] {strides = array<i32>} : memref<125x80xi32, #tpu.memory_space<vmem>>, vector<16xi32>,
      %get3A_24 = arith.index_cast %scan3A_6 : i32 to index
      %get3A_25 = arith.constant 16 : index
      %get3A_26 = tpu.vector_load %arg10[%get3A_24, %get3A_25] {strides = array<i32>} : memref<125x80xi32, #tpu.memory_space<vmem>>, vector<16xi32>,
      %gather3A_27 = tpu.vector_load_idx %arg7[%get3A_23] : memref<10000xf32, #tpu.memory_space<vmem>>[vector<16xi32>], vector<16xf32>,
      %gather3A_28 = tpu.vector_load_idx %arg8[%get3A_26] : memref<10000xf32, #tpu.memory_space<vmem>>[vector<16xi32>], vector<16xf32>,
      %add3A_29 = arith.addf %gather3A_27, %gather3A_28 : vector<16xf32>
      %gt3A_30 = arith.constant 0.000000e+00 : f32
      %gt3A_31 = vector.broadcast %gt3A_30 : f32 to vector<16xf32>
      %gt3A_32 = arith.cmpf ogt, %add3A_29, %gt3A_31 : vector<16xf32>
      %mul3A_33 = arith.constant 2.000000e-01 : f32
      %mul3A_34 = vector.broadcast %mul3A_33 : f32 to vector<16xf32>
      %mul3A_35 = arith.mulf %mul3A_34, %add3A_29 : vector<16xf32>
      %select_n3A_36 = arith.select %gt3A_32, %add3A_29, %mul3A_35 : vector<16xi1>, vector<16xf32>
      %exp3A_37 = math.exp %select_n3A_36 : vector<16xf32>
      %swap3A_38 = arith.index_cast %scan3A_6 : i32 to index
      %swap3A_39 = arith.constant 16 : index
      %swap3A_40 = tpu.vector_load %arg11[%swap3A_38, %swap3A_39] {strides = array<i32>} : memref<125x80xf32, #tpu.memory_space<vmem>>, vector<16xf32>,
      tpu.vector_store %arg11[%swap3A_38, %swap3A_39], %exp3A_37 {strides = array<i32>} : memref<125x80xf32, #tpu.memory_space<vmem>>, vector<16xf32>,
      %get3A_41 = arith.index_cast %scan3A_6 : i32 to index
      %get3A_42 = arith.constant 32 : index
      %get3A_43 = tpu.vector_load %arg9[%get3A_41, %get3A_42] {strides = array<i32>} : memref<125x80xi32, #tpu.memory_space<vmem>>, vector<16xi32>,
      %get3A_44 = arith.index_cast %scan3A_6 : i32 to index
      %get3A_45 = arith.constant 32 : index
      %get3A_46 = tpu.vector_load %arg10[%get3A_44, %get3A_45] {strides = array<i32>} : memref<125x80xi32, #tpu.memory_space<vmem>>, vector<16xi32>,
      %gather3A_47 = tpu.vector_load_idx %arg7[%get3A_43] : memref<10000xf32, #tpu.memory_space<vmem>>[vector<16xi32>], vector<16xf32>,
      %gather3A_48 = tpu.vector_load_idx %arg8[%get3A_46] : memref<10000xf32, #tpu.memory_space<vmem>>[vector<16xi32>], vector<16xf32>,
      %add3A_49 = arith.addf %gather3A_47, %gather3A_48 : vector<16xf32>
      %gt3A_50 = arith.constant 0.000000e+00 : f32
      %gt3A_51 = vector.broadcast %gt3A_50 : f32 to vector<16xf32>
      %gt3A_52 = arith.cmpf ogt, %add3A_49, %gt3A_51 : vector<16xf32>
      %mul3A_53 = arith.constant 2.000000e-01 : f32
      %mul3A_54 = vector.broadcast %mul3A_53 : f32 to vector<16xf32>
      %mul3A_55 = arith.mulf %mul3A_54, %add3A_49 : vector<16xf32>
      %select_n3A_56 = arith.select %gt3A_52, %add3A_49, %mul3A_55 : vector<16xi1>, vector<16xf32>
      %exp3A_57 = math.exp %select_n3A_56 : vector<16xf32>
      %swap3A_58 = arith.index_cast %scan3A_6 : i32 to index
      %swap3A_59 = arith.constant 32 : index
      %swap3A_60 = tpu.vector_load %arg11[%swap3A_58, %swap3A_59] {strides = array<i32>} : memref<125x80xf32, #tpu.memory_space<vmem>>, vector<16xf32>,
      tpu.vector_store %arg11[%swap3A_58, %swap3A_59], %exp3A_57 {strides = array<i32>} : memref<125x80xf32, #tpu.memory_space<vmem>>, vector<16xf32>,
      %get3A_61 = arith.index_cast %scan3A_6 : i32 to index
      %get3A_62 = arith.constant 48 : index
      %get3A_63 = tpu.vector_load %arg9[%get3A_61, %get3A_62] {strides = array<i32>} : memref<125x80xi32, #tpu.memory_space<vmem>>, vector<16xi32>,
      %get3A_64 = arith.index_cast %scan3A_6 : i32 to index
      %get3A_65 = arith.constant 48 : index
      %get3A_66 = tpu.vector_load %arg10[%get3A_64, %get3A_65] {strides = array<i32>} : memref<125x80xi32, #tpu.memory_space<vmem>>, vector<16xi32>,
      %gather3A_67 = tpu.vector_load_idx %arg7[%get3A_63] : memref<10000xf32, #tpu.memory_space<vmem>>[vector<16xi32>], vector<16xf32>,
      %gather3A_68 = tpu.vector_load_idx %arg8[%get3A_66] : memref<10000xf32, #tpu.memory_space<vmem>>[vector<16xi32>], vector<16xf32>,
      %add3A_69 = arith.addf %gather3A_67, %gather3A_68 : vector<16xf32>
      %gt3A_70 = arith.constant 0.000000e+00 : f32
      %gt3A_71 = vector.broadcast %gt3A_70 : f32 to vector<16xf32>
      %gt3A_72 = arith.cmpf ogt, %add3A_69, %gt3A_71 : vector<16xf32>
      %mul3A_73 = arith.constant 2.000000e-01 : f32
      %mul3A_74 = vector.broadcast %mul3A_73 : f32 to vector<16xf32>
      %mul3A_75 = arith.mulf %mul3A_74, %add3A_69 : vector<16xf32>
      %select_n3A_76 = arith.select %gt3A_72, %add3A_69, %mul3A_75 : vector<16xi1>, vector<16xf32>
      %exp3A_77 = math.exp %select_n3A_76 : vector<16xf32>
      %swap3A_78 = arith.index_cast %scan3A_6 : i32 to index
      %swap3A_79 = arith.constant 48 : index
      %swap3A_80 = tpu.vector_load %arg11[%swap3A_78, %swap3A_79] {strides = array<i32>} : memref<125x80xf32, #tpu.memory_space<vmem>>, vector<16xf32>,
      tpu.vector_store %arg11[%swap3A_78, %swap3A_79], %exp3A_77 {strides = array<i32>} : memref<125x80xf32, #tpu.memory_space<vmem>>, vector<16xf32>,
      %get3A_81 = arith.index_cast %scan3A_6 : i32 to index
      %get3A_82 = arith.constant 64 : index
      %get3A_83 = tpu.vector_load %arg9[%get3A_81, %get3A_82] {strides = array<i32>} : memref<125x80xi32, #tpu.memory_space<vmem>>, vector<16xi32>,
      %get3A_84 = arith.index_cast %scan3A_6 : i32 to index
      %get3A_85 = arith.constant 64 : index
      %get3A_86 = tpu.vector_load %arg10[%get3A_84, %get3A_85] {strides = array<i32>} : memref<125x80xi32, #tpu.memory_space<vmem>>, vector<16xi32>,
      %gather3A_87 = tpu.vector_load_idx %arg7[%get3A_83] : memref<10000xf32, #tpu.memory_space<vmem>>[vector<16xi32>], vector<16xf32>,
      %gather3A_88 = tpu.vector_load_idx %arg8[%get3A_86] : memref<10000xf32, #tpu.memory_space<vmem>>[vector<16xi32>], vector<16xf32>,
      %add3A_89 = arith.addf %gather3A_87, %gather3A_88 : vector<16xf32>
      %gt3A_90 = arith.constant 0.000000e+00 : f32
      %gt3A_91 = vector.broadcast %gt3A_90 : f32 to vector<16xf32>
      %gt3A_92 = arith.cmpf ogt, %add3A_89, %gt3A_91 : vector<16xf32>
      %mul3A_93 = arith.constant 2.000000e-01 : f32
      %mul3A_94 = vector.broadcast %mul3A_93 : f32 to vector<16xf32>
      %mul3A_95 = arith.mulf %mul3A_94, %add3A_89 : vector<16xf32>
      %select_n3A_96 = arith.select %gt3A_92, %add3A_89, %mul3A_95 : vector<16xi1>, vector<16xf32>
      %exp3A_97 = math.exp %select_n3A_96 : vector<16xf32>
      %swap3A_98 = arith.index_cast %scan3A_6 : i32 to index
      %swap3A_99 = arith.constant 64 : index
      %swap3A_100 = tpu.vector_load %arg11[%swap3A_98, %swap3A_99] {strides = array<i32>} : memref<125x80xf32, #tpu.memory_space<vmem>>, vector<16xf32>,
      tpu.vector_store %arg11[%swap3A_98, %swap3A_99], %exp3A_97 {strides = array<i32>} : memref<125x80xf32, #tpu.memory_space<vmem>>, vector<16xf32>,
    }
    %scan3A_5 = arith.constant 125 : i32
    "tpu.region"() ({
      %run_scoped3A = tpu.sem_alloc : memref<!tpu.dma_semaphore, #tpu.memory_space<semaphore_mem>>
      %dma_start3A = arith.constant 0 : i32
      %dma_start3A_6 = arith.constant 0 : i32
      %dma_start3A_7 = tpu.memref_slice %arg6[%add3A, %dma_start3A, %dma_start3A_6] : memref<32x125x80xf32, #tpu.memory_space<hbm>> -> memref<1x125x80xf32, #tpu.memory_space<hbm>>
      %dma_start3A_8 = tpu.memref_squeeze %dma_start3A_7 : memref<1x125x80xf32, #tpu.memory_space<hbm>> -> memref<125x80xf32, #tpu.memory_space<hbm>>
      %dma_start3A_9 = arith.constant 0 : i32
      %dma_start3A_10 = arith.constant 0 : i32
      %dma_start3A_11 = tpu.memref_slice %arg6[%add3A, %dma_start3A_9, %dma_start3A_10] : memref<32x125x80xf32, #tpu.memory_space<hbm>> -> memref<1x125x80xf32, #tpu.memory_space<hbm>>
      %dma_start3A_12 = tpu.memref_squeeze %dma_start3A_11 : memref<1x125x80xf32, #tpu.memory_space<hbm>> -> memref<125x80xf32, #tpu.memory_space<hbm>>
      tpu.enqueue_dma source(%arg11 : memref<125x80xf32, #tpu.memory_space<vmem>>) target(%dma_start3A_12 : memref<125x80xf32, #tpu.memory_space<hbm>>) target_semaphore(%run_scoped3A : memref<!tpu.dma_semaphore, #tpu.memory_space<semaphore_mem>>)
      %dma_wait3A = arith.constant 0 : i32
      %dma_wait3A_13 = arith.constant 0 : i32
      %dma_wait3A_14 = tpu.memref_slice %arg6[%add3A, %dma_wait3A, %dma_wait3A_13] : memref<32x125x80xf32, #tpu.memory_space<hbm>> -> memref<1x125x80xf32, #tpu.memory_space<hbm>>
      %dma_wait3A_15 = tpu.memref_squeeze %dma_wait3A_14 : memref<1x125x80xf32, #tpu.memory_space<hbm>> -> memref<125x80xf32, #tpu.memory_space<hbm>>
      %dma_wait3A_16 = arith.constant 0 : i32
      %dma_wait3A_17 = arith.constant 0 : i32
      %dma_wait3A_18 = tpu.memref_slice %arg6[%add3A, %dma_wait3A_16, %dma_wait3A_17] : memref<32x125x80xf32, #tpu.memory_space<hbm>> -> memref<1x125x80xf32, #tpu.memory_space<hbm>>
      %dma_wait3A_19 = tpu.memref_squeeze %dma_wait3A_18 : memref<1x125x80xf32, #tpu.memory_space<hbm>> -> memref<125x80xf32, #tpu.memory_space<hbm>>
      tpu.wait_dma2 semaphore(%run_scoped3A : memref<!tpu.dma_semaphore, #tpu.memory_space<semaphore_mem>>) src(%arg11 : memref<125x80xf32, #tpu.memory_space<vmem>>) dst(%dma_wait3A_19 : memref<125x80xf32, #tpu.memory_space<hbm>>)
      tpu.yield
    }) : () -> ()
    return
  }
}

#map = affine_map<(d0, d1) -> (0, 0)>
module attributes {stable_mosaic.version = 14 : i64} {
  func.func @_sc_agg_body(%arg0: i32, %arg1: i32, %arg2: memref<4000x80xi32, #tpu.memory_space<hbm>>, %arg3: memref<4000x80xi32, #tpu.memory_space<hbm>>, %arg4: memref<4000x80xf32, #tpu.memory_space<hbm>>, %arg5: memref<20000x128xf32, #tpu.memory_space<hbm>>, %arg6: memref<20000x128xf32, #tpu.memory_space<hbm>>, %arg7: memref<80xi32, #tpu.memory_space<vmem>>, %arg8: memref<80xi32, #tpu.memory_space<vmem>>, %arg9: memref<80xi32, #tpu.memory_space<vmem>>, %arg10: memref<80xi32, #tpu.memory_space<vmem>>, %arg11: memref<80xf32, #tpu.memory_space<vmem>>, %arg12: memref<80xf32, #tpu.memory_space<vmem>>, %arg13: memref<80xi32, #tpu.memory_space<vmem>>, %arg14: memref<80xi32, #tpu.memory_space<vmem>>, %arg15: memref<80x128xf32, #tpu.memory_space<vmem>>, %arg16: memref<80x128xf32, #tpu.memory_space<vmem>>, %arg17: memref<80x128xf32, #tpu.memory_space<vmem>>, %arg18: memref<80x128xf32, #tpu.memory_space<vmem>>, %arg19: memref<10000x128xf32, #tpu.memory_space<vmem_shared>>, %arg20: memref<!tpu.dma_semaphore, #tpu.memory_space<semaphore_mem>>, %arg21: memref<!tpu.dma_semaphore, #tpu.memory_space<semaphore_mem>>, %arg22: memref<!tpu.dma_semaphore, #tpu.memory_space<semaphore_mem>>, %arg23: memref<!tpu.dma_semaphore, #tpu.memory_space<semaphore_mem>>, %arg24: memref<!tpu.dma_semaphore, #tpu.memory_space<semaphore_mem>>, %arg25: memref<!tpu.dma_semaphore, #tpu.memory_space<semaphore_mem>>) attributes {dimension_semantics = [#tpu.dimension_semantics<core_parallel>, #tpu.dimension_semantics<subcore_parallel>], iteration_bounds = array<i64: 2, 16>, scalar_prefetch = 0 : i64, scratch_operands = 19 : i64, tpu.core_type = #tpu.core_type<sc_vector_subcore>, window_params = [{transform_indices = #map}, {transform_indices = #map}, {transform_indices = #map}, {transform_indices = #map}, {transform_indices = #map}]} {
    %scan3A = arith.constant 0 : i32
    %scan3A_0 = arith.constant 0 : i32
    %scan3A_1 = arith.constant 80 : i32
    %scan3A_2 = arith.addi %scan3A_0, %scan3A_1 : i32
    %scan3A_3 = arith.constant 1 : i32
    scf.for %scan3A_175 = %scan3A_0 to %scan3A_2 step %scan3A_3  : i32 {
      %broadcast_in_dim3A = arith.constant 0.000000e+00 : f32
      %broadcast_in_dim3A_176 = vector.broadcast %broadcast_in_dim3A : f32 to vector<16xf32>
      %swap3A_177 = arith.index_cast %scan3A_175 : i32 to index
      %swap3A_178 = arith.constant 0 : index
      %swap3A_179 = tpu.vector_load %arg17[%swap3A_177, %swap3A_178] {strides = array<i32>} : memref<80x128xf32, #tpu.memory_space<vmem>>, vector<16xf32>,
      tpu.vector_store %arg17[%swap3A_177, %swap3A_178], %broadcast_in_dim3A_176 {strides = array<i32>} : memref<80x128xf32, #tpu.memory_space<vmem>>, vector<16xf32>,
      %broadcast_in_dim3A_180 = arith.constant 0.000000e+00 : f32
      %broadcast_in_dim3A_181 = vector.broadcast %broadcast_in_dim3A_180 : f32 to vector<16xf32>
      %swap3A_182 = arith.index_cast %scan3A_175 : i32 to index
      %swap3A_183 = arith.constant 16 : index
      %swap3A_184 = tpu.vector_load %arg17[%swap3A_182, %swap3A_183] {strides = array<i32>} : memref<80x128xf32, #tpu.memory_space<vmem>>, vector<16xf32>,
      tpu.vector_store %arg17[%swap3A_182, %swap3A_183], %broadcast_in_dim3A_181 {strides = array<i32>} : memref<80x128xf32, #tpu.memory_space<vmem>>, vector<16xf32>,
      %broadcast_in_dim3A_185 = arith.constant 0.000000e+00 : f32
      %broadcast_in_dim3A_186 = vector.broadcast %broadcast_in_dim3A_185 : f32 to vector<16xf32>
      %swap3A_187 = arith.index_cast %scan3A_175 : i32 to index
      %swap3A_188 = arith.constant 32 : index
      %swap3A_189 = tpu.vector_load %arg17[%swap3A_187, %swap3A_188] {strides = array<i32>} : memref<80x128xf32, #tpu.memory_space<vmem>>, vector<16xf32>,
      tpu.vector_store %arg17[%swap3A_187, %swap3A_188], %broadcast_in_dim3A_186 {strides = array<i32>} : memref<80x128xf32, #tpu.memory_space<vmem>>, vector<16xf32>,
      %broadcast_in_dim3A_190 = arith.constant 0.000000e+00 : f32
      %broadcast_in_dim3A_191 = vector.broadcast %broadcast_in_dim3A_190 : f32 to vector<16xf32>
      %swap3A_192 = arith.index_cast %scan3A_175 : i32 to index
      %swap3A_193 = arith.constant 48 : index
      %swap3A_194 = tpu.vector_load %arg17[%swap3A_192, %swap3A_193] {strides = array<i32>} : memref<80x128xf32, #tpu.memory_space<vmem>>, vector<16xf32>,
      tpu.vector_store %arg17[%swap3A_192, %swap3A_193], %broadcast_in_dim3A_191 {strides = array<i32>} : memref<80x128xf32, #tpu.memory_space<vmem>>, vector<16xf32>,
      %broadcast_in_dim3A_195 = arith.constant 0.000000e+00 : f32
      %broadcast_in_dim3A_196 = vector.broadcast %broadcast_in_dim3A_195 : f32 to vector<16xf32>
      %swap3A_197 = arith.index_cast %scan3A_175 : i32 to index
      %swap3A_198 = arith.constant 64 : index
      %swap3A_199 = tpu.vector_load %arg17[%swap3A_197, %swap3A_198] {strides = array<i32>} : memref<80x128xf32, #tpu.memory_space<vmem>>, vector<16xf32>,
      tpu.vector_store %arg17[%swap3A_197, %swap3A_198], %broadcast_in_dim3A_196 {strides = array<i32>} : memref<80x128xf32, #tpu.memory_space<vmem>>, vector<16xf32>,
      %broadcast_in_dim3A_200 = arith.constant 0.000000e+00 : f32
      %broadcast_in_dim3A_201 = vector.broadcast %broadcast_in_dim3A_200 : f32 to vector<16xf32>
      %swap3A_202 = arith.index_cast %scan3A_175 : i32 to index
      %swap3A_203 = arith.constant 80 : index
      %swap3A_204 = tpu.vector_load %arg17[%swap3A_202, %swap3A_203] {strides = array<i32>} : memref<80x128xf32, #tpu.memory_space<vmem>>, vector<16xf32>,
      tpu.vector_store %arg17[%swap3A_202, %swap3A_203], %broadcast_in_dim3A_201 {strides = array<i32>} : memref<80x128xf32, #tpu.memory_space<vmem>>, vector<16xf32>,
      %broadcast_in_dim3A_205 = arith.constant 0.000000e+00 : f32
      %broadcast_in_dim3A_206 = vector.broadcast %broadcast_in_dim3A_205 : f32 to vector<16xf32>
      %swap3A_207 = arith.index_cast %scan3A_175 : i32 to index
      %swap3A_208 = arith.constant 96 : index
      %swap3A_209 = tpu.vector_load %arg17[%swap3A_207, %swap3A_208] {strides = array<i32>} : memref<80x128xf32, #tpu.memory_space<vmem>>, vector<16xf32>,
      tpu.vector_store %arg17[%swap3A_207, %swap3A_208], %broadcast_in_dim3A_206 {strides = array<i32>} : memref<80x128xf32, #tpu.memory_space<vmem>>, vector<16xf32>,
      %broadcast_in_dim3A_210 = arith.constant 0.000000e+00 : f32
      %broadcast_in_dim3A_211 = vector.broadcast %broadcast_in_dim3A_210 : f32 to vector<16xf32>
      %swap3A_212 = arith.index_cast %scan3A_175 : i32 to index
      %swap3A_213 = arith.constant 112 : index
      %swap3A_214 = tpu.vector_load %arg17[%swap3A_212, %swap3A_213] {strides = array<i32>} : memref<80x128xf32, #tpu.memory_space<vmem>>, vector<16xf32>,
      tpu.vector_store %arg17[%swap3A_212, %swap3A_213], %broadcast_in_dim3A_211 {strides = array<i32>} : memref<80x128xf32, #tpu.memory_space<vmem>>, vector<16xf32>,
    }
    %scan3A_4 = arith.constant 80 : i32
    %mul3A = arith.constant 624 : i32
    %mul3A_5 = arith.muli %arg1, %mul3A : i32
    %eq3A = arith.constant 15 : i32
    %eq3A_6 = arith.cmpi eq, %arg1, %eq3A : i32
    %jit3A = arith.constant 640 : i32
    %jit3A_7 = arith.constant 624 : i32
    %select_n3A = arith.select %eq3A_6, %jit3A, %jit3A_7 : i32
    %jit3A_8 = arith.constant 80 : i32
    %div3A = arith.divsi %select_n3A, %jit3A_8 : i32
    %sign3A = arith.constant 0 : i32
    %sign3A_9 = arith.cmpi sgt, %select_n3A, %sign3A : i32
    %sign3A_10 = arith.extui %sign3A_9 : i1 to i32
    %sign3A_11 = arith.constant 0 : i32
    %sign3A_12 = arith.cmpi slt, %select_n3A, %sign3A_11 : i32
    %sign3A_13 = arith.extui %sign3A_12 : i1 to i32
    %sign3A_14 = arith.subi %sign3A_10, %sign3A_13 : i32
    %sign3A_15 = arith.constant 0 : i32
    %sign3A_16 = arith.cmpi sgt, %jit3A_8, %sign3A_15 : i32
    %sign3A_17 = arith.extui %sign3A_16 : i1 to i32
    %sign3A_18 = arith.constant 0 : i32
    %sign3A_19 = arith.cmpi slt, %jit3A_8, %sign3A_18 : i32
    %sign3A_20 = arith.extui %sign3A_19 : i1 to i32
    %sign3A_21 = arith.subi %sign3A_17, %sign3A_20 : i32
    %ne3A = arith.cmpi ne, %sign3A_14, %sign3A_21 : i32
    %rem3A = arith.remsi %select_n3A, %jit3A_8 : i32
    %ne3A_22 = arith.constant 0 : i32
    %ne3A_23 = arith.cmpi ne, %rem3A, %ne3A_22 : i32
    %and3A = arith.andi %ne3A, %ne3A_23 : i1
    %sub3A = arith.constant 1 : i32
    %sub3A_24 = arith.subi %div3A, %sub3A : i32
    %select_n3A_25 = arith.select %and3A, %sub3A_24, %div3A : i32
    %mul3A_26 = arith.constant 80 : i32
    %mul3A_27 = arith.muli %select_n3A_25, %mul3A_26 : i32
    %sub3A_28 = arith.subi %select_n3A, %mul3A_27 : i32
    %while3A = arith.constant 0 : i32
    %while3A_29 = arith.constant 0 : i32
    %while3A_30 = arith.subi %select_n3A_25, %while3A_29 : i32
    %while3A_31 = arith.addi %while3A_29, %while3A_30 : i32
    %while3A_32 = arith.constant 1 : i32
    %while3A_33 = arith.divsi %while3A_30, %while3A_32 : i32
    %while3A_34 = arith.muli %while3A_33, %while3A_32 : i32
    %while3A_35 = arith.addi %while3A_29, %while3A_34 : i32
    %while3A_36 = arith.constant 1 : i32
    scf.for %while3A_175 = %while3A_29 to %while3A_35 step %while3A_36  : i32 {
      %mul3A_176 = arith.constant 80 : i32
      %mul3A_177 = arith.muli %while3A_175, %mul3A_176 : i32
      %add3A_178 = arith.addi %mul3A_5, %mul3A_177 : i32
      "tpu.region"() ({
        %run_scoped3A = tpu.sem_alloc : memref<!tpu.dma_semaphore, #tpu.memory_space<semaphore_mem>>
        %dma_start3A_179 = arith.constant 0 : i32
        %dma_start3A_180 = tpu.memref_slice %arg19[%add3A_178, %dma_start3A_179] : memref<10000x128xf32, #tpu.memory_space<vmem_shared>> -> memref<80x128xf32, #tpu.memory_space<vmem_shared>>
        %dma_start3A_181 = arith.constant 0 : i32
        %dma_start3A_182 = tpu.memref_slice %arg19[%add3A_178, %dma_start3A_181] : memref<10000x128xf32, #tpu.memory_space<vmem_shared>> -> memref<80x128xf32, #tpu.memory_space<vmem_shared>>
        tpu.enqueue_dma source(%arg17 : memref<80x128xf32, #tpu.memory_space<vmem>>) target(%dma_start3A_182 : memref<80x128xf32, #tpu.memory_space<vmem_shared>>) target_semaphore(%run_scoped3A : memref<!tpu.dma_semaphore, #tpu.memory_space<semaphore_mem>>)
        %dma_wait3A_183 = arith.constant 0 : i32
        %dma_wait3A_184 = tpu.memref_slice %arg19[%add3A_178, %dma_wait3A_183] : memref<10000x128xf32, #tpu.memory_space<vmem_shared>> -> memref<80x128xf32, #tpu.memory_space<vmem_shared>>
        %dma_wait3A_185 = arith.constant 0 : i32
        %dma_wait3A_186 = tpu.memref_slice %arg19[%add3A_178, %dma_wait3A_185] : memref<10000x128xf32, #tpu.memory_space<vmem_shared>> -> memref<80x128xf32, #tpu.memory_space<vmem_shared>>
        tpu.wait_dma2 semaphore(%run_scoped3A : memref<!tpu.dma_semaphore, #tpu.memory_space<semaphore_mem>>) src(%arg17 : memref<80x128xf32, #tpu.memory_space<vmem>>) dst(%dma_wait3A_186 : memref<80x128xf32, #tpu.memory_space<vmem_shared>>)
        tpu.yield
      }) : () -> ()
    }
    %while3A_37 = arith.constant 1 : i32
    scf.for %while3A_175 = %while3A_35 to %while3A_31 step %while3A_37  : i32 {
      %mul3A_176 = arith.constant 80 : i32
      %mul3A_177 = arith.muli %while3A_175, %mul3A_176 : i32
      %add3A_178 = arith.addi %mul3A_5, %mul3A_177 : i32
      "tpu.region"() ({
        %run_scoped3A = tpu.sem_alloc : memref<!tpu.dma_semaphore, #tpu.memory_space<semaphore_mem>>
        %dma_start3A_179 = arith.constant 0 : i32
        %dma_start3A_180 = tpu.memref_slice %arg19[%add3A_178, %dma_start3A_179] : memref<10000x128xf32, #tpu.memory_space<vmem_shared>> -> memref<80x128xf32, #tpu.memory_space<vmem_shared>>
        %dma_start3A_181 = arith.constant 0 : i32
        %dma_start3A_182 = tpu.memref_slice %arg19[%add3A_178, %dma_start3A_181] : memref<10000x128xf32, #tpu.memory_space<vmem_shared>> -> memref<80x128xf32, #tpu.memory_space<vmem_shared>>
        tpu.enqueue_dma source(%arg17 : memref<80x128xf32, #tpu.memory_space<vmem>>) target(%dma_start3A_182 : memref<80x128xf32, #tpu.memory_space<vmem_shared>>) target_semaphore(%run_scoped3A : memref<!tpu.dma_semaphore, #tpu.memory_space<semaphore_mem>>)
        %dma_wait3A_183 = arith.constant 0 : i32
        %dma_wait3A_184 = tpu.memref_slice %arg19[%add3A_178, %dma_wait3A_183] : memref<10000x128xf32, #tpu.memory_space<vmem_shared>> -> memref<80x128xf32, #tpu.memory_space<vmem_shared>>
        %dma_wait3A_185 = arith.constant 0 : i32
        %dma_wait3A_186 = tpu.memref_slice %arg19[%add3A_178, %dma_wait3A_185] : memref<10000x128xf32, #tpu.memory_space<vmem_shared>> -> memref<80x128xf32, #tpu.memory_space<vmem_shared>>
        tpu.wait_dma2 semaphore(%run_scoped3A : memref<!tpu.dma_semaphore, #tpu.memory_space<semaphore_mem>>) src(%arg17 : memref<80x128xf32, #tpu.memory_space<vmem>>) dst(%dma_wait3A_186 : memref<80x128xf32, #tpu.memory_space<vmem_shared>>)
        tpu.yield
      }) : () -> ()
    }
    %gt3A = arith.constant 0 : i32
    %gt3A_38 = arith.cmpi sgt, %sub3A_28, %gt3A : i32
    %convert_element_type3A = arith.extui %gt3A_38 : i1 to i32
    %cond3A = arith.constant 0 : i32
    %cond3A_39 = arith.cmpi ne, %convert_element_type3A, %cond3A : i32
    scf.if %cond3A_39 {
      %mul3A_175 = arith.constant 80 : i32
      %mul3A_176 = arith.muli %select_n3A_25, %mul3A_175 : i32
      %add3A_177 = arith.addi %mul3A_5, %mul3A_176 : i32
      "tpu.region"() ({
        %run_scoped3A = tpu.sem_alloc : memref<!tpu.dma_semaphore, #tpu.memory_space<semaphore_mem>>
        %dma_start3A_178 = arith.constant 0 : i32
        %dma_start3A_179 = arith.constant 0 : i32
        %dma_start3A_180 = tpu.memref_slice %arg17[%dma_start3A_178, %dma_start3A_179] : memref<80x128xf32, #tpu.memory_space<vmem>> -> memref<64x128xf32, #tpu.memory_space<vmem>>
        %dma_start3A_181 = arith.constant 0 : i32
        %dma_start3A_182 = tpu.memref_slice %arg19[%add3A_177, %dma_start3A_181] : memref<10000x128xf32, #tpu.memory_space<vmem_shared>> -> memref<64x128xf32, #tpu.memory_space<vmem_shared>>
        %dma_start3A_183 = arith.constant 0 : i32
        %dma_start3A_184 = tpu.memref_slice %arg19[%add3A_177, %dma_start3A_183] : memref<10000x128xf32, #tpu.memory_space<vmem_shared>> -> memref<64x128xf32, #tpu.memory_space<vmem_shared>>
        %dma_start3A_185 = arith.constant 0 : i32
        %dma_start3A_186 = arith.constant 0 : i32
        %dma_start3A_187 = tpu.memref_slice %arg17[%dma_start3A_185, %dma_start3A_186] : memref<80x128xf32, #tpu.memory_space<vmem>> -> memref<64x128xf32, #tpu.memory_space<vmem>>
        tpu.enqueue_dma source(%dma_start3A_187 : memref<64x128xf32, #tpu.memory_space<vmem>>) target(%dma_start3A_184 : memref<64x128xf32, #tpu.memory_space<vmem_shared>>) target_semaphore(%run_scoped3A : memref<!tpu.dma_semaphore, #tpu.memory_space<semaphore_mem>>)
        %dma_wait3A_188 = arith.constant 0 : i32
        %dma_wait3A_189 = arith.constant 0 : i32
        %dma_wait3A_190 = tpu.memref_slice %arg17[%dma_wait3A_188, %dma_wait3A_189] : memref<80x128xf32, #tpu.memory_space<vmem>> -> memref<64x128xf32, #tpu.memory_space<vmem>>
        %dma_wait3A_191 = arith.constant 0 : i32
        %dma_wait3A_192 = tpu.memref_slice %arg19[%add3A_177, %dma_wait3A_191] : memref<10000x128xf32, #tpu.memory_space<vmem_shared>> -> memref<64x128xf32, #tpu.memory_space<vmem_shared>>
        %dma_wait3A_193 = arith.constant 0 : i32
        %dma_wait3A_194 = tpu.memref_slice %arg19[%add3A_177, %dma_wait3A_193] : memref<10000x128xf32, #tpu.memory_space<vmem_shared>> -> memref<64x128xf32, #tpu.memory_space<vmem_shared>>
        %dma_wait3A_195 = arith.constant 0 : i32
        %dma_wait3A_196 = arith.constant 0 : i32
        %dma_wait3A_197 = tpu.memref_slice %arg17[%dma_wait3A_195, %dma_wait3A_196] : memref<80x128xf32, #tpu.memory_space<vmem>> -> memref<64x128xf32, #tpu.memory_space<vmem>>
        tpu.wait_dma2 semaphore(%run_scoped3A : memref<!tpu.dma_semaphore, #tpu.memory_space<semaphore_mem>>) src(%dma_wait3A_197 : memref<64x128xf32, #tpu.memory_space<vmem>>) dst(%dma_wait3A_194 : memref<64x128xf32, #tpu.memory_space<vmem_shared>>)
        tpu.yield
      }) : () -> ()
    } else {
    }
    %barrier3A = arith.constant 0 : index
    tpu.barrier barrier_id(%barrier3A)
    %mul3A_40 = arith.constant 250 : i32
    %mul3A_41 = arith.muli %arg1, %mul3A_40 : i32
    %mul3A_42 = arith.constant 10000 : i32
    %mul3A_43 = arith.muli %arg0, %mul3A_42 : i32
    %add3A = arith.constant 0 : i32
    %add3A_44 = arith.addi %mul3A_41, %add3A : i32
    %dma_start3A = arith.constant 0 : i32
    %dma_start3A_45 = tpu.memref_slice %arg2[%add3A_44, %dma_start3A] : memref<4000x80xi32, #tpu.memory_space<hbm>> -> memref<1x80xi32, #tpu.memory_space<hbm>>
    %dma_start3A_46 = tpu.memref_squeeze %dma_start3A_45 : memref<1x80xi32, #tpu.memory_space<hbm>> -> memref<80xi32, #tpu.memory_space<hbm>>
    %dma_start3A_47 = arith.constant 0 : i32
    %dma_start3A_48 = tpu.memref_slice %arg2[%add3A_44, %dma_start3A_47] : memref<4000x80xi32, #tpu.memory_space<hbm>> -> memref<1x80xi32, #tpu.memory_space<hbm>>
    %dma_start3A_49 = tpu.memref_squeeze %dma_start3A_48 : memref<1x80xi32, #tpu.memory_space<hbm>> -> memref<80xi32, #tpu.memory_space<hbm>>
    tpu.enqueue_dma source(%dma_start3A_49 : memref<80xi32, #tpu.memory_space<hbm>>) target(%arg7 : memref<80xi32, #tpu.memory_space<vmem>>) target_semaphore(%arg20 : memref<!tpu.dma_semaphore, #tpu.memory_space<semaphore_mem>>)
    %add3A_50 = arith.constant 0 : i32
    %add3A_51 = arith.addi %mul3A_41, %add3A_50 : i32
    %dma_start3A_52 = arith.constant 0 : i32
    %dma_start3A_53 = tpu.memref_slice %arg3[%add3A_51, %dma_start3A_52] : memref<4000x80xi32, #tpu.memory_space<hbm>> -> memref<1x80xi32, #tpu.memory_space<hbm>>
    %dma_start3A_54 = tpu.memref_squeeze %dma_start3A_53 : memref<1x80xi32, #tpu.memory_space<hbm>> -> memref<80xi32, #tpu.memory_space<hbm>>
    %dma_start3A_55 = arith.constant 0 : i32
    %dma_start3A_56 = tpu.memref_slice %arg3[%add3A_51, %dma_start3A_55] : memref<4000x80xi32, #tpu.memory_space<hbm>> -> memref<1x80xi32, #tpu.memory_space<hbm>>
    %dma_start3A_57 = tpu.memref_squeeze %dma_start3A_56 : memref<1x80xi32, #tpu.memory_space<hbm>> -> memref<80xi32, #tpu.memory_space<hbm>>
    tpu.enqueue_dma source(%dma_start3A_57 : memref<80xi32, #tpu.memory_space<hbm>>) target(%arg9 : memref<80xi32, #tpu.memory_space<vmem>>) target_semaphore(%arg20 : memref<!tpu.dma_semaphore, #tpu.memory_space<semaphore_mem>>)
    %add3A_58 = arith.constant 0 : i32
    %add3A_59 = arith.addi %mul3A_41, %add3A_58 : i32
    %dma_start3A_60 = arith.constant 0 : i32
    %dma_start3A_61 = tpu.memref_slice %arg4[%add3A_59, %dma_start3A_60] : memref<4000x80xf32, #tpu.memory_space<hbm>> -> memref<1x80xf32, #tpu.memory_space<hbm>>
    %dma_start3A_62 = tpu.memref_squeeze %dma_start3A_61 : memref<1x80xf32, #tpu.memory_space<hbm>> -> memref<80xf32, #tpu.memory_space<hbm>>
    %dma_start3A_63 = arith.constant 0 : i32
    %dma_start3A_64 = tpu.memref_slice %arg4[%add3A_59, %dma_start3A_63] : memref<4000x80xf32, #tpu.memory_space<hbm>> -> memref<1x80xf32, #tpu.memory_space<hbm>>
    %dma_start3A_65 = tpu.memref_squeeze %dma_start3A_64 : memref<1x80xf32, #tpu.memory_space<hbm>> -> memref<80xf32, #tpu.memory_space<hbm>>
    tpu.enqueue_dma source(%dma_start3A_65 : memref<80xf32, #tpu.memory_space<hbm>>) target(%arg11 : memref<80xf32, #tpu.memory_space<vmem>>) target_semaphore(%arg20 : memref<!tpu.dma_semaphore, #tpu.memory_space<semaphore_mem>>)
    %add3A_66 = arith.constant 1 : i32
    %add3A_67 = arith.addi %mul3A_41, %add3A_66 : i32
    %dma_start3A_68 = arith.constant 0 : i32
    %dma_start3A_69 = tpu.memref_slice %arg2[%add3A_67, %dma_start3A_68] : memref<4000x80xi32, #tpu.memory_space<hbm>> -> memref<1x80xi32, #tpu.memory_space<hbm>>
    %dma_start3A_70 = tpu.memref_squeeze %dma_start3A_69 : memref<1x80xi32, #tpu.memory_space<hbm>> -> memref<80xi32, #tpu.memory_space<hbm>>
    %dma_start3A_71 = arith.constant 0 : i32
    %dma_start3A_72 = tpu.memref_slice %arg2[%add3A_67, %dma_start3A_71] : memref<4000x80xi32, #tpu.memory_space<hbm>> -> memref<1x80xi32, #tpu.memory_space<hbm>>
    %dma_start3A_73 = tpu.memref_squeeze %dma_start3A_72 : memref<1x80xi32, #tpu.memory_space<hbm>> -> memref<80xi32, #tpu.memory_space<hbm>>
    tpu.enqueue_dma source(%dma_start3A_73 : memref<80xi32, #tpu.memory_space<hbm>>) target(%arg8 : memref<80xi32, #tpu.memory_space<vmem>>) target_semaphore(%arg21 : memref<!tpu.dma_semaphore, #tpu.memory_space<semaphore_mem>>)
    %add3A_74 = arith.constant 1 : i32
    %add3A_75 = arith.addi %mul3A_41, %add3A_74 : i32
    %dma_start3A_76 = arith.constant 0 : i32
    %dma_start3A_77 = tpu.memref_slice %arg3[%add3A_75, %dma_start3A_76] : memref<4000x80xi32, #tpu.memory_space<hbm>> -> memref<1x80xi32, #tpu.memory_space<hbm>>
    %dma_start3A_78 = tpu.memref_squeeze %dma_start3A_77 : memref<1x80xi32, #tpu.memory_space<hbm>> -> memref<80xi32, #tpu.memory_space<hbm>>
    %dma_start3A_79 = arith.constant 0 : i32
    %dma_start3A_80 = tpu.memref_slice %arg3[%add3A_75, %dma_start3A_79] : memref<4000x80xi32, #tpu.memory_space<hbm>> -> memref<1x80xi32, #tpu.memory_space<hbm>>
    %dma_start3A_81 = tpu.memref_squeeze %dma_start3A_80 : memref<1x80xi32, #tpu.memory_space<hbm>> -> memref<80xi32, #tpu.memory_space<hbm>>
    tpu.enqueue_dma source(%dma_start3A_81 : memref<80xi32, #tpu.memory_space<hbm>>) target(%arg10 : memref<80xi32, #tpu.memory_space<vmem>>) target_semaphore(%arg21 : memref<!tpu.dma_semaphore, #tpu.memory_space<semaphore_mem>>)
    %add3A_82 = arith.constant 1 : i32
    %add3A_83 = arith.addi %mul3A_41, %add3A_82 : i32
    %dma_start3A_84 = arith.constant 0 : i32
    %dma_start3A_85 = tpu.memref_slice %arg4[%add3A_83, %dma_start3A_84] : memref<4000x80xf32, #tpu.memory_space<hbm>> -> memref<1x80xf32, #tpu.memory_space<hbm>>
    %dma_start3A_86 = tpu.memref_squeeze %dma_start3A_85 : memref<1x80xf32, #tpu.memory_space<hbm>> -> memref<80xf32, #tpu.memory_space<hbm>>
    %dma_start3A_87 = arith.constant 0 : i32
    %dma_start3A_88 = tpu.memref_slice %arg4[%add3A_83, %dma_start3A_87] : memref<4000x80xf32, #tpu.memory_space<hbm>> -> memref<1x80xf32, #tpu.memory_space<hbm>>
    %dma_start3A_89 = tpu.memref_squeeze %dma_start3A_88 : memref<1x80xf32, #tpu.memory_space<hbm>> -> memref<80xf32, #tpu.memory_space<hbm>>
    tpu.enqueue_dma source(%dma_start3A_89 : memref<80xf32, #tpu.memory_space<hbm>>) target(%arg12 : memref<80xf32, #tpu.memory_space<vmem>>) target_semaphore(%arg21 : memref<!tpu.dma_semaphore, #tpu.memory_space<semaphore_mem>>)
    %add3A_90 = arith.constant 0 : i32
    %add3A_91 = arith.addi %mul3A_41, %add3A_90 : i32
    %dma_wait3A = arith.constant 0 : i32
    %dma_wait3A_92 = tpu.memref_slice %arg2[%add3A_91, %dma_wait3A] : memref<4000x80xi32, #tpu.memory_space<hbm>> -> memref<1x80xi32, #tpu.memory_space<hbm>>
    %dma_wait3A_93 = tpu.memref_squeeze %dma_wait3A_92 : memref<1x80xi32, #tpu.memory_space<hbm>> -> memref<80xi32, #tpu.memory_space<hbm>>
    %dma_wait3A_94 = arith.constant 0 : i32
    %dma_wait3A_95 = tpu.memref_slice %arg2[%add3A_91, %dma_wait3A_94] : memref<4000x80xi32, #tpu.memory_space<hbm>> -> memref<1x80xi32, #tpu.memory_space<hbm>>
    %dma_wait3A_96 = tpu.memref_squeeze %dma_wait3A_95 : memref<1x80xi32, #tpu.memory_space<hbm>> -> memref<80xi32, #tpu.memory_space<hbm>>
    tpu.wait_dma2 semaphore(%arg20 : memref<!tpu.dma_semaphore, #tpu.memory_space<semaphore_mem>>) src(%dma_wait3A_96 : memref<80xi32, #tpu.memory_space<hbm>>) dst(%arg7 : memref<80xi32, #tpu.memory_space<vmem>>)
    %add3A_97 = arith.constant 0 : i32
    %add3A_98 = arith.addi %mul3A_41, %add3A_97 : i32
    %dma_wait3A_99 = arith.constant 0 : i32
    %dma_wait3A_100 = tpu.memref_slice %arg3[%add3A_98, %dma_wait3A_99] : memref<4000x80xi32, #tpu.memory_space<hbm>> -> memref<1x80xi32, #tpu.memory_space<hbm>>
    %dma_wait3A_101 = tpu.memref_squeeze %dma_wait3A_100 : memref<1x80xi32, #tpu.memory_space<hbm>> -> memref<80xi32, #tpu.memory_space<hbm>>
    %dma_wait3A_102 = arith.constant 0 : i32
    %dma_wait3A_103 = tpu.memref_slice %arg3[%add3A_98, %dma_wait3A_102] : memref<4000x80xi32, #tpu.memory_space<hbm>> -> memref<1x80xi32, #tpu.memory_space<hbm>>
    %dma_wait3A_104 = tpu.memref_squeeze %dma_wait3A_103 : memref<1x80xi32, #tpu.memory_space<hbm>> -> memref<80xi32, #tpu.memory_space<hbm>>
    tpu.wait_dma2 semaphore(%arg20 : memref<!tpu.dma_semaphore, #tpu.memory_space<semaphore_mem>>) src(%dma_wait3A_104 : memref<80xi32, #tpu.memory_space<hbm>>) dst(%arg9 : memref<80xi32, #tpu.memory_space<vmem>>)
    %add3A_105 = arith.constant 0 : i32
    %add3A_106 = arith.addi %mul3A_41, %add3A_105 : i32
    %dma_wait3A_107 = arith.constant 0 : i32
    %dma_wait3A_108 = tpu.memref_slice %arg4[%add3A_106, %dma_wait3A_107] : memref<4000x80xf32, #tpu.memory_space<hbm>> -> memref<1x80xf32, #tpu.memory_space<hbm>>
    %dma_wait3A_109 = tpu.memref_squeeze %dma_wait3A_108 : memref<1x80xf32, #tpu.memory_space<hbm>> -> memref<80xf32, #tpu.memory_space<hbm>>
    %dma_wait3A_110 = arith.constant 0 : i32
    %dma_wait3A_111 = tpu.memref_slice %arg4[%add3A_106, %dma_wait3A_110] : memref<4000x80xf32, #tpu.memory_space<hbm>> -> memref<1x80xf32, #tpu.memory_space<hbm>>
    %dma_wait3A_112 = tpu.memref_squeeze %dma_wait3A_111 : memref<1x80xf32, #tpu.memory_space<hbm>> -> memref<80xf32, #tpu.memory_space<hbm>>
    tpu.wait_dma2 semaphore(%arg20 : memref<!tpu.dma_semaphore, #tpu.memory_space<semaphore_mem>>) src(%dma_wait3A_112 : memref<80xf32, #tpu.memory_space<hbm>>) dst(%arg11 : memref<80xf32, #tpu.memory_space<vmem>>)
    %get3A = arith.constant 0 : index
    %get3A_113 = tpu.vector_load %arg7[%get3A] {strides = array<i32>} : memref<80xi32, #tpu.memory_space<vmem>>, vector<16xi32>,
    %add3A_114 = vector.broadcast %mul3A_43 : i32 to vector<16xi32>
    %add3A_115 = arith.addi %get3A_113, %add3A_114 : vector<16xi32>
    %swap3A = arith.constant 0 : index
    %swap3A_116 = tpu.vector_load %arg7[%swap3A] {strides = array<i32>} : memref<80xi32, #tpu.memory_space<vmem>>, vector<16xi32>,
    tpu.vector_store %arg7[%swap3A], %add3A_115 {strides = array<i32>} : memref<80xi32, #tpu.memory_space<vmem>>, vector<16xi32>,
    %get3A_117 = arith.constant 16 : index
    %get3A_118 = tpu.vector_load %arg7[%get3A_117] {strides = array<i32>} : memref<80xi32, #tpu.memory_space<vmem>>, vector<16xi32>,
    %add3A_119 = vector.broadcast %mul3A_43 : i32 to vector<16xi32>
    %add3A_120 = arith.addi %get3A_118, %add3A_119 : vector<16xi32>
    %swap3A_121 = arith.constant 16 : index
    %swap3A_122 = tpu.vector_load %arg7[%swap3A_121] {strides = array<i32>} : memref<80xi32, #tpu.memory_space<vmem>>, vector<16xi32>,
    tpu.vector_store %arg7[%swap3A_121], %add3A_120 {strides = array<i32>} : memref<80xi32, #tpu.memory_space<vmem>>, vector<16xi32>,
    %get3A_123 = arith.constant 32 : index
    %get3A_124 = tpu.vector_load %arg7[%get3A_123] {strides = array<i32>} : memref<80xi32, #tpu.memory_space<vmem>>, vector<16xi32>,
    %add3A_125 = vector.broadcast %mul3A_43 : i32 to vector<16xi32>
    %add3A_126 = arith.addi %get3A_124, %add3A_125 : vector<16xi32>
    %swap3A_127 = arith.constant 32 : index
    %swap3A_128 = tpu.vector_load %arg7[%swap3A_127] {strides = array<i32>} : memref<80xi32, #tpu.memory_space<vmem>>, vector<16xi32>,
    tpu.vector_store %arg7[%swap3A_127], %add3A_126 {strides = array<i32>} : memref<80xi32, #tpu.memory_space<vmem>>, vector<16xi32>,
    %get3A_129 = arith.constant 48 : index
    %get3A_130 = tpu.vector_load %arg7[%get3A_129] {strides = array<i32>} : memref<80xi32, #tpu.memory_space<vmem>>, vector<16xi32>,
    %add3A_131 = vector.broadcast %mul3A_43 : i32 to vector<16xi32>
    %add3A_132 = arith.addi %get3A_130, %add3A_131 : vector<16xi32>
    %swap3A_133 = arith.constant 48 : index
    %swap3A_134 = tpu.vector_load %arg7[%swap3A_133] {strides = array<i32>} : memref<80xi32, #tpu.memory_space<vmem>>, vector<16xi32>,
    tpu.vector_store %arg7[%swap3A_133], %add3A_132 {strides = array<i32>} : memref<80xi32, #tpu.memory_space<vmem>>, vector<16xi32>,
    %get3A_135 = arith.constant 64 : index
    %get3A_136 = tpu.vector_load %arg7[%get3A_135] {strides = array<i32>} : memref<80xi32, #tpu.memory_space<vmem>>, vector<16xi32>,
    %add3A_137 = vector.broadcast %mul3A_43 : i32 to vector<16xi32>
    %add3A_138 = arith.addi %get3A_136, %add3A_137 : vector<16xi32>
    %swap3A_139 = arith.constant 64 : index
    %swap3A_140 = tpu.vector_load %arg7[%swap3A_139] {strides = array<i32>} : memref<80xi32, #tpu.memory_space<vmem>>, vector<16xi32>,
    tpu.vector_store %arg7[%swap3A_139], %add3A_138 {strides = array<i32>} : memref<80xi32, #tpu.memory_space<vmem>>, vector<16xi32>,
    %dma_start3A_141 = arith.constant 0 : i32
    %dma_start3A_142 = arith.constant 0 : i32
    %dma_start3A_143 = tpu.memref_slice %arg5[%dma_start3A_141, %dma_start3A_142] : memref<20000x128xf32, #tpu.memory_space<hbm>> -> memref<20000x128xf32, #tpu.memory_space<hbm>>
    tpu.enqueue_indirect_dma source(%dma_start3A_143 : memref<20000x128xf32, #tpu.memory_space<hbm>>) target(%arg15 : memref<80x128xf32, #tpu.memory_space<vmem>>) offsets(%arg7 : memref<80xi32, #tpu.memory_space<vmem>>) semaphore(%arg22 : memref<!tpu.dma_semaphore, #tpu.memory_space<semaphore_mem>>)
    %scan3A_144 = arith.constant 0 : i32
    %scan3A_145 = arith.constant 0 : i32
    %scan3A_146 = arith.constant 125 : i32
    %scan3A_147 = arith.addi %scan3A_145, %scan3A_146 : i32
    %scan3A_148 = arith.constant 1 : i32
    scf.for %scan3A_175 = %scan3A_145 to %scan3A_147 step %scan3A_148  : i32 {
      %mul3A_176 = arith.constant 2 : i32
      %mul3A_177 = arith.muli %mul3A_176, %scan3A_175 : i32
      %add3A_178 = arith.constant 1 : i32
      %add3A_179 = arith.addi %mul3A_177, %add3A_178 : i32
      %lt3A = arith.constant 250 : i32
      %lt3A_180 = arith.cmpi slt, %add3A_179, %lt3A : i32
      %convert_element_type3A_181 = arith.extui %lt3A_180 : i1 to i32
      %cond3A_182 = arith.constant 0 : i32
      %cond3A_183 = arith.cmpi ne, %convert_element_type3A_181, %cond3A_182 : i32
      scf.if %cond3A_183 {
        %add3A_273 = arith.constant 1 : i32
        %add3A_274 = arith.addi %mul3A_177, %add3A_273 : i32
        %add3A_275 = arith.addi %mul3A_41, %add3A_274 : i32
        %dma_wait3A_276 = arith.constant 0 : i32
        %dma_wait3A_277 = tpu.memref_slice %arg2[%add3A_275, %dma_wait3A_276] : memref<4000x80xi32, #tpu.memory_space<hbm>> -> memref<1x80xi32, #tpu.memory_space<hbm>>
        %dma_wait3A_278 = tpu.memref_squeeze %dma_wait3A_277 : memref<1x80xi32, #tpu.memory_space<hbm>> -> memref<80xi32, #tpu.memory_space<hbm>>
        %dma_wait3A_279 = arith.constant 0 : i32
        %dma_wait3A_280 = tpu.memref_slice %arg2[%add3A_275, %dma_wait3A_279] : memref<4000x80xi32, #tpu.memory_space<hbm>> -> memref<1x80xi32, #tpu.memory_space<hbm>>
        %dma_wait3A_281 = tpu.memref_squeeze %dma_wait3A_280 : memref<1x80xi32, #tpu.memory_space<hbm>> -> memref<80xi32, #tpu.memory_space<hbm>>
        tpu.wait_dma2 semaphore(%arg21 : memref<!tpu.dma_semaphore, #tpu.memory_space<semaphore_mem>>) src(%dma_wait3A_281 : memref<80xi32, #tpu.memory_space<hbm>>) dst(%arg8 : memref<80xi32, #tpu.memory_space<vmem>>)
        %add3A_282 = arith.addi %mul3A_41, %add3A_274 : i32
        %dma_wait3A_283 = arith.constant 0 : i32
        %dma_wait3A_284 = tpu.memref_slice %arg3[%add3A_282, %dma_wait3A_283] : memref<4000x80xi32, #tpu.memory_space<hbm>> -> memref<1x80xi32, #tpu.memory_space<hbm>>
        %dma_wait3A_285 = tpu.memref_squeeze %dma_wait3A_284 : memref<1x80xi32, #tpu.memory_space<hbm>> -> memref<80xi32, #tpu.memory_space<hbm>>
        %dma_wait3A_286 = arith.constant 0 : i32
        %dma_wait3A_287 = tpu.memref_slice %arg3[%add3A_282, %dma_wait3A_286] : memref<4000x80xi32, #tpu.memory_space<hbm>> -> memref<1x80xi32, #tpu.memory_space<hbm>>
        %dma_wait3A_288 = tpu.memref_squeeze %dma_wait3A_287 : memref<1x80xi32, #tpu.memory_space<hbm>> -> memref<80xi32, #tpu.memory_space<hbm>>
        tpu.wait_dma2 semaphore(%arg21 : memref<!tpu.dma_semaphore, #tpu.memory_space<semaphore_mem>>) src(%dma_wait3A_288 : memref<80xi32, #tpu.memory_space<hbm>>) dst(%arg13 : memref<80xi32, #tpu.memory_space<vmem>>)
        %add3A_289 = arith.addi %mul3A_41, %add3A_274 : i32
        %dma_wait3A_290 = arith.constant 0 : i32
        %dma_wait3A_291 = tpu.memref_slice %arg4[%add3A_289, %dma_wait3A_290] : memref<4000x80xf32, #tpu.memory_space<hbm>> -> memref<1x80xf32, #tpu.memory_space<hbm>>
        %dma_wait3A_292 = tpu.memref_squeeze %dma_wait3A_291 : memref<1x80xf32, #tpu.memory_space<hbm>> -> memref<80xf32, #tpu.memory_space<hbm>>
        %dma_wait3A_293 = arith.constant 0 : i32
        %dma_wait3A_294 = tpu.memref_slice %arg4[%add3A_289, %dma_wait3A_293] : memref<4000x80xf32, #tpu.memory_space<hbm>> -> memref<1x80xf32, #tpu.memory_space<hbm>>
        %dma_wait3A_295 = tpu.memref_squeeze %dma_wait3A_294 : memref<1x80xf32, #tpu.memory_space<hbm>> -> memref<80xf32, #tpu.memory_space<hbm>>
        tpu.wait_dma2 semaphore(%arg21 : memref<!tpu.dma_semaphore, #tpu.memory_space<semaphore_mem>>) src(%dma_wait3A_295 : memref<80xf32, #tpu.memory_space<hbm>>) dst(%arg11 : memref<80xf32, #tpu.memory_space<vmem>>)
        %get3A_296 = arith.constant 0 : index
        %get3A_297 = tpu.vector_load %arg8[%get3A_296] {strides = array<i32>} : memref<80xi32, #tpu.memory_space<vmem>>, vector<16xi32>,
        %add3A_298 = vector.broadcast %mul3A_43 : i32 to vector<16xi32>
        %add3A_299 = arith.addi %get3A_297, %add3A_298 : vector<16xi32>
        %swap3A_300 = arith.constant 0 : index
        %swap3A_301 = tpu.vector_load %arg8[%swap3A_300] {strides = array<i32>} : memref<80xi32, #tpu.memory_space<vmem>>, vector<16xi32>,
        tpu.vector_store %arg8[%swap3A_300], %add3A_299 {strides = array<i32>} : memref<80xi32, #tpu.memory_space<vmem>>, vector<16xi32>,
        %get3A_302 = arith.constant 16 : index
        %get3A_303 = tpu.vector_load %arg8[%get3A_302] {strides = array<i32>} : memref<80xi32, #tpu.memory_space<vmem>>, vector<16xi32>,
        %add3A_304 = vector.broadcast %mul3A_43 : i32 to vector<16xi32>
        %add3A_305 = arith.addi %get3A_303, %add3A_304 : vector<16xi32>
        %swap3A_306 = arith.constant 16 : index
        %swap3A_307 = tpu.vector_load %arg8[%swap3A_306] {strides = array<i32>} : memref<80xi32, #tpu.memory_space<vmem>>, vector<16xi32>,
        tpu.vector_store %arg8[%swap3A_306], %add3A_305 {strides = array<i32>} : memref<80xi32, #tpu.memory_space<vmem>>, vector<16xi32>,
        %get3A_308 = arith.constant 32 : index
        %get3A_309 = tpu.vector_load %arg8[%get3A_308] {strides = array<i32>} : memref<80xi32, #tpu.memory_space<vmem>>, vector<16xi32>,
        %add3A_310 = vector.broadcast %mul3A_43 : i32 to vector<16xi32>
        %add3A_311 = arith.addi %get3A_309, %add3A_310 : vector<16xi32>
        %swap3A_312 = arith.constant 32 : index
        %swap3A_313 = tpu.vector_load %arg8[%swap3A_312] {strides = array<i32>} : memref<80xi32, #tpu.memory_space<vmem>>, vector<16xi32>,
        tpu.vector_store %arg8[%swap3A_312], %add3A_311 {strides = array<i32>} : memref<80xi32, #tpu.memory_space<vmem>>, vector<16xi32>,
        %get3A_314 = arith.constant 48 : index
        %get3A_315 = tpu.vector_load %arg8[%get3A_314] {strides = array<i32>} : memref<80xi32, #tpu.memory_space<vmem>>, vector<16xi32>,
        %add3A_316 = vector.broadcast %mul3A_43 : i32 to vector<16xi32>
        %add3A_317 = arith.addi %get3A_315, %add3A_316 : vector<16xi32>
        %swap3A_318 = arith.constant 48 : index
        %swap3A_319 = tpu.vector_load %arg8[%swap3A_318] {strides = array<i32>} : memref<80xi32, #tpu.memory_space<vmem>>, vector<16xi32>,
        tpu.vector_store %arg8[%swap3A_318], %add3A_317 {strides = array<i32>} : memref<80xi32, #tpu.memory_space<vmem>>, vector<16xi32>,
        %get3A_320 = arith.constant 64 : index
        %get3A_321 = tpu.vector_load %arg8[%get3A_320] {strides = array<i32>} : memref<80xi32, #tpu.memory_space<vmem>>, vector<16xi32>,
        %add3A_322 = vector.broadcast %mul3A_43 : i32 to vector<16xi32>
        %add3A_323 = arith.addi %get3A_321, %add3A_322 : vector<16xi32>
        %swap3A_324 = arith.constant 64 : index
        %swap3A_325 = tpu.vector_load %arg8[%swap3A_324] {strides = array<i32>} : memref<80xi32, #tpu.memory_space<vmem>>, vector<16xi32>,
        tpu.vector_store %arg8[%swap3A_324], %add3A_323 {strides = array<i32>} : memref<80xi32, #tpu.memory_space<vmem>>, vector<16xi32>,
        %dma_start3A_326 = arith.constant 0 : i32
        %dma_start3A_327 = arith.constant 0 : i32
        %dma_start3A_328 = tpu.memref_slice %arg5[%dma_start3A_326, %dma_start3A_327] : memref<20000x128xf32, #tpu.memory_space<hbm>> -> memref<20000x128xf32, #tpu.memory_space<hbm>>
        tpu.enqueue_indirect_dma source(%dma_start3A_328 : memref<20000x128xf32, #tpu.memory_space<hbm>>) target(%arg16 : memref<80x128xf32, #tpu.memory_space<vmem>>) offsets(%arg8 : memref<80xi32, #tpu.memory_space<vmem>>) semaphore(%arg23 : memref<!tpu.dma_semaphore, #tpu.memory_space<semaphore_mem>>)
      } else {
      }
      %dma_wait3A_184 = arith.constant 0 : i32
      %dma_wait3A_185 = arith.constant 0 : i32
      %dma_wait3A_186 = tpu.memref_slice %arg5[%dma_wait3A_184, %dma_wait3A_185] : memref<20000x128xf32, #tpu.memory_space<hbm>> -> memref<20000x128xf32, #tpu.memory_space<hbm>>
      tpu.wait_indirect_dma semaphore(%arg22 : memref<!tpu.dma_semaphore, #tpu.memory_space<semaphore_mem>>) src(%dma_wait3A_186 : memref<20000x128xf32, #tpu.memory_space<hbm>>) dst(%arg15 : memref<80x128xf32, #tpu.memory_space<vmem>>)
      %ge3A = arith.constant 2 : i32
      %ge3A_187 = arith.cmpi sge, %mul3A_177, %ge3A : i32
      %convert_element_type3A_188 = arith.extui %ge3A_187 : i1 to i32
      %cond3A_189 = arith.constant 0 : i32
      %cond3A_190 = arith.cmpi ne, %convert_element_type3A_188, %cond3A_189 : i32
      scf.if %cond3A_190 {
        %dma_wait3A_273 = arith.constant 0 : i32
        %dma_wait3A_274 = arith.constant 0 : i32
        %dma_wait3A_275 = tpu.memref_slice %arg19[%dma_wait3A_273, %dma_wait3A_274] : memref<10000x128xf32, #tpu.memory_space<vmem_shared>> -> memref<10000x128xf32, #tpu.memory_space<vmem_shared>>
        tpu.wait_indirect_dma semaphore(%arg24 : memref<!tpu.dma_semaphore, #tpu.memory_space<semaphore_mem>>) src(%arg17 : memref<80x128xf32, #tpu.memory_space<vmem>>) dst(%dma_wait3A_275 : memref<10000x128xf32, #tpu.memory_space<vmem_shared>>)
      } else {
      }
      %parallel_loop3A = arith.constant 0 : i32
      %parallel_loop3A_191 = arith.constant 80 : i32
      %parallel_loop3A_192 = arith.constant 1 : i32
      scf.for %parallel_loop3A_273 = %parallel_loop3A to %parallel_loop3A_191 step %parallel_loop3A_192  : i32 {
        %parallel_loop3A_274 = vector.broadcast %parallel_loop3A_273 : i32 to vector<16xi32>
        %parallel_loop3A_275 = tpu.vector_load_idx %arg11[%parallel_loop3A_274] : memref<80xf32, #tpu.memory_space<vmem>>[vector<16xi32>], vector<16xf32>,
        %parallel_loop3A_276 = arith.index_cast %parallel_loop3A_273 : i32 to index
        %parallel_loop3A_277 = arith.constant 0 : index
        %parallel_loop3A_278 = tpu.vector_load %arg15[%parallel_loop3A_276, %parallel_loop3A_277] {strides = array<i32>} : memref<80x128xf32, #tpu.memory_space<vmem>>, vector<16xf32>,
        %parallel_loop3A_279 = arith.mulf %parallel_loop3A_278, %parallel_loop3A_275 : vector<16xf32>
        %parallel_loop3A_280 = arith.index_cast %parallel_loop3A_273 : i32 to index
        %parallel_loop3A_281 = arith.constant 0 : index
        %parallel_loop3A_282 = tpu.vector_load %arg17[%parallel_loop3A_280, %parallel_loop3A_281] {strides = array<i32>} : memref<80x128xf32, #tpu.memory_space<vmem>>, vector<16xf32>,
        tpu.vector_store %arg17[%parallel_loop3A_280, %parallel_loop3A_281], %parallel_loop3A_279 {strides = array<i32>} : memref<80x128xf32, #tpu.memory_space<vmem>>, vector<16xf32>,
        %parallel_loop3A_283 = arith.index_cast %parallel_loop3A_273 : i32 to index
        %parallel_loop3A_284 = arith.constant 16 : index
        %parallel_loop3A_285 = tpu.vector_load %arg15[%parallel_loop3A_283, %parallel_loop3A_284] {strides = array<i32>} : memref<80x128xf32, #tpu.memory_space<vmem>>, vector<16xf32>,
        %parallel_loop3A_286 = arith.mulf %parallel_loop3A_285, %parallel_loop3A_275 : vector<16xf32>
        %parallel_loop3A_287 = arith.index_cast %parallel_loop3A_273 : i32 to index
        %parallel_loop3A_288 = arith.constant 16 : index
        %parallel_loop3A_289 = tpu.vector_load %arg17[%parallel_loop3A_287, %parallel_loop3A_288] {strides = array<i32>} : memref<80x128xf32, #tpu.memory_space<vmem>>, vector<16xf32>,
        tpu.vector_store %arg17[%parallel_loop3A_287, %parallel_loop3A_288], %parallel_loop3A_286 {strides = array<i32>} : memref<80x128xf32, #tpu.memory_space<vmem>>, vector<16xf32>,
        %parallel_loop3A_290 = arith.index_cast %parallel_loop3A_273 : i32 to index
        %parallel_loop3A_291 = arith.constant 32 : index
        %parallel_loop3A_292 = tpu.vector_load %arg15[%parallel_loop3A_290, %parallel_loop3A_291] {strides = array<i32>} : memref<80x128xf32, #tpu.memory_space<vmem>>, vector<16xf32>,
        %parallel_loop3A_293 = arith.mulf %parallel_loop3A_292, %parallel_loop3A_275 : vector<16xf32>
        %parallel_loop3A_294 = arith.index_cast %parallel_loop3A_273 : i32 to index
        %parallel_loop3A_295 = arith.constant 32 : index
        %parallel_loop3A_296 = tpu.vector_load %arg17[%parallel_loop3A_294, %parallel_loop3A_295] {strides = array<i32>} : memref<80x128xf32, #tpu.memory_space<vmem>>, vector<16xf32>,
        tpu.vector_store %arg17[%parallel_loop3A_294, %parallel_loop3A_295], %parallel_loop3A_293 {strides = array<i32>} : memref<80x128xf32, #tpu.memory_space<vmem>>, vector<16xf32>,
        %parallel_loop3A_297 = arith.index_cast %parallel_loop3A_273 : i32 to index
        %parallel_loop3A_298 = arith.constant 48 : index
        %parallel_loop3A_299 = tpu.vector_load %arg15[%parallel_loop3A_297, %parallel_loop3A_298] {strides = array<i32>} : memref<80x128xf32, #tpu.memory_space<vmem>>, vector<16xf32>,
        %parallel_loop3A_300 = arith.mulf %parallel_loop3A_299, %parallel_loop3A_275 : vector<16xf32>
        %parallel_loop3A_301 = arith.index_cast %parallel_loop3A_273 : i32 to index
        %parallel_loop3A_302 = arith.constant 48 : index
        %parallel_loop3A_303 = tpu.vector_load %arg17[%parallel_loop3A_301, %parallel_loop3A_302] {strides = array<i32>} : memref<80x128xf32, #tpu.memory_space<vmem>>, vector<16xf32>,
        tpu.vector_store %arg17[%parallel_loop3A_301, %parallel_loop3A_302], %parallel_loop3A_300 {strides = array<i32>} : memref<80x128xf32, #tpu.memory_space<vmem>>, vector<16xf32>,
        %parallel_loop3A_304 = arith.index_cast %parallel_loop3A_273 : i32 to index
        %parallel_loop3A_305 = arith.constant 64 : index
        %parallel_loop3A_306 = tpu.vector_load %arg15[%parallel_loop3A_304, %parallel_loop3A_305] {strides = array<i32>} : memref<80x128xf32, #tpu.memory_space<vmem>>, vector<16xf32>,
        %parallel_loop3A_307 = arith.mulf %parallel_loop3A_306, %parallel_loop3A_275 : vector<16xf32>
        %parallel_loop3A_308 = arith.index_cast %parallel_loop3A_273 : i32 to index
        %parallel_loop3A_309 = arith.constant 64 : index
        %parallel_loop3A_310 = tpu.vector_load %arg17[%parallel_loop3A_308, %parallel_loop3A_309] {strides = array<i32>} : memref<80x128xf32, #tpu.memory_space<vmem>>, vector<16xf32>,
        tpu.vector_store %arg17[%parallel_loop3A_308, %parallel_loop3A_309], %parallel_loop3A_307 {strides = array<i32>} : memref<80x128xf32, #tpu.memory_space<vmem>>, vector<16xf32>,
        %parallel_loop3A_311 = arith.index_cast %parallel_loop3A_273 : i32 to index
        %parallel_loop3A_312 = arith.constant 80 : index
        %parallel_loop3A_313 = tpu.vector_load %arg15[%parallel_loop3A_311, %parallel_loop3A_312] {strides = array<i32>} : memref<80x128xf32, #tpu.memory_space<vmem>>, vector<16xf32>,
        %parallel_loop3A_314 = arith.mulf %parallel_loop3A_313, %parallel_loop3A_275 : vector<16xf32>
        %parallel_loop3A_315 = arith.index_cast %parallel_loop3A_273 : i32 to index
        %parallel_loop3A_316 = arith.constant 80 : index
        %parallel_loop3A_317 = tpu.vector_load %arg17[%parallel_loop3A_315, %parallel_loop3A_316] {strides = array<i32>} : memref<80x128xf32, #tpu.memory_space<vmem>>, vector<16xf32>,
        tpu.vector_store %arg17[%parallel_loop3A_315, %parallel_loop3A_316], %parallel_loop3A_314 {strides = array<i32>} : memref<80x128xf32, #tpu.memory_space<vmem>>, vector<16xf32>,
        %parallel_loop3A_318 = arith.index_cast %parallel_loop3A_273 : i32 to index
        %parallel_loop3A_319 = arith.constant 96 : index
        %parallel_loop3A_320 = tpu.vector_load %arg15[%parallel_loop3A_318, %parallel_loop3A_319] {strides = array<i32>} : memref<80x128xf32, #tpu.memory_space<vmem>>, vector<16xf32>,
        %parallel_loop3A_321 = arith.mulf %parallel_loop3A_320, %parallel_loop3A_275 : vector<16xf32>
        %parallel_loop3A_322 = arith.index_cast %parallel_loop3A_273 : i32 to index
        %parallel_loop3A_323 = arith.constant 96 : index
        %parallel_loop3A_324 = tpu.vector_load %arg17[%parallel_loop3A_322, %parallel_loop3A_323] {strides = array<i32>} : memref<80x128xf32, #tpu.memory_space<vmem>>, vector<16xf32>,
        tpu.vector_store %arg17[%parallel_loop3A_322, %parallel_loop3A_323], %parallel_loop3A_321 {strides = array<i32>} : memref<80x128xf32, #tpu.memory_space<vmem>>, vector<16xf32>,
        %parallel_loop3A_325 = arith.index_cast %parallel_loop3A_273 : i32 to index
        %parallel_loop3A_326 = arith.constant 112 : index
        %parallel_loop3A_327 = tpu.vector_load %arg15[%parallel_loop3A_325, %parallel_loop3A_326] {strides = array<i32>} : memref<80x128xf32, #tpu.memory_space<vmem>>, vector<16xf32>,
        %parallel_loop3A_328 = arith.mulf %parallel_loop3A_327, %parallel_loop3A_275 : vector<16xf32>
        %parallel_loop3A_329 = arith.index_cast %parallel_loop3A_273 : i32 to index
        %parallel_loop3A_330 = arith.constant 112 : index
        %parallel_loop3A_331 = tpu.vector_load %arg17[%parallel_loop3A_329, %parallel_loop3A_330] {strides = array<i32>} : memref<80x128xf32, #tpu.memory_space<vmem>>, vector<16xf32>,
        tpu.vector_store %arg17[%parallel_loop3A_329, %parallel_loop3A_330], %parallel_loop3A_328 {strides = array<i32>} : memref<80x128xf32, #tpu.memory_space<vmem>>, vector<16xf32>,
      } {sc.loop_unroll_factor = 4 : i64, sc.parallel_access}
      %get3A_193 = arith.constant 0 : index
      %get3A_194 = tpu.vector_load %arg9[%get3A_193] {strides = array<i32>} : memref<80xi32, #tpu.memory_space<vmem>>, vector<16xi32>,
      %swap3A_195 = arith.constant 0 : index
      %swap3A_196 = tpu.vector_load %arg13[%swap3A_195] {strides = array<i32>} : memref<80xi32, #tpu.memory_space<vmem>>, vector<16xi32>,
      tpu.vector_store %arg13[%swap3A_195], %get3A_194 {strides = array<i32>} : memref<80xi32, #tpu.memory_space<vmem>>, vector<16xi32>,
      %get3A_197 = arith.constant 16 : index
      %get3A_198 = tpu.vector_load %arg9[%get3A_197] {strides = array<i32>} : memref<80xi32, #tpu.memory_space<vmem>>, vector<16xi32>,
      %swap3A_199 = arith.constant 16 : index
      %swap3A_200 = tpu.vector_load %arg13[%swap3A_199] {strides = array<i32>} : memref<80xi32, #tpu.memory_space<vmem>>, vector<16xi32>,
      tpu.vector_store %arg13[%swap3A_199], %get3A_198 {strides = array<i32>} : memref<80xi32, #tpu.memory_space<vmem>>, vector<16xi32>,
      %get3A_201 = arith.constant 32 : index
      %get3A_202 = tpu.vector_load %arg9[%get3A_201] {strides = array<i32>} : memref<80xi32, #tpu.memory_space<vmem>>, vector<16xi32>,
      %swap3A_203 = arith.constant 32 : index
      %swap3A_204 = tpu.vector_load %arg13[%swap3A_203] {strides = array<i32>} : memref<80xi32, #tpu.memory_space<vmem>>, vector<16xi32>,
      tpu.vector_store %arg13[%swap3A_203], %get3A_202 {strides = array<i32>} : memref<80xi32, #tpu.memory_space<vmem>>, vector<16xi32>,
      %get3A_205 = arith.constant 48 : index
      %get3A_206 = tpu.vector_load %arg9[%get3A_205] {strides = array<i32>} : memref<80xi32, #tpu.memory_space<vmem>>, vector<16xi32>,
      %swap3A_207 = arith.constant 48 : index
      %swap3A_208 = tpu.vector_load %arg13[%swap3A_207] {strides = array<i32>} : memref<80xi32, #tpu.memory_space<vmem>>, vector<16xi32>,
      tpu.vector_store %arg13[%swap3A_207], %get3A_206 {strides = array<i32>} : memref<80xi32, #tpu.memory_space<vmem>>, vector<16xi32>,
      %get3A_209 = arith.constant 64 : index
      %get3A_210 = tpu.vector_load %arg9[%get3A_209] {strides = array<i32>} : memref<80xi32, #tpu.memory_space<vmem>>, vector<16xi32>,
      %swap3A_211 = arith.constant 64 : index
      %swap3A_212 = tpu.vector_load %arg13[%swap3A_211] {strides = array<i32>} : memref<80xi32, #tpu.memory_space<vmem>>, vector<16xi32>,
      tpu.vector_store %arg13[%swap3A_211], %get3A_210 {strides = array<i32>} : memref<80xi32, #tpu.memory_space<vmem>>, vector<16xi32>,
      %dma_start3A_213 = arith.constant 0 : i32
      %dma_start3A_214 = arith.constant 0 : i32
      %dma_start3A_215 = tpu.memref_slice %arg19[%dma_start3A_213, %dma_start3A_214] : memref<10000x128xf32, #tpu.memory_space<vmem_shared>> -> memref<10000x128xf32, #tpu.memory_space<vmem_shared>>
      tpu.enqueue_indirect_dma source(%arg17 : memref<80x128xf32, #tpu.memory_space<vmem>>) target(%dma_start3A_215 : memref<10000x128xf32, #tpu.memory_space<vmem_shared>>) offsets(%arg13 : memref<80xi32, #tpu.memory_space<vmem>>) semaphore(%arg24 : memref<!tpu.dma_semaphore, #tpu.memory_space<semaphore_mem>>) {add = true}
      %add3A_216 = arith.constant 2 : i32
      %add3A_217 = arith.addi %mul3A_177, %add3A_216 : i32
      %lt3A_218 = arith.constant 250 : i32
      %lt3A_219 = arith.cmpi slt, %add3A_217, %lt3A_218 : i32
      %convert_element_type3A_220 = arith.extui %lt3A_219 : i1 to i32
      %cond3A_221 = arith.constant 0 : i32
      %cond3A_222 = arith.cmpi ne, %convert_element_type3A_220, %cond3A_221 : i32
      scf.if %cond3A_222 {
        %add3A_273 = arith.constant 2 : i32
        %add3A_274 = arith.addi %mul3A_177, %add3A_273 : i32
        %add3A_275 = arith.addi %mul3A_41, %add3A_274 : i32
        %dma_start3A_276 = arith.constant 0 : i32
        %dma_start3A_277 = tpu.memref_slice %arg2[%add3A_275, %dma_start3A_276] : memref<4000x80xi32, #tpu.memory_space<hbm>> -> memref<1x80xi32, #tpu.memory_space<hbm>>
        %dma_start3A_278 = tpu.memref_squeeze %dma_start3A_277 : memref<1x80xi32, #tpu.memory_space<hbm>> -> memref<80xi32, #tpu.memory_space<hbm>>
        %dma_start3A_279 = arith.constant 0 : i32
        %dma_start3A_280 = tpu.memref_slice %arg2[%add3A_275, %dma_start3A_279] : memref<4000x80xi32, #tpu.memory_space<hbm>> -> memref<1x80xi32, #tpu.memory_space<hbm>>
        %dma_start3A_281 = tpu.memref_squeeze %dma_start3A_280 : memref<1x80xi32, #tpu.memory_space<hbm>> -> memref<80xi32, #tpu.memory_space<hbm>>
        tpu.enqueue_dma source(%dma_start3A_281 : memref<80xi32, #tpu.memory_space<hbm>>) target(%arg7 : memref<80xi32, #tpu.memory_space<vmem>>) target_semaphore(%arg20 : memref<!tpu.dma_semaphore, #tpu.memory_space<semaphore_mem>>)
        %add3A_282 = arith.addi %mul3A_41, %add3A_274 : i32
        %dma_start3A_283 = arith.constant 0 : i32
        %dma_start3A_284 = tpu.memref_slice %arg3[%add3A_282, %dma_start3A_283] : memref<4000x80xi32, #tpu.memory_space<hbm>> -> memref<1x80xi32, #tpu.memory_space<hbm>>
        %dma_start3A_285 = tpu.memref_squeeze %dma_start3A_284 : memref<1x80xi32, #tpu.memory_space<hbm>> -> memref<80xi32, #tpu.memory_space<hbm>>
        %dma_start3A_286 = arith.constant 0 : i32
        %dma_start3A_287 = tpu.memref_slice %arg3[%add3A_282, %dma_start3A_286] : memref<4000x80xi32, #tpu.memory_space<hbm>> -> memref<1x80xi32, #tpu.memory_space<hbm>>
        %dma_start3A_288 = tpu.memref_squeeze %dma_start3A_287 : memref<1x80xi32, #tpu.memory_space<hbm>> -> memref<80xi32, #tpu.memory_space<hbm>>
        tpu.enqueue_dma source(%dma_start3A_288 : memref<80xi32, #tpu.memory_space<hbm>>) target(%arg9 : memref<80xi32, #tpu.memory_space<vmem>>) target_semaphore(%arg20 : memref<!tpu.dma_semaphore, #tpu.memory_space<semaphore_mem>>)
        %add3A_289 = arith.addi %mul3A_41, %add3A_274 : i32
        %dma_start3A_290 = arith.constant 0 : i32
        %dma_start3A_291 = tpu.memref_slice %arg4[%add3A_289, %dma_start3A_290] : memref<4000x80xf32, #tpu.memory_space<hbm>> -> memref<1x80xf32, #tpu.memory_space<hbm>>
        %dma_start3A_292 = tpu.memref_squeeze %dma_start3A_291 : memref<1x80xf32, #tpu.memory_space<hbm>> -> memref<80xf32, #tpu.memory_space<hbm>>
        %dma_start3A_293 = arith.constant 0 : i32
        %dma_start3A_294 = tpu.memref_slice %arg4[%add3A_289, %dma_start3A_293] : memref<4000x80xf32, #tpu.memory_space<hbm>> -> memref<1x80xf32, #tpu.memory_space<hbm>>
        %dma_start3A_295 = tpu.memref_squeeze %dma_start3A_294 : memref<1x80xf32, #tpu.memory_space<hbm>> -> memref<80xf32, #tpu.memory_space<hbm>>
        tpu.enqueue_dma source(%dma_start3A_295 : memref<80xf32, #tpu.memory_space<hbm>>) target(%arg11 : memref<80xf32, #tpu.memory_space<vmem>>) target_semaphore(%arg20 : memref<!tpu.dma_semaphore, #tpu.memory_space<semaphore_mem>>)
      } else {
      }
      %add3A_223 = arith.constant 1 : i32
      %add3A_224 = arith.addi %mul3A_177, %add3A_223 : i32
      %add3A_225 = arith.constant 1 : i32
      %add3A_226 = arith.addi %add3A_224, %add3A_225 : i32
      %lt3A_227 = arith.constant 250 : i32
      %lt3A_228 = arith.cmpi slt, %add3A_226, %lt3A_227 : i32
      %convert_element_type3A_229 = arith.extui %lt3A_228 : i1 to i32
      %cond3A_230 = arith.constant 0 : i32
      %cond3A_231 = arith.cmpi ne, %convert_element_type3A_229, %cond3A_230 : i32
      scf.if %cond3A_231 {
        %add3A_273 = arith.constant 1 : i32
        %add3A_274 = arith.addi %add3A_224, %add3A_273 : i32
        %add3A_275 = arith.addi %mul3A_41, %add3A_274 : i32
        %dma_wait3A_276 = arith.constant 0 : i32
        %dma_wait3A_277 = tpu.memref_slice %arg2[%add3A_275, %dma_wait3A_276] : memref<4000x80xi32, #tpu.memory_space<hbm>> -> memref<1x80xi32, #tpu.memory_space<hbm>>
        %dma_wait3A_278 = tpu.memref_squeeze %dma_wait3A_277 : memref<1x80xi32, #tpu.memory_space<hbm>> -> memref<80xi32, #tpu.memory_space<hbm>>
        %dma_wait3A_279 = arith.constant 0 : i32
        %dma_wait3A_280 = tpu.memref_slice %arg2[%add3A_275, %dma_wait3A_279] : memref<4000x80xi32, #tpu.memory_space<hbm>> -> memref<1x80xi32, #tpu.memory_space<hbm>>
        %dma_wait3A_281 = tpu.memref_squeeze %dma_wait3A_280 : memref<1x80xi32, #tpu.memory_space<hbm>> -> memref<80xi32, #tpu.memory_space<hbm>>
        tpu.wait_dma2 semaphore(%arg20 : memref<!tpu.dma_semaphore, #tpu.memory_space<semaphore_mem>>) src(%dma_wait3A_281 : memref<80xi32, #tpu.memory_space<hbm>>) dst(%arg7 : memref<80xi32, #tpu.memory_space<vmem>>)
        %add3A_282 = arith.addi %mul3A_41, %add3A_274 : i32
        %dma_wait3A_283 = arith.constant 0 : i32
        %dma_wait3A_284 = tpu.memref_slice %arg3[%add3A_282, %dma_wait3A_283] : memref<4000x80xi32, #tpu.memory_space<hbm>> -> memref<1x80xi32, #tpu.memory_space<hbm>>
        %dma_wait3A_285 = tpu.memref_squeeze %dma_wait3A_284 : memref<1x80xi32, #tpu.memory_space<hbm>> -> memref<80xi32, #tpu.memory_space<hbm>>
        %dma_wait3A_286 = arith.constant 0 : i32
        %dma_wait3A_287 = tpu.memref_slice %arg3[%add3A_282, %dma_wait3A_286] : memref<4000x80xi32, #tpu.memory_space<hbm>> -> memref<1x80xi32, #tpu.memory_space<hbm>>
        %dma_wait3A_288 = tpu.memref_squeeze %dma_wait3A_287 : memref<1x80xi32, #tpu.memory_space<hbm>> -> memref<80xi32, #tpu.memory_space<hbm>>
        tpu.wait_dma2 semaphore(%arg20 : memref<!tpu.dma_semaphore, #tpu.memory_space<semaphore_mem>>) src(%dma_wait3A_288 : memref<80xi32, #tpu.memory_space<hbm>>) dst(%arg14 : memref<80xi32, #tpu.memory_space<vmem>>)
        %add3A_289 = arith.addi %mul3A_41, %add3A_274 : i32
        %dma_wait3A_290 = arith.constant 0 : i32
        %dma_wait3A_291 = tpu.memref_slice %arg4[%add3A_289, %dma_wait3A_290] : memref<4000x80xf32, #tpu.memory_space<hbm>> -> memref<1x80xf32, #tpu.memory_space<hbm>>
        %dma_wait3A_292 = tpu.memref_squeeze %dma_wait3A_291 : memref<1x80xf32, #tpu.memory_space<hbm>> -> memref<80xf32, #tpu.memory_space<hbm>>
        %dma_wait3A_293 = arith.constant 0 : i32
        %dma_wait3A_294 = tpu.memref_slice %arg4[%add3A_289, %dma_wait3A_293] : memref<4000x80xf32, #tpu.memory_space<hbm>> -> memref<1x80xf32, #tpu.memory_space<hbm>>
        %dma_wait3A_295 = tpu.memref_squeeze %dma_wait3A_294 : memref<1x80xf32, #tpu.memory_space<hbm>> -> memref<80xf32, #tpu.memory_space<hbm>>
        tpu.wait_dma2 semaphore(%arg20 : memref<!tpu.dma_semaphore, #tpu.memory_space<semaphore_mem>>) src(%dma_wait3A_295 : memref<80xf32, #tpu.memory_space<hbm>>) dst(%arg12 : memref<80xf32, #tpu.memory_space<vmem>>)
        %get3A_296 = arith.constant 0 : index
        %get3A_297 = tpu.vector_load %arg7[%get3A_296] {strides = array<i32>} : memref<80xi32, #tpu.memory_space<vmem>>, vector<16xi32>,
        %add3A_298 = vector.broadcast %mul3A_43 : i32 to vector<16xi32>
        %add3A_299 = arith.addi %get3A_297, %add3A_298 : vector<16xi32>
        %swap3A_300 = arith.constant 0 : index
        %swap3A_301 = tpu.vector_load %arg7[%swap3A_300] {strides = array<i32>} : memref<80xi32, #tpu.memory_space<vmem>>, vector<16xi32>,
        tpu.vector_store %arg7[%swap3A_300], %add3A_299 {strides = array<i32>} : memref<80xi32, #tpu.memory_space<vmem>>, vector<16xi32>,
        %get3A_302 = arith.constant 16 : index
        %get3A_303 = tpu.vector_load %arg7[%get3A_302] {strides = array<i32>} : memref<80xi32, #tpu.memory_space<vmem>>, vector<16xi32>,
        %add3A_304 = vector.broadcast %mul3A_43 : i32 to vector<16xi32>
        %add3A_305 = arith.addi %get3A_303, %add3A_304 : vector<16xi32>
        %swap3A_306 = arith.constant 16 : index
        %swap3A_307 = tpu.vector_load %arg7[%swap3A_306] {strides = array<i32>} : memref<80xi32, #tpu.memory_space<vmem>>, vector<16xi32>,
        tpu.vector_store %arg7[%swap3A_306], %add3A_305 {strides = array<i32>} : memref<80xi32, #tpu.memory_space<vmem>>, vector<16xi32>,
        %get3A_308 = arith.constant 32 : index
        %get3A_309 = tpu.vector_load %arg7[%get3A_308] {strides = array<i32>} : memref<80xi32, #tpu.memory_space<vmem>>, vector<16xi32>,
        %add3A_310 = vector.broadcast %mul3A_43 : i32 to vector<16xi32>
        %add3A_311 = arith.addi %get3A_309, %add3A_310 : vector<16xi32>
        %swap3A_312 = arith.constant 32 : index
        %swap3A_313 = tpu.vector_load %arg7[%swap3A_312] {strides = array<i32>} : memref<80xi32, #tpu.memory_space<vmem>>, vector<16xi32>,
        tpu.vector_store %arg7[%swap3A_312], %add3A_311 {strides = array<i32>} : memref<80xi32, #tpu.memory_space<vmem>>, vector<16xi32>,
        %get3A_314 = arith.constant 48 : index
        %get3A_315 = tpu.vector_load %arg7[%get3A_314] {strides = array<i32>} : memref<80xi32, #tpu.memory_space<vmem>>, vector<16xi32>,
        %add3A_316 = vector.broadcast %mul3A_43 : i32 to vector<16xi32>
        %add3A_317 = arith.addi %get3A_315, %add3A_316 : vector<16xi32>
        %swap3A_318 = arith.constant 48 : index
        %swap3A_319 = tpu.vector_load %arg7[%swap3A_318] {strides = array<i32>} : memref<80xi32, #tpu.memory_space<vmem>>, vector<16xi32>,
        tpu.vector_store %arg7[%swap3A_318], %add3A_317 {strides = array<i32>} : memref<80xi32, #tpu.memory_space<vmem>>, vector<16xi32>,
        %get3A_320 = arith.constant 64 : index
        %get3A_321 = tpu.vector_load %arg7[%get3A_320] {strides = array<i32>} : memref<80xi32, #tpu.memory_space<vmem>>, vector<16xi32>,
        %add3A_322 = vector.broadcast %mul3A_43 : i32 to vector<16xi32>
        %add3A_323 = arith.addi %get3A_321, %add3A_322 : vector<16xi32>
        %swap3A_324 = arith.constant 64 : index
        %swap3A_325 = tpu.vector_load %arg7[%swap3A_324] {strides = array<i32>} : memref<80xi32, #tpu.memory_space<vmem>>, vector<16xi32>,
        tpu.vector_store %arg7[%swap3A_324], %add3A_323 {strides = array<i32>} : memref<80xi32, #tpu.memory_space<vmem>>, vector<16xi32>,
        %dma_start3A_326 = arith.constant 0 : i32
        %dma_start3A_327 = arith.constant 0 : i32
        %dma_start3A_328 = tpu.memref_slice %arg5[%dma_start3A_326, %dma_start3A_327] : memref<20000x128xf32, #tpu.memory_space<hbm>> -> memref<20000x128xf32, #tpu.memory_space<hbm>>
        tpu.enqueue_indirect_dma source(%dma_start3A_328 : memref<20000x128xf32, #tpu.memory_space<hbm>>) target(%arg15 : memref<80x128xf32, #tpu.memory_space<vmem>>) offsets(%arg7 : memref<80xi32, #tpu.memory_space<vmem>>) semaphore(%arg22 : memref<!tpu.dma_semaphore, #tpu.memory_space<semaphore_mem>>)
      } else {
      }
      %dma_wait3A_232 = arith.constant 0 : i32
      %dma_wait3A_233 = arith.constant 0 : i32
      %dma_wait3A_234 = tpu.memref_slice %arg5[%dma_wait3A_232, %dma_wait3A_233] : memref<20000x128xf32, #tpu.memory_space<hbm>> -> memref<20000x128xf32, #tpu.memory_space<hbm>>
      tpu.wait_indirect_dma semaphore(%arg23 : memref<!tpu.dma_semaphore, #tpu.memory_space<semaphore_mem>>) src(%dma_wait3A_234 : memref<20000x128xf32, #tpu.memory_space<hbm>>) dst(%arg16 : memref<80x128xf32, #tpu.memory_space<vmem>>)
      %ge3A_235 = arith.constant 2 : i32
      %ge3A_236 = arith.cmpi sge, %add3A_224, %ge3A_235 : i32
      %convert_element_type3A_237 = arith.extui %ge3A_236 : i1 to i32
      %cond3A_238 = arith.constant 0 : i32
      %cond3A_239 = arith.cmpi ne, %convert_element_type3A_237, %cond3A_238 : i32
      scf.if %cond3A_239 {
        %dma_wait3A_273 = arith.constant 0 : i32
        %dma_wait3A_274 = arith.constant 0 : i32
        %dma_wait3A_275 = tpu.memref_slice %arg19[%dma_wait3A_273, %dma_wait3A_274] : memref<10000x128xf32, #tpu.memory_space<vmem_shared>> -> memref<10000x128xf32, #tpu.memory_space<vmem_shared>>
        tpu.wait_indirect_dma semaphore(%arg25 : memref<!tpu.dma_semaphore, #tpu.memory_space<semaphore_mem>>) src(%arg18 : memref<80x128xf32, #tpu.memory_space<vmem>>) dst(%dma_wait3A_275 : memref<10000x128xf32, #tpu.memory_space<vmem_shared>>)
      } else {
      }
      %parallel_loop3A_240 = arith.constant 0 : i32
      %parallel_loop3A_241 = arith.constant 80 : i32
      %parallel_loop3A_242 = arith.constant 1 : i32
      scf.for %parallel_loop3A_273 = %parallel_loop3A_240 to %parallel_loop3A_241 step %parallel_loop3A_242  : i32 {
        %parallel_loop3A_274 = vector.broadcast %parallel_loop3A_273 : i32 to vector<16xi32>
        %parallel_loop3A_275 = tpu.vector_load_idx %arg12[%parallel_loop3A_274] : memref<80xf32, #tpu.memory_space<vmem>>[vector<16xi32>], vector<16xf32>,
        %parallel_loop3A_276 = arith.index_cast %parallel_loop3A_273 : i32 to index
        %parallel_loop3A_277 = arith.constant 0 : index
        %parallel_loop3A_278 = tpu.vector_load %arg16[%parallel_loop3A_276, %parallel_loop3A_277] {strides = array<i32>} : memref<80x128xf32, #tpu.memory_space<vmem>>, vector<16xf32>,
        %parallel_loop3A_279 = arith.mulf %parallel_loop3A_278, %parallel_loop3A_275 : vector<16xf32>
        %parallel_loop3A_280 = arith.index_cast %parallel_loop3A_273 : i32 to index
        %parallel_loop3A_281 = arith.constant 0 : index
        %parallel_loop3A_282 = tpu.vector_load %arg18[%parallel_loop3A_280, %parallel_loop3A_281] {strides = array<i32>} : memref<80x128xf32, #tpu.memory_space<vmem>>, vector<16xf32>,
        tpu.vector_store %arg18[%parallel_loop3A_280, %parallel_loop3A_281], %parallel_loop3A_279 {strides = array<i32>} : memref<80x128xf32, #tpu.memory_space<vmem>>, vector<16xf32>,
        %parallel_loop3A_283 = arith.index_cast %parallel_loop3A_273 : i32 to index
        %parallel_loop3A_284 = arith.constant 16 : index
        %parallel_loop3A_285 = tpu.vector_load %arg16[%parallel_loop3A_283, %parallel_loop3A_284] {strides = array<i32>} : memref<80x128xf32, #tpu.memory_space<vmem>>, vector<16xf32>,
        %parallel_loop3A_286 = arith.mulf %parallel_loop3A_285, %parallel_loop3A_275 : vector<16xf32>
        %parallel_loop3A_287 = arith.index_cast %parallel_loop3A_273 : i32 to index
        %parallel_loop3A_288 = arith.constant 16 : index
        %parallel_loop3A_289 = tpu.vector_load %arg18[%parallel_loop3A_287, %parallel_loop3A_288] {strides = array<i32>} : memref<80x128xf32, #tpu.memory_space<vmem>>, vector<16xf32>,
        tpu.vector_store %arg18[%parallel_loop3A_287, %parallel_loop3A_288], %parallel_loop3A_286 {strides = array<i32>} : memref<80x128xf32, #tpu.memory_space<vmem>>, vector<16xf32>,
        %parallel_loop3A_290 = arith.index_cast %parallel_loop3A_273 : i32 to index
        %parallel_loop3A_291 = arith.constant 32 : index
        %parallel_loop3A_292 = tpu.vector_load %arg16[%parallel_loop3A_290, %parallel_loop3A_291] {strides = array<i32>} : memref<80x128xf32, #tpu.memory_space<vmem>>, vector<16xf32>,
        %parallel_loop3A_293 = arith.mulf %parallel_loop3A_292, %parallel_loop3A_275 : vector<16xf32>
        %parallel_loop3A_294 = arith.index_cast %parallel_loop3A_273 : i32 to index
        %parallel_loop3A_295 = arith.constant 32 : index
        %parallel_loop3A_296 = tpu.vector_load %arg18[%parallel_loop3A_294, %parallel_loop3A_295] {strides = array<i32>} : memref<80x128xf32, #tpu.memory_space<vmem>>, vector<16xf32>,
        tpu.vector_store %arg18[%parallel_loop3A_294, %parallel_loop3A_295], %parallel_loop3A_293 {strides = array<i32>} : memref<80x128xf32, #tpu.memory_space<vmem>>, vector<16xf32>,
        %parallel_loop3A_297 = arith.index_cast %parallel_loop3A_273 : i32 to index
        %parallel_loop3A_298 = arith.constant 48 : index
        %parallel_loop3A_299 = tpu.vector_load %arg16[%parallel_loop3A_297, %parallel_loop3A_298] {strides = array<i32>} : memref<80x128xf32, #tpu.memory_space<vmem>>, vector<16xf32>,
        %parallel_loop3A_300 = arith.mulf %parallel_loop3A_299, %parallel_loop3A_275 : vector<16xf32>
        %parallel_loop3A_301 = arith.index_cast %parallel_loop3A_273 : i32 to index
        %parallel_loop3A_302 = arith.constant 48 : index
        %parallel_loop3A_303 = tpu.vector_load %arg18[%parallel_loop3A_301, %parallel_loop3A_302] {strides = array<i32>} : memref<80x128xf32, #tpu.memory_space<vmem>>, vector<16xf32>,
        tpu.vector_store %arg18[%parallel_loop3A_301, %parallel_loop3A_302], %parallel_loop3A_300 {strides = array<i32>} : memref<80x128xf32, #tpu.memory_space<vmem>>, vector<16xf32>,
        %parallel_loop3A_304 = arith.index_cast %parallel_loop3A_273 : i32 to index
        %parallel_loop3A_305 = arith.constant 64 : index
        %parallel_loop3A_306 = tpu.vector_load %arg16[%parallel_loop3A_304, %parallel_loop3A_305] {strides = array<i32>} : memref<80x128xf32, #tpu.memory_space<vmem>>, vector<16xf32>,
        %parallel_loop3A_307 = arith.mulf %parallel_loop3A_306, %parallel_loop3A_275 : vector<16xf32>
        %parallel_loop3A_308 = arith.index_cast %parallel_loop3A_273 : i32 to index
        %parallel_loop3A_309 = arith.constant 64 : index
        %parallel_loop3A_310 = tpu.vector_load %arg18[%parallel_loop3A_308, %parallel_loop3A_309] {strides = array<i32>} : memref<80x128xf32, #tpu.memory_space<vmem>>, vector<16xf32>,
        tpu.vector_store %arg18[%parallel_loop3A_308, %parallel_loop3A_309], %parallel_loop3A_307 {strides = array<i32>} : memref<80x128xf32, #tpu.memory_space<vmem>>, vector<16xf32>,
        %parallel_loop3A_311 = arith.index_cast %parallel_loop3A_273 : i32 to index
        %parallel_loop3A_312 = arith.constant 80 : index
        %parallel_loop3A_313 = tpu.vector_load %arg16[%parallel_loop3A_311, %parallel_loop3A_312] {strides = array<i32>} : memref<80x128xf32, #tpu.memory_space<vmem>>, vector<16xf32>,
        %parallel_loop3A_314 = arith.mulf %parallel_loop3A_313, %parallel_loop3A_275 : vector<16xf32>
        %parallel_loop3A_315 = arith.index_cast %parallel_loop3A_273 : i32 to index
        %parallel_loop3A_316 = arith.constant 80 : index
        %parallel_loop3A_317 = tpu.vector_load %arg18[%parallel_loop3A_315, %parallel_loop3A_316] {strides = array<i32>} : memref<80x128xf32, #tpu.memory_space<vmem>>, vector<16xf32>,
        tpu.vector_store %arg18[%parallel_loop3A_315, %parallel_loop3A_316], %parallel_loop3A_314 {strides = array<i32>} : memref<80x128xf32, #tpu.memory_space<vmem>>, vector<16xf32>,
        %parallel_loop3A_318 = arith.index_cast %parallel_loop3A_273 : i32 to index
        %parallel_loop3A_319 = arith.constant 96 : index
        %parallel_loop3A_320 = tpu.vector_load %arg16[%parallel_loop3A_318, %parallel_loop3A_319] {strides = array<i32>} : memref<80x128xf32, #tpu.memory_space<vmem>>, vector<16xf32>,
        %parallel_loop3A_321 = arith.mulf %parallel_loop3A_320, %parallel_loop3A_275 : vector<16xf32>
        %parallel_loop3A_322 = arith.index_cast %parallel_loop3A_273 : i32 to index
        %parallel_loop3A_323 = arith.constant 96 : index
        %parallel_loop3A_324 = tpu.vector_load %arg18[%parallel_loop3A_322, %parallel_loop3A_323] {strides = array<i32>} : memref<80x128xf32, #tpu.memory_space<vmem>>, vector<16xf32>,
        tpu.vector_store %arg18[%parallel_loop3A_322, %parallel_loop3A_323], %parallel_loop3A_321 {strides = array<i32>} : memref<80x128xf32, #tpu.memory_space<vmem>>, vector<16xf32>,
        %parallel_loop3A_325 = arith.index_cast %parallel_loop3A_273 : i32 to index
        %parallel_loop3A_326 = arith.constant 112 : index
        %parallel_loop3A_327 = tpu.vector_load %arg16[%parallel_loop3A_325, %parallel_loop3A_326] {strides = array<i32>} : memref<80x128xf32, #tpu.memory_space<vmem>>, vector<16xf32>,
        %parallel_loop3A_328 = arith.mulf %parallel_loop3A_327, %parallel_loop3A_275 : vector<16xf32>
        %parallel_loop3A_329 = arith.index_cast %parallel_loop3A_273 : i32 to index
        %parallel_loop3A_330 = arith.constant 112 : index
        %parallel_loop3A_331 = tpu.vector_load %arg18[%parallel_loop3A_329, %parallel_loop3A_330] {strides = array<i32>} : memref<80x128xf32, #tpu.memory_space<vmem>>, vector<16xf32>,
        tpu.vector_store %arg18[%parallel_loop3A_329, %parallel_loop3A_330], %parallel_loop3A_328 {strides = array<i32>} : memref<80x128xf32, #tpu.memory_space<vmem>>, vector<16xf32>,
      } {sc.loop_unroll_factor = 4 : i64, sc.parallel_access}
      %get3A_243 = arith.constant 0 : index
      %get3A_244 = tpu.vector_load %arg10[%get3A_243] {strides = array<i32>} : memref<80xi32, #tpu.memory_space<vmem>>, vector<16xi32>,
      %swap3A_245 = arith.constant 0 : index
      %swap3A_246 = tpu.vector_load %arg14[%swap3A_245] {strides = array<i32>} : memref<80xi32, #tpu.memory_space<vmem>>, vector<16xi32>,
      tpu.vector_store %arg14[%swap3A_245], %get3A_244 {strides = array<i32>} : memref<80xi32, #tpu.memory_space<vmem>>, vector<16xi32>,
      %get3A_247 = arith.constant 16 : index
      %get3A_248 = tpu.vector_load %arg10[%get3A_247] {strides = array<i32>} : memref<80xi32, #tpu.memory_space<vmem>>, vector<16xi32>,
      %swap3A_249 = arith.constant 16 : index
      %swap3A_250 = tpu.vector_load %arg14[%swap3A_249] {strides = array<i32>} : memref<80xi32, #tpu.memory_space<vmem>>, vector<16xi32>,
      tpu.vector_store %arg14[%swap3A_249], %get3A_248 {strides = array<i32>} : memref<80xi32, #tpu.memory_space<vmem>>, vector<16xi32>,
      %get3A_251 = arith.constant 32 : index
      %get3A_252 = tpu.vector_load %arg10[%get3A_251] {strides = array<i32>} : memref<80xi32, #tpu.memory_space<vmem>>, vector<16xi32>,
      %swap3A_253 = arith.constant 32 : index
      %swap3A_254 = tpu.vector_load %arg14[%swap3A_253] {strides = array<i32>} : memref<80xi32, #tpu.memory_space<vmem>>, vector<16xi32>,
      tpu.vector_store %arg14[%swap3A_253], %get3A_252 {strides = array<i32>} : memref<80xi32, #tpu.memory_space<vmem>>, vector<16xi32>,
      %get3A_255 = arith.constant 48 : index
      %get3A_256 = tpu.vector_load %arg10[%get3A_255] {strides = array<i32>} : memref<80xi32, #tpu.memory_space<vmem>>, vector<16xi32>,
      %swap3A_257 = arith.constant 48 : index
      %swap3A_258 = tpu.vector_load %arg14[%swap3A_257] {strides = array<i32>} : memref<80xi32, #tpu.memory_space<vmem>>, vector<16xi32>,
      tpu.vector_store %arg14[%swap3A_257], %get3A_256 {strides = array<i32>} : memref<80xi32, #tpu.memory_space<vmem>>, vector<16xi32>,
      %get3A_259 = arith.constant 64 : index
      %get3A_260 = tpu.vector_load %arg10[%get3A_259] {strides = array<i32>} : memref<80xi32, #tpu.memory_space<vmem>>, vector<16xi32>,
      %swap3A_261 = arith.constant 64 : index
      %swap3A_262 = tpu.vector_load %arg14[%swap3A_261] {strides = array<i32>} : memref<80xi32, #tpu.memory_space<vmem>>, vector<16xi32>,
      tpu.vector_store %arg14[%swap3A_261], %get3A_260 {strides = array<i32>} : memref<80xi32, #tpu.memory_space<vmem>>, vector<16xi32>,
      %dma_start3A_263 = arith.constant 0 : i32
      %dma_start3A_264 = arith.constant 0 : i32
      %dma_start3A_265 = tpu.memref_slice %arg19[%dma_start3A_263, %dma_start3A_264] : memref<10000x128xf32, #tpu.memory_space<vmem_shared>> -> memref<10000x128xf32, #tpu.memory_space<vmem_shared>>
      tpu.enqueue_indirect_dma source(%arg18 : memref<80x128xf32, #tpu.memory_space<vmem>>) target(%dma_start3A_265 : memref<10000x128xf32, #tpu.memory_space<vmem_shared>>) offsets(%arg14 : memref<80xi32, #tpu.memory_space<vmem>>) semaphore(%arg25 : memref<!tpu.dma_semaphore, #tpu.memory_space<semaphore_mem>>) {add = true}
      %add3A_266 = arith.constant 2 : i32
      %add3A_267 = arith.addi %add3A_224, %add3A_266 : i32
      %lt3A_268 = arith.constant 250 : i32
      %lt3A_269 = arith.cmpi slt, %add3A_267, %lt3A_268 : i32
      %convert_element_type3A_270 = arith.extui %lt3A_269 : i1 to i32
      %cond3A_271 = arith.constant 0 : i32
      %cond3A_272 = arith.cmpi ne, %convert_element_type3A_270, %cond3A_271 : i32
      scf.if %cond3A_272 {
        %add3A_273 = arith.constant 2 : i32
        %add3A_274 = arith.addi %add3A_224, %add3A_273 : i32
        %add3A_275 = arith.addi %mul3A_41, %add3A_274 : i32
        %dma_start3A_276 = arith.constant 0 : i32
        %dma_start3A_277 = tpu.memref_slice %arg2[%add3A_275, %dma_start3A_276] : memref<4000x80xi32, #tpu.memory_space<hbm>> -> memref<1x80xi32, #tpu.memory_space<hbm>>
        %dma_start3A_278 = tpu.memref_squeeze %dma_start3A_277 : memref<1x80xi32, #tpu.memory_space<hbm>> -> memref<80xi32, #tpu.memory_space<hbm>>
        %dma_start3A_279 = arith.constant 0 : i32
        %dma_start3A_280 = tpu.memref_slice %arg2[%add3A_275, %dma_start3A_279] : memref<4000x80xi32, #tpu.memory_space<hbm>> -> memref<1x80xi32, #tpu.memory_space<hbm>>
        %dma_start3A_281 = tpu.memref_squeeze %dma_start3A_280 : memref<1x80xi32, #tpu.memory_space<hbm>> -> memref<80xi32, #tpu.memory_space<hbm>>
        tpu.enqueue_dma source(%dma_start3A_281 : memref<80xi32, #tpu.memory_space<hbm>>) target(%arg8 : memref<80xi32, #tpu.memory_space<vmem>>) target_semaphore(%arg21 : memref<!tpu.dma_semaphore, #tpu.memory_space<semaphore_mem>>)
        %add3A_282 = arith.addi %mul3A_41, %add3A_274 : i32
        %dma_start3A_283 = arith.constant 0 : i32
        %dma_start3A_284 = tpu.memref_slice %arg3[%add3A_282, %dma_start3A_283] : memref<4000x80xi32, #tpu.memory_space<hbm>> -> memref<1x80xi32, #tpu.memory_space<hbm>>
        %dma_start3A_285 = tpu.memref_squeeze %dma_start3A_284 : memref<1x80xi32, #tpu.memory_space<hbm>> -> memref<80xi32, #tpu.memory_space<hbm>>
        %dma_start3A_286 = arith.constant 0 : i32
        %dma_start3A_287 = tpu.memref_slice %arg3[%add3A_282, %dma_start3A_286] : memref<4000x80xi32, #tpu.memory_space<hbm>> -> memref<1x80xi32, #tpu.memory_space<hbm>>
        %dma_start3A_288 = tpu.memref_squeeze %dma_start3A_287 : memref<1x80xi32, #tpu.memory_space<hbm>> -> memref<80xi32, #tpu.memory_space<hbm>>
        tpu.enqueue_dma source(%dma_start3A_288 : memref<80xi32, #tpu.memory_space<hbm>>) target(%arg10 : memref<80xi32, #tpu.memory_space<vmem>>) target_semaphore(%arg21 : memref<!tpu.dma_semaphore, #tpu.memory_space<semaphore_mem>>)
        %add3A_289 = arith.addi %mul3A_41, %add3A_274 : i32
        %dma_start3A_290 = arith.constant 0 : i32
        %dma_start3A_291 = tpu.memref_slice %arg4[%add3A_289, %dma_start3A_290] : memref<4000x80xf32, #tpu.memory_space<hbm>> -> memref<1x80xf32, #tpu.memory_space<hbm>>
        %dma_start3A_292 = tpu.memref_squeeze %dma_start3A_291 : memref<1x80xf32, #tpu.memory_space<hbm>> -> memref<80xf32, #tpu.memory_space<hbm>>
        %dma_start3A_293 = arith.constant 0 : i32
        %dma_start3A_294 = tpu.memref_slice %arg4[%add3A_289, %dma_start3A_293] : memref<4000x80xf32, #tpu.memory_space<hbm>> -> memref<1x80xf32, #tpu.memory_space<hbm>>
        %dma_start3A_295 = tpu.memref_squeeze %dma_start3A_294 : memref<1x80xf32, #tpu.memory_space<hbm>> -> memref<80xf32, #tpu.memory_space<hbm>>
        tpu.enqueue_dma source(%dma_start3A_295 : memref<80xf32, #tpu.memory_space<hbm>>) target(%arg12 : memref<80xf32, #tpu.memory_space<vmem>>) target_semaphore(%arg21 : memref<!tpu.dma_semaphore, #tpu.memory_space<semaphore_mem>>)
      } else {
      }
    }
    %scan3A_149 = arith.constant 125 : i32
    %dma_wait3A_150 = arith.constant 0 : i32
    %dma_wait3A_151 = arith.constant 0 : i32
    %dma_wait3A_152 = tpu.memref_slice %arg19[%dma_wait3A_150, %dma_wait3A_151] : memref<10000x128xf32, #tpu.memory_space<vmem_shared>> -> memref<10000x128xf32, #tpu.memory_space<vmem_shared>>
    tpu.wait_indirect_dma semaphore(%arg24 : memref<!tpu.dma_semaphore, #tpu.memory_space<semaphore_mem>>) src(%arg17 : memref<80x128xf32, #tpu.memory_space<vmem>>) dst(%dma_wait3A_152 : memref<10000x128xf32, #tpu.memory_space<vmem_shared>>)
    %dma_wait3A_153 = arith.constant 0 : i32
    %dma_wait3A_154 = arith.constant 0 : i32
    %dma_wait3A_155 = tpu.memref_slice %arg19[%dma_wait3A_153, %dma_wait3A_154] : memref<10000x128xf32, #tpu.memory_space<vmem_shared>> -> memref<10000x128xf32, #tpu.memory_space<vmem_shared>>
    tpu.wait_indirect_dma semaphore(%arg25 : memref<!tpu.dma_semaphore, #tpu.memory_space<semaphore_mem>>) src(%arg18 : memref<80x128xf32, #tpu.memory_space<vmem>>) dst(%dma_wait3A_155 : memref<10000x128xf32, #tpu.memory_space<vmem_shared>>)
    %barrier3A_156 = arith.constant 0 : index
    tpu.barrier barrier_id(%barrier3A_156)
    %mul3A_157 = arith.constant 10000 : i32
    %mul3A_158 = arith.muli %arg0, %mul3A_157 : i32
    %add3A_159 = arith.addi %mul3A_158, %mul3A_5 : i32
    %while3A_160 = arith.constant 0 : i32
    %while3A_161 = arith.constant 0 : i32
    %while3A_162 = arith.subi %select_n3A_25, %while3A_161 : i32
    %while3A_163 = arith.addi %while3A_161, %while3A_162 : i32
    %while3A_164 = arith.constant 1 : i32
    %while3A_165 = arith.divsi %while3A_162, %while3A_164 : i32
    %while3A_166 = arith.muli %while3A_165, %while3A_164 : i32
    %while3A_167 = arith.addi %while3A_161, %while3A_166 : i32
    %while3A_168 = arith.constant 1 : i32
    scf.for %while3A_175 = %while3A_161 to %while3A_167 step %while3A_168  : i32 {
      %mul3A_176 = arith.constant 80 : i32
      %mul3A_177 = arith.muli %while3A_175, %mul3A_176 : i32
      %add3A_178 = arith.addi %mul3A_5, %mul3A_177 : i32
      %mul3A_179 = arith.constant 80 : i32
      %mul3A_180 = arith.muli %while3A_175, %mul3A_179 : i32
      %add3A_181 = arith.addi %add3A_159, %mul3A_180 : i32
      "tpu.region"() ({
        %run_scoped3A = tpu.sem_alloc : memref<!tpu.dma_semaphore, #tpu.memory_space<semaphore_mem>>
        %dma_start3A_182 = arith.constant 0 : i32
        %dma_start3A_183 = tpu.memref_slice %arg6[%add3A_181, %dma_start3A_182] : memref<20000x128xf32, #tpu.memory_space<hbm>> -> memref<80x128xf32, #tpu.memory_space<hbm>>
        %dma_start3A_184 = arith.constant 0 : i32
        %dma_start3A_185 = tpu.memref_slice %arg19[%add3A_178, %dma_start3A_184] : memref<10000x128xf32, #tpu.memory_space<vmem_shared>> -> memref<80x128xf32, #tpu.memory_space<vmem_shared>>
        tpu.enqueue_dma source(%dma_start3A_185 : memref<80x128xf32, #tpu.memory_space<vmem_shared>>) target(%dma_start3A_183 : memref<80x128xf32, #tpu.memory_space<hbm>>) target_semaphore(%run_scoped3A : memref<!tpu.dma_semaphore, #tpu.memory_space<semaphore_mem>>)
        %dma_wait3A_186 = arith.constant 0 : i32
        %dma_wait3A_187 = tpu.memref_slice %arg6[%add3A_181, %dma_wait3A_186] : memref<20000x128xf32, #tpu.memory_space<hbm>> -> memref<80x128xf32, #tpu.memory_space<hbm>>
        %dma_wait3A_188 = arith.constant 0 : i32
        %dma_wait3A_189 = tpu.memref_slice %arg19[%add3A_178, %dma_wait3A_188] : memref<10000x128xf32, #tpu.memory_space<vmem_shared>> -> memref<80x128xf32, #tpu.memory_space<vmem_shared>>
        tpu.wait_dma2 semaphore(%run_scoped3A : memref<!tpu.dma_semaphore, #tpu.memory_space<semaphore_mem>>) src(%dma_wait3A_189 : memref<80x128xf32, #tpu.memory_space<vmem_shared>>) dst(%dma_wait3A_187 : memref<80x128xf32, #tpu.memory_space<hbm>>)
        tpu.yield
      }) : () -> ()
    }
    %while3A_169 = arith.constant 1 : i32
    scf.for %while3A_175 = %while3A_167 to %while3A_163 step %while3A_169  : i32 {
      %mul3A_176 = arith.constant 80 : i32
      %mul3A_177 = arith.muli %while3A_175, %mul3A_176 : i32
      %add3A_178 = arith.addi %mul3A_5, %mul3A_177 : i32
      %mul3A_179 = arith.constant 80 : i32
      %mul3A_180 = arith.muli %while3A_175, %mul3A_179 : i32
      %add3A_181 = arith.addi %add3A_159, %mul3A_180 : i32
      "tpu.region"() ({
        %run_scoped3A = tpu.sem_alloc : memref<!tpu.dma_semaphore, #tpu.memory_space<semaphore_mem>>
        %dma_start3A_182 = arith.constant 0 : i32
        %dma_start3A_183 = tpu.memref_slice %arg6[%add3A_181, %dma_start3A_182] : memref<20000x128xf32, #tpu.memory_space<hbm>> -> memref<80x128xf32, #tpu.memory_space<hbm>>
        %dma_start3A_184 = arith.constant 0 : i32
        %dma_start3A_185 = tpu.memref_slice %arg19[%add3A_178, %dma_start3A_184] : memref<10000x128xf32, #tpu.memory_space<vmem_shared>> -> memref<80x128xf32, #tpu.memory_space<vmem_shared>>
        tpu.enqueue_dma source(%dma_start3A_185 : memref<80x128xf32, #tpu.memory_space<vmem_shared>>) target(%dma_start3A_183 : memref<80x128xf32, #tpu.memory_space<hbm>>) target_semaphore(%run_scoped3A : memref<!tpu.dma_semaphore, #tpu.memory_space<semaphore_mem>>)
        %dma_wait3A_186 = arith.constant 0 : i32
        %dma_wait3A_187 = tpu.memref_slice %arg6[%add3A_181, %dma_wait3A_186] : memref<20000x128xf32, #tpu.memory_space<hbm>> -> memref<80x128xf32, #tpu.memory_space<hbm>>
        %dma_wait3A_188 = arith.constant 0 : i32
        %dma_wait3A_189 = tpu.memref_slice %arg19[%add3A_178, %dma_wait3A_188] : memref<10000x128xf32, #tpu.memory_space<vmem_shared>> -> memref<80x128xf32, #tpu.memory_space<vmem_shared>>
        tpu.wait_dma2 semaphore(%run_scoped3A : memref<!tpu.dma_semaphore, #tpu.memory_space<semaphore_mem>>) src(%dma_wait3A_189 : memref<80x128xf32, #tpu.memory_space<vmem_shared>>) dst(%dma_wait3A_187 : memref<80x128xf32, #tpu.memory_space<hbm>>)
        tpu.yield
      }) : () -> ()
    }
    %gt3A_170 = arith.constant 0 : i32
    %gt3A_171 = arith.cmpi sgt, %sub3A_28, %gt3A_170 : i32
    %convert_element_type3A_172 = arith.extui %gt3A_171 : i1 to i32
    %cond3A_173 = arith.constant 0 : i32
    %cond3A_174 = arith.cmpi ne, %convert_element_type3A_172, %cond3A_173 : i32
    scf.if %cond3A_174 {
      %mul3A_175 = arith.constant 80 : i32
      %mul3A_176 = arith.muli %select_n3A_25, %mul3A_175 : i32
      %add3A_177 = arith.addi %mul3A_5, %mul3A_176 : i32
      %mul3A_178 = arith.constant 80 : i32
      %mul3A_179 = arith.muli %select_n3A_25, %mul3A_178 : i32
      %add3A_180 = arith.addi %add3A_159, %mul3A_179 : i32
      "tpu.region"() ({
        %run_scoped3A = tpu.sem_alloc : memref<!tpu.dma_semaphore, #tpu.memory_space<semaphore_mem>>
        %dma_start3A_181 = arith.constant 0 : i32
        %dma_start3A_182 = tpu.memref_slice %arg6[%add3A_180, %dma_start3A_181] : memref<20000x128xf32, #tpu.memory_space<hbm>> -> memref<64x128xf32, #tpu.memory_space<hbm>>
        %dma_start3A_183 = arith.constant 0 : i32
        %dma_start3A_184 = tpu.memref_slice %arg19[%add3A_177, %dma_start3A_183] : memref<10000x128xf32, #tpu.memory_space<vmem_shared>> -> memref<64x128xf32, #tpu.memory_space<vmem_shared>>
        tpu.enqueue_dma source(%dma_start3A_184 : memref<64x128xf32, #tpu.memory_space<vmem_shared>>) target(%dma_start3A_182 : memref<64x128xf32, #tpu.memory_space<hbm>>) target_semaphore(%run_scoped3A : memref<!tpu.dma_semaphore, #tpu.memory_space<semaphore_mem>>)
        %dma_wait3A_185 = arith.constant 0 : i32
        %dma_wait3A_186 = tpu.memref_slice %arg6[%add3A_180, %dma_wait3A_185] : memref<20000x128xf32, #tpu.memory_space<hbm>> -> memref<64x128xf32, #tpu.memory_space<hbm>>
        %dma_wait3A_187 = arith.constant 0 : i32
        %dma_wait3A_188 = tpu.memref_slice %arg19[%add3A_177, %dma_wait3A_187] : memref<10000x128xf32, #tpu.memory_space<vmem_shared>> -> memref<64x128xf32, #tpu.memory_space<vmem_shared>>
        tpu.wait_dma2 semaphore(%run_scoped3A : memref<!tpu.dma_semaphore, #tpu.memory_space<semaphore_mem>>) src(%dma_wait3A_188 : memref<64x128xf32, #tpu.memory_space<vmem_shared>>) dst(%dma_wait3A_186 : memref<64x128xf32, #tpu.memory_space<hbm>>)
        tpu.yield
      }) : () -> ()
    } else {
    }
    return
  }
}

module attributes {stable_mosaic.version = 14 : i64} {
  func.func @_dense_in_body(%arg0: memref<10000x128xf32, #tpu.memory_space<vmem>>, %arg1: memref<128x200xf32, #tpu.memory_space<vmem>>, %arg2: memref<1x200xf32, #tpu.memory_space<vmem>>, %arg3: memref<200x200xf32, #tpu.memory_space<vmem>>, %arg4: memref<200x1xf32, #tpu.memory_space<vmem>>, %arg5: memref<200x1xf32, #tpu.memory_space<vmem>>, %arg6: memref<10000x200xf32, #tpu.memory_space<vmem>>, %arg7: memref<2x10000x128xf32, #tpu.memory_space<vmem>>, %arg8: memref<10000x1xf32, #tpu.memory_space<vmem>>, %arg9: memref<10000x1xf32, #tpu.memory_space<vmem>>) attributes {dimension_semantics = [], scalar_prefetch = 0 : i64, scratch_operands = 0 : i64, tpu.core_type = #tpu.core_type<tc>} {
    %get3A = arith.constant 0 : index
    %get3A_0 = arith.constant 0 : index
    %get3A_1 = vector.load %arg0[%get3A, %get3A_0] : memref<10000x128xf32, #tpu.memory_space<vmem>>, vector<10000x128xf32>
    %get3A_2 = arith.constant 0 : index
    %get3A_3 = arith.constant 0 : index
    %get3A_4 = vector.load %arg1[%get3A_2, %get3A_3] : memref<128x200xf32, #tpu.memory_space<vmem>>, vector<128x200xf32>
    %dot_general3A = arith.constant dense<0.000000e+00> : vector<10000x200xf32>
    %dot_general3A_5 = tpu.matmul %get3A_1, %get3A_4, %dot_general3A {dimension_numbers = #tpu.dot_dimension_numbers<[1], [0], [0], [1], [0, 0, 1, 1], [], []>, transpose_lhs_hint = false} : vector<10000x128xf32>, vector<128x200xf32>, vector<10000x200xf32> -> vector<10000x200xf32>
    %get3A_6 = arith.constant 0 : index
    %get3A_7 = arith.constant 0 : index
    %get3A_8 = vector.load %arg2[%get3A_6, %get3A_7] : memref<1x200xf32, #tpu.memory_space<vmem>>, vector<1x200xf32>
    %add3A = vector.broadcast %get3A_8 : vector<1x200xf32> to vector<10000x200xf32>
    %add3A_9 = arith.addf %dot_general3A_5, %add3A : vector<10000x200xf32>
    %swap3A = arith.constant 0 : index
    %swap3A_10 = arith.constant 0 : index
    %swap3A_11 = vector.load %arg6[%swap3A, %swap3A_10] : memref<10000x200xf32, #tpu.memory_space<vmem>>, vector<10000x200xf32>
    tpu.vector_store %arg6[%swap3A, %swap3A_10], %add3A_9 {strides = array<i32>} : memref<10000x200xf32, #tpu.memory_space<vmem>>, vector<10000x200xf32>,
    %get3A_12 = arith.constant 0 : index
    %get3A_13 = arith.constant 0 : index
    %get3A_14 = vector.load %arg3[%get3A_12, %get3A_13] : memref<200x200xf32, #tpu.memory_space<vmem>>, vector<200x200xf32>
    %dot_general3A_15 = arith.constant dense<0.000000e+00> : vector<10000x200xf32>
    %dot_general3A_16 = tpu.matmul %add3A_9, %get3A_14, %dot_general3A_15 {dimension_numbers = #tpu.dot_dimension_numbers<[1], [0], [0], [1], [0, 0, 1, 1], [], []>, transpose_lhs_hint = false} : vector<10000x200xf32>, vector<200x200xf32>, vector<10000x200xf32> -> vector<10000x200xf32>
    %slice3A = vector.extract_strided_slice %dot_general3A_16 {offsets = [0, 0], sizes = [10000, 128], strides = [1, 1]} : vector<10000x200xf32> to vector<10000x128xf32>
    %swap3A_17 = arith.constant 0 : index
    %swap3A_18 = arith.constant 0 : index
    %swap3A_19 = arith.constant 0 : index
    %swap3A_20 = vector.load %arg7[%swap3A_17, %swap3A_18, %swap3A_19] : memref<2x10000x128xf32, #tpu.memory_space<vmem>>, vector<1x10000x128xf32>
    %swap3A_21 = vector.shape_cast %swap3A_20 : vector<1x10000x128xf32> to vector<10000x128xf32>
    %swap3A_22 = vector.shape_cast %slice3A : vector<10000x128xf32> to vector<1x10000x128xf32>
    tpu.vector_store %arg7[%swap3A_17, %swap3A_18, %swap3A_19], %swap3A_22 {strides = array<i32>} : memref<2x10000x128xf32, #tpu.memory_space<vmem>>, vector<1x10000x128xf32>,
    %slice3A_23 = vector.extract_strided_slice %dot_general3A_16 {offsets = [0, 128], sizes = [10000, 72], strides = [1, 1]} : vector<10000x200xf32> to vector<10000x72xf32>
    %broadcast_in_dim3A = arith.constant 1.000000e+00 : f32
    %broadcast_in_dim3A_24 = vector.broadcast %broadcast_in_dim3A : f32 to vector<10000x56xf32>
    %concatenate3A = tpu.concatenate %slice3A_23, %broadcast_in_dim3A_24 in 1 : vector<10000x72xf32>, vector<10000x56xf32> -> vector<10000x128xf32>
    %swap3A_25 = arith.constant 1 : index
    %swap3A_26 = arith.constant 0 : index
    %swap3A_27 = arith.constant 0 : index
    %swap3A_28 = vector.load %arg7[%swap3A_25, %swap3A_26, %swap3A_27] : memref<2x10000x128xf32, #tpu.memory_space<vmem>>, vector<1x10000x128xf32>
    %swap3A_29 = vector.shape_cast %swap3A_28 : vector<1x10000x128xf32> to vector<10000x128xf32>
    %swap3A_30 = vector.shape_cast %concatenate3A : vector<10000x128xf32> to vector<1x10000x128xf32>
    tpu.vector_store %arg7[%swap3A_25, %swap3A_26, %swap3A_27], %swap3A_30 {strides = array<i32>} : memref<2x10000x128xf32, #tpu.memory_space<vmem>>, vector<1x10000x128xf32>,
    %get3A_31 = arith.constant 0 : index
    %get3A_32 = arith.constant 0 : index
    %get3A_33 = vector.load %arg4[%get3A_31, %get3A_32] : memref<200x1xf32, #tpu.memory_space<vmem>>, vector<200x1xf32>
    %dot_general3A_34 = arith.constant dense<0.000000e+00> : vector<10000x1xf32>
    %dot_general3A_35 = tpu.matmul %dot_general3A_16, %get3A_33, %dot_general3A_34 {dimension_numbers = #tpu.dot_dimension_numbers<[1], [0], [0], [1], [0, 0, 1, 1], [], []>, transpose_lhs_hint = false} : vector<10000x200xf32>, vector<200x1xf32>, vector<10000x1xf32> -> vector<10000x1xf32>
    %swap3A_36 = arith.constant 0 : index
    %swap3A_37 = arith.constant 0 : index
    %swap3A_38 = vector.load %arg8[%swap3A_36, %swap3A_37] : memref<10000x1xf32, #tpu.memory_space<vmem>>, vector<10000x1xf32>
    tpu.vector_store %arg8[%swap3A_36, %swap3A_37], %dot_general3A_35 {strides = array<i32>} : memref<10000x1xf32, #tpu.memory_space<vmem>>, vector<10000x1xf32>,
    %get3A_39 = arith.constant 0 : index
    %get3A_40 = arith.constant 0 : index
    %get3A_41 = vector.load %arg5[%get3A_39, %get3A_40] : memref<200x1xf32, #tpu.memory_space<vmem>>, vector<200x1xf32>
    %dot_general3A_42 = arith.constant dense<0.000000e+00> : vector<10000x1xf32>
    %dot_general3A_43 = tpu.matmul %dot_general3A_16, %get3A_41, %dot_general3A_42 {dimension_numbers = #tpu.dot_dimension_numbers<[1], [0], [0], [1], [0, 0, 1, 1], [], []>, transpose_lhs_hint = false} : vector<10000x200xf32>, vector<200x1xf32>, vector<10000x1xf32> -> vector<10000x1xf32>
    %swap3A_44 = arith.constant 0 : index
    %swap3A_45 = arith.constant 0 : index
    %swap3A_46 = vector.load %arg9[%swap3A_44, %swap3A_45] : memref<10000x1xf32, #tpu.memory_space<vmem>>, vector<10000x1xf32>
    tpu.vector_store %arg9[%swap3A_44, %swap3A_45], %dot_general3A_43 {strides = array<i32>} : memref<10000x1xf32, #tpu.memory_space<vmem>>, vector<10000x1xf32>,
    return
  }
}

module attributes {stable_mosaic.version = 14 : i64} {
  func.func @_dense_out_body(%arg0: memref<2x10000x128xf32, #tpu.memory_space<vmem>>, %arg1: memref<1x200xf32, #tpu.memory_space<vmem>>, %arg2: memref<10000x200xf32, #tpu.memory_space<vmem>>, %arg3: memref<10000x200xf32, #tpu.memory_space<vmem>>, %arg4: memref<600x200xf32, #tpu.memory_space<vmem>>, %arg5: memref<1x200xf32, #tpu.memory_space<vmem>>, %arg6: memref<10000x200xf32, #tpu.memory_space<vmem>>) attributes {dimension_semantics = [], scalar_prefetch = 0 : i64, scratch_operands = 0 : i64, tpu.core_type = #tpu.core_type<tc>} {
    %get3A = arith.constant 0 : index
    %get3A_0 = arith.constant 0 : index
    %get3A_1 = arith.constant 0 : index
    %get3A_2 = vector.load %arg0[%get3A, %get3A_0, %get3A_1] : memref<2x10000x128xf32, #tpu.memory_space<vmem>>, vector<1x10000x128xf32>
    %get3A_3 = vector.shape_cast %get3A_2 : vector<1x10000x128xf32> to vector<10000x128xf32>
    %get3A_4 = arith.constant 1 : index
    %get3A_5 = arith.constant 0 : index
    %get3A_6 = arith.constant 0 : index
    %get3A_7 = vector.load %arg0[%get3A_4, %get3A_5, %get3A_6] : memref<2x10000x128xf32, #tpu.memory_space<vmem>>, vector<1x10000x128xf32>
    %get3A_8 = vector.shape_cast %get3A_7 : vector<1x10000x128xf32> to vector<10000x128xf32>
    %slice3A = vector.extract_strided_slice %get3A_8 {offsets = [0, 0], sizes = [10000, 72], strides = [1, 1]} : vector<10000x128xf32> to vector<10000x72xf32>
    %concatenate3A = tpu.concatenate %get3A_3, %slice3A in 1 : vector<10000x128xf32>, vector<10000x72xf32> -> vector<10000x200xf32>
    %get3A_9 = arith.constant 1 : index
    %get3A_10 = arith.constant 0 : index
    %get3A_11 = arith.constant 0 : index
    %get3A_12 = vector.load %arg0[%get3A_9, %get3A_10, %get3A_11] : memref<2x10000x128xf32, #tpu.memory_space<vmem>>, vector<1x10000x128xf32>
    %get3A_13 = vector.shape_cast %get3A_12 : vector<1x10000x128xf32> to vector<10000x128xf32>
    %slice3A_14 = vector.extract_strided_slice %get3A_13 {offsets = [0, 72], sizes = [10000, 1], strides = [1, 1]} : vector<10000x128xf32> to vector<10000x1xf32>
    %add3A = arith.constant 1.000000e-16 : f32
    %add3A_15 = vector.broadcast %add3A : f32 to vector<10000x1xf32>
    %add3A_16 = arith.addf %slice3A_14, %add3A_15 : vector<10000x1xf32>
    %div3A = vector.broadcast %add3A_16 : vector<10000x1xf32> to vector<10000x200xf32>
    %div3A_17 = arith.divf %concatenate3A, %div3A : vector<10000x200xf32>
    %get3A_18 = arith.constant 0 : index
    %get3A_19 = arith.constant 0 : index
    %get3A_20 = vector.load %arg1[%get3A_18, %get3A_19] : memref<1x200xf32, #tpu.memory_space<vmem>>, vector<1x200xf32>
    %add3A_21 = vector.broadcast %get3A_20 : vector<1x200xf32> to vector<10000x200xf32>
    %add3A_22 = arith.addf %div3A_17, %add3A_21 : vector<10000x200xf32>
    %get3A_23 = arith.constant 0 : index
    %get3A_24 = arith.constant 0 : index
    %get3A_25 = vector.load %arg2[%get3A_23, %get3A_24] : memref<10000x200xf32, #tpu.memory_space<vmem>>, vector<10000x200xf32>
    %get3A_26 = arith.constant 0 : index
    %get3A_27 = arith.constant 0 : index
    %get3A_28 = vector.load %arg4[%get3A_26, %get3A_27] : memref<600x200xf32, #tpu.memory_space<vmem>>, vector<200x200xf32>
    %dot_general3A = arith.constant dense<0.000000e+00> : vector<10000x200xf32>
    %dot_general3A_29 = tpu.matmul %get3A_25, %get3A_28, %dot_general3A {dimension_numbers = #tpu.dot_dimension_numbers<[1], [0], [0], [1], [0, 0, 1, 1], [], []>, transpose_lhs_hint = false} : vector<10000x200xf32>, vector<200x200xf32>, vector<10000x200xf32> -> vector<10000x200xf32>
    %get3A_30 = arith.constant 0 : index
    %get3A_31 = arith.constant 0 : index
    %get3A_32 = vector.load %arg3[%get3A_30, %get3A_31] : memref<10000x200xf32, #tpu.memory_space<vmem>>, vector<10000x200xf32>
    %get3A_33 = arith.constant 200 : index
    %get3A_34 = arith.constant 0 : index
    %get3A_35 = vector.load %arg4[%get3A_33, %get3A_34] : memref<600x200xf32, #tpu.memory_space<vmem>>, vector<200x200xf32>
    %dot_general3A_36 = arith.constant dense<0.000000e+00> : vector<10000x200xf32>
    %dot_general3A_37 = tpu.matmul %get3A_32, %get3A_35, %dot_general3A_36 {dimension_numbers = #tpu.dot_dimension_numbers<[1], [0], [0], [1], [0, 0, 1, 1], [], []>, transpose_lhs_hint = false} : vector<10000x200xf32>, vector<200x200xf32>, vector<10000x200xf32> -> vector<10000x200xf32>
    %add3A_38 = arith.addf %dot_general3A_29, %dot_general3A_37 : vector<10000x200xf32>
    %get3A_39 = arith.constant 400 : index
    %get3A_40 = arith.constant 0 : index
    %get3A_41 = vector.load %arg4[%get3A_39, %get3A_40] : memref<600x200xf32, #tpu.memory_space<vmem>>, vector<200x200xf32>
    %dot_general3A_42 = arith.constant dense<0.000000e+00> : vector<10000x200xf32>
    %dot_general3A_43 = tpu.matmul %add3A_22, %get3A_41, %dot_general3A_42 {dimension_numbers = #tpu.dot_dimension_numbers<[1], [0], [0], [1], [0, 0, 1, 1], [], []>, transpose_lhs_hint = false} : vector<10000x200xf32>, vector<200x200xf32>, vector<10000x200xf32> -> vector<10000x200xf32>
    %add3A_44 = arith.addf %add3A_38, %dot_general3A_43 : vector<10000x200xf32>
    %get3A_45 = arith.constant 0 : index
    %get3A_46 = arith.constant 0 : index
    %get3A_47 = vector.load %arg5[%get3A_45, %get3A_46] : memref<1x200xf32, #tpu.memory_space<vmem>>, vector<1x200xf32>
    %add3A_48 = vector.broadcast %get3A_47 : vector<1x200xf32> to vector<10000x200xf32>
    %add3A_49 = arith.addf %add3A_44, %add3A_48 : vector<10000x200xf32>
    %swap3A = arith.constant 0 : index
    %swap3A_50 = arith.constant 0 : index
    %swap3A_51 = vector.load %arg6[%swap3A, %swap3A_50] : memref<10000x200xf32, #tpu.memory_space<vmem>>, vector<10000x200xf32>
    tpu.vector_store %arg6[%swap3A, %swap3A_50], %add3A_49 {strides = array<i32>} : memref<10000x200xf32, #tpu.memory_space<vmem>>, vector<10000x200xf32>,
    return
  }
}

module attributes {stable_mosaic.version = 14 : i64} {
  func.func @_dense_mid_body(%arg0: memref<2x10000x128xf32, #tpu.memory_space<vmem>>, %arg1: memref<200x200xf32, #tpu.memory_space<vmem>>, %arg2: memref<1x200xf32, #tpu.memory_space<vmem>>, %arg3: memref<200x1xf32, #tpu.memory_space<vmem>>, %arg4: memref<200x1xf32, #tpu.memory_space<vmem>>, %arg5: memref<10000x200xf32, #tpu.memory_space<vmem>>, %arg6: memref<2x10000x128xf32, #tpu.memory_space<vmem>>, %arg7: memref<10000x1xf32, #tpu.memory_space<vmem>>, %arg8: memref<10000x1xf32, #tpu.memory_space<vmem>>) attributes {dimension_semantics = [], scalar_prefetch = 0 : i64, scratch_operands = 0 : i64, tpu.core_type = #tpu.core_type<tc>} {
    %get3A = arith.constant 0 : index
    %get3A_0 = arith.constant 0 : index
    %get3A_1 = arith.constant 0 : index
    %get3A_2 = vector.load %arg0[%get3A, %get3A_0, %get3A_1] : memref<2x10000x128xf32, #tpu.memory_space<vmem>>, vector<1x10000x128xf32>
    %get3A_3 = vector.shape_cast %get3A_2 : vector<1x10000x128xf32> to vector<10000x128xf32>
    %get3A_4 = arith.constant 1 : index
    %get3A_5 = arith.constant 0 : index
    %get3A_6 = arith.constant 0 : index
    %get3A_7 = vector.load %arg0[%get3A_4, %get3A_5, %get3A_6] : memref<2x10000x128xf32, #tpu.memory_space<vmem>>, vector<1x10000x128xf32>
    %get3A_8 = vector.shape_cast %get3A_7 : vector<1x10000x128xf32> to vector<10000x128xf32>
    %slice3A = vector.extract_strided_slice %get3A_8 {offsets = [0, 0], sizes = [10000, 72], strides = [1, 1]} : vector<10000x128xf32> to vector<10000x72xf32>
    %concatenate3A = tpu.concatenate %get3A_3, %slice3A in 1 : vector<10000x128xf32>, vector<10000x72xf32> -> vector<10000x200xf32>
    %get3A_9 = arith.constant 1 : index
    %get3A_10 = arith.constant 0 : index
    %get3A_11 = arith.constant 0 : index
    %get3A_12 = vector.load %arg0[%get3A_9, %get3A_10, %get3A_11] : memref<2x10000x128xf32, #tpu.memory_space<vmem>>, vector<1x10000x128xf32>
    %get3A_13 = vector.shape_cast %get3A_12 : vector<1x10000x128xf32> to vector<10000x128xf32>
    %slice3A_14 = vector.extract_strided_slice %get3A_13 {offsets = [0, 72], sizes = [10000, 1], strides = [1, 1]} : vector<10000x128xf32> to vector<10000x1xf32>
    %add3A = arith.constant 1.000000e-16 : f32
    %add3A_15 = vector.broadcast %add3A : f32 to vector<10000x1xf32>
    %add3A_16 = arith.addf %slice3A_14, %add3A_15 : vector<10000x1xf32>
    %div3A = vector.broadcast %add3A_16 : vector<10000x1xf32> to vector<10000x200xf32>
    %div3A_17 = arith.divf %concatenate3A, %div3A : vector<10000x200xf32>
    %get3A_18 = arith.constant 0 : index
    %get3A_19 = arith.constant 0 : index
    %get3A_20 = vector.load %arg2[%get3A_18, %get3A_19] : memref<1x200xf32, #tpu.memory_space<vmem>>, vector<1x200xf32>
    %add3A_21 = vector.broadcast %get3A_20 : vector<1x200xf32> to vector<10000x200xf32>
    %add3A_22 = arith.addf %div3A_17, %add3A_21 : vector<10000x200xf32>
    %swap3A = arith.constant 0 : index
    %swap3A_23 = arith.constant 0 : index
    %swap3A_24 = vector.load %arg5[%swap3A, %swap3A_23] : memref<10000x200xf32, #tpu.memory_space<vmem>>, vector<10000x200xf32>
    tpu.vector_store %arg5[%swap3A, %swap3A_23], %add3A_22 {strides = array<i32>} : memref<10000x200xf32, #tpu.memory_space<vmem>>, vector<10000x200xf32>,
    %get3A_25 = arith.constant 0 : index
    %get3A_26 = arith.constant 0 : index
    %get3A_27 = vector.load %arg1[%get3A_25, %get3A_26] : memref<200x200xf32, #tpu.memory_space<vmem>>, vector<200x200xf32>
    %dot_general3A = arith.constant dense<0.000000e+00> : vector<10000x200xf32>
    %dot_general3A_28 = tpu.matmul %add3A_22, %get3A_27, %dot_general3A {dimension_numbers = #tpu.dot_dimension_numbers<[1], [0], [0], [1], [0, 0, 1, 1], [], []>, transpose_lhs_hint = false} : vector<10000x200xf32>, vector<200x200xf32>, vector<10000x200xf32> -> vector<10000x200xf32>
    %slice3A_29 = vector.extract_strided_slice %dot_general3A_28 {offsets = [0, 0], sizes = [10000, 128], strides = [1, 1]} : vector<10000x200xf32> to vector<10000x128xf32>
    %swap3A_30 = arith.constant 0 : index
    %swap3A_31 = arith.constant 0 : index
    %swap3A_32 = arith.constant 0 : index
    %swap3A_33 = vector.load %arg6[%swap3A_30, %swap3A_31, %swap3A_32] : memref<2x10000x128xf32, #tpu.memory_space<vmem>>, vector<1x10000x128xf32>
    %swap3A_34 = vector.shape_cast %swap3A_33 : vector<1x10000x128xf32> to vector<10000x128xf32>
    %swap3A_35 = vector.shape_cast %slice3A_29 : vector<10000x128xf32> to vector<1x10000x128xf32>
    tpu.vector_store %arg6[%swap3A_30, %swap3A_31, %swap3A_32], %swap3A_35 {strides = array<i32>} : memref<2x10000x128xf32, #tpu.memory_space<vmem>>, vector<1x10000x128xf32>,
    %slice3A_36 = vector.extract_strided_slice %dot_general3A_28 {offsets = [0, 128], sizes = [10000, 72], strides = [1, 1]} : vector<10000x200xf32> to vector<10000x72xf32>
    %broadcast_in_dim3A = arith.constant 1.000000e+00 : f32
    %broadcast_in_dim3A_37 = vector.broadcast %broadcast_in_dim3A : f32 to vector<10000x56xf32>
    %concatenate3A_38 = tpu.concatenate %slice3A_36, %broadcast_in_dim3A_37 in 1 : vector<10000x72xf32>, vector<10000x56xf32> -> vector<10000x128xf32>
    %swap3A_39 = arith.constant 1 : index
    %swap3A_40 = arith.constant 0 : index
    %swap3A_41 = arith.constant 0 : index
    %swap3A_42 = vector.load %arg6[%swap3A_39, %swap3A_40, %swap3A_41] : memref<2x10000x128xf32, #tpu.memory_space<vmem>>, vector<1x10000x128xf32>
    %swap3A_43 = vector.shape_cast %swap3A_42 : vector<1x10000x128xf32> to vector<10000x128xf32>
    %swap3A_44 = vector.shape_cast %concatenate3A_38 : vector<10000x128xf32> to vector<1x10000x128xf32>
    tpu.vector_store %arg6[%swap3A_39, %swap3A_40, %swap3A_41], %swap3A_44 {strides = array<i32>} : memref<2x10000x128xf32, #tpu.memory_space<vmem>>, vector<1x10000x128xf32>,
    %get3A_45 = arith.constant 0 : index
    %get3A_46 = arith.constant 0 : index
    %get3A_47 = vector.load %arg3[%get3A_45, %get3A_46] : memref<200x1xf32, #tpu.memory_space<vmem>>, vector<200x1xf32>
    %dot_general3A_48 = arith.constant dense<0.000000e+00> : vector<10000x1xf32>
    %dot_general3A_49 = tpu.matmul %dot_general3A_28, %get3A_47, %dot_general3A_48 {dimension_numbers = #tpu.dot_dimension_numbers<[1], [0], [0], [1], [0, 0, 1, 1], [], []>, transpose_lhs_hint = false} : vector<10000x200xf32>, vector<200x1xf32>, vector<10000x1xf32> -> vector<10000x1xf32>
    %swap3A_50 = arith.constant 0 : index
    %swap3A_51 = arith.constant 0 : index
    %swap3A_52 = vector.load %arg7[%swap3A_50, %swap3A_51] : memref<10000x1xf32, #tpu.memory_space<vmem>>, vector<10000x1xf32>
    tpu.vector_store %arg7[%swap3A_50, %swap3A_51], %dot_general3A_49 {strides = array<i32>} : memref<10000x1xf32, #tpu.memory_space<vmem>>, vector<10000x1xf32>,
    %get3A_53 = arith.constant 0 : index
    %get3A_54 = arith.constant 0 : index
    %get3A_55 = vector.load %arg4[%get3A_53, %get3A_54] : memref<200x1xf32, #tpu.memory_space<vmem>>, vector<200x1xf32>
    %dot_general3A_56 = arith.constant dense<0.000000e+00> : vector<10000x1xf32>
    %dot_general3A_57 = tpu.matmul %dot_general3A_28, %get3A_55, %dot_general3A_56 {dimension_numbers = #tpu.dot_dimension_numbers<[1], [0], [0], [1], [0, 0, 1, 1], [], []>, transpose_lhs_hint = false} : vector<10000x200xf32>, vector<200x1xf32>, vector<10000x1xf32> -> vector<10000x1xf32>
    %swap3A_58 = arith.constant 0 : index
    %swap3A_59 = arith.constant 0 : index
    %swap3A_60 = vector.load %arg8[%swap3A_58, %swap3A_59] : memref<10000x1xf32, #tpu.memory_space<vmem>>, vector<10000x1xf32>
    tpu.vector_store %arg8[%swap3A_58, %swap3A_59], %dot_general3A_57 {strides = array<i32>} : memref<10000x1xf32, #tpu.memory_space<vmem>>, vector<10000x1xf32>,
    return
  }
}

</mosaic_0001>

<sc_bundles>
// kernel: kernel.12.cloned.1.call-start
scs
__scs_entry_jumppad:
0x0: {  	(pc) =	sbr.rel $0x88, $3  }
0x1: {  	(tag) =	ssettag $0x0;
	lr =	simm.s32 $0x1  }
0x2: {  	[smem:$0x3F97] =	sst lr;
	_ =	strace $0xD0000000  }
0x3: {  	_ = 	snop  }
0x4: {  	_ = 	snop  }
0x5: {  	_ = 	snop  }
0x6: {  	_ = 	snop  }
0x7: {  	_ = 	snop  }
__scs_overlays_trampoline_lowered:
0x8: {  	[smem:$0x3FA6] =	sst s0  }
0x9: {  	[smem:$0x3FA7] =	sst s1  }
0xa: {  	[smem:$0x3FA8] =	sst s2  }
0xb: {  	[smem:$0x3FA9] =	sst s3  }
0xc: {  	[smem:$0x3FAA] =	sst s4  }
0xd: {  	[smem:$0x3FAB] =	sst s5  }
0xe: {  	[smem:$0x3FAC] =	sst s6  }
0xf: {  	[smem:$0x3FAD] =	sst s7  }
0x10: {  	[smem:$0x3FAE] =	sst s8  }
0x11: {  	[smem:$0x3FAF] =	sst s9;
	s0 =	simm.s32 @!p0 $0x0  }
0x12: {  	s1 =	sld [smem:$0x3F95];
	s0 =	simm.s32 @p0 $0x1  }
0x13: {  	[smem:$0x3FB0] =	sst s0;
	s0 =	simm.s32 @!p1 $0x0  }
0x14: {  	s2 =	sld [smem:$0x3F94];
	s0 =	simm.s32 @p1 $0x1  }
0x15: {  	[smem:$0x3FB1] =	sst s0;
	s0 =	simm.s32 @!p2 $0x0  }
0x16: {  	s3 =	sld [smem:$0x3FDB];
	s0 =	simm.s32 @p2 $0x1  }
0x17: {  	s4 =	simm.s32 $0x1BF5;
	[smem:$0x3FB3] =	sst s0  }
0x18: {  	s0 =	sld [smem:$0x3F96];
	_ =	swait.ge [sflag:s4], $0x0  }
0x19: {  	s7 =	sld [smem:$0x3F97]  }
0x1a: {  	s8 =	sadd.s32 $0xFFFFE003, lr  }
0x1b: {  	s9 =	sadd.s32 $0xFFFFFEF7, lr;
	s5 =	simm.s32 $0xFFFFFFFF;
	p2 =	slt.u32 s8, $0xFFFFF086  }
0x1c: {  	p1 =	slt.u32 s9, $0xF7A;
	s5 =	simm.s32 @!p2 $0x0  }
0x1d: {  	s5 =	simm.s32 @p1 $0x1;
	p0 =	seq.s32 s7, s2  }
0x1e: {  	s7 =	smul.u32 @!p0 $0xF7A, s2;
	p2 =	seq.s32 @!p0 s5, $0x0  }
0x1f: {  	s9 =	smul.u32 $0xF7A, s1;
	s8 =	simm.s32 @!p0 $0x1BF5;
	p2 =	por !p2, p0  }
0x20: {  	[sflag:s8] =	ssyncset.s32 @!p0 $0xFFFFF086;
	s6 =	sadd.s32 @!p0 s3, s7;
	s7 =	simm.s32 @!p0 $0x108  }
0x21: {  	s3 =	sadd.s32 s3, s9;
	s6 =	sadd.s32 @!p0 $0x88, s6;
	s7 =	simm.s32 @p2 $0x1082  }
0x22: {  	[simem:s7], [sflag:s8] =	dma.local @!p0 [hbm:s6], $0xF7A  }
0x23: {  	s9 =	sor.u32 $0xD0000000, s2;
	s6 =	simm.s32 $0x108;
	_ =	swait.ge @!p0 [sflag:s8], $0x0  }
0x24: {  	s3 =	sadd.s32 $0x88, s3;
	s6 =	simm.s32 @!p1 $0x1082;
	[sflag:s4] =	ssyncset.s32 $0xFFFFF086  }
0x25: {  	[simem:s6], [sflag:s4] =	dma.local [hbm:s3], $0xF7A  }
0x26: {  	[smem:$0x3F97] =	sst s1;
	(tag) =	ssettag s2;
	_ =	strace s9  }
0x27: {  	s1 =	sld [smem:$0x3FA7]  }
0x28: {  	s2 =	sld [smem:$0x3FA8]  }
0x29: {  	s4 =	sld [smem:$0x3FAA]  }
0x2a: {  	p0 =	seq.s32 s5, $0x0;
	s5 =	sld [smem:$0x3FAB]  }
0x2b: {  	s6 =	sld [smem:$0x3FAC]  }
0x2c: {  	s7 =	sld [smem:$0x3FAD]  }
0x2d: {  	s3 =	simm.s32 $0x108;
	s8 =	sld [smem:$0x3FAE]  }
0x2e: {  	s3 =	simm.s32 @!p0 $0x1082;
	s9 =	sld [smem:$0x3FAF]  }
0x2f: {  	lr =	sadd.s32 s0, s3;
	s0 =	sld [smem:$0x3FA6]  }
0x30: {  	s3 =	sld [smem:$0x3FA9]  }
0x31: {  	[smem:$0x3FB2] =	sst s10  }
0x32: {  	s10 =	sld [smem:$0x3FB0];
	_ =	sdelay $0x3  }
0x33: {  	p0 =	seq.s32 s10, $0x1;
	s10 =	sld [smem:$0x3FB2];
	_ =	sdelay $0x3  }
0x34: {  	[smem:$0x3FB2] =	sst s10  }
0x35: {  	s10 =	sld [smem:$0x3FB1];
	_ =	sdelay $0x3  }
0x36: {  	p1 =	seq.s32 s10, $0x1;
	s10 =	sld [smem:$0x3FB2];
	_ =	sdelay $0x3  }
0x37: {  	[smem:$0x3FB2] =	sst s10  }
0x38: {  	s10 =	sld [smem:$0x3FB3]  }
0x39: {  	_ = 	snop;
	(pc) =	sbr.ind lr, $3  }
0x3a: {  	_ = 	snop  }
0x3b: {  	_ = 	snop  }
0x3c: {  	p2 =	seq.s32 s10, $0x1;
	s10 =	sld [smem:$0x3FB2]  }
0x3d: {  	_ =	shalt  }
0x3e: {  	_ =	shalt  }
0x3f: {  	_ =	shalt  }
0x40: {  	_ =	shalt  }
0x41: {  	_ =	shalt  }
0x42: {  	_ =	shalt  }
0x43: {  	_ =	shalt  }
0x44: {  	_ =	shalt  }
0x45: {  	_ =	shalt  }
0x46: {  	_ =	shalt  }
0x47: {  	_ =	shalt  }
0x48: {  	_ =	shalt  }
0x49: {  	_ =	shalt  }
0x4a: {  	_ =	shalt  }
0x4b: {  	_ =	shalt  }
0x4c: {  	_ =	shalt  }
0x4d: {  	_ =	shalt  }
0x4e: {  	_ =	shalt  }
0x4f: {  	_ =	shalt  }
0x50: {  	_ =	shalt  }
0x51: {  	_ =	shalt  }
0x52: {  	_ =	shalt  }
0x53: {  	_ =	shalt  }
0x54: {  	_ =	shalt  }
0x55: {  	_ =	shalt  }
0x56: {  	_ =	shalt  }
0x57: {  	_ =	shalt  }
0x58: {  	_ =	shalt  }
0x59: {  	_ =	shalt  }
0x5a: {  	_ =	shalt  }
0x5b: {  	_ =	shalt  }
0x5c: {  	_ =	shalt  }
0x5d: {  	_ =	shalt  }
0x5e: {  	_ =	shalt  }
0x5f: {  	_ =	shalt  }
0x60: {  	_ =	shalt  }
0x61: {  	_ =	shalt  }
0x62: {  	_ =	shalt  }
0x63: {  	_ =	shalt  }
0x64: {  	_ =	shalt  }
0x65: {  	_ =	shalt  }
0x66: {  	_ =	shalt  }
0x67: {  	_ =	shalt  }
0x68: {  	_ =	shalt  }
0x69: {  	_ =	shalt  }
0x6a: {  	_ =	shalt  }
0x6b: {  	_ =	shalt  }
0x6c: {  	_ =	shalt  }
0x6d: {  	_ =	shalt  }
0x6e: {  	_ =	shalt  }
0x6f: {  	_ =	shalt  }
0x70: {  	_ =	shalt  }
0x71: {  	_ =	shalt  }
0x72: {  	_ =	shalt  }
0x73: {  	_ =	shalt  }
0x74: {  	_ =	shalt  }
0x75: {  	_ =	shalt  }
0x76: {  	_ =	shalt  }
0x77: {  	_ =	shalt  }
0x78: {  	_ =	shalt  }
0x79: {  	_ =	shalt  }
0x7a: {  	_ =	shalt  }
0x7b: {  	_ =	shalt  }
0x7c: {  	_ =	shalt  }
0x7d: {  	_ =	shalt  }
0x7e: {  	_ =	shalt  }
0x7f: {  	_ =	shalt  }
0x80: {  	_ =	shalt  }
0x81: {  	_ =	shalt  }
0x82: {  	_ =	shalt  }
0x83: {  	_ =	shalt  }
0x84: {  	_ =	shalt  }
0x85: {  	_ =	shalt  }
0x86: {  	_ =	shalt  }
0x87: {  	_ =	shalt  }
.Lfunc_end0:
.L_simem_size_0:
called_computation.1_lowered:
.L_overlay_start_0:
0x88: {  	s2 =	sld [smem:$0x3FD9]  }
0x89: {  	s3 =	sld [smem:$0x3FFE];
	_ =	sdelay $0x1  }
0x8a: {  	s1 =	srdreg.scid  }
0x8b: {  	s0 =	sand.u32 $0x1, s1  }
0x8c: {  	s17 =	sshll.u32 s0, $0xA;
	s2 =	sadd.s32 s3, s2  }
0x8d: {  	s2 =	sadd.s32 s2, s17  }
0x8e: {  	[smem:$0x3FBE] =	sst s2  }
0x8f: {  	_ = 	snop  }
0x90: {  	s2 =	sld [smem:$0x3FD0];
	(tm) =	ssettm $0x1  }
0x91: {  	s18 =	sld [smem:$0x3FFB];
	_ =	sdelay $0x3  }
0x92: {  	_ =	strace s18  }
0x93: {  	s3 =	sld [smem:$0x3FFC];
	_ =	sdelay $0x3  }
0x94: {  	_ =	strace s3  }
0x95: {  	s3 =	sld [smem:$0x3FFD];
	_ =	sdelay $0x3  }
0x96: {  	_ =	strace s3  }
0x97: {  	_ =	strace $0x8FFFFFFF  }
0x98: {  	s19 =	sld [smem:$0x3FDB];
	_ =	sdelay $0x1  }
0x99: {  	s4 =	simm.s32 $_scs_section_size  }
0x9a: {  	s5 =	simm.s32 $_size__tile_overlayer_lowered;
	s6 =	simm.s32 $_tile_overlayer_lowered  }
0x9b: {  	s22 =	simm.s32 $0x1BFF;
	s21 =	sshll.u32 s6, $0x1;
	s3 =	sadd.s32 s4, s19  }
0x9c: {  	s7 =	simm.s32 $0x0;
	s20 =	sshll.u32 s5, $0x1;
	s5 =	sadd.s32 s21, s3  }
0x9d: {  	[timem:s7], [sflag:s22] =	dma.local [hbm:s5], s20  }
0x9e: {  	_ =	swait.ge [sflag:s22], s20  }
0x9f: {  	s4 =	ssub.s32 $0x0, s20;
	[sflag:s22] =	ssyncset.done $0x0  }
0xa0: {  	[sflag:s22] =	ssyncadd.s32 s4;
	_ =	sdelay $0x1  }
0xa1: {  	s23 =	simm.s32 $0x1B8B  }
0xa2: {  	_ =	swait.ge [sflag:s23], $0x1  }
0xa3: {  	[sflag:s23] =	ssyncset.done $0x0  }
0xa4: {  	s25 =	simm.s32 $0x1B8E;
	s24 =	sld [smem:$0x3FFE];
	[sflag:s23] =	ssyncadd.s32 $0xFFFFFFFF  }
0xa5: {  	s26 =	simm.s32 $execute0_lowered;
	[smem:$0x3FD2] =	sst s25  }
0xa6: {  	s5 =	sshll.u32 s26, $0x1;
	_ =	strace $0x80000049;
	[dreg:$0x1] =	wrdreg $0xFFFFFFFF  }
0xa7: {  	s28 =	simm.s32 $_size_execute0_lowered;
	s3 =	sadd.s32 s3, s5;
	[dreg:$0x0] =	wrdreg $0x0  }
0xa8: {  	s5 =	sshll.u32 s28, $0x1;
	[dreg:$0x2] =	wrdreg s3  }
0xa9: {  	[dreg:$0x3] =	wrdreg s5  }
0xaa: {  	[dreg:$0x4] =	wrdreg $0xC0  }
0xab: {  	_ =	task [dreg:s7], $0x5FFFF  }
0xac: {  	[dreg:$0x1] =	wrdreg $0xFFFFFFFF  }
0xad: {  	[dreg:$0x0] =	wrdreg $0x60  }
0xae: {  	[dreg:$0x2] =	wrdreg s24  }
0xaf: {  	[dreg:$0x3] =	wrdreg s2  }
0xb0: {  	[dreg:$0x4] =	wrdreg $0xA2800  }
0xb1: {  	[dreg:$0x5] =	wrdreg $0x9  }
0xb2: {  	_ =	task.clear_ibuf [dreg:s7], $0x6FFFF;
	_ =	strace $0x90000049  }
0xb3: {  	s29 =	simm.s32 $0x9;
	_ =	strace $0x8000004B  }
0xb4: {  	_ =	swait.ge [sflag:s29], $0x1  }
0xb5: {  	[sflag:s29] =	ssyncadd.s32 $0xFFFFFFFF  }
0xb6: {  	_ =	strace $0x9000004B  }
0xb7: {  	_ =	sfence  }
0xb8: {  	s30 =	sld [smem:$0x0];
	_ =	sdelay $0x2  }
0xb9: {  	s31 =	sshll.u32 s1, $0xD;
	s1 =	sshrl.u32 s1, $0x2  }
0xba: {  	s3 =	sand.u32 $0x4000, s31;
	s1 =	sadd.s32 s1, s30  }
0xbb: {  	s0 =	sor.u32 s3, s0;
	s1 =	sshll.u32 s1, $0x11  }
0xbc: {  	s0 =	sor.u32 s1, s0  }
0xbd: {  	s0 =	sadd.s32 $0x8F2B, s0  }
0xbe: {  	[sflag:s0] =	ssyncadd.remote.s32 $0x1  }
0xbf: {  	_ =	sfence.sel $0xFFFF  }
0xc0: {  	[dreg:$0x0] =	wrdreg $0xFFFFFFFF;
	(pc) =	sbr.abs _section_cstart, $3  }
0xc1: {  	[dreg:$0x1] =	wrdreg $0xFFFFFFFF  }
0xc2: {  	_ =	task.clear_ibuf [dreg:s7], $0x2FFFF;
	_ =	strace $0x9FFFFFFF  }
0xc3: {  	(tm) =	ssettm $0x7FFFFFFF  }
tec
execute0_lowered:
.L_overlay_start_1:
0x0: {  	(tag) =	ssettag $0x1  }
0x1: {  	s0 =	rddreg [dreg:$0x0]  }
0x2: {  	s2 =	rddreg [dreg:$0x1];
	s15 =	stileid.u32  }
0x3: {  	s3 =	rddreg [dreg:$0x2];
	s1 =	simm.s32 $0x280;
	s4 =	simm.s32 $0x0  }
0x4: {  	s8 =	srdreg.scid;
	s28 =	simm.s32 $0x50;
	s9 =	smul.u32 $0x270, s15  }
0x5: {  	s30 =	simm.s32 $0x190;
	s31 =	simm.s32 $0x1;
	s25 =	smul.u32 $0x9C4, s15  }
0x6: {  	p0 =	seq.s32 s15, $0xF;
	[smem:$0x7FF] =	sst s4;
	s26 =	smul.u32 $0x4E20, s15  }
0x7: {  	s5 =	sadd.s32 $0x9D800, s0;
	s7 =	sadd.s32 $0xA7600, s0;
	s14 =	smul.u32 $0xFA, s15  }
0x8: {  	s23 =	sand.u32 $0x1, s8;
	s8 =	sadd.s32 $0x800, s0;
	s20 =	smul.u32 $0x2700, s15  }
0x9: {  	s0 =	sadd.s32 $0xB1400, s0;
	s22 =	smul.u32 $0x4E000, s15;
	s15 =	simm.s32 $0x230  }
0xa: {  	s1 =	simm.s32 @!p0 $0x270;
	_ =	strace $0x8000004A;
	s16 =	smul.u32 $0x2710, s23  }
0xb: {  	s11 =	ssub.s32 $0x2, s23;
	s6 =	smul.u32 $0x334, s1;
	s18 =	sadd.s32 s5, s25  }
0xc: {  	s12 =	sshrl.u32 s11, $0x1;
	s29 =	sadd.s32 s2, s25;
	[dreg:$0x6] =	wrdreg s18  }
0xd: {  	s11 =	ssub.s32 s11, s12;
	[dreg:$0x7] =	wrdreg s29;
	s12 =	sshrl.u32 s26, $0x3  }
0xe: {  	s26 =	sshrl.u32 s22, $0x2;
	s21 =	sshrl.u32 s6, $0x10;
	s29 =	smax.u32 s11, $0x1  }
0xf: {  	s12 =	sadd.s32 $0xA, s12;
	s6 =	smul.u32 $0x27100, s23;
	[dreg:$0xf] =	wrdreg s29  }
0x10: {  	s22 =	sadd.s32 s26, s3;
	s26 =	simm.s32 $0x140;
	[dreg:$0x4] =	wrdreg s21  }
0x11: {  	s10 =	smul.u32 $0x50, s21;
	s19 =	sadd.s32 s5, s12;
	[dreg:$0x10] =	wrdreg s22  }
0x12: {  	s11 =	simm.s32 $0x3;
	s23 =	sadd.s32 s2, s12;
	[dreg:$0x9] =	wrdreg s19  }
0x13: {  	[dreg:$0xb] =	wrdreg s23;
	s23 =	simm.s32 $0x5280;
	s13 =	sadd.s32 s9, s10  }
0x14: {  	s9 =	sadd.s32 s9, s16;
	p0 =	sle.u32 s1, s10;
	s1 =	simm.s32 $0x2  }
0x15: {  	v0 =	vmov s16;
	s16 =	simm.s32 $0x7A80;
	s24 =	sshll.u32 s13, $0x7;
	s13 =	sadd.s32 s7, s25  }
0x16: {  	s9 =	sadd.s32 s9, s10;
	s25 =	sadd.s32 $0x2, s14;
	s10 =	simm.s32 $0x0  }
0x17: {  	s17 =	sadd.s32 s24, s3;
	[dreg:$0x8] =	wrdreg s13;
	s9 =	sshll.u32 s9, $0x4  }
0x18: {  	s24 =	sadd.s32 s7, s12;
	[dreg:$0xe] =	wrdreg s25;
	s12 =	simm.s32 $0x1E0  }
0x19: {  	s13 =	simm.s32 $0x4;
	s9 =	sadd.s32 s0, s9;
	[dreg:$0xc] =	wrdreg s24  }
0x1a: {  	s0 =	sadd.s32 s6, s0;
	s24 =	simm.s32 $0x7;
	[dreg:$0x5] =	wrdreg s17  }
0x1b: {  	[dreg:$0xa] =	wrdreg s9;
	s0 =	sadd.s32 s20, s0;
	s20 =	sadd.s32 $0x3, s14  }
0x1c: {  	v1 =	vimm.f32 $0.0e+00;
	s14 =	simm.s32 $0x6;
	[dreg:$0xd] =	wrdreg s0;
	s0 =	simm.s32 $0x2A80  }
.LBB2_1:
0x1d: {  	s6 =	simm.s32 $0x0;
	s9 =	simm.s32 $0x200  }
.LBB2_2:
0x1e: {  	p1 =	sne.s32 s9, $0x9E00;
	[tilespmem:s6+$0x52F0] =	vst v1  }
0x1f: {  	[tilespmem:s6+$0x5280] =	vst v1  }
0x20: {  	[tilespmem:s6+$0x5290] =	vst v1  }
.Ltmp0:
0x21: {  	[tilespmem:s6+$0x52A0] =	vst v1;
	(pc) =	sbr.rel @p1 .LBB2_2-.Ltmp0, $4  }
0x22: {  	[tilespmem:s6+$0x52B0] =	vst v1  }
0x23: {  	[tilespmem:s6+$0x52C0] =	vst v1  }
0x24: {  	[tilespmem:s6+$0x52D0] =	vst v1  }
0x25: {  	[tilespmem:s6+$0x52E0] =	vst v1;
	s6 =	sshra.s32 s9, $0x2;
	s9 =	sadd.s32 $0x200, s9  }
0x26: {  	[tilespmem:s6+$0x52F0] =	vst v1  }
0x27: {  	[tilespmem:s6+$0x5280] =	vst v1  }
0x28: {  	[tilespmem:s6+$0x5290] =	vst v1  }
0x29: {  	[tilespmem:s6+$0x52A0] =	vst v1  }
0x2a: {  	[tilespmem:s6+$0x52B0] =	vst v1  }
0x2b: {  	[tilespmem:s6+$0x52C0] =	vst v1;
	p1 =	sne.s32 s21, $0x1  }
.Ltmp1:
0x2c: {  	[tilespmem:s6+$0x52D0] =	vst v1;
	(pc) =	sbr.rel @!p1 .LBB2_5-.Ltmp1, $4  }
0x2d: {  	[dreg:$0x11] =	wrdreg s10;
	[tilespmem:s6+$0x52E0] =	vst v1  }
0x2e: {  	[spmem:s22] =	stream.linear.scatter [tilespmem:s23], [sflag:$0x7], $0x2800, $0x38;
	[tilespmem:$0x1DB00] =	vst v63  }
0x2f: {  	_ =	swait.ge [sflag:s24], $0x2800  }
0x30: {  	s6 =	sadd.s32 $0xFFFFFFFF, s21;
	s9 =	smov.u32 s22;
	[sflag:s24] =	ssyncset.done $0x0  }
.LBB2_4:
0x31: {  	p2 =	sne.s32 s6, $0x1;
	[sflag:s24] =	ssyncadd.s32 $0xFFFFD800;
	s9 =	sadd.s32 $0x2800, s9  }
.Ltmp2:
0x32: {  	s6 =	sadd.s32 $0xFFFFFFFF, s6;
	(pc) =	sbr.rel @p2 .LBB2_4-.Ltmp2, $4  }
0x33: {  	_ = 	snop  }
0x34: {  	[spmem:s9] =	stream.linear.scatter [tilespmem:s23], [sflag:$0x7], $0x2800, $0x38;
	[tilespmem:$0x1DB00] =	vst v63  }
0x35: {  	_ =	swait.ge [sflag:s24], $0x2800  }
0x36: {  	[sflag:s24] =	ssyncset.done $0x0  }
.LBB2_5:
0x37: {  	[sflag:s24] =	ssyncadd.s32 $0xFFFFD800;
	s6 =	simm.s32 @!p0 $0x5280  }
0x38: {  	[spmem:s17] =	stream.linear.scatter @!p0 [tilespmem:s6], [sflag:$0x7], $0x2000, $0x38;
	[tilespmem:$0x1DB00] =	vst v63  }
0x39: {  	s6 =	simm.s32 @!p0 $0x7  }
0x3a: {  	_ =	swait.ge @!p0 [sflag:s6], $0x2000  }
0x3b: {  	[sflag:s6] =	ssyncset.done @!p0 $0x0  }
0x3c: {  	[sflag:s6] =	ssyncadd.s32 @!p0 $0xFFFFE000  }
0x3d: {  	[bflag:$0x0] =	sbarrier.arrive $0xFFFF  }
0x3e: {  	s17 =	simm.s32 $0x0;
	s9 =	rddreg [dreg:$0x6]  }
0x3f: {  	[tilespmem:s17], [sflag:$0x1] =	stream.linear.gather [hbm4b:s9+s17], $0x50, $0x38;
	[tilespmem:$0x1DB00] =	vst v63  }
0x40: {  	s10 =	rddreg [dreg:$0x7];
	s9 =	simm.s32 $0xA0  }
0x41: {  	[tilespmem:s9], [sflag:$0x1] =	stream.linear.gather [hbm4b:s10+s17], $0x50, $0x38;
	[tilespmem:$0x1DB00] =	vst v63  }
0x42: {  	s18 =	rddreg [dreg:$0x8]  }
0x43: {  	[tilespmem:s26], [sflag:$0x1] =	stream.linear.gather [hbm4b:s18+s17], $0x50, $0x38;
	[tilespmem:$0x1DB00] =	vst v63  }
0x44: {  	s19 =	rddreg [dreg:$0x9]  }
0x45: {  	[tilespmem:s28], [sflag:$0x2] =	stream.linear.gather [hbm4b:s19+s17], $0x50, $0x38;
	[tilespmem:$0x1DB00] =	vst v63  }
0x46: {  	s22 =	simm.s32 $0xF0;
	s21 =	rddreg [dreg:$0xb]  }
0x47: {  	[tilespmem:s22], [sflag:$0x2] =	stream.linear.gather [hbm4b:s21+s17], $0x50, $0x38;
	[tilespmem:$0x1DB00] =	vst v63  }
0x48: {  	s25 =	rddreg [dreg:$0xc]  }
0x49: {  	[tilespmem:s30], [sflag:$0x2] =	stream.linear.gather [hbm4b:s25+s17], $0x50, $0x38;
	[tilespmem:$0x1DB00] =	vst v63  }
0x4a: {  	_ =	swait.ge [sflag:s31], $0x50  }
0x4b: {  	[sflag:s31] =	ssyncset.done $0x0  }
0x4c: {  	[sflag:s31] =	ssyncadd.s32 $0xFFFFFFB0  }
0x4d: {  	_ =	swait.ge [sflag:s31], $0x50  }
0x4e: {  	[sflag:s31] =	ssyncset.done $0x0  }
0x4f: {  	[sflag:s31] =	ssyncadd.s32 $0xFFFFFFB0  }
0x50: {  	_ =	swait.ge [sflag:s31], $0x50  }
0x51: {  	[sflag:s31] =	ssyncset.done $0x0  }
0x52: {  	[sflag:s31] =	ssyncadd.s32 $0xFFFFFFB0  }
0x53: {  	v2 =	vld [tilespmem:$0x0]  }
0x54: {  	v3 =	vld [tilespmem:$0x10]  }
0x55: {  	v4 =	vld [tilespmem:$0x20]  }
0x56: {  	v5 =	vld [tilespmem:$0x30]  }
0x57: {  	v6 =	vld [tilespmem:$0x40]  }
0x58: {  	v2 =	vadd.s32 v0, v2  }
0x59: {  	[tilespmem:$0x0] =	vst v2;
	v2 =	vadd.s32 v0, v3  }
0x5a: {  	[tilespmem:$0x10] =	vst v2;
	v2 =	vadd.s32 v0, v4  }
0x5b: {  	[tilespmem:$0x20] =	vst v2;
	v2 =	vadd.s32 v0, v5  }
0x5c: {  	[tilespmem:$0x30] =	vst v2;
	v2 =	vadd.s32 v0, v6  }
0x5d: {  	s29 =	simm.s32 $0x280;
	s10 =	simm.s32 $0x0;
	[tilespmem:$0x40] =	vst v2  }
0x5e: {  	[tilespmem:s29], [sflag:$0x3] =	stream.indirect.gather [hbm4b:s8+s28], $0x80, s17, s28, $0xb8;
	[tilespmem:$0x1DB00] =	vst v63  }
.LBB2_6:
0x5f: {  	_ =	swait.ge [sflag:s1], $0x50  }
0x60: {  	[sflag:s1] =	ssyncset.done $0x0  }
0x61: {  	[sflag:s1] =	ssyncadd.s32 $0xFFFFFFB0  }
0x62: {  	_ =	swait.ge [sflag:s1], $0x50  }
0x63: {  	[sflag:s1] =	ssyncset.done $0x0  }
0x64: {  	[sflag:s1] =	ssyncadd.s32 $0xFFFFFFB0  }
0x65: {  	_ =	swait.ge [sflag:s1], $0x50  }
0x66: {  	[sflag:s1] =	ssyncset.done $0x0  }
0x67: {  	[sflag:s1] =	ssyncadd.s32 $0xFFFFFFB0  }
0x68: {  	v2 =	vld [tilespmem:$0x50]  }
0x69: {  	v3 =	vld [tilespmem:$0x60]  }
0x6a: {  	v4 =	vld [tilespmem:$0x70]  }
0x6b: {  	v5 =	vld [tilespmem:$0x80]  }
0x6c: {  	v6 =	vld [tilespmem:$0x90]  }
0x6d: {  	v2 =	vadd.s32 v0, v2  }
0x6e: {  	[tilespmem:$0x50] =	vst v2;
	v2 =	vadd.s32 v0, v3  }
0x6f: {  	[tilespmem:$0x60] =	vst v2;
	v2 =	vadd.s32 v0, v4  }
0x70: {  	[tilespmem:$0x70] =	vst v2;
	v2 =	vadd.s32 v0, v5  }
0x71: {  	[tilespmem:$0x80] =	vst v2;
	v2 =	vadd.s32 v0, v6  }
0x72: {  	s6 =	simm.s32 $0x1;
	s29 =	simm.s32 $0x2;
	[tilespmem:$0x90] =	vst v2;
	v2 =	vmov s17  }
0x73: {  	v3 =	vmov s6;
	[tilespmem:s0], [sflag:$0x4] =	stream.indirect.gather [hbm4b:s8+s28], $0x80, s28, s28, $0xb8;
	v2 =	vand.u32 $0xFFFFFFFC, v2;
	[tilespmem:$0x1DB00] =	vst v63  }
0x74: {  	v3 =	vand.u32 $0xFFFFFFFD, v3;
	v4 =	vmov s29;
	_ =	swait.ge [sflag:s11], $0x2800;
	v2 =	vbroadcast v2, $0x0  }
0x75: {  	p2 =	seq.s32 s10, $0x0;
	v3 =	vbroadcast v3, $0x0;
	v4 =	vand.u32 $0xFFFFFFFE, v4;
	[sflag:s11] =	ssyncset.done $0x0  }
0x76: {  	s6 =	simm.s32 @!p2 $0x5;
	v4 =	vbroadcast v4, $0x0;
	[sflag:s11] =	ssyncadd.s32 $0xFFFFD800  }
0x77: {  	_ =	swait.ge @!p2 [sflag:s6], $0x2800  }
0x78: {  	[sflag:s6] =	ssyncset.done @!p2 $0x0  }
0x79: {  	[sflag:s6] =	ssyncadd.s32 @!p2 $0xFFFFD800  }
0x7a: {  	v7 =	vld.idx.msk [tilespmem:v2+s26+$0x0], $0xffff  }
0x7b: {  	s9 =	simm.s32 $0x3;
	v8 =	vld.idx.msk [tilespmem:v3+s26+$0x0], $0xffff  }
0x7c: {  	v2 =	vmov s9;
	s9 =	simm.s32 $0x380;
	v9 =	vld.idx.msk [tilespmem:v4+s26+$0x0], $0xffff  }
0x7d: {  	v3 =	vld [tilespmem:s9+$0x0]  }
0x7e: {  	v4 =	vld [tilespmem:s9+$0xFFFFFF00]  }
0x7f: {  	v5 =	vld [tilespmem:s9+$0xFFFFFF80];
	_ =	sdelay $0x1  }
0x80: {  	v6 =	vld.idx.msk [tilespmem:v2+s26+$0x0], $0xffff  }
0x81: {  	v2 =	vld [tilespmem:s9+$0x80];
	v3 =	vmul.f32 v3, v9  }
0x82: {  	s21 =	simm.s32 $0x5380;
	v4 =	vmul.f32 v4, v7  }
0x83: {  	v5 =	vmul.f32 v5, v8;
	[tilespmem:s21+$0x0] =	vst v3  }
0x84: {  	[tilespmem:s21+$0xFFFFFF00] =	vst v4;
	v3 =	vld [tilespmem:s9+$0x10]  }
0x85: {  	[tilespmem:s21+$0xFFFFFF80] =	vst v5;
	v4 =	vld [tilespmem:s9+$0xFFFFFF10]  }
0x86: {  	v5 =	vld [tilespmem:s9+$0xFFFFFF90];
	v2 =	vmul.f32 v2, v6;
	_ =	sdelay $0x1  }
0x87: {  	[tilespmem:s21+$0x80] =	vst v2  }
0x88: {  	v2 =	vld [tilespmem:s9+$0x90];
	v3 =	vmul.f32 v3, v9  }
0x89: {  	v4 =	vmul.f32 v4, v7  }
0x8a: {  	v5 =	vmul.f32 v5, v8;
	[tilespmem:s21+$0x10] =	vst v3  }
0x8b: {  	[tilespmem:s21+$0xFFFFFF10] =	vst v4;
	v3 =	vld [tilespmem:s9+$0x20]  }
0x8c: {  	[tilespmem:s21+$0xFFFFFF90] =	vst v5;
	v4 =	vld [tilespmem:s9+$0xFFFFFF20]  }
0x8d: {  	v5 =	vld [tilespmem:s9+$0xFFFFFFA0];
	v2 =	vmul.f32 v2, v6;
	_ =	sdelay $0x1  }
0x8e: {  	[tilespmem:s21+$0x90] =	vst v2  }
0x8f: {  	s18 =	simm.s32 $0x4;
	v2 =	vld [tilespmem:s9+$0xA0];
	v3 =	vmul.f32 v3, v9  }
0x90: {  	s19 =	simm.s32 $0x5;
	v10 =	vmov s18;
	v4 =	vmul.f32 v4, v7  }
0x91: {  	s18 =	simm.s32 $0x7;
	v11 =	vmov s19;
	v10 =	vand.u32 $0xFFFFFFFC, v10;
	v5 =	vmul.f32 v5, v8;
	[tilespmem:s21+$0x20] =	vst v3  }
0x92: {  	v11 =	vand.u32 $0xFFFFFFFD, v11;
	v10 =	vbroadcast v10, $0x0;
	v3 =	vmov s18;
	[tilespmem:s21+$0xFFFFFF20] =	vst v4;
	v4 =	vld [tilespmem:s9+$0x30]  }
0x93: {  	v11 =	vbroadcast v11, $0x0;
	[tilespmem:s21+$0xFFFFFFA0] =	vst v5;
	v12 =	vld [tilespmem:s9+$0xFFFFFF30]  }
0x94: {  	v13 =	vld [tilespmem:s9+$0xFFFFFFB0];
	v2 =	vmul.f32 v2, v6  }
0x95: {  	s22 =	simm.s32 $0x6  }
0x96: {  	[tilespmem:s21+$0xA0] =	vst v2;
	v2 =	vmov s22  }
0x97: {  	v5 =	vand.u32 $0xFFFFFFFE, v2;
	v2 =	vld.idx.msk [tilespmem:v3+s26+$0x0], $0xffff;
	v4 =	vmul.f32 v4, v9  }
0x98: {  	v3 =	vld.idx.msk [tilespmem:v10+s26+$0x0], $0xffff;
	v10 =	vmul.f32 v12, v7  }
0x99: {  	v15 =	vbroadcast v5, $0x0;
	v5 =	vld.idx.msk [tilespmem:v11+s26+$0x0], $0xffff;
	v11 =	vmul.f32 v13, v8;
	[tilespmem:s21+$0x30] =	vst v4  }
0x9a: {  	v14 =	vld [tilespmem:s9+$0xB0];
	[tilespmem:s21+$0xFFFFFF30] =	vst v10  }
0x9b: {  	[tilespmem:s21+$0xFFFFFFB0] =	vst v11;
	v10 =	vld [tilespmem:s9+$0x40]  }
0x9c: {  	s22 =	simm.s32 $0x580;
	v11 =	vld [tilespmem:s9+$0xFFFFFFC0]  }
0x9d: {  	v13 =	vld [tilespmem:s22+$0x0]  }
0x9e: {  	v12 =	vld [tilespmem:s9+$0xFFFFFF40]  }
0x9f: {  	v14 =	vmul.f32 v14, v6;
	v4 =	vld.idx.msk [tilespmem:v15+s26+$0x0], $0xffff  }
0xa0: {  	v15 =	vld [tilespmem:s22+$0xFFFFFF00];
	v10 =	vmul.f32 v10, v9  }
0xa1: {  	v16 =	vld [tilespmem:s22+$0xFFFFFF80];
	[tilespmem:s21+$0xB0] =	vst v14;
	v11 =	vmul.f32 v11, v8  }
0xa2: {  	v17 =	vld [tilespmem:s22+$0x80];
	[tilespmem:s21+$0x40] =	vst v10  }
0xa3: {  	v10 =	vmul.f32 v12, v7;
	[tilespmem:s21+$0xFFFFFFC0] =	vst v11;
	v11 =	vld [tilespmem:s9+$0xC0]  }
0xa4: {  	v12 =	vld [tilespmem:s9+$0x50];
	v13 =	vmul.f32 v13, v4  }
0xa5: {  	s6 =	simm.s32 $0x5580;
	v14 =	vld [tilespmem:s9+$0xFFFFFFD0];
	[tilespmem:s21+$0xFFFFFF40] =	vst v10;
	v10 =	vmul.f32 v15, v3  }
0xa6: {  	v15 =	vmul.f32 v16, v5;
	[tilespmem:s6+$0x0] =	vst v13;
	v13 =	vld [tilespmem:s9+$0xFFFFFF50]  }
0xa7: {  	v16 =	vmul.f32 v17, v2;
	[tilespmem:s6+$0xFFFFFF00] =	vst v10;
	v10 =	vld [tilespmem:s22+$0x10]  }
0xa8: {  	[tilespmem:s6+$0xFFFFFF80] =	vst v15;
	v17 =	vld [tilespmem:s22+$0xFFFFFF10];
	v11 =	vmul.f32 v11, v6  }
0xa9: {  	[tilespmem:s6+$0x80] =	vst v16;
	v15 =	vld [tilespmem:s22+$0xFFFFFF90];
	v12 =	vmul.f32 v12, v9  }
0xaa: {  	v16 =	vld [tilespmem:s22+$0x90];
	v14 =	vmul.f32 v14, v8;
	[tilespmem:s21+$0xC0] =	vst v11  }
0xab: {  	[tilespmem:s21+$0x50] =	vst v12;
	v12 =	vmul.f32 v13, v7;
	v11 =	vld [tilespmem:s9+$0xD0]  }
0xac: {  	[tilespmem:s21+$0xFFFFFFD0] =	vst v14;
	v13 =	vld [tilespmem:s9+$0x60];
	v10 =	vmul.f32 v10, v4  }
0xad: {  	v14 =	vmul.f32 v17, v3;
	[tilespmem:s21+$0xFFFFFF50] =	vst v12;
	v12 =	vld [tilespmem:s9+$0xFFFFFFE0]  }
0xae: {  	v15 =	vmul.f32 v15, v5;
	[tilespmem:s6+$0x10] =	vst v10;
	v10 =	vld [tilespmem:s9+$0xFFFFFF60]  }
0xaf: {  	v16 =	vmul.f32 v16, v2;
	[tilespmem:s6+$0xFFFFFF10] =	vst v14;
	v14 =	vld [tilespmem:s22+$0x20]  }
0xb0: {  	[tilespmem:s6+$0xFFFFFF90] =	vst v15;
	v17 =	vld [tilespmem:s22+$0xFFFFFF20];
	v11 =	vmul.f32 v11, v6  }
0xb1: {  	[tilespmem:s6+$0x90] =	vst v16;
	v13 =	vmul.f32 v13, v9  }
0xb2: {  	v15 =	vld [tilespmem:s22+$0xFFFFFFA0];
	v12 =	vmul.f32 v12, v8;
	[tilespmem:s21+$0xD0] =	vst v11  }
0xb3: {  	v18 =	vld [tilespmem:s22+$0xA0];
	[tilespmem:s21+$0x60] =	vst v13;
	v10 =	vmul.f32 v10, v7  }
0xb4: {  	v19 =	vld [tilespmem:s9+$0x70];
	v11 =	vmul.f32 v14, v4;
	[tilespmem:s21+$0xFFFFFFE0] =	vst v12  }
0xb5: {  	s25 =	simm.s32 $0x8;
	s19 =	simm.s32 $0x9;
	v20 =	vld [tilespmem:s9+$0xE0];
	v12 =	vmul.f32 v17, v3;
	[tilespmem:s21+$0xFFFFFF60] =	vst v10  }
0xb6: {  	s29 =	simm.s32 $0xB;
	v13 =	vmov s19;
	v14 =	vld [tilespmem:s9+$0xFFFFFFF0];
	v10 =	vmov s25;
	[tilespmem:s6+$0x20] =	vst v11  }
0xb7: {  	v15 =	vmul.f32 v15, v5;
	v16 =	vld [tilespmem:s9+$0xFFFFFF70];
	v10 =	vand.u32 $0xFFFFFFFC, v10;
	[tilespmem:s6+$0xFFFFFF20] =	vst v12;
	v12 =	vmov s29  }
0xb8: {  	v18 =	vmul.f32 v18, v2;
	v11 =	vand.u32 $0xFFFFFFFD, v13;
	v17 =	vld [tilespmem:s22+$0x30];
	v10 =	vbroadcast v10, $0x0  }
0xb9: {  	v11 =	vbroadcast v11, $0x0;
	[tilespmem:s6+$0xFFFFFFA0] =	vst v15;
	v13 =	vld [tilespmem:s22+$0xFFFFFF30];
	v19 =	vmul.f32 v19, v9  }
0xba: {  	s18 =	sshll.u32 s10, $0x1;
	s19 =	simm.s32 $0xA;
	s25 =	simm.s32 $0xC;
	[tilespmem:s6+$0xA0] =	vst v18;
	v15 =	vld [tilespmem:s22+$0xFFFFFFB0];
	v18 =	vmul.f32 v20, v6  }
.LBB2_7:
0xbb: {  	p3 =	slt.u32 s25, $0x4C;
	v9 =	vmov s19;
	v20 =	vld [tilespmem:s22+$0xB0];
	v14 =	vmul.f32 v14, v8;
	[tilespmem:s21+$0x70] =	vst v19;
	v8 =	vmov v5  }
0xbc: {  	v5 =	vand.u32 $0xFFFFFFFE, v9;
	v9 =	vld.idx.msk [tilespmem:v12+s26+$0x0], $0xffff;
	v12 =	vmul.f32 v16, v7;
	[tilespmem:s21+$0xE0] =	vst v18;
	v7 =	vmov v3  }
0xbd: {  	v16 =	vbroadcast v5, $0x0;
	v17 =	vmul.f32 v17, v4;
	[tilespmem:s21+$0xFFFFFFF0] =	vst v14;
	v14 =	vld [tilespmem:s9+$0xF0];
	s9 =	smov.u32 s22  }
0xbe: {  	v3 =	vld.idx.msk [tilespmem:v10+s26+$0x0], $0xffff;
	v10 =	vmul.f32 v13, v7;
	[tilespmem:s21+$0xFFFFFF70] =	vst v12  }
0xbf: {  	v5 =	vld.idx.msk [tilespmem:v11+s26+$0x0], $0xffff;
	v11 =	vmul.f32 v15, v8;
	[tilespmem:s6+$0x30] =	vst v17  }
0xc0: {  	[tilespmem:s6+$0xFFFFFF30] =	vst v10;
	v10 =	vld [tilespmem:s22+$0x40];
	v12 =	vmul.f32 v20, v2  }
0xc1: {  	v13 =	vld [tilespmem:s22+$0xFFFFFF40];
	[tilespmem:s6+$0xFFFFFFB0] =	vst v11  }
0xc2: {  	v11 =	vld [tilespmem:s22+$0xFFFFFFC0];
	[tilespmem:s6+$0xB0] =	vst v12;
	v12 =	vmul.f32 v14, v6;
	v6 =	vmov v2;
	v2 =	vmov v9  }
0xc3: {  	s22 =	sadd.s32 $0x200, s22;
	v9 =	vld.idx.msk [tilespmem:v16+s26+$0x0], $0xffff  }
0xc4: {  	v14 =	vld [tilespmem:s22+$0x0];
	[tilespmem:s21+$0xF0] =	vst v12;
	s21 =	smov.u32 s6  }
0xc5: {  	v12 =	vld [tilespmem:s22+$0xFFFFFF00];
	v10 =	vmul.f32 v10, v4  }
0xc6: {  	v15 =	vld [tilespmem:s22+$0xFFFFFF80];
	v13 =	vmul.f32 v13, v7  }
0xc7: {  	v16 =	vld [tilespmem:s22+$0x80];
	v11 =	vmul.f32 v11, v8;
	[tilespmem:s6+$0x40] =	vst v10  }
0xc8: {  	[tilespmem:s6+$0xFFFFFF40] =	vst v13;
	v10 =	vld [tilespmem:s9+$0x50]  }
0xc9: {  	v13 =	vmul.f32 v14, v9;
	[tilespmem:s6+$0xFFFFFFC0] =	vst v11;
	v11 =	vld [tilespmem:s9+$0xC0]  }
0xca: {  	s6 =	sadd.s32 $0x200, s6;
	v12 =	vmul.f32 v12, v3;
	v14 =	vld [tilespmem:s9+$0xFFFFFFD0]  }
0xcb: {  	v15 =	vmul.f32 v15, v5;
	[tilespmem:s6+$0x0] =	vst v13;
	v13 =	vld [tilespmem:s9+$0xFFFFFF50]  }
0xcc: {  	[tilespmem:s6+$0xFFFFFF00] =	vst v12;
	v12 =	vld [tilespmem:s22+$0x10];
	v16 =	vmul.f32 v16, v2  }
0xcd: {  	v17 =	vld [tilespmem:s22+$0xFFFFFF10];
	[tilespmem:s6+$0xFFFFFF80] =	vst v15;
	v10 =	vmul.f32 v10, v4  }
0xce: {  	v15 =	vld [tilespmem:s22+$0xFFFFFF90];
	[tilespmem:s6+$0x80] =	vst v16;
	v11 =	vmul.f32 v11, v6  }
0xcf: {  	v16 =	vld [tilespmem:s22+$0x90];
	v14 =	vmul.f32 v14, v8;
	[tilespmem:s21+$0x50] =	vst v10  }
0xd0: {  	v10 =	vmul.f32 v13, v7;
	v13 =	vld [tilespmem:s9+$0x60];
	[tilespmem:s21+$0xC0] =	vst v11  }
0xd1: {  	v11 =	vmul.f32 v12, v9;
	[tilespmem:s21+$0xFFFFFFD0] =	vst v14;
	v12 =	vld [tilespmem:s9+$0xD0]  }
0xd2: {  	v14 =	vmul.f32 v17, v3;
	[tilespmem:s21+$0xFFFFFF50] =	vst v10;
	v10 =	vld [tilespmem:s9+$0xFFFFFFE0]  }
0xd3: {  	v15 =	vmul.f32 v15, v5;
	[tilespmem:s6+$0x10] =	vst v11;
	v11 =	vld [tilespmem:s9+$0xFFFFFF60]  }
0xd4: {  	[tilespmem:s6+$0xFFFFFF10] =	vst v14;
	v14 =	vld [tilespmem:s22+$0x20];
	v16 =	vmul.f32 v16, v2  }
0xd5: {  	v17 =	vld [tilespmem:s22+$0xFFFFFF20];
	[tilespmem:s6+$0xFFFFFF90] =	vst v15;
	v13 =	vmul.f32 v13, v4  }
0xd6: {  	v15 =	vld [tilespmem:s22+$0xFFFFFFA0];
	[tilespmem:s6+$0x90] =	vst v16;
	v12 =	vmul.f32 v12, v6  }
0xd7: {  	v18 =	vld [tilespmem:s22+$0xA0];
	v10 =	vmul.f32 v10, v8;
	[tilespmem:s21+$0x60] =	vst v13  }
0xd8: {  	v11 =	vmul.f32 v11, v7;
	v19 =	vld [tilespmem:s9+$0x70];
	[tilespmem:s21+$0xD0] =	vst v12  }
0xd9: {  	s19 =	sadd.s32 $0x3, s25;
	v13 =	vmul.f32 v14, v9;
	[tilespmem:s21+$0xFFFFFFE0] =	vst v10;
	v20 =	vld [tilespmem:s9+$0xE0]  }
.Ltmp3:
0xda: {  	s29 =	sadd.s32 $0x1, s25;
	v12 =	vmov s19;
	v10 =	vmov s25;
	v17 =	vmul.f32 v17, v3;
	[tilespmem:s21+$0xFFFFFF60] =	vst v11;
	v14 =	vld [tilespmem:s9+$0xFFFFFFF0];
	(pc) =	sbr.rel @p3 .LBB2_7-.Ltmp3, $4  }
0xdb: {  	v10 =	vand.u32 $0xFFFFFFFC, v10;
	v11 =	vmov s29;
	v15 =	vmul.f32 v15, v5;
	[tilespmem:s6+$0x20] =	vst v13;
	v16 =	vld [tilespmem:s9+$0xFFFFFF70]  }
0xdc: {  	v10 =	vbroadcast v10, $0x0;
	v11 =	vand.u32 $0xFFFFFFFD, v11;
	[tilespmem:s6+$0xFFFFFF20] =	vst v17;
	v17 =	vld [tilespmem:s22+$0x30];
	v18 =	vmul.f32 v18, v2  }
0xdd: {  	v11 =	vbroadcast v11, $0x0;
	v13 =	vld [tilespmem:s22+$0xFFFFFF30];
	[tilespmem:s6+$0xFFFFFFA0] =	vst v15;
	v19 =	vmul.f32 v19, v4;
	v4 =	vmov v9  }
0xde: {  	s19 =	sadd.s32 $0x2, s25;
	s25 =	sadd.s32 $0x4, s25;
	v15 =	vld [tilespmem:s22+$0xFFFFFFB0];
	[tilespmem:s6+$0xA0] =	vst v18;
	v18 =	vmul.f32 v20, v6  }
0xdf: {  	_ = 	snop  }
0xe0: {  	v9 =	vmov s19  }
0xe1: {  	v9 =	vand.u32 $0xFFFFFFFE, v9  }
0xe2: {  	v20 =	vbroadcast v9, $0x0  }
0xe3: {  	v10 =	vld.idx.msk [tilespmem:v10+s26+$0x0], $0xffff  }
0xe4: {  	v11 =	vld.idx.msk [tilespmem:v11+s26+$0x0], $0xffff;
	s29 =	sadd.s32 $0x200, s22  }
0xe5: {  	v50 =	vld [tilespmem:s29+$0x0]  }
0xe6: {  	v21 =	vld [tilespmem:s29+$0xFFFFFF80]  }
0xe7: {  	v9 =	vld.idx.msk [tilespmem:v12+s26+$0x0], $0xffff  }
0xe8: {  	v12 =	vld.idx.msk [tilespmem:v20+s26+$0x0], $0xffff  }
0xe9: {  	v23 =	vld [tilespmem:s29+$0x80]  }
0xea: {  	v22 =	vld [tilespmem:s29+$0xFFFFFF00];
	_ =	sdelay $0x1  }
0xeb: {  	v21 =	vmul.f32 v21, v11  }
0xec: {  	s25 =	sadd.s32 $0x200, s6;
	v20 =	vmul.f32 v50, v12  }
0xed: {  	v23 =	vmul.f32 v23, v9;
	[tilespmem:s25+$0xFFFFFF80] =	vst v21  }
0xee: {  	v22 =	vmul.f32 v22, v10;
	v21 =	vld [tilespmem:s29+$0xFFFFFF90];
	[tilespmem:s25+$0x0] =	vst v20  }
0xef: {  	[tilespmem:s25+$0x80] =	vst v23;
	v20 =	vld [tilespmem:s29+$0x10]  }
0xf0: {  	[tilespmem:s25+$0xFFFFFF00] =	vst v22;
	v23 =	vld [tilespmem:s29+$0x90]  }
0xf1: {  	v22 =	vld [tilespmem:s29+$0xFFFFFF10];
	_ =	sdelay $0x1  }
0xf2: {  	v51 =	vmul.f32 v21, v11  }
0xf3: {  	[tilespmem:s21+$0x70] =	vst v19;
	v20 =	vmul.f32 v20, v12  }
0xf4: {  	v54 =	vmul.f32 v23, v9;
	[tilespmem:s25+$0xFFFFFF90] =	vst v51  }
0xf5: {  	v52 =	vmul.f32 v22, v10;
	v55 =	vld [tilespmem:s29+$0xFFFFFFA0];
	[tilespmem:s25+$0x10] =	vst v20  }
0xf6: {  	[tilespmem:s25+$0x90] =	vst v54;
	v53 =	vld [tilespmem:s29+$0x20]  }
0xf7: {  	v8 =	vmul.f32 v14, v8;
	[tilespmem:s25+$0xFFFFFF10] =	vst v52;
	v57 =	vld [tilespmem:s29+$0xA0]  }
0xf8: {  	v7 =	vmul.f32 v16, v7;
	[tilespmem:s21+$0xE0] =	vst v18;
	v56 =	vld [tilespmem:s29+$0xFFFFFF20]  }
0xf9: {  	v17 =	vmul.f32 v17, v4;
	[tilespmem:s21+$0xFFFFFFF0] =	vst v8  }
0xfa: {  	v59 =	vld [tilespmem:s22+$0xB0];
	[tilespmem:s21+$0xFFFFFF70] =	vst v7;
	v60 =	vmul.f32 v55, v11  }
0xfb: {  	[tilespmem:s6+$0x30] =	vst v17;
	v58 =	vmul.f32 v53, v12  }
0xfc: {  	v18 =	vld [tilespmem:s9+$0xF0];
	v16 =	vmul.f32 v57, v9;
	[tilespmem:s25+$0xFFFFFFA0] =	vst v60  }
0xfd: {  	v14 =	vmul.f32 v56, v10;
	v61 =	vld [tilespmem:s29+$0xFFFFFFB0];
	[tilespmem:s25+$0x20] =	vst v58  }
0xfe: {  	v13 =	vmul.f32 v13, v3;
	[tilespmem:s25+$0xA0] =	vst v16;
	v7 =	vld [tilespmem:s29+$0x30]  }
0xff: {  	v8 =	vmul.f32 v59, v2;
	[tilespmem:s25+$0xFFFFFF20] =	vst v14;
	v63 =	vld [tilespmem:s29+$0xB0]  }
0x100: {  	v15 =	vmul.f32 v15, v5;
	[tilespmem:s6+$0xFFFFFF30] =	vst v13;
	v62 =	vld [tilespmem:s29+$0xFFFFFF30]  }
0x101: {  	v6 =	vmul.f32 v18, v6;
	[tilespmem:s6+$0xB0] =	vst v8;
	v21 =	vld [tilespmem:s22+$0xFFFFFF40]  }
0x102: {  	[tilespmem:s6+$0xFFFFFFB0] =	vst v15;
	v23 =	vld [tilespmem:s22+$0xC0];
	v22 =	vmul.f32 v61, v11  }
0x103: {  	v15 =	vld [tilespmem:s22+$0xFFFFFFC0];
	[tilespmem:s21+$0xF0] =	vst v6;
	v7 =	vmul.f32 v7, v12  }
0x104: {  	v20 =	vld [tilespmem:s22+$0x40];
	v13 =	vmul.f32 v63, v9;
	[tilespmem:s25+$0xFFFFFFB0] =	vst v22  }
0x105: {  	v17 =	vmul.f32 v62, v10;
	v25 =	vld [tilespmem:s29+$0xFFFFFFC0];
	[tilespmem:s25+$0x30] =	vst v7  }
0x106: {  	v8 =	vmul.f32 v21, v3;
	[tilespmem:s25+$0xB0] =	vst v13;
	v7 =	vld [tilespmem:s29+$0x40]  }
0x107: {  	v14 =	vmul.f32 v23, v2;
	[tilespmem:s25+$0xFFFFFF30] =	vst v17;
	v26 =	vld [tilespmem:s29+$0xC0]  }
0x108: {  	v15 =	vmul.f32 v15, v5;
	[tilespmem:s6+$0xFFFFFF40] =	vst v8;
	v17 =	vld [tilespmem:s29+$0xFFFFFF40]  }
0x109: {  	v29 =	vld [tilespmem:s22+$0xFFFFFF50];
	[tilespmem:s6+$0xC0] =	vst v14;
	v24 =	vmul.f32 v20, v4  }
0x10a: {  	[tilespmem:s6+$0xFFFFFFC0] =	vst v15;
	v31 =	vld [tilespmem:s22+$0xD0];
	v30 =	vmul.f32 v25, v11  }
0x10b: {  	v28 =	vld [tilespmem:s22+$0xFFFFFFD0];
	[tilespmem:s6+$0x40] =	vst v24;
	v7 =	vmul.f32 v7, v12  }
0x10c: {  	v27 =	vld [tilespmem:s22+$0x50];
	v6 =	vmul.f32 v26, v9;
	[tilespmem:s25+$0xFFFFFFC0] =	vst v30  }
0x10d: {  	v17 =	vmul.f32 v17, v10;
	v14 =	vld [tilespmem:s29+$0xFFFFFFD0];
	[tilespmem:s25+$0x40] =	vst v7  }
0x10e: {  	v32 =	vmul.f32 v29, v3;
	[tilespmem:s25+$0xC0] =	vst v6;
	v7 =	vld [tilespmem:s29+$0x50]  }
0x10f: {  	v35 =	vmul.f32 v31, v2;
	[tilespmem:s25+$0xFFFFFF40] =	vst v17;
	v33 =	vld [tilespmem:s29+$0xD0]  }
0x110: {  	v8 =	vmul.f32 v28, v5;
	[tilespmem:s6+$0xFFFFFF50] =	vst v32;
	v17 =	vld [tilespmem:s29+$0xFFFFFF50]  }
0x111: {  	v37 =	vld [tilespmem:s22+$0xFFFFFF60];
	[tilespmem:s6+$0xD0] =	vst v35;
	v13 =	vmul.f32 v27, v4  }
0x112: {  	[tilespmem:s6+$0xFFFFFFD0] =	vst v8;
	v39 =	vld [tilespmem:s22+$0xE0];
	v38 =	vmul.f32 v14, v11  }
0x113: {  	v36 =	vld [tilespmem:s22+$0xFFFFFFE0];
	[tilespmem:s6+$0x50] =	vst v13;
	v7 =	vmul.f32 v7, v12  }
0x114: {  	v34 =	vld [tilespmem:s22+$0x60];
	v42 =	vmul.f32 v33, v9;
	[tilespmem:s25+$0xFFFFFFD0] =	vst v38  }
0x115: {  	v40 =	vmul.f32 v17, v10;
	v44 =	vld [tilespmem:s29+$0xFFFFFFE0];
	[tilespmem:s25+$0x50] =	vst v7  }
0x116: {  	v46 =	vmul.f32 v37, v3;
	[tilespmem:s25+$0xD0] =	vst v42;
	v41 =	vld [tilespmem:s29+$0x60]  }
0x117: {  	v49 =	vmul.f32 v39, v2;
	[tilespmem:s25+$0xFFFFFF50] =	vst v40;
	v47 =	vld [tilespmem:s29+$0xE0]  }
0x118: {  	[tilespmem:s6+$0xFFFFFF60] =	vst v46;
	v6 =	vmul.f32 v36, v5;
	v45 =	vld [tilespmem:s29+$0xFFFFFF60]  }
0x119: {  	v52 =	vld [tilespmem:s22+$0xFFFFFF70];
	[tilespmem:s6+$0xE0] =	vst v49;
	v43 =	vmul.f32 v34, v4  }
0x11a: {  	[tilespmem:s6+$0xFFFFFFE0] =	vst v6;
	v54 =	vld [tilespmem:s22+$0xF0];
	v53 =	vmul.f32 v44, v11  }
0x11b: {  	v50 =	vld [tilespmem:s22+$0xFFFFFFF0];
	[tilespmem:s6+$0x60] =	vst v43;
	v51 =	vmul.f32 v41, v12  }
0x11c: {  	v48 =	vld [tilespmem:s22+$0x70];
	v57 =	vmul.f32 v47, v9;
	[tilespmem:s25+$0xFFFFFFE0] =	vst v53  }
0x11d: {  	v55 =	vmul.f32 v45, v10;
	v59 =	vld [tilespmem:s29+$0xFFFFFFF0];
	[tilespmem:s25+$0x60] =	vst v51  }
0x11e: {  	v3 =	vmul.f32 v52, v3;
	[tilespmem:s25+$0xE0] =	vst v57;
	v56 =	vld [tilespmem:s29+$0x70]  }
0x11f: {  	v2 =	vmul.f32 v54, v2;
	[tilespmem:s25+$0xFFFFFF60] =	vst v55;
	v62 =	vld [tilespmem:s29+$0xF0]  }
0x120: {  	[tilespmem:s6+$0xFFFFFF70] =	vst v3;
	v60 =	vmul.f32 v50, v5;
	v61 =	vld [tilespmem:s29+$0xFFFFFF70]  }
0x121: {  	[tilespmem:s6+$0xF0] =	vst v2;
	v58 =	vmul.f32 v48, v4  }
0x122: {  	[tilespmem:s6+$0xFFFFFFF0] =	vst v60;
	v2 =	vmul.f32 v59, v11  }
0x123: {  	[tilespmem:s6+$0x70] =	vst v58;
	v3 =	vmul.f32 v56, v12  }
0x124: {  	[tilespmem:s25+$0xFFFFFFF0] =	vst v2;
	v2 =	vmul.f32 v62, v9  }
0x125: {  	[tilespmem:s25+$0x70] =	vst v3;
	v3 =	vmul.f32 v61, v10  }
0x126: {  	[tilespmem:s25+$0xF0] =	vst v2  }
0x127: {  	[tilespmem:s25+$0xFFFFFF70] =	vst v3  }
0x128: {  	v2 =	vld [tilespmem:$0xA0]  }
0x129: {  	v3 =	vld [tilespmem:$0xB0]  }
0x12a: {  	v63 =	vld [tilespmem:$0xC0]  }
0x12b: {  	v5 =	vld [tilespmem:$0xD0]  }
0x12c: {  	v6 =	vld [tilespmem:$0xE0]  }
0x12d: {  	p3 =	sne.s32 s10, $0x7C;
	[tilespmem:$0x1E0] =	vst v2  }
.Ltmp4:
0x12e: {  	[tilespmem:$0x1F0] =	vst v3;
	(pc) =	sbr.rel @p3 .LBB2_10-.Ltmp4, $4  }
0x12f: {  	[tilespmem:$0x200] =	vst v63  }
0x130: {  	[tilespmem:$0x210] =	vst v5  }
0x131: {  	[tilespmem:$0x220] =	vst v6  }
0x132: {  	[spmem:s3] =	stream.indirect.scatter.add.f32 [tilespmem:s23], [sflag:$0x5], $0x80, s12, s28, $0xb8;
	[tilespmem:$0x1DB00] =	vst v63  }
.Ltmp5:
0x133: {  	(pc) =	sbr.rel .LBB2_11-.Ltmp5, $4  }
0x134: {  	_ = 	snop  }
0x135: {  	_ =	swait.ge [sflag:s13], $0x2800  }
0x136: {  	[sflag:s13] =	ssyncset.done $0x0  }
0x137: {  	[sflag:s13] =	ssyncadd.s32 $0xFFFFD800  }
.LBB2_10:
0x138: {  	s6 =	rddreg [dreg:$0xe]  }
0x139: {  	s6 =	sadd.s32 s18, s6  }
0x13a: {  	s6 =	smul.u32 $0xA, s6;
	_ =	sdelay $0x1  }
0x13b: {  	s9 =	sadd.s32 s5, s6  }
0x13c: {  	[tilespmem:s4], [sflag:$0x1] =	stream.linear.gather [hbm4b:s9+s4], $0x50, $0x38;
	[tilespmem:$0x1DB00] =	vst v63  }
0x13d: {  	s19 =	simm.s32 $0xA0;
	s25 =	sadd.s32 s2, s6  }
0x13e: {  	[tilespmem:s19], [sflag:$0x1] =	stream.linear.gather [hbm4b:s25+s4], $0x50, $0x38;
	[tilespmem:$0x1DB00] =	vst v63  }
0x13f: {  	s6 =	sadd.s32 s7, s6  }
0x140: {  	[tilespmem:s26], [sflag:$0x1] =	stream.linear.gather [hbm4b:s6+s4], $0x50, $0x38;
	[tilespmem:$0x1DB00] =	vst v63  }
0x141: {  	_ =	swait.ge [sflag:s31], $0x50  }
0x142: {  	[sflag:s31] =	ssyncset.done $0x0  }
0x143: {  	[sflag:s31] =	ssyncadd.s32 $0xFFFFFFB0  }
0x144: {  	_ =	swait.ge [sflag:s31], $0x50  }
0x145: {  	[sflag:s31] =	ssyncset.done $0x0  }
0x146: {  	[sflag:s31] =	ssyncadd.s32 $0xFFFFFFB0  }
0x147: {  	_ =	swait.ge [sflag:s31], $0x50  }
0x148: {  	[sflag:s31] =	ssyncset.done $0x0  }
0x149: {  	[sflag:s31] =	ssyncadd.s32 $0xFFFFFFB0  }
0x14a: {  	v2 =	vld [tilespmem:$0x0]  }
0x14b: {  	v3 =	vld [tilespmem:$0x10]  }
0x14c: {  	v4 =	vld [tilespmem:$0x20]  }
0x14d: {  	v5 =	vld [tilespmem:$0x30]  }
0x14e: {  	v6 =	vld [tilespmem:$0x40]  }
0x14f: {  	v2 =	vadd.s32 v0, v2  }
0x150: {  	[tilespmem:$0x0] =	vst v2;
	v2 =	vadd.s32 v0, v3  }
0x151: {  	[tilespmem:$0x10] =	vst v2;
	v2 =	vadd.s32 v0, v4  }
0x152: {  	[tilespmem:$0x20] =	vst v2;
	v2 =	vadd.s32 v0, v5  }
0x153: {  	[tilespmem:$0x30] =	vst v2;
	v2 =	vadd.s32 v0, v6  }
.Ltmp6:
0x154: {  	s29 =	simm.s32 $0x280;
	[tilespmem:$0x40] =	vst v2;
	(pc) =	sbr.rel @p2 .LBB2_12-.Ltmp6, $4  }
0x155: {  	[tilespmem:s29], [sflag:$0x3] =	stream.indirect.gather [hbm4b:s8+s28], $0x80, s4, s28, $0xb8;
	[tilespmem:$0x1DB00] =	vst v63  }
0x156: {  	_ =	swait.ge [sflag:s13], $0x2800  }
0x157: {  	[sflag:s13] =	ssyncset.done $0x0  }
0x158: {  	[sflag:s13] =	ssyncadd.s32 $0xFFFFD800  }
.LBB2_11:
0x159: {  	_ =	swait.ge [sflag:s14], $0x2800  }
0x15a: {  	[sflag:s14] =	ssyncset.done $0x0  }
0x15b: {  	[sflag:s14] =	ssyncadd.s32 $0xFFFFD800  }
.LBB2_12:
0x15c: {  	s6 =	simm.s32 $0x0  }
0x15d: {  	s25 =	simm.s32 $0x1;
	v2 =	vmov s6  }
0x15e: {  	s29 =	simm.s32 $0x2;
	v3 =	vmov s25;
	v2 =	vand.u32 $0xFFFFFFFC, v2  }
0x15f: {  	v4 =	vmov s29;
	v3 =	vand.u32 $0xFFFFFFFD, v3;
	v2 =	vbroadcast v2, $0x0  }
0x160: {  	v4 =	vand.u32 $0xFFFFFFFE, v4;
	v3 =	vbroadcast v3, $0x0  }
0x161: {  	v4 =	vbroadcast v4, $0x0;
	_ =	sdelay $0x3  }
0x162: {  	v7 =	vld.idx.msk [tilespmem:v2+s30+$0x0], $0xffff  }
0x163: {  	s9 =	simm.s32 $0x3;
	v8 =	vld.idx.msk [tilespmem:v3+s30+$0x0], $0xffff  }
0x164: {  	v2 =	vmov s9;
	s9 =	simm.s32 $0x2B80;
	v9 =	vld.idx.msk [tilespmem:v4+s30+$0x0], $0xffff  }
0x165: {  	v3 =	vld [tilespmem:s9+$0x0]  }
0x166: {  	v4 =	vld [tilespmem:s9+$0xFFFFFF00]  }
0x167: {  	v5 =	vld [tilespmem:s9+$0xFFFFFF80];
	_ =	sdelay $0x1  }
0x168: {  	v6 =	vld.idx.msk [tilespmem:v2+s30+$0x0], $0xffff  }
0x169: {  	v2 =	vld [tilespmem:s9+$0x80];
	v3 =	vmul.f32 v3, v9  }
0x16a: {  	s21 =	simm.s32 $0x7B80;
	v4 =	vmul.f32 v4, v7  }
0x16b: {  	v5 =	vmul.f32 v5, v8;
	[tilespmem:s21+$0x0] =	vst v3  }
0x16c: {  	[tilespmem:s21+$0xFFFFFF00] =	vst v4;
	v3 =	vld [tilespmem:s9+$0x10]  }
0x16d: {  	[tilespmem:s21+$0xFFFFFF80] =	vst v5;
	v4 =	vld [tilespmem:s9+$0xFFFFFF10]  }
0x16e: {  	v5 =	vld [tilespmem:s9+$0xFFFFFF90];
	v2 =	vmul.f32 v2, v6;
	_ =	sdelay $0x1  }
0x16f: {  	[tilespmem:s21+$0x80] =	vst v2  }
0x170: {  	v2 =	vld [tilespmem:s9+$0x90];
	v3 =	vmul.f32 v3, v9  }
0x171: {  	v4 =	vmul.f32 v4, v7  }
0x172: {  	v5 =	vmul.f32 v5, v8;
	[tilespmem:s21+$0x10] =	vst v3  }
0x173: {  	[tilespmem:s21+$0xFFFFFF10] =	vst v4;
	v3 =	vld [tilespmem:s9+$0x20]  }
0x174: {  	[tilespmem:s21+$0xFFFFFF90] =	vst v5;
	v4 =	vld [tilespmem:s9+$0xFFFFFF20]  }
0x175: {  	v5 =	vld [tilespmem:s9+$0xFFFFFFA0];
	v2 =	vmul.f32 v2, v6;
	_ =	sdelay $0x1  }
0x176: {  	[tilespmem:s21+$0x90] =	vst v2  }
0x177: {  	s19 =	simm.s32 $0x4;
	v2 =	vld [tilespmem:s9+$0xA0];
	v3 =	vmul.f32 v3, v9  }
0x178: {  	s22 =	simm.s32 $0x5;
	v10 =	vmov s19;
	v4 =	vmul.f32 v4, v7  }
0x179: {  	s19 =	simm.s32 $0x7;
	v11 =	vmov s22;
	v10 =	vand.u32 $0xFFFFFFFC, v10;
	v5 =	vmul.f32 v5, v8;
	[tilespmem:s21+$0x20] =	vst v3  }
0x17a: {  	v11 =	vand.u32 $0xFFFFFFFD, v11;
	v10 =	vbroadcast v10, $0x0;
	v3 =	vmov s19;
	[tilespmem:s21+$0xFFFFFF20] =	vst v4;
	v4 =	vld [tilespmem:s9+$0x30]  }
0x17b: {  	v11 =	vbroadcast v11, $0x0;
	[tilespmem:s21+$0xFFFFFFA0] =	vst v5;
	v12 =	vld [tilespmem:s9+$0xFFFFFF30]  }
0x17c: {  	v13 =	vld [tilespmem:s9+$0xFFFFFFB0];
	v2 =	vmul.f32 v2, v6  }
0x17d: {  	s25 =	simm.s32 $0x6  }
0x17e: {  	[tilespmem:s21+$0xA0] =	vst v2;
	v2 =	vmov s25  }
0x17f: {  	v5 =	vand.u32 $0xFFFFFFFE, v2;
	v2 =	vld.idx.msk [tilespmem:v3+s30+$0x0], $0xffff;
	v4 =	vmul.f32 v4, v9  }
0x180: {  	v3 =	vld.idx.msk [tilespmem:v10+s30+$0x0], $0xffff;
	v10 =	vmul.f32 v12, v7  }
0x181: {  	v15 =	vbroadcast v5, $0x0;
	v5 =	vld.idx.msk [tilespmem:v11+s30+$0x0], $0xffff;
	v11 =	vmul.f32 v13, v8;
	[tilespmem:s21+$0x30] =	vst v4  }
0x182: {  	v14 =	vld [tilespmem:s9+$0xB0];
	[tilespmem:s21+$0xFFFFFF30] =	vst v10  }
0x183: {  	[tilespmem:s21+$0xFFFFFFB0] =	vst v11;
	v10 =	vld [tilespmem:s9+$0x40]  }
0x184: {  	s22 =	simm.s32 $0x2D80;
	v11 =	vld [tilespmem:s9+$0xFFFFFFC0]  }
0x185: {  	v13 =	vld [tilespmem:s22+$0x0]  }
0x186: {  	v12 =	vld [tilespmem:s9+$0xFFFFFF40]  }
0x187: {  	v14 =	vmul.f32 v14, v6;
	v4 =	vld.idx.msk [tilespmem:v15+s30+$0x0], $0xffff  }
0x188: {  	v15 =	vld [tilespmem:s22+$0xFFFFFF00];
	v10 =	vmul.f32 v10, v9  }
0x189: {  	v16 =	vld [tilespmem:s22+$0xFFFFFF80];
	[tilespmem:s21+$0xB0] =	vst v14;
	v11 =	vmul.f32 v11, v8  }
0x18a: {  	v17 =	vld [tilespmem:s22+$0x80];
	[tilespmem:s21+$0x40] =	vst v10  }
0x18b: {  	v10 =	vmul.f32 v12, v7;
	[tilespmem:s21+$0xFFFFFFC0] =	vst v11;
	v11 =	vld [tilespmem:s9+$0xC0]  }
0x18c: {  	v12 =	vld [tilespmem:s9+$0x50];
	v13 =	vmul.f32 v13, v4  }
0x18d: {  	s6 =	simm.s32 $0x7D80;
	v14 =	vld [tilespmem:s9+$0xFFFFFFD0];
	[tilespmem:s21+$0xFFFFFF40] =	vst v10;
	v10 =	vmul.f32 v15, v3  }
0x18e: {  	v15 =	vmul.f32 v16, v5;
	[tilespmem:s6+$0x0] =	vst v13;
	v13 =	vld [tilespmem:s9+$0xFFFFFF50]  }
0x18f: {  	v16 =	vmul.f32 v17, v2;
	[tilespmem:s6+$0xFFFFFF00] =	vst v10;
	v10 =	vld [tilespmem:s22+$0x10]  }
0x190: {  	[tilespmem:s6+$0xFFFFFF80] =	vst v15;
	v17 =	vld [tilespmem:s22+$0xFFFFFF10];
	v11 =	vmul.f32 v11, v6  }
0x191: {  	[tilespmem:s6+$0x80] =	vst v16;
	v15 =	vld [tilespmem:s22+$0xFFFFFF90];
	v12 =	vmul.f32 v12, v9  }
0x192: {  	v16 =	vld [tilespmem:s22+$0x90];
	v14 =	vmul.f32 v14, v8;
	[tilespmem:s21+$0xC0] =	vst v11  }
0x193: {  	[tilespmem:s21+$0x50] =	vst v12;
	v12 =	vmul.f32 v13, v7;
	v11 =	vld [tilespmem:s9+$0xD0]  }
0x194: {  	[tilespmem:s21+$0xFFFFFFD0] =	vst v14;
	v13 =	vld [tilespmem:s9+$0x60];
	v10 =	vmul.f32 v10, v4  }
0x195: {  	v14 =	vmul.f32 v17, v3;
	[tilespmem:s21+$0xFFFFFF50] =	vst v12;
	v12 =	vld [tilespmem:s9+$0xFFFFFFE0]  }
0x196: {  	v15 =	vmul.f32 v15, v5;
	[tilespmem:s6+$0x10] =	vst v10;
	v10 =	vld [tilespmem:s9+$0xFFFFFF60]  }
0x197: {  	v16 =	vmul.f32 v16, v2;
	[tilespmem:s6+$0xFFFFFF10] =	vst v14;
	v14 =	vld [tilespmem:s22+$0x20]  }
0x198: {  	[tilespmem:s6+$0xFFFFFF90] =	vst v15;
	v17 =	vld [tilespmem:s22+$0xFFFFFF20];
	v11 =	vmul.f32 v11, v6  }
0x199: {  	[tilespmem:s6+$0x90] =	vst v16;
	v13 =	vmul.f32 v13, v9  }
0x19a: {  	v18 =	vld [tilespmem:s22+$0xFFFFFFA0];
	v12 =	vmul.f32 v12, v8;
	[tilespmem:s21+$0xD0] =	vst v11  }
0x19b: {  	v19 =	vld [tilespmem:s22+$0xA0];
	[tilespmem:s21+$0x60] =	vst v13;
	v10 =	vmul.f32 v10, v7  }
0x19c: {  	v20 =	vld [tilespmem:s9+$0x70];
	v11 =	vmul.f32 v14, v4;
	[tilespmem:s21+$0xFFFFFFE0] =	vst v12  }
0x19d: {  	s29 =	simm.s32 $0x8;
	s25 =	simm.s32 $0x9;
	v21 =	vld [tilespmem:s9+$0xE0];
	v12 =	vmul.f32 v17, v3;
	[tilespmem:s21+$0xFFFFFF60] =	vst v10  }
0x19e: {  	v13 =	vmov s25;
	v15 =	vld [tilespmem:s9+$0xFFFFFFF0];
	v10 =	vmov s29;
	s29 =	simm.s32 $0xB;
	[tilespmem:s6+$0x20] =	vst v11  }
0x19f: {  	v14 =	vmul.f32 v18, v5;
	v16 =	vld [tilespmem:s9+$0xFFFFFF70];
	v10 =	vand.u32 $0xFFFFFFFC, v10;
	[tilespmem:s6+$0xFFFFFF20] =	vst v12;
	v12 =	vmov s29  }
0x1a0: {  	v18 =	vmul.f32 v19, v2;
	v11 =	vand.u32 $0xFFFFFFFD, v13;
	v17 =	vld [tilespmem:s22+$0x30];
	v10 =	vbroadcast v10, $0x0  }
0x1a1: {  	v11 =	vbroadcast v11, $0x0;
	[tilespmem:s6+$0xFFFFFFA0] =	vst v14;
	v13 =	vld [tilespmem:s22+$0xFFFFFF30];
	v19 =	vmul.f32 v20, v9  }
0x1a2: {  	s19 =	simm.s32 $0xA;
	s25 =	simm.s32 $0xC;
	[tilespmem:s6+$0xA0] =	vst v18;
	v14 =	vld [tilespmem:s22+$0xFFFFFFB0];
	v18 =	vmul.f32 v21, v6  }
.LBB2_13:
0x1a3: {  	p2 =	slt.u32 s25, $0x4C;
	v9 =	vmov s19;
	v20 =	vld [tilespmem:s22+$0xB0];
	v15 =	vmul.f32 v15, v8;
	[tilespmem:s21+$0x70] =	vst v19;
	v8 =	vmov v5  }
0x1a4: {  	v5 =	vand.u32 $0xFFFFFFFE, v9;
	v9 =	vld.idx.msk [tilespmem:v12+s30+$0x0], $0xffff;
	v12 =	vmul.f32 v16, v7;
	[tilespmem:s21+$0xE0] =	vst v18;
	v7 =	vmov v3  }
0x1a5: {  	v16 =	vbroadcast v5, $0x0;
	v17 =	vmul.f32 v17, v4;
	[tilespmem:s21+$0xFFFFFFF0] =	vst v15;
	v15 =	vld [tilespmem:s9+$0xF0];
	s9 =	smov.u32 s22  }
0x1a6: {  	v3 =	vld.idx.msk [tilespmem:v10+s30+$0x0], $0xffff;
	v10 =	vmul.f32 v13, v7;
	[tilespmem:s21+$0xFFFFFF70] =	vst v12  }
0x1a7: {  	v5 =	vld.idx.msk [tilespmem:v11+s30+$0x0], $0xffff;
	v11 =	vmul.f32 v14, v8;
	[tilespmem:s6+$0x30] =	vst v17  }
0x1a8: {  	[tilespmem:s6+$0xFFFFFF30] =	vst v10;
	v10 =	vld [tilespmem:s22+$0x40];
	v12 =	vmul.f32 v20, v2  }
0x1a9: {  	v13 =	vld [tilespmem:s22+$0xFFFFFF40];
	[tilespmem:s6+$0xFFFFFFB0] =	vst v11  }
0x1aa: {  	v11 =	vld [tilespmem:s22+$0xFFFFFFC0];
	[tilespmem:s6+$0xB0] =	vst v12;
	v12 =	vmul.f32 v15, v6;
	v6 =	vmov v2;
	v2 =	vmov v9  }
0x1ab: {  	s22 =	sadd.s32 $0x200, s22;
	v9 =	vld.idx.msk [tilespmem:v16+s30+$0x0], $0xffff  }
0x1ac: {  	v14 =	vld [tilespmem:s22+$0x0];
	[tilespmem:s21+$0xF0] =	vst v12;
	s21 =	smov.u32 s6  }
0x1ad: {  	v12 =	vld [tilespmem:s22+$0xFFFFFF00];
	v10 =	vmul.f32 v10, v4  }
0x1ae: {  	v15 =	vld [tilespmem:s22+$0xFFFFFF80];
	v13 =	vmul.f32 v13, v7  }
0x1af: {  	v16 =	vld [tilespmem:s22+$0x80];
	v11 =	vmul.f32 v11, v8;
	[tilespmem:s6+$0x40] =	vst v10  }
0x1b0: {  	[tilespmem:s6+$0xFFFFFF40] =	vst v13;
	v10 =	vld [tilespmem:s9+$0x50]  }
0x1b1: {  	v13 =	vmul.f32 v14, v9;
	[tilespmem:s6+$0xFFFFFFC0] =	vst v11;
	v11 =	vld [tilespmem:s9+$0xC0]  }
0x1b2: {  	s6 =	sadd.s32 $0x200, s6;
	v12 =	vmul.f32 v12, v3;
	v14 =	vld [tilespmem:s9+$0xFFFFFFD0]  }
0x1b3: {  	v15 =	vmul.f32 v15, v5;
	[tilespmem:s6+$0x0] =	vst v13;
	v13 =	vld [tilespmem:s9+$0xFFFFFF50]  }
0x1b4: {  	[tilespmem:s6+$0xFFFFFF00] =	vst v12;
	v12 =	vld [tilespmem:s22+$0x10];
	v16 =	vmul.f32 v16, v2  }
0x1b5: {  	v17 =	vld [tilespmem:s22+$0xFFFFFF10];
	[tilespmem:s6+$0xFFFFFF80] =	vst v15;
	v10 =	vmul.f32 v10, v4  }
0x1b6: {  	v15 =	vld [tilespmem:s22+$0xFFFFFF90];
	[tilespmem:s6+$0x80] =	vst v16;
	v11 =	vmul.f32 v11, v6  }
0x1b7: {  	v16 =	vld [tilespmem:s22+$0x90];
	v14 =	vmul.f32 v14, v8;
	[tilespmem:s21+$0x50] =	vst v10  }
0x1b8: {  	v10 =	vmul.f32 v13, v7;
	v13 =	vld [tilespmem:s9+$0x60];
	[tilespmem:s21+$0xC0] =	vst v11  }
0x1b9: {  	v11 =	vmul.f32 v12, v9;
	[tilespmem:s21+$0xFFFFFFD0] =	vst v14;
	v12 =	vld [tilespmem:s9+$0xD0]  }
0x1ba: {  	v14 =	vmul.f32 v17, v3;
	[tilespmem:s21+$0xFFFFFF50] =	vst v10;
	v10 =	vld [tilespmem:s9+$0xFFFFFFE0]  }
0x1bb: {  	v15 =	vmul.f32 v15, v5;
	[tilespmem:s6+$0x10] =	vst v11;
	v11 =	vld [tilespmem:s9+$0xFFFFFF60]  }
0x1bc: {  	[tilespmem:s6+$0xFFFFFF10] =	vst v14;
	v14 =	vld [tilespmem:s22+$0x20];
	v16 =	vmul.f32 v16, v2  }
0x1bd: {  	v17 =	vld [tilespmem:s22+$0xFFFFFF20];
	[tilespmem:s6+$0xFFFFFF90] =	vst v15;
	v13 =	vmul.f32 v13, v4  }
0x1be: {  	v18 =	vld [tilespmem:s22+$0xFFFFFFA0];
	[tilespmem:s6+$0x90] =	vst v16;
	v12 =	vmul.f32 v12, v6  }
0x1bf: {  	v19 =	vld [tilespmem:s22+$0xA0];
	v10 =	vmul.f32 v10, v8;
	[tilespmem:s21+$0x60] =	vst v13  }
0x1c0: {  	v11 =	vmul.f32 v11, v7;
	v20 =	vld [tilespmem:s9+$0x70];
	[tilespmem:s21+$0xD0] =	vst v12  }
0x1c1: {  	s19 =	sadd.s32 $0x3, s25;
	v13 =	vmul.f32 v14, v9;
	[tilespmem:s21+$0xFFFFFFE0] =	vst v10;
	v21 =	vld [tilespmem:s9+$0xE0]  }
.Ltmp7:
0x1c2: {  	s29 =	sadd.s32 $0x1, s25;
	v12 =	vmov s19;
	v10 =	vmov s25;
	v14 =	vmul.f32 v17, v3;
	[tilespmem:s21+$0xFFFFFF60] =	vst v11;
	v15 =	vld [tilespmem:s9+$0xFFFFFFF0];
	(pc) =	sbr.rel @p2 .LBB2_13-.Ltmp7, $4  }
0x1c3: {  	v10 =	vand.u32 $0xFFFFFFFC, v10;
	v11 =	vmov s29;
	v18 =	vmul.f32 v18, v5;
	[tilespmem:s6+$0x20] =	vst v13;
	v16 =	vld [tilespmem:s9+$0xFFFFFF70]  }
0x1c4: {  	v10 =	vbroadcast v10, $0x0;
	v11 =	vand.u32 $0xFFFFFFFD, v11;
	[tilespmem:s6+$0xFFFFFF20] =	vst v14;
	v17 =	vld [tilespmem:s22+$0x30];
	v22 =	vmul.f32 v19, v2  }
0x1c5: {  	v11 =	vbroadcast v11, $0x0;
	v13 =	vld [tilespmem:s22+$0xFFFFFF30];
	[tilespmem:s6+$0xFFFFFFA0] =	vst v18;
	v19 =	vmul.f32 v20, v4;
	v4 =	vmov v9  }
0x1c6: {  	s19 =	sadd.s32 $0x2, s25;
	s25 =	sadd.s32 $0x4, s25;
	v14 =	vld [tilespmem:s22+$0xFFFFFFB0];
	[tilespmem:s6+$0xA0] =	vst v22;
	v18 =	vmul.f32 v21, v6  }
0x1c7: {  	_ = 	snop  }
0x1c8: {  	v9 =	vmov s19  }
0x1c9: {  	v9 =	vand.u32 $0xFFFFFFFE, v9  }
0x1ca: {  	v20 =	vbroadcast v9, $0x0  }
0x1cb: {  	v10 =	vld.idx.msk [tilespmem:v10+s30+$0x0], $0xffff  }
0x1cc: {  	v11 =	vld.idx.msk [tilespmem:v11+s30+$0x0], $0xffff;
	s29 =	sadd.s32 $0x200, s22  }
0x1cd: {  	v49 =	vld [tilespmem:s29+$0x0]  }
0x1ce: {  	v21 =	vld [tilespmem:s29+$0xFFFFFF80]  }
0x1cf: {  	v9 =	vld.idx.msk [tilespmem:v12+s30+$0x0], $0xffff  }
0x1d0: {  	v12 =	vld.idx.msk [tilespmem:v20+s30+$0x0], $0xffff  }
0x1d1: {  	v23 =	vld [tilespmem:s29+$0x80]  }
0x1d2: {  	v22 =	vld [tilespmem:s29+$0xFFFFFF00];
	_ =	sdelay $0x1  }
0x1d3: {  	v21 =	vmul.f32 v21, v11  }
0x1d4: {  	s25 =	sadd.s32 $0x200, s6;
	v20 =	vmul.f32 v49, v12  }
0x1d5: {  	v23 =	vmul.f32 v23, v9;
	[tilespmem:s25+$0xFFFFFF80] =	vst v21  }
0x1d6: {  	v22 =	vmul.f32 v22, v10;
	v21 =	vld [tilespmem:s29+$0xFFFFFF90];
	[tilespmem:s25+$0x0] =	vst v20  }
0x1d7: {  	[tilespmem:s25+$0x80] =	vst v23;
	v20 =	vld [tilespmem:s29+$0x10]  }
0x1d8: {  	[tilespmem:s25+$0xFFFFFF00] =	vst v22;
	v23 =	vld [tilespmem:s29+$0x90]  }
0x1d9: {  	v22 =	vld [tilespmem:s29+$0xFFFFFF10];
	_ =	sdelay $0x1  }
0x1da: {  	v50 =	vmul.f32 v21, v11  }
0x1db: {  	[tilespmem:s21+$0x70] =	vst v19;
	v20 =	vmul.f32 v20, v12  }
0x1dc: {  	v53 =	vmul.f32 v23, v9;
	[tilespmem:s25+$0xFFFFFF90] =	vst v50  }
0x1dd: {  	v51 =	vmul.f32 v22, v10;
	v54 =	vld [tilespmem:s29+$0xFFFFFFA0];
	[tilespmem:s25+$0x10] =	vst v20  }
0x1de: {  	[tilespmem:s25+$0x90] =	vst v53;
	v52 =	vld [tilespmem:s29+$0x20]  }
0x1df: {  	v8 =	vmul.f32 v15, v8;
	[tilespmem:s25+$0xFFFFFF10] =	vst v51;
	v56 =	vld [tilespmem:s29+$0xA0]  }
0x1e0: {  	v7 =	vmul.f32 v16, v7;
	[tilespmem:s21+$0xE0] =	vst v18;
	v55 =	vld [tilespmem:s29+$0xFFFFFF20]  }
0x1e1: {  	v58 =	vld [tilespmem:s22+$0xB0];
	v17 =	vmul.f32 v17, v4;
	[tilespmem:s21+$0xFFFFFFF0] =	vst v8  }
0x1e2: {  	[tilespmem:s21+$0xFFFFFF70] =	vst v7;
	v59 =	vmul.f32 v54, v11  }
0x1e3: {  	[tilespmem:s6+$0x30] =	vst v17;
	v57 =	vmul.f32 v52, v12  }
0x1e4: {  	v18 =	vld [tilespmem:s9+$0xF0];
	v16 =	vmul.f32 v56, v9;
	[tilespmem:s25+$0xFFFFFFA0] =	vst v59  }
0x1e5: {  	v15 =	vmul.f32 v55, v10;
	v60 =	vld [tilespmem:s29+$0xFFFFFFB0];
	[tilespmem:s25+$0x20] =	vst v57  }
0x1e6: {  	v8 =	vmul.f32 v58, v2;
	[tilespmem:s25+$0xA0] =	vst v16;
	v7 =	vld [tilespmem:s29+$0x30]  }
0x1e7: {  	v13 =	vmul.f32 v13, v3;
	[tilespmem:s25+$0xFFFFFF20] =	vst v15;
	v62 =	vld [tilespmem:s29+$0xB0]  }
0x1e8: {  	v14 =	vmul.f32 v14, v5;
	[tilespmem:s6+$0xB0] =	vst v8;
	v61 =	vld [tilespmem:s29+$0xFFFFFF30]  }
0x1e9: {  	[tilespmem:s6+$0xFFFFFF30] =	vst v13;
	v6 =	vmul.f32 v18, v6;
	v22 =	vld [tilespmem:s22+$0xC0]  }
0x1ea: {  	v63 =	vld [tilespmem:s22+$0x40];
	[tilespmem:s6+$0xFFFFFFB0] =	vst v14;
	v21 =	vmul.f32 v60, v11  }
0x1eb: {  	v14 =	vld [tilespmem:s22+$0xFFFFFFC0];
	[tilespmem:s21+$0xF0] =	vst v6;
	v7 =	vmul.f32 v7, v12  }
0x1ec: {  	v20 =	vld [tilespmem:s22+$0xFFFFFF40];
	v13 =	vmul.f32 v62, v9;
	[tilespmem:s25+$0xFFFFFFB0] =	vst v21  }
0x1ed: {  	v17 =	vmul.f32 v61, v10;
	v24 =	vld [tilespmem:s29+$0xFFFFFFC0];
	[tilespmem:s25+$0x30] =	vst v7  }
0x1ee: {  	v27 =	vmul.f32 v22, v2;
	[tilespmem:s25+$0xB0] =	vst v13;
	v7 =	vld [tilespmem:s29+$0x40]  }
0x1ef: {  	v23 =	vmul.f32 v63, v4;
	[tilespmem:s25+$0xFFFFFF30] =	vst v17;
	v25 =	vld [tilespmem:s29+$0xC0]  }
0x1f0: {  	v14 =	vmul.f32 v14, v5;
	[tilespmem:s6+$0xC0] =	vst v27;
	v17 =	vld [tilespmem:s29+$0xFFFFFF40]  }
0x1f1: {  	[tilespmem:s6+$0x40] =	vst v23;
	v31 =	vld [tilespmem:s22+$0xD0];
	v8 =	vmul.f32 v20, v3  }
0x1f2: {  	[tilespmem:s6+$0xFFFFFFC0] =	vst v14;
	v26 =	vld [tilespmem:s22+$0x50];
	v30 =	vmul.f32 v24, v11  }
0x1f3: {  	v28 =	vld [tilespmem:s22+$0xFFFFFFD0];
	[tilespmem:s6+$0xFFFFFF40] =	vst v8;
	v7 =	vmul.f32 v7, v12  }
0x1f4: {  	v29 =	vld [tilespmem:s22+$0xFFFFFF50];
	v6 =	vmul.f32 v25, v9;
	[tilespmem:s25+$0xFFFFFFC0] =	vst v30  }
0x1f5: {  	v17 =	vmul.f32 v17, v10;
	v14 =	vld [tilespmem:s29+$0xFFFFFFD0];
	[tilespmem:s25+$0x40] =	vst v7  }
0x1f6: {  	v35 =	vmul.f32 v31, v2;
	[tilespmem:s25+$0xC0] =	vst v6;
	v7 =	vld [tilespmem:s29+$0x50]  }
0x1f7: {  	v13 =	vmul.f32 v26, v4;
	[tilespmem:s25+$0xFFFFFF40] =	vst v17;
	v33 =	vld [tilespmem:s29+$0xD0]  }
0x1f8: {  	[tilespmem:s6+$0xD0] =	vst v35;
	v8 =	vmul.f32 v28, v5;
	v17 =	vld [tilespmem:s29+$0xFFFFFF50]  }
0x1f9: {  	v39 =	vld [tilespmem:s22+$0xE0];
	[tilespmem:s6+$0x50] =	vst v13;
	v32 =	vmul.f32 v29, v3  }
0x1fa: {  	[tilespmem:s6+$0xFFFFFFD0] =	vst v8;
	v34 =	vld [tilespmem:s22+$0x60];
	v38 =	vmul.f32 v14, v11  }
0x1fb: {  	v36 =	vld [tilespmem:s22+$0xFFFFFFE0];
	[tilespmem:s6+$0xFFFFFF50] =	vst v32;
	v7 =	vmul.f32 v7, v12  }
0x1fc: {  	v37 =	vld [tilespmem:s22+$0xFFFFFF60];
	v42 =	vmul.f32 v33, v9;
	[tilespmem:s25+$0xFFFFFFD0] =	vst v38  }
0x1fd: {  	v40 =	vmul.f32 v17, v10;
	v44 =	vld [tilespmem:s29+$0xFFFFFFE0];
	[tilespmem:s25+$0x50] =	vst v7  }
0x1fe: {  	v49 =	vmul.f32 v39, v2;
	[tilespmem:s25+$0xD0] =	vst v42;
	v41 =	vld [tilespmem:s29+$0x60]  }
0x1ff: {  	v43 =	vmul.f32 v34, v4;
	[tilespmem:s25+$0xFFFFFF50] =	vst v40;
	v47 =	vld [tilespmem:s29+$0xE0]  }
0x200: {  	[tilespmem:s6+$0xE0] =	vst v49;
	v6 =	vmul.f32 v36, v5;
	v45 =	vld [tilespmem:s29+$0xFFFFFF60]  }
0x201: {  	v54 =	vld [tilespmem:s22+$0xF0];
	[tilespmem:s6+$0x60] =	vst v43;
	v46 =	vmul.f32 v37, v3  }
0x202: {  	[tilespmem:s6+$0xFFFFFFE0] =	vst v6;
	v48 =	vld [tilespmem:s22+$0x70];
	v53 =	vmul.f32 v44, v11  }
0x203: {  	v50 =	vld [tilespmem:s22+$0xFFFFFFF0];
	[tilespmem:s6+$0xFFFFFF60] =	vst v46;
	v51 =	vmul.f32 v41, v12  }
0x204: {  	v52 =	vld [tilespmem:s22+$0xFFFFFF70];
	v57 =	vmul.f32 v47, v9;
	[tilespmem:s25+$0xFFFFFFE0] =	vst v53  }
0x205: {  	v55 =	vmul.f32 v45, v10;
	v59 =	vld [tilespmem:s29+$0xFFFFFFF0];
	[tilespmem:s25+$0x60] =	vst v51  }
0x206: {  	v2 =	vmul.f32 v54, v2;
	[tilespmem:s25+$0xE0] =	vst v57;
	v56 =	vld [tilespmem:s29+$0x70]  }
0x207: {  	v58 =	vmul.f32 v48, v4;
	[tilespmem:s25+$0xFFFFFF60] =	vst v55;
	v62 =	vld [tilespmem:s29+$0xF0]  }
0x208: {  	[tilespmem:s6+$0xF0] =	vst v2;
	v60 =	vmul.f32 v50, v5;
	v61 =	vld [tilespmem:s29+$0xFFFFFF70]  }
0x209: {  	[tilespmem:s6+$0x70] =	vst v58;
	v3 =	vmul.f32 v52, v3  }
0x20a: {  	[tilespmem:s6+$0xFFFFFFF0] =	vst v60;
	v2 =	vmul.f32 v59, v11  }
0x20b: {  	[tilespmem:s6+$0xFFFFFF70] =	vst v3;
	v3 =	vmul.f32 v56, v12  }
0x20c: {  	[tilespmem:s25+$0xFFFFFFF0] =	vst v2;
	v2 =	vmul.f32 v62, v9  }
0x20d: {  	[tilespmem:s25+$0x70] =	vst v3;
	v3 =	vmul.f32 v61, v10  }
0x20e: {  	[tilespmem:s25+$0xF0] =	vst v2  }
0x20f: {  	[tilespmem:s25+$0xFFFFFF70] =	vst v3  }
0x210: {  	v2 =	vld [tilespmem:$0xF0]  }
0x211: {  	v3 =	vld [tilespmem:$0x100]  }
0x212: {  	v63 =	vld [tilespmem:$0x110]  }
0x213: {  	v5 =	vld [tilespmem:$0x120]  }
0x214: {  	v6 =	vld [tilespmem:$0x130]  }
0x215: {  	p2 =	seq.s32 s10, $0x7C;
	[tilespmem:$0x230] =	vst v2  }
.Ltmp8:
0x216: {  	[tilespmem:$0x240] =	vst v3;
	(pc) =	sbr.rel @p2 .LBB2_16-.Ltmp8, $4  }
0x217: {  	[tilespmem:$0x250] =	vst v63  }
0x218: {  	[tilespmem:$0x260] =	vst v5  }
0x219: {  	[tilespmem:$0x270] =	vst v6  }
0x21a: {  	[spmem:s3] =	stream.indirect.scatter.add.f32 [tilespmem:s16], [sflag:$0x6], $0x80, s15, s28, $0xb8;
	[tilespmem:$0x1DB00] =	vst v63  }
0x21b: {  	s6 =	sadd.s32 s18, s20  }
0x21c: {  	s6 =	smul.u32 $0xA, s6;
	_ =	sdelay $0x1  }
0x21d: {  	s9 =	sadd.s32 s5, s6  }
0x21e: {  	[tilespmem:s28], [sflag:$0x2] =	stream.linear.gather [hbm4b:s9+s4], $0x50, $0x38;
	[tilespmem:$0x1DB00] =	vst v63  }
.Ltmp9:
0x21f: {  	_ = 	snop;
	(pc) =	sbr.rel .LBB2_6-.Ltmp9, $4  }
0x220: {  	s29 =	simm.s32 $0xF0;
	s25 =	sadd.s32 s2, s6  }
0x221: {  	[tilespmem:s29], [sflag:$0x2] =	stream.linear.gather [hbm4b:s25+s4], $0x50, $0x38;
	[tilespmem:$0x1DB00] =	vst v63  }
0x222: {  	s10 =	sadd.s32 $0x1, s10;
	s6 =	sadd.s32 s7, s6  }
0x223: {  	[tilespmem:s30], [sflag:$0x2] =	stream.linear.gather [hbm4b:s6+s4], $0x50, $0x38;
	[tilespmem:$0x1DB00] =	vst v63  }
.LBB2_16:
0x224: {  	s6 =	simm.s32 $0x5  }
0x225: {  	_ =	swait.ge [sflag:s6], $0x2800  }
0x226: {  	[sflag:s6] =	ssyncset.done $0x0  }
0x227: {  	[sflag:s6] =	ssyncadd.s32 $0xFFFFD800  }
0x228: {  	_ =	swait.ge [sflag:s14], $0x2800  }
0x229: {  	[sflag:s14] =	ssyncset.done $0x0  }
0x22a: {  	[sflag:s14] =	ssyncadd.s32 $0xFFFFD800  }
0x22b: {  	s29 =	stileid.u32;
	[bflag:$0x0] =	sbarrier.arrive $0xFFFF  }
.Ltmp10:
0x22c: {  	s6 =	sshll.u32 s29, $0x6;
	s22 =	rddreg [dreg:$0x10];
	(pc) =	sbr.rel @!p1 .LBB2_18-.Ltmp10, $4  }
0x22d: {  	s9 =	sor.u32 $0x1C07, s6;
	s17 =	rddreg [dreg:$0xd];
	s10 =	sshrl.u32 s22, $0x3  }
0x22e: {  	[hbm:s17], [sflag:s9] =	dma.local [spmem:s10], $0x500  }
0x22f: {  	s18 =	smov.u32 s22;
	s21 =	rddreg [dreg:$0x4]  }
0x230: {  	s17 =	sadd.s32 $0x500, s17;
	_ =	swait.ge [sflag:s24], $0x500;
	s10 =	sadd.s32 $0xFFFFFFFF, s21  }
.LBB2_17:
0x231: {  	[sflag:s24] =	ssyncset.done $0x0  }
0x232: {  	s18 =	sadd.s32 $0x2800, s18;
	s9 =	sor.u32 $0x1C07, s6;
	p1 =	sne.s32 s10, $0x1  }
.Ltmp11:
0x233: {  	s19 =	sshrl.u32 s18, $0x3;
	[sflag:s24] =	ssyncadd.s32 $0xFFFFFB00;
	(pc) =	sbr.rel @p1 .LBB2_17-.Ltmp11, $3  }
0x234: {  	[hbm:s17], [sflag:s9] =	dma.local [spmem:s19], $0x500  }
0x235: {  	s10 =	sadd.s32 $0xFFFFFFFF, s10;
	_ =	sdelay $0x1  }
0x236: {  	s17 =	sadd.s32 $0x500, s17;
	_ =	swait.ge [sflag:s24], $0x500  }
.LBB2_18:
0x237: {  	[sflag:s24] =	ssyncset.done $0x0;
	s17 =	rddreg [dreg:$0x5]  }
0x238: {  	s10 =	rddreg [dreg:$0xa];
	[sflag:s24] =	ssyncadd.s32 $0xFFFFFB00;
	s6 =	sshrl.u32 @!p0 s17, $0x3  }
0x239: {  	[hbm:s10], [sflag:s9] =	dma.local @!p0 [spmem:s6], $0x400  }
0x23a: {  	s6 =	simm.s32 @!p0 $0x7  }
0x23b: {  	_ =	swait.ge @!p0 [sflag:s6], $0x400  }
0x23c: {  	s25 =	rddreg [dreg:$0x11]  }
0x23d: {  	s29 =	rddreg [dreg:$0xf];
	s10 =	sadd.s32 $0x1, s25  }
0x23e: {  	p1 =	sne.s32 s10, s29  }
.Ltmp12:
0x23f: {  	_ = 	snop;
	(pc) =	sbr.rel @p1 .LBB2_1-.Ltmp12, $3  }
0x240: {  	_ =	sdelay $0x1  }
0x241: {  	[sflag:s6] =	ssyncset.done @!p0 $0x0  }
0x242: {  	[sflag:s6] =	ssyncadd.s32 @!p0 $0xFFFFFC00  }
0x243: {  	_ =	sfence.sel $0x180000  }
0x244: {  	[bflag:$0x0] =	sbarrier.arrive $0xFFFF  }
0x245: {  	_ =	strace $0x9000004A  }
0x246: {  	s0 =	stileid.u32;
	[bflag:$0x2] =	sbarrier.arrive $0xFFFF  }
0x247: {  	p0 =	sne.s32 s0, $0x0;
	s0 =	rddreg [dreg:$0x3]  }
0x248: {  	s0 =	sadd.s32 @!p0 $0x100000, s0  }
0x249: {  	[sflag:s0] =	ssyncadd.tile.s32 @!p0 $0x1;
	_ =	shalt  }
.Lfunc_end2:
_tile_overlayer_lowered:
.L_overlay_start_2:
0x24a: {  	(tag) =	ssettag $0x2  }
0x24b: {  	s0 =	rddreg [dreg:$0x0];
	s2 =	stileid.u32  }
0x24c: {  	s1 =	rddreg [dreg:$0x1];
	p0 =	sne.s32 s2, $0x0  }
0x24d: {  	s3 =	rddreg [dreg:$0x2];
	[bflag:$0x3] =	sbarrier.arrive $0xFFFF;
	s2 =	simm.s32 @!p0 $0x1C07  }
0x24e: {  	[timem:s3], [sflag:s2] =	dma.local @!p0 [hbm:s0], s1  }
0x24f: {  	s0 =	simm.s32 @!p0 $0x7  }
0x250: {  	_ =	swait.ge @!p0 [sflag:s0], s1  }
0x251: {  	s1 =	ssub.s32 @!p0 $0x0, s1;
	[sflag:s0] =	ssyncset.done @!p0 $0x0  }
0x252: {  	[sflag:s0] =	ssyncadd.s32 @!p0 s1  }
0x253: {  	[bflag:$0x3] =	sbarrier.arrive $0xFFFF  }
0x254: {  	_ =	shalt  }

// kernel: kernel.15.cloned.1.call-start
scs
__scs_entry_jumppad:
0x0: {  	(pc) =	sbr.rel $0x88, $3  }
0x1: {  	(tag) =	ssettag $0x0;
	lr =	simm.s32 $0x1  }
0x2: {  	[smem:$0x3F97] =	sst lr;
	_ =	strace $0xD0000000  }
0x3: {  	_ = 	snop  }
0x4: {  	_ = 	snop  }
0x5: {  	_ = 	snop  }
0x6: {  	_ = 	snop  }
0x7: {  	_ = 	snop  }
__scs_overlays_trampoline_lowered:
0x8: {  	[smem:$0x3FA6] =	sst s0  }
0x9: {  	[smem:$0x3FA7] =	sst s1  }
0xa: {  	[smem:$0x3FA8] =	sst s2  }
0xb: {  	[smem:$0x3FA9] =	sst s3  }
0xc: {  	[smem:$0x3FAA] =	sst s4  }
0xd: {  	[smem:$0x3FAB] =	sst s5  }
0xe: {  	[smem:$0x3FAC] =	sst s6  }
0xf: {  	[smem:$0x3FAD] =	sst s7  }
0x10: {  	[smem:$0x3FAE] =	sst s8  }
0x11: {  	[smem:$0x3FAF] =	sst s9;
	s0 =	simm.s32 @!p0 $0x0  }
0x12: {  	s1 =	sld [smem:$0x3F95];
	s0 =	simm.s32 @p0 $0x1  }
0x13: {  	[smem:$0x3FB0] =	sst s0;
	s0 =	simm.s32 @!p1 $0x0  }
0x14: {  	s2 =	sld [smem:$0x3F94];
	s0 =	simm.s32 @p1 $0x1  }
0x15: {  	[smem:$0x3FB1] =	sst s0;
	s0 =	simm.s32 @!p2 $0x0  }
0x16: {  	s3 =	sld [smem:$0x3FDB];
	s0 =	simm.s32 @p2 $0x1  }
0x17: {  	s4 =	simm.s32 $0x1BF5;
	[smem:$0x3FB3] =	sst s0  }
0x18: {  	s0 =	sld [smem:$0x3F96];
	_ =	swait.ge [sflag:s4], $0x0  }
0x19: {  	s7 =	sld [smem:$0x3F97]  }
0x1a: {  	s8 =	sadd.s32 $0xFFFFE003, lr  }
0x1b: {  	s9 =	sadd.s32 $0xFFFFFEF7, lr;
	s5 =	simm.s32 $0xFFFFFFFF;
	p2 =	slt.u32 s8, $0xFFFFF086  }
0x1c: {  	p1 =	slt.u32 s9, $0xF7A;
	s5 =	simm.s32 @!p2 $0x0  }
0x1d: {  	s5 =	simm.s32 @p1 $0x1;
	p0 =	seq.s32 s7, s2  }
0x1e: {  	s7 =	smul.u32 @!p0 $0xF7A, s2;
	p2 =	seq.s32 @!p0 s5, $0x0  }
0x1f: {  	s9 =	smul.u32 $0xF7A, s1;
	s8 =	simm.s32 @!p0 $0x1BF5;
	p2 =	por !p2, p0  }
0x20: {  	[sflag:s8] =	ssyncset.s32 @!p0 $0xFFFFF086;
	s6 =	sadd.s32 @!p0 s3, s7;
	s7 =	simm.s32 @!p0 $0x108  }
0x21: {  	s3 =	sadd.s32 s3, s9;
	s6 =	sadd.s32 @!p0 $0x88, s6;
	s7 =	simm.s32 @p2 $0x1082  }
0x22: {  	[simem:s7], [sflag:s8] =	dma.local @!p0 [hbm:s6], $0xF7A  }
0x23: {  	s9 =	sor.u32 $0xD0000000, s2;
	s6 =	simm.s32 $0x108;
	_ =	swait.ge @!p0 [sflag:s8], $0x0  }
0x24: {  	s3 =	sadd.s32 $0x88, s3;
	s6 =	simm.s32 @!p1 $0x1082;
	[sflag:s4] =	ssyncset.s32 $0xFFFFF086  }
0x25: {  	[simem:s6], [sflag:s4] =	dma.local [hbm:s3], $0xF7A  }
0x26: {  	[smem:$0x3F97] =	sst s1;
	(tag) =	ssettag s2;
	_ =	strace s9  }
0x27: {  	s1 =	sld [smem:$0x3FA7]  }
0x28: {  	s2 =	sld [smem:$0x3FA8]  }
0x29: {  	s4 =	sld [smem:$0x3FAA]  }
0x2a: {  	p0 =	seq.s32 s5, $0x0;
	s5 =	sld [smem:$0x3FAB]  }
0x2b: {  	s6 =	sld [smem:$0x3FAC]  }
0x2c: {  	s7 =	sld [smem:$0x3FAD]  }
0x2d: {  	s3 =	simm.s32 $0x108;
	s8 =	sld [smem:$0x3FAE]  }
0x2e: {  	s3 =	simm.s32 @!p0 $0x1082;
	s9 =	sld [smem:$0x3FAF]  }
0x2f: {  	lr =	sadd.s32 s0, s3;
	s0 =	sld [smem:$0x3FA6]  }
0x30: {  	s3 =	sld [smem:$0x3FA9]  }
0x31: {  	[smem:$0x3FB2] =	sst s10  }
0x32: {  	s10 =	sld [smem:$0x3FB0];
	_ =	sdelay $0x3  }
0x33: {  	p0 =	seq.s32 s10, $0x1;
	s10 =	sld [smem:$0x3FB2];
	_ =	sdelay $0x3  }
0x34: {  	[smem:$0x3FB2] =	sst s10  }
0x35: {  	s10 =	sld [smem:$0x3FB1];
	_ =	sdelay $0x3  }
0x36: {  	p1 =	seq.s32 s10, $0x1;
	s10 =	sld [smem:$0x3FB2];
	_ =	sdelay $0x3  }
0x37: {  	[smem:$0x3FB2] =	sst s10  }
0x38: {  	s10 =	sld [smem:$0x3FB3]  }
0x39: {  	_ = 	snop;
	(pc) =	sbr.ind lr, $3  }
0x3a: {  	_ = 	snop  }
0x3b: {  	_ = 	snop  }
0x3c: {  	p2 =	seq.s32 s10, $0x1;
	s10 =	sld [smem:$0x3FB2]  }
0x3d: {  	_ =	shalt  }
0x3e: {  	_ =	shalt  }
0x3f: {  	_ =	shalt  }
0x40: {  	_ =	shalt  }
0x41: {  	_ =	shalt  }
0x42: {  	_ =	shalt  }
0x43: {  	_ =	shalt  }
0x44: {  	_ =	shalt  }
0x45: {  	_ =	shalt  }
0x46: {  	_ =	shalt  }
0x47: {  	_ =	shalt  }
0x48: {  	_ =	shalt  }
0x49: {  	_ =	shalt  }
0x4a: {  	_ =	shalt  }
0x4b: {  	_ =	shalt  }
0x4c: {  	_ =	shalt  }
0x4d: {  	_ =	shalt  }
0x4e: {  	_ =	shalt  }
0x4f: {  	_ =	shalt  }
0x50: {  	_ =	shalt  }
0x51: {  	_ =	shalt  }
0x52: {  	_ =	shalt  }
0x53: {  	_ =	shalt  }
0x54: {  	_ =	shalt  }
0x55: {  	_ =	shalt  }
0x56: {  	_ =	shalt  }
0x57: {  	_ =	shalt  }
0x58: {  	_ =	shalt  }
0x59: {  	_ =	shalt  }
0x5a: {  	_ =	shalt  }
0x5b: {  	_ =	shalt  }
0x5c: {  	_ =	shalt  }
0x5d: {  	_ =	shalt  }
0x5e: {  	_ =	shalt  }
0x5f: {  	_ =	shalt  }
0x60: {  	_ =	shalt  }
0x61: {  	_ =	shalt  }
0x62: {  	_ =	shalt  }
0x63: {  	_ =	shalt  }
0x64: {  	_ =	shalt  }
0x65: {  	_ =	shalt  }
0x66: {  	_ =	shalt  }
0x67: {  	_ =	shalt  }
0x68: {  	_ =	shalt  }
0x69: {  	_ =	shalt  }
0x6a: {  	_ =	shalt  }
0x6b: {  	_ =	shalt  }
0x6c: {  	_ =	shalt  }
0x6d: {  	_ =	shalt  }
0x6e: {  	_ =	shalt  }
0x6f: {  	_ =	shalt  }
0x70: {  	_ =	shalt  }
0x71: {  	_ =	shalt  }
0x72: {  	_ =	shalt  }
0x73: {  	_ =	shalt  }
0x74: {  	_ =	shalt  }
0x75: {  	_ =	shalt  }
0x76: {  	_ =	shalt  }
0x77: {  	_ =	shalt  }
0x78: {  	_ =	shalt  }
0x79: {  	_ =	shalt  }
0x7a: {  	_ =	shalt  }
0x7b: {  	_ =	shalt  }
0x7c: {  	_ =	shalt  }
0x7d: {  	_ =	shalt  }
0x7e: {  	_ =	shalt  }
0x7f: {  	_ =	shalt  }
0x80: {  	_ =	shalt  }
0x81: {  	_ =	shalt  }
0x82: {  	_ =	shalt  }
0x83: {  	_ =	shalt  }
0x84: {  	_ =	shalt  }
0x85: {  	_ =	shalt  }
0x86: {  	_ =	shalt  }
0x87: {  	_ =	shalt  }
.Lfunc_end0:
.L_simem_size_0:
called_computation.2_lowered:
.L_overlay_start_0:
0x88: {  	s2 =	sld [smem:$0x3FD9]  }
0x89: {  	s3 =	sld [smem:$0x3FFE];
	_ =	sdelay $0x1  }
0x8a: {  	s1 =	srdreg.scid  }
0x8b: {  	s0 =	sand.u32 $0x1, s1  }
0x8c: {  	s17 =	sshll.u32 s0, $0xA;
	s2 =	sadd.s32 s3, s2  }
0x8d: {  	s2 =	sadd.s32 s2, s17  }
0x8e: {  	[smem:$0x3FBE] =	sst s2  }
0x8f: {  	_ = 	snop  }
0x90: {  	s2 =	sld [smem:$0x3FD0];
	(tm) =	ssettm $0x1  }
0x91: {  	s18 =	sld [smem:$0x3FFB];
	_ =	sdelay $0x3  }
0x92: {  	_ =	strace s18  }
0x93: {  	s3 =	sld [smem:$0x3FFC];
	_ =	sdelay $0x3  }
0x94: {  	_ =	strace s3  }
0x95: {  	s3 =	sld [smem:$0x3FFD];
	_ =	sdelay $0x3  }
0x96: {  	_ =	strace s3  }
0x97: {  	_ =	strace $0x8FFFFFFF  }
0x98: {  	s19 =	sld [smem:$0x3FDB];
	_ =	sdelay $0x1  }
0x99: {  	s4 =	simm.s32 $_scs_section_size  }
0x9a: {  	s5 =	simm.s32 $_size__tile_overlayer_lowered;
	s6 =	simm.s32 $_tile_overlayer_lowered  }
0x9b: {  	s22 =	simm.s32 $0x1BFF;
	s21 =	sshll.u32 s6, $0x1;
	s3 =	sadd.s32 s4, s19  }
0x9c: {  	s7 =	simm.s32 $0x0;
	s20 =	sshll.u32 s5, $0x1;
	s5 =	sadd.s32 s21, s3  }
0x9d: {  	[timem:s7], [sflag:s22] =	dma.local [hbm:s5], s20  }
0x9e: {  	_ =	swait.ge [sflag:s22], s20  }
0x9f: {  	s4 =	ssub.s32 $0x0, s20;
	[sflag:s22] =	ssyncset.done $0x0  }
0xa0: {  	[sflag:s22] =	ssyncadd.s32 s4;
	_ =	sdelay $0x1  }
0xa1: {  	s23 =	simm.s32 $0x1B8B  }
0xa2: {  	_ =	swait.ge [sflag:s23], $0x1  }
0xa3: {  	[sflag:s23] =	ssyncset.done $0x0  }
0xa4: {  	s25 =	simm.s32 $0x1B8E;
	s24 =	sld [smem:$0x3FFE];
	[sflag:s23] =	ssyncadd.s32 $0xFFFFFFFF  }
0xa5: {  	s26 =	simm.s32 $execute0_lowered;
	[smem:$0x3FD2] =	sst s25  }
0xa6: {  	s5 =	sshll.u32 s26, $0x1;
	_ =	strace $0x8000004C;
	[dreg:$0x1] =	wrdreg $0xFFFFFFFF  }
0xa7: {  	s28 =	simm.s32 $_size_execute0_lowered;
	s3 =	sadd.s32 s3, s5;
	[dreg:$0x0] =	wrdreg $0x0  }
0xa8: {  	s5 =	sshll.u32 s28, $0x1;
	[dreg:$0x2] =	wrdreg s3  }
0xa9: {  	[dreg:$0x3] =	wrdreg s5  }
0xaa: {  	[dreg:$0x4] =	wrdreg $0xC0  }
0xab: {  	_ =	task [dreg:s7], $0x5FFFF  }
0xac: {  	[dreg:$0x1] =	wrdreg $0xFFFFFFFF  }
0xad: {  	[dreg:$0x0] =	wrdreg $0x60  }
0xae: {  	[dreg:$0x2] =	wrdreg s24  }
0xaf: {  	[dreg:$0x3] =	wrdreg s2  }
0xb0: {  	[dreg:$0x4] =	wrdreg $0x9  }
0xb1: {  	_ =	task.clear_ibuf [dreg:s7], $0x5FFFF;
	_ =	strace $0x9000004C  }
0xb2: {  	s29 =	simm.s32 $0x9;
	_ =	strace $0x8000004E  }
0xb3: {  	_ =	swait.ge [sflag:s29], $0x1  }
0xb4: {  	[sflag:s29] =	ssyncadd.s32 $0xFFFFFFFF  }
0xb5: {  	_ =	strace $0x9000004E  }
0xb6: {  	_ =	sfence  }
0xb7: {  	s30 =	sld [smem:$0x0];
	_ =	sdelay $0x2  }
0xb8: {  	s31 =	sshll.u32 s1, $0xD;
	s1 =	sshrl.u32 s1, $0x2  }
0xb9: {  	s3 =	sand.u32 $0x4000, s31;
	s1 =	sadd.s32 s1, s30  }
0xba: {  	s0 =	sor.u32 s3, s0;
	s1 =	sshll.u32 s1, $0x11  }
0xbb: {  	s0 =	sor.u32 s1, s0  }
0xbc: {  	s0 =	sadd.s32 $0x8F2B, s0  }
0xbd: {  	[sflag:s0] =	ssyncadd.remote.s32 $0x1  }
0xbe: {  	_ =	sfence.sel $0xFFFF  }
0xbf: {  	[dreg:$0x0] =	wrdreg $0xFFFFFFFF;
	(pc) =	sbr.abs _section_cstart, $3  }
0xc0: {  	[dreg:$0x1] =	wrdreg $0xFFFFFFFF  }
0xc1: {  	_ =	task.clear_ibuf [dreg:s7], $0x2FFFF;
	_ =	strace $0x9FFFFFFF  }
0xc2: {  	(tm) =	ssettm $0x7FFFFFFF  }
0xc3: {  	_ =	shalt  }
tec
execute0_lowered:
.L_overlay_start_1:
0x0: {  	(tag) =	ssettag $0x1  }
0x1: {  	s0 =	srdreg.scid;
	s4 =	rddreg [dreg:$0x0]  }
0x2: {  	s6 =	rddreg [dreg:$0x1];
	s1 =	stileid.u32  }
0x3: {  	s2 =	simm.s32 $0x0;
	s10 =	simm.s32 $0x2710;
	s3 =	sand.u32 $0x1, s0  }
0x4: {  	s11 =	simm.s32 $0x4E20;
	s12 =	simm.s32 $0x7530;
	s5 =	sshll.u32 s3, $0x4  }
0x5: {  	s13 =	simm.s32 $0x9C40;
	s14 =	simm.s32 $0x0;
	s5 =	sor.u32 s1, s5  }
0x6: {  	[smem:$0x7FF] =	sst s2;
	s31 =	ssub.s32 $0x2, s3;
	s7 =	smul.u32 $0x4E2, s5  }
0x7: {  	s0 =	rddreg [dreg:$0x2];
	_ =	strace $0x8000004D;
	s9 =	sshrl.u32 s31, $0x1  }
0x8: {  	s3 =	sadd.s32 $0x9D200, s4;
	s9 =	ssub.s32 s31, s9;
	s8 =	sadd.s32 s7, s4  }
0x9: {  	s4 =	sadd.s32 $0x9CC00, s4;
	s6 =	sadd.s32 s6, s7;
	s5 =	sadd.s32 $0x9D800, s8  }
0xa: {  	s7 =	sadd.s32 $0xF5800, s8;
	s8 =	smax.u32 s9, $0x1;
	s9 =	simm.s32 $0x1  }
.LBB2_1:
0xb: {  	[tilespmem:s2], [sflag:$0x1] =	stream.linear.gather [hbm4b:s3+s2], $0x2710, $0x38;
	[tilespmem:$0xC350] =	vst v63  }
0xc: {  	_ =	swait.ge [sflag:s9], $0x2710  }
0xd: {  	[sflag:s9] =	ssyncset.done $0x0  }
0xe: {  	[sflag:s9] =	ssyncadd.s32 $0xFFFFD8F0  }
0xf: {  	[tilespmem:s10], [sflag:$0x1] =	stream.linear.gather [hbm4b:s4+s2], $0x2710, $0x38;
	[tilespmem:$0xC350] =	vst v63  }
0x10: {  	_ =	swait.ge [sflag:s9], $0x2710  }
0x11: {  	[sflag:s9] =	ssyncset.done $0x0  }
0x12: {  	[sflag:s9] =	ssyncadd.s32 $0xFFFFD8F0  }
0x13: {  	[tilespmem:s11], [sflag:$0x1] =	stream.linear.gather [hbm4b:s5+s2], $0x2710, $0x38;
	[tilespmem:$0xC350] =	vst v63  }
0x14: {  	_ =	swait.ge [sflag:s9], $0x2710  }
0x15: {  	[sflag:s9] =	ssyncset.done $0x0  }
0x16: {  	[sflag:s9] =	ssyncadd.s32 $0xFFFFD8F0  }
0x17: {  	[tilespmem:s12], [sflag:$0x1] =	stream.linear.gather [hbm4b:s6+s2], $0x2710, $0x38;
	[tilespmem:$0xC350] =	vst v63  }
0x18: {  	_ =	swait.ge [sflag:s9], $0x2710  }
0x19: {  	[sflag:s9] =	ssyncset.done $0x0  }
0x1a: {  	s15 =	simm.s32 $0x0;
	[sflag:s9] =	ssyncadd.s32 $0xFFFFD8F0  }
0x1b: {  	v0 =	vld [tilespmem:s15+$0x4E20]  }
0x1c: {  	v1 =	vld [tilespmem:s15+$0x7530];
	_ =	sdelay $0x6  }
0x1d: {  	v0 =	vld.idx.msk [tilespmem:v0+s2+$0x0], $0xffff  }
0x1e: {  	v1 =	vld.idx.msk [tilespmem:v1+s10+$0x0], $0xffff;
	_ =	sdelay $0x4  }
0x1f: {  	v0 =	vadd.f32 v1, v0;
	_ =	sdelay $0x1  }
0x20: {  	v1 =	vmul.f32 $2.000000030e-01, v0  }
0x21: {  	vm0 =	vgt.f32 v0, $0.0e+00  }
0x22: {  	v0 =	vsel vm0, v0, v1  }
0x23: {  	v0 =	vmul.f32 $1.442695020e+00, v0;
	_ =	sdelay $0x1  }
0x24: {  	(erf) = vpow2.f32 v0;
	_ =	sdelay $0x2  }
0x25: {  	v0 =	vld [tilespmem:s15+$0x4E30]  }
0x26: {  	v1 =	vld [tilespmem:s15+$0x7540];
	_ =	sdelay $0x4  }
0x27: {  	v2 =	vpop (erf)  }
0x28: {  	[tilespmem:s15+$0x9C40] =	vst v2  }
0x29: {  	v0 =	vld.idx.msk [tilespmem:v0+s2+$0x0], $0xffff  }
0x2a: {  	v1 =	vld.idx.msk [tilespmem:v1+s10+$0x0], $0xffff;
	_ =	sdelay $0x4  }
0x2b: {  	v0 =	vadd.f32 v1, v0;
	_ =	sdelay $0x1  }
0x2c: {  	v1 =	vmul.f32 $2.000000030e-01, v0  }
0x2d: {  	vm12 =	vgt.f32 v0, $0.0e+00  }
0x2e: {  	v0 =	vsel vm12, v0, v1  }
0x2f: {  	v0 =	vmul.f32 $1.442695020e+00, v0;
	_ =	sdelay $0x1  }
0x30: {  	(erf) = vpow2.f32 v0;
	_ =	sdelay $0x2  }
0x31: {  	v0 =	vld [tilespmem:s15+$0x4E40]  }
0x32: {  	v1 =	vld [tilespmem:s15+$0x7550];
	_ =	sdelay $0x4  }
0x33: {  	v2 =	vpop (erf)  }
0x34: {  	[tilespmem:s15+$0x9C50] =	vst v2  }
0x35: {  	v0 =	vld.idx.msk [tilespmem:v0+s2+$0x0], $0xffff  }
0x36: {  	v1 =	vld.idx.msk [tilespmem:v1+s10+$0x0], $0xffff;
	_ =	sdelay $0x4  }
0x37: {  	v0 =	vadd.f32 v1, v0;
	_ =	sdelay $0x1  }
0x38: {  	v1 =	vmul.f32 $2.000000030e-01, v0  }
0x39: {  	vm13 =	vgt.f32 v0, $0.0e+00  }
0x3a: {  	v0 =	vsel vm13, v0, v1  }
0x3b: {  	v0 =	vmul.f32 $1.442695020e+00, v0;
	_ =	sdelay $0x1  }
0x3c: {  	(erf) = vpow2.f32 v0;
	_ =	sdelay $0x2  }
0x3d: {  	v0 =	vld [tilespmem:s15+$0x4E50]  }
0x3e: {  	v1 =	vld [tilespmem:s15+$0x7560];
	_ =	sdelay $0x4  }
0x3f: {  	v2 =	vpop (erf)  }
0x40: {  	[tilespmem:s15+$0x9C60] =	vst v2  }
0x41: {  	v0 =	vld.idx.msk [tilespmem:v0+s2+$0x0], $0xffff  }
0x42: {  	v1 =	vld.idx.msk [tilespmem:v1+s10+$0x0], $0xffff;
	_ =	sdelay $0x4  }
0x43: {  	v0 =	vadd.f32 v1, v0;
	_ =	sdelay $0x1  }
0x44: {  	v1 =	vmul.f32 $2.000000030e-01, v0  }
0x45: {  	vm14 =	vgt.f32 v0, $0.0e+00  }
0x46: {  	v0 =	vsel vm14, v0, v1  }
0x47: {  	v0 =	vmul.f32 $1.442695020e+00, v0;
	_ =	sdelay $0x1  }
0x48: {  	(erf) = vpow2.f32 v0;
	_ =	sdelay $0x2  }
0x49: {  	v0 =	vld [tilespmem:s15+$0x4E60]  }
0x4a: {  	v1 =	vld [tilespmem:s15+$0x7570];
	_ =	sdelay $0x4  }
0x4b: {  	v2 =	vpop (erf)  }
0x4c: {  	[tilespmem:s15+$0x9C70] =	vst v2  }
0x4d: {  	v0 =	vld.idx.msk [tilespmem:v0+s2+$0x0], $0xffff  }
0x4e: {  	v1 =	vld.idx.msk [tilespmem:v1+s10+$0x0], $0xffff;
	_ =	sdelay $0x4  }
0x4f: {  	v0 =	vadd.f32 v1, v0;
	_ =	sdelay $0x1  }
0x50: {  	v1 =	vmul.f32 $2.000000030e-01, v0  }
0x51: {  	vm15 =	vgt.f32 v0, $0.0e+00  }
0x52: {  	v0 =	vsel vm15, v0, v1  }
0x53: {  	v1 =	vmul.f32 $1.442695020e+00, v0;
	_ =	sdelay $0x1  }
0x54: {  	(erf) = vpow2.f32 v1;
	_ =	sdelay $0x1  }
0x55: {  	s18 =	simm.s32 $0x50  }
0x56: {  	v0 =	vld [tilespmem:s18+$0x4E20]  }
0x57: {  	s16 =	simm.s32 $0x280;
	v1 =	vld [tilespmem:s18+$0x7530]  }
.LBB2_2:
0x58: {  	p0 =	sne.s32 s16, $0x9B00;
	s17 =	smov.u32 s16;
	s16 =	sadd.s32 $0x140, s16  }
0x59: {  	_ =	sdelay $0x2  }
0x5a: {  	v2 =	vpop (erf)  }
0x5b: {  	[tilespmem:s15+$0x9C80] =	vst v2;
	s15 =	smov.u32 s18  }
0x5c: {  	v0 =	vld.idx.msk [tilespmem:v0+s2+$0x0], $0xffff  }
0x5d: {  	v1 =	vld.idx.msk [tilespmem:v1+s10+$0x0], $0xffff;
	_ =	sdelay $0x5  }
0x5e: {  	v0 =	vadd.f32 v1, v0;
	_ =	sdelay $0x1  }
0x5f: {  	vm0 =	vgt.f32 v0, $0.0e+00;
	v1 =	vmul.f32 $2.000000030e-01, v0;
	_ =	sdelay $0x1  }
0x60: {  	v0 =	vsel vm0, v0, v1  }
0x61: {  	v0 =	vmul.f32 $1.442695020e+00, v0;
	_ =	sdelay $0x1  }
0x62: {  	(erf) = vpow2.f32 v0;
	_ =	sdelay $0x1  }
0x63: {  	v0 =	vld [tilespmem:s15+$0x7540]  }
0x64: {  	v1 =	vld [tilespmem:s15+$0x4E30];
	_ =	sdelay $0x5  }
0x65: {  	v2 =	vpop (erf)  }
0x66: {  	[tilespmem:s15+$0x9C40] =	vst v2  }
0x67: {  	v1 =	vld.idx.msk [tilespmem:v1+s2+$0x0], $0xffff  }
0x68: {  	v0 =	vld.idx.msk [tilespmem:v0+s10+$0x0], $0xffff;
	_ =	sdelay $0x5  }
0x69: {  	v0 =	vadd.f32 v0, v1;
	_ =	sdelay $0x1  }
0x6a: {  	vm0 =	vgt.f32 v0, $0.0e+00;
	v1 =	vmul.f32 $2.000000030e-01, v0;
	_ =	sdelay $0x1  }
0x6b: {  	v0 =	vsel vm0, v0, v1  }
0x6c: {  	v0 =	vmul.f32 $1.442695020e+00, v0;
	_ =	sdelay $0x1  }
0x6d: {  	(erf) = vpow2.f32 v0;
	_ =	sdelay $0x1  }
0x6e: {  	v0 =	vld [tilespmem:s15+$0x7550]  }
0x6f: {  	v1 =	vld [tilespmem:s15+$0x4E40];
	_ =	sdelay $0x5  }
0x70: {  	v2 =	vpop (erf)  }
0x71: {  	[tilespmem:s15+$0x9C50] =	vst v2  }
0x72: {  	v1 =	vld.idx.msk [tilespmem:v1+s2+$0x0], $0xffff  }
0x73: {  	v0 =	vld.idx.msk [tilespmem:v0+s10+$0x0], $0xffff;
	_ =	sdelay $0x5  }
0x74: {  	v0 =	vadd.f32 v0, v1;
	_ =	sdelay $0x1  }
0x75: {  	vm0 =	vgt.f32 v0, $0.0e+00;
	v1 =	vmul.f32 $2.000000030e-01, v0;
	_ =	sdelay $0x1  }
0x76: {  	v0 =	vsel vm0, v0, v1  }
0x77: {  	v0 =	vmul.f32 $1.442695020e+00, v0;
	_ =	sdelay $0x1  }
0x78: {  	(erf) = vpow2.f32 v0;
	_ =	sdelay $0x1  }
0x79: {  	v0 =	vld [tilespmem:s15+$0x7560]  }
0x7a: {  	v1 =	vld [tilespmem:s15+$0x4E50];
	_ =	sdelay $0x5  }
0x7b: {  	v2 =	vpop (erf)  }
0x7c: {  	[tilespmem:s15+$0x9C60] =	vst v2  }
0x7d: {  	v1 =	vld.idx.msk [tilespmem:v1+s2+$0x0], $0xffff  }
0x7e: {  	v0 =	vld.idx.msk [tilespmem:v0+s10+$0x0], $0xffff;
	_ =	sdelay $0x5  }
0x7f: {  	v0 =	vadd.f32 v0, v1;
	_ =	sdelay $0x1  }
0x80: {  	vm0 =	vgt.f32 v0, $0.0e+00;
	v1 =	vmul.f32 $2.000000030e-01, v0;
	_ =	sdelay $0x1  }
0x81: {  	v0 =	vsel vm0, v0, v1  }
0x82: {  	v0 =	vmul.f32 $1.442695020e+00, v0;
	_ =	sdelay $0x1  }
0x83: {  	(erf) = vpow2.f32 v0;
	_ =	sdelay $0x1  }
0x84: {  	v0 =	vld [tilespmem:s15+$0x7570]  }
0x85: {  	v1 =	vld [tilespmem:s15+$0x4E60];
	_ =	sdelay $0x5  }
0x86: {  	v2 =	vpop (erf)  }
0x87: {  	[tilespmem:s15+$0x9C70] =	vst v2  }
0x88: {  	v1 =	vld.idx.msk [tilespmem:v1+s2+$0x0], $0xffff  }
0x89: {  	v0 =	vld.idx.msk [tilespmem:v0+s10+$0x0], $0xffff;
	_ =	sdelay $0x5  }
0x8a: {  	v0 =	vadd.f32 v0, v1;
	_ =	sdelay $0x1  }
0x8b: {  	vm0 =	vgt.f32 v0, $0.0e+00;
	v1 =	vmul.f32 $2.000000030e-01, v0;
	_ =	sdelay $0x1  }
0x8c: {  	v0 =	vsel vm0, v0, v1  }
0x8d: {  	v0 =	vmul.f32 $1.442695020e+00, v0;
	_ =	sdelay $0x1  }
.Ltmp0:
0x8e: {  	(erf) = vpow2.f32 v0;
	(pc) =	sbr.rel @p0 .LBB2_2-.Ltmp0, $4  }
0x8f: {  	_ = 	snop  }
0x90: {  	s18 =	sshra.s32 s17, $0x2  }
0x91: {  	v0 =	vld [tilespmem:s18+$0x4E20]  }
0x92: {  	v1 =	vld [tilespmem:s18+$0x7530]  }
0x93: {  	_ =	sdelay $0x4  }
0x94: {  	v2 =	vpop (erf)  }
0x95: {  	[tilespmem:s15+$0x9C80] =	vst v2  }
0x96: {  	v0 =	vld.idx.msk [tilespmem:v0+s2+$0x0], $0xffff  }
0x97: {  	v1 =	vld.idx.msk [tilespmem:v1+s10+$0x0], $0xffff;
	_ =	sdelay $0x4  }
0x98: {  	v0 =	vadd.f32 v1, v0;
	_ =	sdelay $0x1  }
0x99: {  	v1 =	vmul.f32 $2.000000030e-01, v0  }
0x9a: {  	vm0 =	vgt.f32 v0, $0.0e+00  }
0x9b: {  	v0 =	vsel vm0, v0, v1  }
0x9c: {  	v0 =	vmul.f32 $1.442695020e+00, v0;
	_ =	sdelay $0x1  }
0x9d: {  	(erf) = vpow2.f32 v0;
	_ =	sdelay $0x2  }
0x9e: {  	v52 =	vld [tilespmem:s18+$0x4E30]  }
0x9f: {  	v53 =	vld [tilespmem:s18+$0x7540];
	_ =	sdelay $0x4  }
0xa0: {  	v54 =	vpop (erf)  }
0xa1: {  	[tilespmem:s18+$0x9C40] =	vst v54  }
0xa2: {  	v0 =	vld.idx.msk [tilespmem:v52+s2+$0x0], $0xffff  }
0xa3: {  	v1 =	vld.idx.msk [tilespmem:v53+s10+$0x0], $0xffff;
	_ =	sdelay $0x4  }
0xa4: {  	v0 =	vadd.f32 v1, v0;
	_ =	sdelay $0x1  }
0xa5: {  	v1 =	vmul.f32 $2.000000030e-01, v0  }
0xa6: {  	vm12 =	vgt.f32 v0, $0.0e+00  }
0xa7: {  	v0 =	vsel vm12, v0, v1  }
0xa8: {  	v0 =	vmul.f32 $1.442695020e+00, v0;
	_ =	sdelay $0x1  }
0xa9: {  	(erf) = vpow2.f32 v0;
	_ =	sdelay $0x2  }
0xaa: {  	v55 =	vld [tilespmem:s18+$0x4E40]  }
0xab: {  	v56 =	vld [tilespmem:s18+$0x7550];
	_ =	sdelay $0x4  }
0xac: {  	v57 =	vpop (erf)  }
0xad: {  	[tilespmem:s18+$0x9C50] =	vst v57  }
0xae: {  	v0 =	vld.idx.msk [tilespmem:v55+s2+$0x0], $0xffff  }
0xaf: {  	v1 =	vld.idx.msk [tilespmem:v56+s10+$0x0], $0xffff;
	_ =	sdelay $0x4  }
0xb0: {  	v0 =	vadd.f32 v1, v0;
	_ =	sdelay $0x1  }
0xb1: {  	v1 =	vmul.f32 $2.000000030e-01, v0  }
0xb2: {  	vm13 =	vgt.f32 v0, $0.0e+00  }
0xb3: {  	v0 =	vsel vm13, v0, v1  }
0xb4: {  	v0 =	vmul.f32 $1.442695020e+00, v0;
	_ =	sdelay $0x1  }
0xb5: {  	(erf) = vpow2.f32 v0;
	_ =	sdelay $0x2  }
0xb6: {  	v58 =	vld [tilespmem:s18+$0x4E50]  }
0xb7: {  	v59 =	vld [tilespmem:s18+$0x7560];
	_ =	sdelay $0x4  }
0xb8: {  	v60 =	vpop (erf)  }
0xb9: {  	[tilespmem:s18+$0x9C60] =	vst v60  }
0xba: {  	v0 =	vld.idx.msk [tilespmem:v58+s2+$0x0], $0xffff  }
0xbb: {  	v1 =	vld.idx.msk [tilespmem:v59+s10+$0x0], $0xffff;
	_ =	sdelay $0x4  }
0xbc: {  	v0 =	vadd.f32 v1, v0;
	_ =	sdelay $0x1  }
0xbd: {  	v1 =	vmul.f32 $2.000000030e-01, v0  }
0xbe: {  	vm14 =	vgt.f32 v0, $0.0e+00  }
0xbf: {  	v0 =	vsel vm14, v0, v1  }
0xc0: {  	v0 =	vmul.f32 $1.442695020e+00, v0;
	_ =	sdelay $0x1  }
0xc1: {  	(erf) = vpow2.f32 v0;
	_ =	sdelay $0x2  }
0xc2: {  	v61 =	vld [tilespmem:s18+$0x4E60]  }
0xc3: {  	v62 =	vld [tilespmem:s18+$0x7570];
	_ =	sdelay $0x4  }
0xc4: {  	v63 =	vpop (erf)  }
0xc5: {  	[tilespmem:s18+$0x9C70] =	vst v63  }
0xc6: {  	v0 =	vld.idx.msk [tilespmem:v61+s2+$0x0], $0xffff  }
0xc7: {  	v1 =	vld.idx.msk [tilespmem:v62+s10+$0x0], $0xffff;
	_ =	sdelay $0x4  }
0xc8: {  	v0 =	vadd.f32 v1, v0;
	_ =	sdelay $0x1  }
0xc9: {  	v1 =	vmul.f32 $2.000000030e-01, v0  }
0xca: {  	vm15 =	vgt.f32 v0, $0.0e+00  }
0xcb: {  	v0 =	vsel vm15, v0, v1  }
0xcc: {  	v0 =	vmul.f32 $1.442695020e+00, v0;
	_ =	sdelay $0x1  }
0xcd: {  	(erf) = vpow2.f32 v0;
	_ =	sdelay $0x7  }
0xce: {  	s14 =	sadd.s32 $0x1, s14  }
0xcf: {  	p0 =	sne.s32 s14, s8;
	v0 =	vpop (erf)  }
.Ltmp1:
0xd0: {  	[tilespmem:s18+$0x9C80] =	vst v0;
	(pc) =	sbr.rel @p0 .LBB2_1-.Ltmp1, $4  }
0xd1: {  	[hbm4b:s7+s2] =	stream.linear.scatter [tilespmem:s13], [sflag:$0x1], $0x2710, $0x38;
	[tilespmem:$0xC350] =	vst v63  }
0xd2: {  	_ =	swait.ge [sflag:s9], $0x2710  }
0xd3: {  	[sflag:s9] =	ssyncset.done $0x0  }
0xd4: {  	[sflag:s9] =	ssyncadd.s32 $0xFFFFD8F0  }
0xd5: {  	_ =	sfence.sel $0x180000  }
0xd6: {  	[bflag:$0x0] =	sbarrier.arrive $0xFFFF  }
0xd7: {  	p0 =	sne.s32 s1, $0x0;
	_ =	strace $0x9000004D  }
0xd8: {  	s0 =	sadd.s32 @!p0 $0x100000, s0;
	[bflag:$0x2] =	sbarrier.arrive $0xFFFF  }
0xd9: {  	[sflag:s0] =	ssyncadd.tile.s32 @!p0 $0x1;
	_ =	shalt  }
.Lfunc_end2:
_tile_overlayer_lowered:
.L_overlay_start_2:
0xda: {  	(tag) =	ssettag $0x2  }
0xdb: {  	s0 =	rddreg [dreg:$0x0];
	s2 =	stileid.u32  }
0xdc: {  	s1 =	rddreg [dreg:$0x1];
	p0 =	sne.s32 s2, $0x0  }
0xdd: {  	s3 =	rddreg [dreg:$0x2];
	[bflag:$0x3] =	sbarrier.arrive $0xFFFF;
	s2 =	simm.s32 @!p0 $0x1C01  }
0xde: {  	[timem:s3], [sflag:s2] =	dma.local @!p0 [hbm:s0], s1  }
0xdf: {  	s0 =	simm.s32 @!p0 $0x1  }
0xe0: {  	_ =	swait.ge @!p0 [sflag:s0], s1  }
0xe1: {  	s1 =	ssub.s32 @!p0 $0x0, s1;
	[sflag:s0] =	ssyncset.done @!p0 $0x0  }
0xe2: {  	[sflag:s0] =	ssyncadd.s32 @!p0 s1  }
0xe3: {  	[bflag:$0x3] =	sbarrier.arrive $0xFFFF  }
0xe4: {  	_ =	shalt  }

// kernel: kernel.18.cloned.1.call-start
scs
__scs_entry_jumppad:
0x0: {  	(pc) =	sbr.rel $0x88, $3  }
0x1: {  	(tag) =	ssettag $0x0;
	lr =	simm.s32 $0x1  }
0x2: {  	[smem:$0x3F97] =	sst lr;
	_ =	strace $0xD0000000  }
0x3: {  	_ = 	snop  }
0x4: {  	_ = 	snop  }
0x5: {  	_ = 	snop  }
0x6: {  	_ = 	snop  }
0x7: {  	_ = 	snop  }
__scs_overlays_trampoline_lowered:
0x8: {  	[smem:$0x3FA6] =	sst s0  }
0x9: {  	[smem:$0x3FA7] =	sst s1  }
0xa: {  	[smem:$0x3FA8] =	sst s2  }
0xb: {  	[smem:$0x3FA9] =	sst s3  }
0xc: {  	[smem:$0x3FAA] =	sst s4  }
0xd: {  	[smem:$0x3FAB] =	sst s5  }
0xe: {  	[smem:$0x3FAC] =	sst s6  }
0xf: {  	[smem:$0x3FAD] =	sst s7  }
0x10: {  	[smem:$0x3FAE] =	sst s8  }
0x11: {  	[smem:$0x3FAF] =	sst s9;
	s0 =	simm.s32 @!p0 $0x0  }
0x12: {  	s1 =	sld [smem:$0x3F95];
	s0 =	simm.s32 @p0 $0x1  }
0x13: {  	[smem:$0x3FB0] =	sst s0;
	s0 =	simm.s32 @!p1 $0x0  }
0x14: {  	s2 =	sld [smem:$0x3F94];
	s0 =	simm.s32 @p1 $0x1  }
0x15: {  	[smem:$0x3FB1] =	sst s0;
	s0 =	simm.s32 @!p2 $0x0  }
0x16: {  	s3 =	sld [smem:$0x3FDB];
	s0 =	simm.s32 @p2 $0x1  }
0x17: {  	s4 =	simm.s32 $0x1BF5;
	[smem:$0x3FB3] =	sst s0  }
0x18: {  	s0 =	sld [smem:$0x3F96];
	_ =	swait.ge [sflag:s4], $0x0  }
0x19: {  	s7 =	sld [smem:$0x3F97]  }
0x1a: {  	s8 =	sadd.s32 $0xFFFFE003, lr  }
0x1b: {  	s9 =	sadd.s32 $0xFFFFFEF7, lr;
	s5 =	simm.s32 $0xFFFFFFFF;
	p2 =	slt.u32 s8, $0xFFFFF086  }
0x1c: {  	p1 =	slt.u32 s9, $0xF7A;
	s5 =	simm.s32 @!p2 $0x0  }
0x1d: {  	s5 =	simm.s32 @p1 $0x1;
	p0 =	seq.s32 s7, s2  }
0x1e: {  	s7 =	smul.u32 @!p0 $0xF7A, s2;
	p2 =	seq.s32 @!p0 s5, $0x0  }
0x1f: {  	s9 =	smul.u32 $0xF7A, s1;
	s8 =	simm.s32 @!p0 $0x1BF5;
	p2 =	por !p2, p0  }
0x20: {  	[sflag:s8] =	ssyncset.s32 @!p0 $0xFFFFF086;
	s6 =	sadd.s32 @!p0 s3, s7;
	s7 =	simm.s32 @!p0 $0x108  }
0x21: {  	s3 =	sadd.s32 s3, s9;
	s6 =	sadd.s32 @!p0 $0x88, s6;
	s7 =	simm.s32 @p2 $0x1082  }
0x22: {  	[simem:s7], [sflag:s8] =	dma.local @!p0 [hbm:s6], $0xF7A  }
0x23: {  	s9 =	sor.u32 $0xD0000000, s2;
	s6 =	simm.s32 $0x108;
	_ =	swait.ge @!p0 [sflag:s8], $0x0  }
0x24: {  	s3 =	sadd.s32 $0x88, s3;
	s6 =	simm.s32 @!p1 $0x1082;
	[sflag:s4] =	ssyncset.s32 $0xFFFFF086  }
0x25: {  	[simem:s6], [sflag:s4] =	dma.local [hbm:s3], $0xF7A  }
0x26: {  	[smem:$0x3F97] =	sst s1;
	(tag) =	ssettag s2;
	_ =	strace s9  }
0x27: {  	s1 =	sld [smem:$0x3FA7]  }
0x28: {  	s2 =	sld [smem:$0x3FA8]  }
0x29: {  	s4 =	sld [smem:$0x3FAA]  }
0x2a: {  	p0 =	seq.s32 s5, $0x0;
	s5 =	sld [smem:$0x3FAB]  }
0x2b: {  	s6 =	sld [smem:$0x3FAC]  }
0x2c: {  	s7 =	sld [smem:$0x3FAD]  }
0x2d: {  	s3 =	simm.s32 $0x108;
	s8 =	sld [smem:$0x3FAE]  }
0x2e: {  	s3 =	simm.s32 @!p0 $0x1082;
	s9 =	sld [smem:$0x3FAF]  }
0x2f: {  	lr =	sadd.s32 s0, s3;
	s0 =	sld [smem:$0x3FA6]  }
0x30: {  	s3 =	sld [smem:$0x3FA9]  }
0x31: {  	[smem:$0x3FB2] =	sst s10  }
0x32: {  	s10 =	sld [smem:$0x3FB0];
	_ =	sdelay $0x3  }
0x33: {  	p0 =	seq.s32 s10, $0x1;
	s10 =	sld [smem:$0x3FB2];
	_ =	sdelay $0x3  }
0x34: {  	[smem:$0x3FB2] =	sst s10  }
0x35: {  	s10 =	sld [smem:$0x3FB1];
	_ =	sdelay $0x3  }
0x36: {  	p1 =	seq.s32 s10, $0x1;
	s10 =	sld [smem:$0x3FB2];
	_ =	sdelay $0x3  }
0x37: {  	[smem:$0x3FB2] =	sst s10  }
0x38: {  	s10 =	sld [smem:$0x3FB3]  }
0x39: {  	_ = 	snop;
	(pc) =	sbr.ind lr, $3  }
0x3a: {  	_ = 	snop  }
0x3b: {  	_ = 	snop  }
0x3c: {  	p2 =	seq.s32 s10, $0x1;
	s10 =	sld [smem:$0x3FB2]  }
0x3d: {  	_ =	shalt  }
0x3e: {  	_ =	shalt  }
0x3f: {  	_ =	shalt  }
0x40: {  	_ =	shalt  }
0x41: {  	_ =	shalt  }
0x42: {  	_ =	shalt  }
0x43: {  	_ =	shalt  }
0x44: {  	_ =	shalt  }
0x45: {  	_ =	shalt  }
0x46: {  	_ =	shalt  }
0x47: {  	_ =	shalt  }
0x48: {  	_ =	shalt  }
0x49: {  	_ =	shalt  }
0x4a: {  	_ =	shalt  }
0x4b: {  	_ =	shalt  }
0x4c: {  	_ =	shalt  }
0x4d: {  	_ =	shalt  }
0x4e: {  	_ =	shalt  }
0x4f: {  	_ =	shalt  }
0x50: {  	_ =	shalt  }
0x51: {  	_ =	shalt  }
0x52: {  	_ =	shalt  }
0x53: {  	_ =	shalt  }
0x54: {  	_ =	shalt  }
0x55: {  	_ =	shalt  }
0x56: {  	_ =	shalt  }
0x57: {  	_ =	shalt  }
0x58: {  	_ =	shalt  }
0x59: {  	_ =	shalt  }
0x5a: {  	_ =	shalt  }
0x5b: {  	_ =	shalt  }
0x5c: {  	_ =	shalt  }
0x5d: {  	_ =	shalt  }
0x5e: {  	_ =	shalt  }
0x5f: {  	_ =	shalt  }
0x60: {  	_ =	shalt  }
0x61: {  	_ =	shalt  }
0x62: {  	_ =	shalt  }
0x63: {  	_ =	shalt  }
0x64: {  	_ =	shalt  }
0x65: {  	_ =	shalt  }
0x66: {  	_ =	shalt  }
0x67: {  	_ =	shalt  }
0x68: {  	_ =	shalt  }
0x69: {  	_ =	shalt  }
0x6a: {  	_ =	shalt  }
0x6b: {  	_ =	shalt  }
0x6c: {  	_ =	shalt  }
0x6d: {  	_ =	shalt  }
0x6e: {  	_ =	shalt  }
0x6f: {  	_ =	shalt  }
0x70: {  	_ =	shalt  }
0x71: {  	_ =	shalt  }
0x72: {  	_ =	shalt  }
0x73: {  	_ =	shalt  }
0x74: {  	_ =	shalt  }
0x75: {  	_ =	shalt  }
0x76: {  	_ =	shalt  }
0x77: {  	_ =	shalt  }
0x78: {  	_ =	shalt  }
0x79: {  	_ =	shalt  }
0x7a: {  	_ =	shalt  }
0x7b: {  	_ =	shalt  }
0x7c: {  	_ =	shalt  }
0x7d: {  	_ =	shalt  }
0x7e: {  	_ =	shalt  }
0x7f: {  	_ =	shalt  }
0x80: {  	_ =	shalt  }
0x81: {  	_ =	shalt  }
0x82: {  	_ =	shalt  }
0x83: {  	_ =	shalt  }
0x84: {  	_ =	shalt  }
0x85: {  	_ =	shalt  }
0x86: {  	_ =	shalt  }
0x87: {  	_ =	shalt  }
.Lfunc_end0:
.L_simem_size_0:
called_computation.3_lowered:
.L_overlay_start_0:
0x88: {  	s2 =	sld [smem:$0x3FD9]  }
0x89: {  	s3 =	sld [smem:$0x3FFE];
	_ =	sdelay $0x1  }
0x8a: {  	s1 =	srdreg.scid  }
0x8b: {  	s0 =	sand.u32 $0x1, s1  }
0x8c: {  	s17 =	sshll.u32 s0, $0xA;
	s2 =	sadd.s32 s3, s2  }
0x8d: {  	s2 =	sadd.s32 s2, s17  }
0x8e: {  	[smem:$0x3FBE] =	sst s2  }
0x8f: {  	_ = 	snop  }
0x90: {  	s2 =	sld [smem:$0x3FD0];
	(tm) =	ssettm $0x1  }
0x91: {  	s18 =	sld [smem:$0x3FFB];
	_ =	sdelay $0x3  }
0x92: {  	_ =	strace s18  }
0x93: {  	s3 =	sld [smem:$0x3FFC];
	_ =	sdelay $0x3  }
0x94: {  	_ =	strace s3  }
0x95: {  	s3 =	sld [smem:$0x3FFD];
	_ =	sdelay $0x3  }
0x96: {  	_ =	strace s3  }
0x97: {  	_ =	strace $0x8FFFFFFF  }
0x98: {  	s19 =	sld [smem:$0x3FDB];
	_ =	sdelay $0x1  }
0x99: {  	s4 =	simm.s32 $_scs_section_size  }
0x9a: {  	s5 =	simm.s32 $_size__tile_overlayer_lowered;
	s6 =	simm.s32 $_tile_overlayer_lowered  }
0x9b: {  	s22 =	simm.s32 $0x1BFF;
	s21 =	sshll.u32 s6, $0x1;
	s3 =	sadd.s32 s4, s19  }
0x9c: {  	s7 =	simm.s32 $0x0;
	s20 =	sshll.u32 s5, $0x1;
	s5 =	sadd.s32 s21, s3  }
0x9d: {  	[timem:s7], [sflag:s22] =	dma.local [hbm:s5], s20  }
0x9e: {  	_ =	swait.ge [sflag:s22], s20  }
0x9f: {  	s4 =	ssub.s32 $0x0, s20;
	[sflag:s22] =	ssyncset.done $0x0  }
0xa0: {  	[sflag:s22] =	ssyncadd.s32 s4;
	_ =	sdelay $0x1  }
0xa1: {  	s23 =	simm.s32 $0x1B8B  }
0xa2: {  	_ =	swait.ge [sflag:s23], $0x1  }
0xa3: {  	[sflag:s23] =	ssyncset.done $0x0  }
0xa4: {  	s25 =	simm.s32 $0x1B8E;
	s24 =	sld [smem:$0x3FFE];
	[sflag:s23] =	ssyncadd.s32 $0xFFFFFFFF  }
0xa5: {  	s26 =	simm.s32 $execute0_lowered;
	[smem:$0x3FD2] =	sst s25  }
0xa6: {  	s5 =	sshll.u32 s26, $0x1;
	_ =	strace $0x8000004F;
	[dreg:$0x1] =	wrdreg $0xFFFFFFFF  }
0xa7: {  	s28 =	simm.s32 $_size_execute0_lowered;
	s3 =	sadd.s32 s3, s5;
	[dreg:$0x0] =	wrdreg $0x0  }
0xa8: {  	s5 =	sshll.u32 s28, $0x1;
	[dreg:$0x2] =	wrdreg s3  }
0xa9: {  	[dreg:$0x3] =	wrdreg s5  }
0xaa: {  	[dreg:$0x4] =	wrdreg $0xC0  }
0xab: {  	_ =	task [dreg:s7], $0x5FFFF  }
0xac: {  	[dreg:$0x1] =	wrdreg $0xFFFFFFFF  }
0xad: {  	[dreg:$0x0] =	wrdreg $0x60  }
0xae: {  	[dreg:$0x2] =	wrdreg s24  }
0xaf: {  	[dreg:$0x3] =	wrdreg s2  }
0xb0: {  	[dreg:$0x4] =	wrdreg $0xA2800  }
0xb1: {  	[dreg:$0x5] =	wrdreg $0x9  }
0xb2: {  	_ =	task.clear_ibuf [dreg:s7], $0x6FFFF;
	_ =	strace $0x9000004F  }
0xb3: {  	s29 =	simm.s32 $0x9;
	_ =	strace $0x80000051  }
0xb4: {  	_ =	swait.ge [sflag:s29], $0x1  }
0xb5: {  	[sflag:s29] =	ssyncadd.s32 $0xFFFFFFFF  }
0xb6: {  	_ =	strace $0x90000051  }
0xb7: {  	_ =	sfence  }
0xb8: {  	s30 =	sld [smem:$0x0];
	_ =	sdelay $0x2  }
0xb9: {  	s31 =	sshll.u32 s1, $0xD;
	s1 =	sshrl.u32 s1, $0x2  }
0xba: {  	s3 =	sand.u32 $0x4000, s31;
	s1 =	sadd.s32 s1, s30  }
0xbb: {  	s0 =	sor.u32 s3, s0;
	s1 =	sshll.u32 s1, $0x11  }
0xbc: {  	s0 =	sor.u32 s1, s0  }
0xbd: {  	s0 =	sadd.s32 $0x8F2B, s0  }
0xbe: {  	[sflag:s0] =	ssyncadd.remote.s32 $0x1  }
0xbf: {  	_ =	sfence.sel $0xFFFF  }
0xc0: {  	[dreg:$0x0] =	wrdreg $0xFFFFFFFF;
	(pc) =	sbr.abs _section_cstart, $3  }
0xc1: {  	[dreg:$0x1] =	wrdreg $0xFFFFFFFF  }
0xc2: {  	_ =	task.clear_ibuf [dreg:s7], $0x2FFFF;
	_ =	strace $0x9FFFFFFF  }
0xc3: {  	(tm) =	ssettm $0x7FFFFFFF  }
tec
execute0_lowered:
.L_overlay_start_1:
0x0: {  	(tag) =	ssettag $0x1  }
0x1: {  	s0 =	rddreg [dreg:$0x0]  }
0x2: {  	s2 =	rddreg [dreg:$0x1];
	s15 =	stileid.u32  }
0x3: {  	s3 =	rddreg [dreg:$0x2];
	s1 =	simm.s32 $0x280;
	s4 =	simm.s32 $0x0  }
0x4: {  	s8 =	srdreg.scid;
	s28 =	simm.s32 $0x50;
	s9 =	smul.u32 $0x270, s15  }
0x5: {  	s30 =	simm.s32 $0x190;
	s31 =	simm.s32 $0x1;
	s25 =	smul.u32 $0x9C4, s15  }
0x6: {  	p0 =	seq.s32 s15, $0xF;
	[smem:$0x7FF] =	sst s4;
	s26 =	smul.u32 $0x4E20, s15  }
0x7: {  	s5 =	sadd.s32 $0x9D800, s0;
	s7 =	sadd.s32 $0xF5800, s0;
	s14 =	smul.u32 $0xFA, s15  }
0x8: {  	s23 =	sand.u32 $0x1, s8;
	s8 =	sadd.s32 $0x800, s0;
	s20 =	smul.u32 $0x2700, s15  }
0x9: {  	s0 =	sadd.s32 $0xFF600, s0;
	s22 =	smul.u32 $0x4E000, s15;
	s15 =	simm.s32 $0x230  }
0xa: {  	s1 =	simm.s32 @!p0 $0x270;
	_ =	strace $0x80000050;
	s16 =	smul.u32 $0x2710, s23  }
0xb: {  	s11 =	ssub.s32 $0x2, s23;
	s6 =	smul.u32 $0x334, s1;
	s18 =	sadd.s32 s5, s25  }
0xc: {  	s12 =	sshrl.u32 s11, $0x1;
	s29 =	sadd.s32 s2, s25;
	[dreg:$0x6] =	wrdreg s18  }
0xd: {  	s11 =	ssub.s32 s11, s12;
	[dreg:$0x7] =	wrdreg s29;
	s12 =	sshrl.u32 s26, $0x3  }
0xe: {  	s26 =	sshrl.u32 s22, $0x2;
	s21 =	sshrl.u32 s6, $0x10;
	s29 =	smax.u32 s11, $0x1  }
0xf: {  	s12 =	sadd.s32 $0xA, s12;
	s6 =	smul.u32 $0x27100, s23;
	[dreg:$0xf] =	wrdreg s29  }
0x10: {  	s22 =	sadd.s32 s26, s3;
	s26 =	simm.s32 $0x140;
	[dreg:$0x4] =	wrdreg s21  }
0x11: {  	s10 =	smul.u32 $0x50, s21;
	s19 =	sadd.s32 s5, s12;
	[dreg:$0x10] =	wrdreg s22  }
0x12: {  	s11 =	simm.s32 $0x3;
	s23 =	sadd.s32 s2, s12;
	[dreg:$0x9] =	wrdreg s19  }
0x13: {  	[dreg:$0xb] =	wrdreg s23;
	s23 =	simm.s32 $0x5280;
	s13 =	sadd.s32 s9, s10  }
0x14: {  	s9 =	sadd.s32 s9, s16;
	p0 =	sle.u32 s1, s10;
	s1 =	simm.s32 $0x2  }
0x15: {  	v0 =	vmov s16;
	s16 =	simm.s32 $0x7A80;
	s24 =	sshll.u32 s13, $0x7;
	s13 =	sadd.s32 s7, s25  }
0x16: {  	s9 =	sadd.s32 s9, s10;
	s25 =	sadd.s32 $0x2, s14;
	s10 =	simm.s32 $0x0  }
0x17: {  	s17 =	sadd.s32 s24, s3;
	[dreg:$0x8] =	wrdreg s13;
	s9 =	sshll.u32 s9, $0x4  }
0x18: {  	s24 =	sadd.s32 s7, s12;
	[dreg:$0xe] =	wrdreg s25;
	s12 =	simm.s32 $0x1E0  }
0x19: {  	s13 =	simm.s32 $0x4;
	s9 =	sadd.s32 s0, s9;
	[dreg:$0xc] =	wrdreg s24  }
0x1a: {  	s0 =	sadd.s32 s6, s0;
	s24 =	simm.s32 $0x7;
	[dreg:$0x5] =	wrdreg s17  }
0x1b: {  	[dreg:$0xa] =	wrdreg s9;
	s0 =	sadd.s32 s20, s0;
	s20 =	sadd.s32 $0x3, s14  }
0x1c: {  	v1 =	vimm.f32 $0.0e+00;
	s14 =	simm.s32 $0x6;
	[dreg:$0xd] =	wrdreg s0;
	s0 =	simm.s32 $0x2A80  }
.LBB2_1:
0x1d: {  	s6 =	simm.s32 $0x0;
	s9 =	simm.s32 $0x200  }
.LBB2_2:
0x1e: {  	p1 =	sne.s32 s9, $0x9E00;
	[tilespmem:s6+$0x52F0] =	vst v1  }
0x1f: {  	[tilespmem:s6+$0x5280] =	vst v1  }
0x20: {  	[tilespmem:s6+$0x5290] =	vst v1  }
.Ltmp0:
0x21: {  	[tilespmem:s6+$0x52A0] =	vst v1;
	(pc) =	sbr.rel @p1 .LBB2_2-.Ltmp0, $4  }
0x22: {  	[tilespmem:s6+$0x52B0] =	vst v1  }
0x23: {  	[tilespmem:s6+$0x52C0] =	vst v1  }
0x24: {  	[tilespmem:s6+$0x52D0] =	vst v1  }
0x25: {  	[tilespmem:s6+$0x52E0] =	vst v1;
	s6 =	sshra.s32 s9, $0x2;
	s9 =	sadd.s32 $0x200, s9  }
0x26: {  	[tilespmem:s6+$0x52F0] =	vst v1  }
0x27: {  	[tilespmem:s6+$0x5280] =	vst v1  }
0x28: {  	[tilespmem:s6+$0x5290] =	vst v1  }
0x29: {  	[tilespmem:s6+$0x52A0] =	vst v1  }
0x2a: {  	[tilespmem:s6+$0x52B0] =	vst v1  }
0x2b: {  	[tilespmem:s6+$0x52C0] =	vst v1;
	p1 =	sne.s32 s21, $0x1  }
.Ltmp1:
0x2c: {  	[tilespmem:s6+$0x52D0] =	vst v1;
	(pc) =	sbr.rel @!p1 .LBB2_5-.Ltmp1, $4  }
0x2d: {  	[dreg:$0x11] =	wrdreg s10;
	[tilespmem:s6+$0x52E0] =	vst v1  }
0x2e: {  	[spmem:s22] =	stream.linear.scatter [tilespmem:s23], [sflag:$0x7], $0x2800, $0x38;
	[tilespmem:$0x1DB00] =	vst v63  }
0x2f: {  	_ =	swait.ge [sflag:s24], $0x2800  }
0x30: {  	s6 =	sadd.s32 $0xFFFFFFFF, s21;
	s9 =	smov.u32 s22;
	[sflag:s24] =	ssyncset.done $0x0  }
.LBB2_4:
0x31: {  	p2 =	sne.s32 s6, $0x1;
	[sflag:s24] =	ssyncadd.s32 $0xFFFFD800;
	s9 =	sadd.s32 $0x2800, s9  }
.Ltmp2:
0x32: {  	s6 =	sadd.s32 $0xFFFFFFFF, s6;
	(pc) =	sbr.rel @p2 .LBB2_4-.Ltmp2, $4  }
0x33: {  	_ = 	snop  }
0x34: {  	[spmem:s9] =	stream.linear.scatter [tilespmem:s23], [sflag:$0x7], $0x2800, $0x38;
	[tilespmem:$0x1DB00] =	vst v63  }
0x35: {  	_ =	swait.ge [sflag:s24], $0x2800  }
0x36: {  	[sflag:s24] =	ssyncset.done $0x0  }
.LBB2_5:
0x37: {  	[sflag:s24] =	ssyncadd.s32 $0xFFFFD800;
	s6 =	simm.s32 @!p0 $0x5280  }
0x38: {  	[spmem:s17] =	stream.linear.scatter @!p0 [tilespmem:s6], [sflag:$0x7], $0x2000, $0x38;
	[tilespmem:$0x1DB00] =	vst v63  }
0x39: {  	s6 =	simm.s32 @!p0 $0x7  }
0x3a: {  	_ =	swait.ge @!p0 [sflag:s6], $0x2000  }
0x3b: {  	[sflag:s6] =	ssyncset.done @!p0 $0x0  }
0x3c: {  	[sflag:s6] =	ssyncadd.s32 @!p0 $0xFFFFE000  }
0x3d: {  	[bflag:$0x0] =	sbarrier.arrive $0xFFFF  }
0x3e: {  	s17 =	simm.s32 $0x0;
	s9 =	rddreg [dreg:$0x6]  }
0x3f: {  	[tilespmem:s17], [sflag:$0x1] =	stream.linear.gather [hbm4b:s9+s17], $0x50, $0x38;
	[tilespmem:$0x1DB00] =	vst v63  }
0x40: {  	s10 =	rddreg [dreg:$0x7];
	s9 =	simm.s32 $0xA0  }
0x41: {  	[tilespmem:s9], [sflag:$0x1] =	stream.linear.gather [hbm4b:s10+s17], $0x50, $0x38;
	[tilespmem:$0x1DB00] =	vst v63  }
0x42: {  	s18 =	rddreg [dreg:$0x8]  }
0x43: {  	[tilespmem:s26], [sflag:$0x1] =	stream.linear.gather [hbm4b:s18+s17], $0x50, $0x38;
	[tilespmem:$0x1DB00] =	vst v63  }
0x44: {  	s19 =	rddreg [dreg:$0x9]  }
0x45: {  	[tilespmem:s28], [sflag:$0x2] =	stream.linear.gather [hbm4b:s19+s17], $0x50, $0x38;
	[tilespmem:$0x1DB00] =	vst v63  }
0x46: {  	s22 =	simm.s32 $0xF0;
	s21 =	rddreg [dreg:$0xb]  }
0x47: {  	[tilespmem:s22], [sflag:$0x2] =	stream.linear.gather [hbm4b:s21+s17], $0x50, $0x38;
	[tilespmem:$0x1DB00] =	vst v63  }
0x48: {  	s25 =	rddreg [dreg:$0xc]  }
0x49: {  	[tilespmem:s30], [sflag:$0x2] =	stream.linear.gather [hbm4b:s25+s17], $0x50, $0x38;
	[tilespmem:$0x1DB00] =	vst v63  }
0x4a: {  	_ =	swait.ge [sflag:s31], $0x50  }
0x4b: {  	[sflag:s31] =	ssyncset.done $0x0  }
0x4c: {  	[sflag:s31] =	ssyncadd.s32 $0xFFFFFFB0  }
0x4d: {  	_ =	swait.ge [sflag:s31], $0x50  }
0x4e: {  	[sflag:s31] =	ssyncset.done $0x0  }
0x4f: {  	[sflag:s31] =	ssyncadd.s32 $0xFFFFFFB0  }
0x50: {  	_ =	swait.ge [sflag:s31], $0x50  }
0x51: {  	[sflag:s31] =	ssyncset.done $0x0  }
0x52: {  	[sflag:s31] =	ssyncadd.s32 $0xFFFFFFB0  }
0x53: {  	v2 =	vld [tilespmem:$0x0]  }
0x54: {  	v3 =	vld [tilespmem:$0x10]  }
0x55: {  	v4 =	vld [tilespmem:$0x20]  }
0x56: {  	v5 =	vld [tilespmem:$0x30]  }
0x57: {  	v6 =	vld [tilespmem:$0x40]  }
0x58: {  	v2 =	vadd.s32 v0, v2  }
0x59: {  	[tilespmem:$0x0] =	vst v2;
	v2 =	vadd.s32 v0, v3  }
0x5a: {  	[tilespmem:$0x10] =	vst v2;
	v2 =	vadd.s32 v0, v4  }
0x5b: {  	[tilespmem:$0x20] =	vst v2;
	v2 =	vadd.s32 v0, v5  }
0x5c: {  	[tilespmem:$0x30] =	vst v2;
	v2 =	vadd.s32 v0, v6  }
0x5d: {  	s29 =	simm.s32 $0x280;
	s10 =	simm.s32 $0x0;
	[tilespmem:$0x40] =	vst v2  }
0x5e: {  	[tilespmem:s29], [sflag:$0x3] =	stream.indirect.gather [hbm4b:s8+s28], $0x80, s17, s28, $0xb8;
	[tilespmem:$0x1DB00] =	vst v63  }
.LBB2_6:
0x5f: {  	_ =	swait.ge [sflag:s1], $0x50  }
0x60: {  	[sflag:s1] =	ssyncset.done $0x0  }
0x61: {  	[sflag:s1] =	ssyncadd.s32 $0xFFFFFFB0  }
0x62: {  	_ =	swait.ge [sflag:s1], $0x50  }
0x63: {  	[sflag:s1] =	ssyncset.done $0x0  }
0x64: {  	[sflag:s1] =	ssyncadd.s32 $0xFFFFFFB0  }
0x65: {  	_ =	swait.ge [sflag:s1], $0x50  }
0x66: {  	[sflag:s1] =	ssyncset.done $0x0  }
0x67: {  	[sflag:s1] =	ssyncadd.s32 $0xFFFFFFB0  }
0x68: {  	v2 =	vld [tilespmem:$0x50]  }
0x69: {  	v3 =	vld [tilespmem:$0x60]  }
0x6a: {  	v4 =	vld [tilespmem:$0x70]  }
0x6b: {  	v5 =	vld [tilespmem:$0x80]  }
0x6c: {  	v6 =	vld [tilespmem:$0x90]  }
0x6d: {  	v2 =	vadd.s32 v0, v2  }
0x6e: {  	[tilespmem:$0x50] =	vst v2;
	v2 =	vadd.s32 v0, v3  }
0x6f: {  	[tilespmem:$0x60] =	vst v2;
	v2 =	vadd.s32 v0, v4  }
0x70: {  	[tilespmem:$0x70] =	vst v2;
	v2 =	vadd.s32 v0, v5  }
0x71: {  	[tilespmem:$0x80] =	vst v2;
	v2 =	vadd.s32 v0, v6  }
0x72: {  	s6 =	simm.s32 $0x1;
	s29 =	simm.s32 $0x2;
	[tilespmem:$0x90] =	vst v2;
	v2 =	vmov s17  }
0x73: {  	v3 =	vmov s6;
	[tilespmem:s0], [sflag:$0x4] =	stream.indirect.gather [hbm4b:s8+s28], $0x80, s28, s28, $0xb8;
	v2 =	vand.u32 $0xFFFFFFFC, v2;
	[tilespmem:$0x1DB00] =	vst v63  }
0x74: {  	v3 =	vand.u32 $0xFFFFFFFD, v3;
	v4 =	vmov s29;
	_ =	swait.ge [sflag:s11], $0x2800;
	v2 =	vbroadcast v2, $0x0  }
0x75: {  	p2 =	seq.s32 s10, $0x0;
	v3 =	vbroadcast v3, $0x0;
	v4 =	vand.u32 $0xFFFFFFFE, v4;
	[sflag:s11] =	ssyncset.done $0x0  }
0x76: {  	s6 =	simm.s32 @!p2 $0x5;
	v4 =	vbroadcast v4, $0x0;
	[sflag:s11] =	ssyncadd.s32 $0xFFFFD800  }
0x77: {  	_ =	swait.ge @!p2 [sflag:s6], $0x2800  }
0x78: {  	[sflag:s6] =	ssyncset.done @!p2 $0x0  }
0x79: {  	[sflag:s6] =	ssyncadd.s32 @!p2 $0xFFFFD800  }
0x7a: {  	v7 =	vld.idx.msk [tilespmem:v2+s26+$0x0], $0xffff  }
0x7b: {  	s9 =	simm.s32 $0x3;
	v8 =	vld.idx.msk [tilespmem:v3+s26+$0x0], $0xffff  }
0x7c: {  	v2 =	vmov s9;
	s9 =	simm.s32 $0x380;
	v9 =	vld.idx.msk [tilespmem:v4+s26+$0x0], $0xffff  }
0x7d: {  	v3 =	vld [tilespmem:s9+$0x0]  }
0x7e: {  	v4 =	vld [tilespmem:s9+$0xFFFFFF00]  }
0x7f: {  	v5 =	vld [tilespmem:s9+$0xFFFFFF80];
	_ =	sdelay $0x1  }
0x80: {  	v6 =	vld.idx.msk [tilespmem:v2+s26+$0x0], $0xffff  }
0x81: {  	v2 =	vld [tilespmem:s9+$0x80];
	v3 =	vmul.f32 v3, v9  }
0x82: {  	s21 =	simm.s32 $0x5380;
	v4 =	vmul.f32 v4, v7  }
0x83: {  	v5 =	vmul.f32 v5, v8;
	[tilespmem:s21+$0x0] =	vst v3  }
0x84: {  	[tilespmem:s21+$0xFFFFFF00] =	vst v4;
	v3 =	vld [tilespmem:s9+$0x10]  }
0x85: {  	[tilespmem:s21+$0xFFFFFF80] =	vst v5;
	v4 =	vld [tilespmem:s9+$0xFFFFFF10]  }
0x86: {  	v5 =	vld [tilespmem:s9+$0xFFFFFF90];
	v2 =	vmul.f32 v2, v6;
	_ =	sdelay $0x1  }
0x87: {  	[tilespmem:s21+$0x80] =	vst v2  }
0x88: {  	v2 =	vld [tilespmem:s9+$0x90];
	v3 =	vmul.f32 v3, v9  }
0x89: {  	v4 =	vmul.f32 v4, v7  }
0x8a: {  	v5 =	vmul.f32 v5, v8;
	[tilespmem:s21+$0x10] =	vst v3  }
0x8b: {  	[tilespmem:s21+$0xFFFFFF10] =	vst v4;
	v3 =	vld [tilespmem:s9+$0x20]  }
0x8c: {  	[tilespmem:s21+$0xFFFFFF90] =	vst v5;
	v4 =	vld [tilespmem:s9+$0xFFFFFF20]  }
0x8d: {  	v5 =	vld [tilespmem:s9+$0xFFFFFFA0];
	v2 =	vmul.f32 v2, v6;
	_ =	sdelay $0x1  }
0x8e: {  	[tilespmem:s21+$0x90] =	vst v2  }
0x8f: {  	s18 =	simm.s32 $0x4;
	v2 =	vld [tilespmem:s9+$0xA0];
	v3 =	vmul.f32 v3, v9  }
0x90: {  	s19 =	simm.s32 $0x5;
	v10 =	vmov s18;
	v4 =	vmul.f32 v4, v7  }
0x91: {  	s18 =	simm.s32 $0x7;
	v11 =	vmov s19;
	v10 =	vand.u32 $0xFFFFFFFC, v10;
	v5 =	vmul.f32 v5, v8;
	[tilespmem:s21+$0x20] =	vst v3  }
0x92: {  	v11 =	vand.u32 $0xFFFFFFFD, v11;
	v10 =	vbroadcast v10, $0x0;
	v3 =	vmov s18;
	[tilespmem:s21+$0xFFFFFF20] =	vst v4;
	v4 =	vld [tilespmem:s9+$0x30]  }
0x93: {  	v11 =	vbroadcast v11, $0x0;
	[tilespmem:s21+$0xFFFFFFA0] =	vst v5;
	v12 =	vld [tilespmem:s9+$0xFFFFFF30]  }
0x94: {  	v13 =	vld [tilespmem:s9+$0xFFFFFFB0];
	v2 =	vmul.f32 v2, v6  }
0x95: {  	s22 =	simm.s32 $0x6  }
0x96: {  	[tilespmem:s21+$0xA0] =	vst v2;
	v2 =	vmov s22  }
0x97: {  	v5 =	vand.u32 $0xFFFFFFFE, v2;
	v2 =	vld.idx.msk [tilespmem:v3+s26+$0x0], $0xffff;
	v4 =	vmul.f32 v4, v9  }
0x98: {  	v3 =	vld.idx.msk [tilespmem:v10+s26+$0x0], $0xffff;
	v10 =	vmul.f32 v12, v7  }
0x99: {  	v15 =	vbroadcast v5, $0x0;
	v5 =	vld.idx.msk [tilespmem:v11+s26+$0x0], $0xffff;
	v11 =	vmul.f32 v13, v8;
	[tilespmem:s21+$0x30] =	vst v4  }
0x9a: {  	v14 =	vld [tilespmem:s9+$0xB0];
	[tilespmem:s21+$0xFFFFFF30] =	vst v10  }
0x9b: {  	[tilespmem:s21+$0xFFFFFFB0] =	vst v11;
	v10 =	vld [tilespmem:s9+$0x40]  }
0x9c: {  	s22 =	simm.s32 $0x580;
	v11 =	vld [tilespmem:s9+$0xFFFFFFC0]  }
0x9d: {  	v13 =	vld [tilespmem:s22+$0x0]  }
0x9e: {  	v12 =	vld [tilespmem:s9+$0xFFFFFF40]  }
0x9f: {  	v14 =	vmul.f32 v14, v6;
	v4 =	vld.idx.msk [tilespmem:v15+s26+$0x0], $0xffff  }
0xa0: {  	v15 =	vld [tilespmem:s22+$0xFFFFFF00];
	v10 =	vmul.f32 v10, v9  }
0xa1: {  	v16 =	vld [tilespmem:s22+$0xFFFFFF80];
	[tilespmem:s21+$0xB0] =	vst v14;
	v11 =	vmul.f32 v11, v8  }
0xa2: {  	v17 =	vld [tilespmem:s22+$0x80];
	[tilespmem:s21+$0x40] =	vst v10  }
0xa3: {  	v10 =	vmul.f32 v12, v7;
	[tilespmem:s21+$0xFFFFFFC0] =	vst v11;
	v11 =	vld [tilespmem:s9+$0xC0]  }
0xa4: {  	v12 =	vld [tilespmem:s9+$0x50];
	v13 =	vmul.f32 v13, v4  }
0xa5: {  	s6 =	simm.s32 $0x5580;
	v14 =	vld [tilespmem:s9+$0xFFFFFFD0];
	[tilespmem:s21+$0xFFFFFF40] =	vst v10;
	v10 =	vmul.f32 v15, v3  }
0xa6: {  	v15 =	vmul.f32 v16, v5;
	[tilespmem:s6+$0x0] =	vst v13;
	v13 =	vld [tilespmem:s9+$0xFFFFFF50]  }
0xa7: {  	v16 =	vmul.f32 v17, v2;
	[tilespmem:s6+$0xFFFFFF00] =	vst v10;
	v10 =	vld [tilespmem:s22+$0x10]  }
0xa8: {  	[tilespmem:s6+$0xFFFFFF80] =	vst v15;
	v17 =	vld [tilespmem:s22+$0xFFFFFF10];
	v11 =	vmul.f32 v11, v6  }
0xa9: {  	[tilespmem:s6+$0x80] =	vst v16;
	v15 =	vld [tilespmem:s22+$0xFFFFFF90];
	v12 =	vmul.f32 v12, v9  }
0xaa: {  	v16 =	vld [tilespmem:s22+$0x90];
	v14 =	vmul.f32 v14, v8;
	[tilespmem:s21+$0xC0] =	vst v11  }
0xab: {  	[tilespmem:s21+$0x50] =	vst v12;
	v12 =	vmul.f32 v13, v7;
	v11 =	vld [tilespmem:s9+$0xD0]  }
0xac: {  	[tilespmem:s21+$0xFFFFFFD0] =	vst v14;
	v13 =	vld [tilespmem:s9+$0x60];
	v10 =	vmul.f32 v10, v4  }
0xad: {  	v14 =	vmul.f32 v17, v3;
	[tilespmem:s21+$0xFFFFFF50] =	vst v12;
	v12 =	vld [tilespmem:s9+$0xFFFFFFE0]  }
0xae: {  	v15 =	vmul.f32 v15, v5;
	[tilespmem:s6+$0x10] =	vst v10;
	v10 =	vld [tilespmem:s9+$0xFFFFFF60]  }
0xaf: {  	v16 =	vmul.f32 v16, v2;
	[tilespmem:s6+$0xFFFFFF10] =	vst v14;
	v14 =	vld [tilespmem:s22+$0x20]  }
0xb0: {  	[tilespmem:s6+$0xFFFFFF90] =	vst v15;
	v17 =	vld [tilespmem:s22+$0xFFFFFF20];
	v11 =	vmul.f32 v11, v6  }
0xb1: {  	[tilespmem:s6+$0x90] =	vst v16;
	v13 =	vmul.f32 v13, v9  }
0xb2: {  	v15 =	vld [tilespmem:s22+$0xFFFFFFA0];
	v12 =	vmul.f32 v12, v8;
	[tilespmem:s21+$0xD0] =	vst v11  }
0xb3: {  	v18 =	vld [tilespmem:s22+$0xA0];
	[tilespmem:s21+$0x60] =	vst v13;
	v10 =	vmul.f32 v10, v7  }
0xb4: {  	v19 =	vld [tilespmem:s9+$0x70];
	v11 =	vmul.f32 v14, v4;
	[tilespmem:s21+$0xFFFFFFE0] =	vst v12  }
0xb5: {  	s25 =	simm.s32 $0x8;
	s19 =	simm.s32 $0x9;
	v20 =	vld [tilespmem:s9+$0xE0];
	v12 =	vmul.f32 v17, v3;
	[tilespmem:s21+$0xFFFFFF60] =	vst v10  }
0xb6: {  	s29 =	simm.s32 $0xB;
	v13 =	vmov s19;
	v14 =	vld [tilespmem:s9+$0xFFFFFFF0];
	v10 =	vmov s25;
	[tilespmem:s6+$0x20] =	vst v11  }
0xb7: {  	v15 =	vmul.f32 v15, v5;
	v16 =	vld [tilespmem:s9+$0xFFFFFF70];
	v10 =	vand.u32 $0xFFFFFFFC, v10;
	[tilespmem:s6+$0xFFFFFF20] =	vst v12;
	v12 =	vmov s29  }
0xb8: {  	v18 =	vmul.f32 v18, v2;
	v11 =	vand.u32 $0xFFFFFFFD, v13;
	v17 =	vld [tilespmem:s22+$0x30];
	v10 =	vbroadcast v10, $0x0  }
0xb9: {  	v11 =	vbroadcast v11, $0x0;
	[tilespmem:s6+$0xFFFFFFA0] =	vst v15;
	v13 =	vld [tilespmem:s22+$0xFFFFFF30];
	v19 =	vmul.f32 v19, v9  }
0xba: {  	s18 =	sshll.u32 s10, $0x1;
	s19 =	simm.s32 $0xA;
	s25 =	simm.s32 $0xC;
	[tilespmem:s6+$0xA0] =	vst v18;
	v15 =	vld [tilespmem:s22+$0xFFFFFFB0];
	v18 =	vmul.f32 v20, v6  }
.LBB2_7:
0xbb: {  	p3 =	slt.u32 s25, $0x4C;
	v9 =	vmov s19;
	v20 =	vld [tilespmem:s22+$0xB0];
	v14 =	vmul.f32 v14, v8;
	[tilespmem:s21+$0x70] =	vst v19;
	v8 =	vmov v5  }
0xbc: {  	v5 =	vand.u32 $0xFFFFFFFE, v9;
	v9 =	vld.idx.msk [tilespmem:v12+s26+$0x0], $0xffff;
	v12 =	vmul.f32 v16, v7;
	[tilespmem:s21+$0xE0] =	vst v18;
	v7 =	vmov v3  }
0xbd: {  	v16 =	vbroadcast v5, $0x0;
	v17 =	vmul.f32 v17, v4;
	[tilespmem:s21+$0xFFFFFFF0] =	vst v14;
	v14 =	vld [tilespmem:s9+$0xF0];
	s9 =	smov.u32 s22  }
0xbe: {  	v3 =	vld.idx.msk [tilespmem:v10+s26+$0x0], $0xffff;
	v10 =	vmul.f32 v13, v7;
	[tilespmem:s21+$0xFFFFFF70] =	vst v12  }
0xbf: {  	v5 =	vld.idx.msk [tilespmem:v11+s26+$0x0], $0xffff;
	v11 =	vmul.f32 v15, v8;
	[tilespmem:s6+$0x30] =	vst v17  }
0xc0: {  	[tilespmem:s6+$0xFFFFFF30] =	vst v10;
	v10 =	vld [tilespmem:s22+$0x40];
	v12 =	vmul.f32 v20, v2  }
0xc1: {  	v13 =	vld [tilespmem:s22+$0xFFFFFF40];
	[tilespmem:s6+$0xFFFFFFB0] =	vst v11  }
0xc2: {  	v11 =	vld [tilespmem:s22+$0xFFFFFFC0];
	[tilespmem:s6+$0xB0] =	vst v12;
	v12 =	vmul.f32 v14, v6;
	v6 =	vmov v2;
	v2 =	vmov v9  }
0xc3: {  	s22 =	sadd.s32 $0x200, s22;
	v9 =	vld.idx.msk [tilespmem:v16+s26+$0x0], $0xffff  }
0xc4: {  	v14 =	vld [tilespmem:s22+$0x0];
	[tilespmem:s21+$0xF0] =	vst v12;
	s21 =	smov.u32 s6  }
0xc5: {  	v12 =	vld [tilespmem:s22+$0xFFFFFF00];
	v10 =	vmul.f32 v10, v4  }
0xc6: {  	v15 =	vld [tilespmem:s22+$0xFFFFFF80];
	v13 =	vmul.f32 v13, v7  }
0xc7: {  	v16 =	vld [tilespmem:s22+$0x80];
	v11 =	vmul.f32 v11, v8;
	[tilespmem:s6+$0x40] =	vst v10  }
0xc8: {  	[tilespmem:s6+$0xFFFFFF40] =	vst v13;
	v10 =	vld [tilespmem:s9+$0x50]  }
0xc9: {  	v13 =	vmul.f32 v14, v9;
	[tilespmem:s6+$0xFFFFFFC0] =	vst v11;
	v11 =	vld [tilespmem:s9+$0xC0]  }
0xca: {  	s6 =	sadd.s32 $0x200, s6;
	v12 =	vmul.f32 v12, v3;
	v14 =	vld [tilespmem:s9+$0xFFFFFFD0]  }
0xcb: {  	v15 =	vmul.f32 v15, v5;
	[tilespmem:s6+$0x0] =	vst v13;
	v13 =	vld [tilespmem:s9+$0xFFFFFF50]  }
0xcc: {  	[tilespmem:s6+$0xFFFFFF00] =	vst v12;
	v12 =	vld [tilespmem:s22+$0x10];
	v16 =	vmul.f32 v16, v2  }
0xcd: {  	v17 =	vld [tilespmem:s22+$0xFFFFFF10];
	[tilespmem:s6+$0xFFFFFF80] =	vst v15;
	v10 =	vmul.f32 v10, v4  }
0xce: {  	v15 =	vld [tilespmem:s22+$0xFFFFFF90];
	[tilespmem:s6+$0x80] =	vst v16;
	v11 =	vmul.f32 v11, v6  }
0xcf: {  	v16 =	vld [tilespmem:s22+$0x90];
	v14 =	vmul.f32 v14, v8;
	[tilespmem:s21+$0x50] =	vst v10  }
0xd0: {  	v10 =	vmul.f32 v13, v7;
	v13 =	vld [tilespmem:s9+$0x60];
	[tilespmem:s21+$0xC0] =	vst v11  }
0xd1: {  	v11 =	vmul.f32 v12, v9;
	[tilespmem:s21+$0xFFFFFFD0] =	vst v14;
	v12 =	vld [tilespmem:s9+$0xD0]  }
0xd2: {  	v14 =	vmul.f32 v17, v3;
	[tilespmem:s21+$0xFFFFFF50] =	vst v10;
	v10 =	vld [tilespmem:s9+$0xFFFFFFE0]  }
0xd3: {  	v15 =	vmul.f32 v15, v5;
	[tilespmem:s6+$0x10] =	vst v11;
	v11 =	vld [tilespmem:s9+$0xFFFFFF60]  }
0xd4: {  	[tilespmem:s6+$0xFFFFFF10] =	vst v14;
	v14 =	vld [tilespmem:s22+$0x20];
	v16 =	vmul.f32 v16, v2  }
0xd5: {  	v17 =	vld [tilespmem:s22+$0xFFFFFF20];
	[tilespmem:s6+$0xFFFFFF90] =	vst v15;
	v13 =	vmul.f32 v13, v4  }
0xd6: {  	v15 =	vld [tilespmem:s22+$0xFFFFFFA0];
	[tilespmem:s6+$0x90] =	vst v16;
	v12 =	vmul.f32 v12, v6  }
0xd7: {  	v18 =	vld [tilespmem:s22+$0xA0];
	v10 =	vmul.f32 v10, v8;
	[tilespmem:s21+$0x60] =	vst v13  }
0xd8: {  	v11 =	vmul.f32 v11, v7;
	v19 =	vld [tilespmem:s9+$0x70];
	[tilespmem:s21+$0xD0] =	vst v12  }
0xd9: {  	s19 =	sadd.s32 $0x3, s25;
	v13 =	vmul.f32 v14, v9;
	[tilespmem:s21+$0xFFFFFFE0] =	vst v10;
	v20 =	vld [tilespmem:s9+$0xE0]  }
.Ltmp3:
0xda: {  	s29 =	sadd.s32 $0x1, s25;
	v12 =	vmov s19;
	v10 =	vmov s25;
	v17 =	vmul.f32 v17, v3;
	[tilespmem:s21+$0xFFFFFF60] =	vst v11;
	v14 =	vld [tilespmem:s9+$0xFFFFFFF0];
	(pc) =	sbr.rel @p3 .LBB2_7-.Ltmp3, $4  }
0xdb: {  	v10 =	vand.u32 $0xFFFFFFFC, v10;
	v11 =	vmov s29;
	v15 =	vmul.f32 v15, v5;
	[tilespmem:s6+$0x20] =	vst v13;
	v16 =	vld [tilespmem:s9+$0xFFFFFF70]  }
0xdc: {  	v10 =	vbroadcast v10, $0x0;
	v11 =	vand.u32 $0xFFFFFFFD, v11;
	[tilespmem:s6+$0xFFFFFF20] =	vst v17;
	v17 =	vld [tilespmem:s22+$0x30];
	v18 =	vmul.f32 v18, v2  }
0xdd: {  	v11 =	vbroadcast v11, $0x0;
	v13 =	vld [tilespmem:s22+$0xFFFFFF30];
	[tilespmem:s6+$0xFFFFFFA0] =	vst v15;
	v19 =	vmul.f32 v19, v4;
	v4 =	vmov v9  }
0xde: {  	s19 =	sadd.s32 $0x2, s25;
	s25 =	sadd.s32 $0x4, s25;
	v15 =	vld [tilespmem:s22+$0xFFFFFFB0];
	[tilespmem:s6+$0xA0] =	vst v18;
	v18 =	vmul.f32 v20, v6  }
0xdf: {  	_ = 	snop  }
0xe0: {  	v9 =	vmov s19  }
0xe1: {  	v9 =	vand.u32 $0xFFFFFFFE, v9  }
0xe2: {  	v20 =	vbroadcast v9, $0x0  }
0xe3: {  	v10 =	vld.idx.msk [tilespmem:v10+s26+$0x0], $0xffff  }
0xe4: {  	v11 =	vld.idx.msk [tilespmem:v11+s26+$0x0], $0xffff;
	s29 =	sadd.s32 $0x200, s22  }
0xe5: {  	v50 =	vld [tilespmem:s29+$0x0]  }
0xe6: {  	v21 =	vld [tilespmem:s29+$0xFFFFFF80]  }
0xe7: {  	v9 =	vld.idx.msk [tilespmem:v12+s26+$0x0], $0xffff  }
0xe8: {  	v12 =	vld.idx.msk [tilespmem:v20+s26+$0x0], $0xffff  }
0xe9: {  	v23 =	vld [tilespmem:s29+$0x80]  }
0xea: {  	v22 =	vld [tilespmem:s29+$0xFFFFFF00];
	_ =	sdelay $0x1  }
0xeb: {  	v21 =	vmul.f32 v21, v11  }
0xec: {  	s25 =	sadd.s32 $0x200, s6;
	v20 =	vmul.f32 v50, v12  }
0xed: {  	v23 =	vmul.f32 v23, v9;
	[tilespmem:s25+$0xFFFFFF80] =	vst v21  }
0xee: {  	v22 =	vmul.f32 v22, v10;
	v21 =	vld [tilespmem:s29+$0xFFFFFF90];
	[tilespmem:s25+$0x0] =	vst v20  }
0xef: {  	[tilespmem:s25+$0x80] =	vst v23;
	v20 =	vld [tilespmem:s29+$0x10]  }
0xf0: {  	[tilespmem:s25+$0xFFFFFF00] =	vst v22;
	v23 =	vld [tilespmem:s29+$0x90]  }
0xf1: {  	v22 =	vld [tilespmem:s29+$0xFFFFFF10];
	_ =	sdelay $0x1  }
0xf2: {  	v51 =	vmul.f32 v21, v11  }
0xf3: {  	[tilespmem:s21+$0x70] =	vst v19;
	v20 =	vmul.f32 v20, v12  }
0xf4: {  	v54 =	vmul.f32 v23, v9;
	[tilespmem:s25+$0xFFFFFF90] =	vst v51  }
0xf5: {  	v52 =	vmul.f32 v22, v10;
	v55 =	vld [tilespmem:s29+$0xFFFFFFA0];
	[tilespmem:s25+$0x10] =	vst v20  }
0xf6: {  	[tilespmem:s25+$0x90] =	vst v54;
	v53 =	vld [tilespmem:s29+$0x20]  }
0xf7: {  	v8 =	vmul.f32 v14, v8;
	[tilespmem:s25+$0xFFFFFF10] =	vst v52;
	v57 =	vld [tilespmem:s29+$0xA0]  }
0xf8: {  	v7 =	vmul.f32 v16, v7;
	[tilespmem:s21+$0xE0] =	vst v18;
	v56 =	vld [tilespmem:s29+$0xFFFFFF20]  }
0xf9: {  	v17 =	vmul.f32 v17, v4;
	[tilespmem:s21+$0xFFFFFFF0] =	vst v8  }
0xfa: {  	v59 =	vld [tilespmem:s22+$0xB0];
	[tilespmem:s21+$0xFFFFFF70] =	vst v7;
	v60 =	vmul.f32 v55, v11  }
0xfb: {  	[tilespmem:s6+$0x30] =	vst v17;
	v58 =	vmul.f32 v53, v12  }
0xfc: {  	v18 =	vld [tilespmem:s9+$0xF0];
	v16 =	vmul.f32 v57, v9;
	[tilespmem:s25+$0xFFFFFFA0] =	vst v60  }
0xfd: {  	v14 =	vmul.f32 v56, v10;
	v61 =	vld [tilespmem:s29+$0xFFFFFFB0];
	[tilespmem:s25+$0x20] =	vst v58  }
0xfe: {  	v13 =	vmul.f32 v13, v3;
	[tilespmem:s25+$0xA0] =	vst v16;
	v7 =	vld [tilespmem:s29+$0x30]  }
0xff: {  	v8 =	vmul.f32 v59, v2;
	[tilespmem:s25+$0xFFFFFF20] =	vst v14;
	v63 =	vld [tilespmem:s29+$0xB0]  }
0x100: {  	v15 =	vmul.f32 v15, v5;
	[tilespmem:s6+$0xFFFFFF30] =	vst v13;
	v62 =	vld [tilespmem:s29+$0xFFFFFF30]  }
0x101: {  	v6 =	vmul.f32 v18, v6;
	[tilespmem:s6+$0xB0] =	vst v8;
	v21 =	vld [tilespmem:s22+$0xFFFFFF40]  }
0x102: {  	[tilespmem:s6+$0xFFFFFFB0] =	vst v15;
	v23 =	vld [tilespmem:s22+$0xC0];
	v22 =	vmul.f32 v61, v11  }
0x103: {  	v15 =	vld [tilespmem:s22+$0xFFFFFFC0];
	[tilespmem:s21+$0xF0] =	vst v6;
	v7 =	vmul.f32 v7, v12  }
0x104: {  	v20 =	vld [tilespmem:s22+$0x40];
	v13 =	vmul.f32 v63, v9;
	[tilespmem:s25+$0xFFFFFFB0] =	vst v22  }
0x105: {  	v17 =	vmul.f32 v62, v10;
	v25 =	vld [tilespmem:s29+$0xFFFFFFC0];
	[tilespmem:s25+$0x30] =	vst v7  }
0x106: {  	v8 =	vmul.f32 v21, v3;
	[tilespmem:s25+$0xB0] =	vst v13;
	v7 =	vld [tilespmem:s29+$0x40]  }
0x107: {  	v14 =	vmul.f32 v23, v2;
	[tilespmem:s25+$0xFFFFFF30] =	vst v17;
	v26 =	vld [tilespmem:s29+$0xC0]  }
0x108: {  	v15 =	vmul.f32 v15, v5;
	[tilespmem:s6+$0xFFFFFF40] =	vst v8;
	v17 =	vld [tilespmem:s29+$0xFFFFFF40]  }
0x109: {  	v29 =	vld [tilespmem:s22+$0xFFFFFF50];
	[tilespmem:s6+$0xC0] =	vst v14;
	v24 =	vmul.f32 v20, v4  }
0x10a: {  	[tilespmem:s6+$0xFFFFFFC0] =	vst v15;
	v31 =	vld [tilespmem:s22+$0xD0];
	v30 =	vmul.f32 v25, v11  }
0x10b: {  	v28 =	vld [tilespmem:s22+$0xFFFFFFD0];
	[tilespmem:s6+$0x40] =	vst v24;
	v7 =	vmul.f32 v7, v12  }
0x10c: {  	v27 =	vld [tilespmem:s22+$0x50];
	v6 =	vmul.f32 v26, v9;
	[tilespmem:s25+$0xFFFFFFC0] =	vst v30  }
0x10d: {  	v17 =	vmul.f32 v17, v10;
	v14 =	vld [tilespmem:s29+$0xFFFFFFD0];
	[tilespmem:s25+$0x40] =	vst v7  }
0x10e: {  	v32 =	vmul.f32 v29, v3;
	[tilespmem:s25+$0xC0] =	vst v6;
	v7 =	vld [tilespmem:s29+$0x50]  }
0x10f: {  	v35 =	vmul.f32 v31, v2;
	[tilespmem:s25+$0xFFFFFF40] =	vst v17;
	v33 =	vld [tilespmem:s29+$0xD0]  }
0x110: {  	v8 =	vmul.f32 v28, v5;
	[tilespmem:s6+$0xFFFFFF50] =	vst v32;
	v17 =	vld [tilespmem:s29+$0xFFFFFF50]  }
0x111: {  	v37 =	vld [tilespmem:s22+$0xFFFFFF60];
	[tilespmem:s6+$0xD0] =	vst v35;
	v13 =	vmul.f32 v27, v4  }
0x112: {  	[tilespmem:s6+$0xFFFFFFD0] =	vst v8;
	v39 =	vld [tilespmem:s22+$0xE0];
	v38 =	vmul.f32 v14, v11  }
0x113: {  	v36 =	vld [tilespmem:s22+$0xFFFFFFE0];
	[tilespmem:s6+$0x50] =	vst v13;
	v7 =	vmul.f32 v7, v12  }
0x114: {  	v34 =	vld [tilespmem:s22+$0x60];
	v42 =	vmul.f32 v33, v9;
	[tilespmem:s25+$0xFFFFFFD0] =	vst v38  }
0x115: {  	v40 =	vmul.f32 v17, v10;
	v44 =	vld [tilespmem:s29+$0xFFFFFFE0];
	[tilespmem:s25+$0x50] =	vst v7  }
0x116: {  	v46 =	vmul.f32 v37, v3;
	[tilespmem:s25+$0xD0] =	vst v42;
	v41 =	vld [tilespmem:s29+$0x60]  }
0x117: {  	v49 =	vmul.f32 v39, v2;
	[tilespmem:s25+$0xFFFFFF50] =	vst v40;
	v47 =	vld [tilespmem:s29+$0xE0]  }
0x118: {  	[tilespmem:s6+$0xFFFFFF60] =	vst v46;
	v6 =	vmul.f32 v36, v5;
	v45 =	vld [tilespmem:s29+$0xFFFFFF60]  }
0x119: {  	v52 =	vld [tilespmem:s22+$0xFFFFFF70];
	[tilespmem:s6+$0xE0] =	vst v49;
	v43 =	vmul.f32 v34, v4  }
0x11a: {  	[tilespmem:s6+$0xFFFFFFE0] =	vst v6;
	v54 =	vld [tilespmem:s22+$0xF0];
	v53 =	vmul.f32 v44, v11  }
0x11b: {  	v50 =	vld [tilespmem:s22+$0xFFFFFFF0];
	[tilespmem:s6+$0x60] =	vst v43;
	v51 =	vmul.f32 v41, v12  }
0x11c: {  	v48 =	vld [tilespmem:s22+$0x70];
	v57 =	vmul.f32 v47, v9;
	[tilespmem:s25+$0xFFFFFFE0] =	vst v53  }
0x11d: {  	v55 =	vmul.f32 v45, v10;
	v59 =	vld [tilespmem:s29+$0xFFFFFFF0];
	[tilespmem:s25+$0x60] =	vst v51  }
0x11e: {  	v3 =	vmul.f32 v52, v3;
	[tilespmem:s25+$0xE0] =	vst v57;
	v56 =	vld [tilespmem:s29+$0x70]  }
0x11f: {  	v2 =	vmul.f32 v54, v2;
	[tilespmem:s25+$0xFFFFFF60] =	vst v55;
	v62 =	vld [tilespmem:s29+$0xF0]  }
0x120: {  	[tilespmem:s6+$0xFFFFFF70] =	vst v3;
	v60 =	vmul.f32 v50, v5;
	v61 =	vld [tilespmem:s29+$0xFFFFFF70]  }
0x121: {  	[tilespmem:s6+$0xF0] =	vst v2;
	v58 =	vmul.f32 v48, v4  }
0x122: {  	[tilespmem:s6+$0xFFFFFFF0] =	vst v60;
	v2 =	vmul.f32 v59, v11  }
0x123: {  	[tilespmem:s6+$0x70] =	vst v58;
	v3 =	vmul.f32 v56, v12  }
0x124: {  	[tilespmem:s25+$0xFFFFFFF0] =	vst v2;
	v2 =	vmul.f32 v62, v9  }
0x125: {  	[tilespmem:s25+$0x70] =	vst v3;
	v3 =	vmul.f32 v61, v10  }
0x126: {  	[tilespmem:s25+$0xF0] =	vst v2  }
0x127: {  	[tilespmem:s25+$0xFFFFFF70] =	vst v3  }
0x128: {  	v2 =	vld [tilespmem:$0xA0]  }
0x129: {  	v3 =	vld [tilespmem:$0xB0]  }
0x12a: {  	v63 =	vld [tilespmem:$0xC0]  }
0x12b: {  	v5 =	vld [tilespmem:$0xD0]  }
0x12c: {  	v6 =	vld [tilespmem:$0xE0]  }
0x12d: {  	p3 =	sne.s32 s10, $0x7C;
	[tilespmem:$0x1E0] =	vst v2  }
.Ltmp4:
0x12e: {  	[tilespmem:$0x1F0] =	vst v3;
	(pc) =	sbr.rel @p3 .LBB2_10-.Ltmp4, $4  }
0x12f: {  	[tilespmem:$0x200] =	vst v63  }
0x130: {  	[tilespmem:$0x210] =	vst v5  }
0x131: {  	[tilespmem:$0x220] =	vst v6  }
0x132: {  	[spmem:s3] =	stream.indirect.scatter.add.f32 [tilespmem:s23], [sflag:$0x5], $0x80, s12, s28, $0xb8;
	[tilespmem:$0x1DB00] =	vst v63  }
.Ltmp5:
0x133: {  	(pc) =	sbr.rel .LBB2_11-.Ltmp5, $4  }
0x134: {  	_ = 	snop  }
0x135: {  	_ =	swait.ge [sflag:s13], $0x2800  }
0x136: {  	[sflag:s13] =	ssyncset.done $0x0  }
0x137: {  	[sflag:s13] =	ssyncadd.s32 $0xFFFFD800  }
.LBB2_10:
0x138: {  	s6 =	rddreg [dreg:$0xe]  }
0x139: {  	s6 =	sadd.s32 s18, s6  }
0x13a: {  	s6 =	smul.u32 $0xA, s6;
	_ =	sdelay $0x1  }
0x13b: {  	s9 =	sadd.s32 s5, s6  }
0x13c: {  	[tilespmem:s4], [sflag:$0x1] =	stream.linear.gather [hbm4b:s9+s4], $0x50, $0x38;
	[tilespmem:$0x1DB00] =	vst v63  }
0x13d: {  	s19 =	simm.s32 $0xA0;
	s25 =	sadd.s32 s2, s6  }
0x13e: {  	[tilespmem:s19], [sflag:$0x1] =	stream.linear.gather [hbm4b:s25+s4], $0x50, $0x38;
	[tilespmem:$0x1DB00] =	vst v63  }
0x13f: {  	s6 =	sadd.s32 s7, s6  }
0x140: {  	[tilespmem:s26], [sflag:$0x1] =	stream.linear.gather [hbm4b:s6+s4], $0x50, $0x38;
	[tilespmem:$0x1DB00] =	vst v63  }
0x141: {  	_ =	swait.ge [sflag:s31], $0x50  }
0x142: {  	[sflag:s31] =	ssyncset.done $0x0  }
0x143: {  	[sflag:s31] =	ssyncadd.s32 $0xFFFFFFB0  }
0x144: {  	_ =	swait.ge [sflag:s31], $0x50  }
0x145: {  	[sflag:s31] =	ssyncset.done $0x0  }
0x146: {  	[sflag:s31] =	ssyncadd.s32 $0xFFFFFFB0  }
0x147: {  	_ =	swait.ge [sflag:s31], $0x50  }
0x148: {  	[sflag:s31] =	ssyncset.done $0x0  }
0x149: {  	[sflag:s31] =	ssyncadd.s32 $0xFFFFFFB0  }
0x14a: {  	v2 =	vld [tilespmem:$0x0]  }
0x14b: {  	v3 =	vld [tilespmem:$0x10]  }
0x14c: {  	v4 =	vld [tilespmem:$0x20]  }
0x14d: {  	v5 =	vld [tilespmem:$0x30]  }
0x14e: {  	v6 =	vld [tilespmem:$0x40]  }
0x14f: {  	v2 =	vadd.s32 v0, v2  }
0x150: {  	[tilespmem:$0x0] =	vst v2;
	v2 =	vadd.s32 v0, v3  }
0x151: {  	[tilespmem:$0x10] =	vst v2;
	v2 =	vadd.s32 v0, v4  }
0x152: {  	[tilespmem:$0x20] =	vst v2;
	v2 =	vadd.s32 v0, v5  }
0x153: {  	[tilespmem:$0x30] =	vst v2;
	v2 =	vadd.s32 v0, v6  }
.Ltmp6:
0x154: {  	s29 =	simm.s32 $0x280;
	[tilespmem:$0x40] =	vst v2;
	(pc) =	sbr.rel @p2 .LBB2_12-.Ltmp6, $4  }
0x155: {  	[tilespmem:s29], [sflag:$0x3] =	stream.indirect.gather [hbm4b:s8+s28], $0x80, s4, s28, $0xb8;
	[tilespmem:$0x1DB00] =	vst v63  }
0x156: {  	_ =	swait.ge [sflag:s13], $0x2800  }
0x157: {  	[sflag:s13] =	ssyncset.done $0x0  }
0x158: {  	[sflag:s13] =	ssyncadd.s32 $0xFFFFD800  }
.LBB2_11:
0x159: {  	_ =	swait.ge [sflag:s14], $0x2800  }
0x15a: {  	[sflag:s14] =	ssyncset.done $0x0  }
0x15b: {  	[sflag:s14] =	ssyncadd.s32 $0xFFFFD800  }
.LBB2_12:
0x15c: {  	s6 =	simm.s32 $0x0  }
0x15d: {  	s25 =	simm.s32 $0x1;
	v2 =	vmov s6  }
0x15e: {  	s29 =	simm.s32 $0x2;
	v3 =	vmov s25;
	v2 =	vand.u32 $0xFFFFFFFC, v2  }
0x15f: {  	v4 =	vmov s29;
	v3 =	vand.u32 $0xFFFFFFFD, v3;
	v2 =	vbroadcast v2, $0x0  }
0x160: {  	v4 =	vand.u32 $0xFFFFFFFE, v4;
	v3 =	vbroadcast v3, $0x0  }
0x161: {  	v4 =	vbroadcast v4, $0x0;
	_ =	sdelay $0x3  }
0x162: {  	v7 =	vld.idx.msk [tilespmem:v2+s30+$0x0], $0xffff  }
0x163: {  	s9 =	simm.s32 $0x3;
	v8 =	vld.idx.msk [tilespmem:v3+s30+$0x0], $0xffff  }
0x164: {  	v2 =	vmov s9;
	s9 =	simm.s32 $0x2B80;
	v9 =	vld.idx.msk [tilespmem:v4+s30+$0x0], $0xffff  }
0x165: {  	v3 =	vld [tilespmem:s9+$0x0]  }
0x166: {  	v4 =	vld [tilespmem:s9+$0xFFFFFF00]  }
0x167: {  	v5 =	vld [tilespmem:s9+$0xFFFFFF80];
	_ =	sdelay $0x1  }
0x168: {  	v6 =	vld.idx.msk [tilespmem:v2+s30+$0x0], $0xffff  }
0x169: {  	v2 =	vld [tilespmem:s9+$0x80];
	v3 =	vmul.f32 v3, v9  }
0x16a: {  	s21 =	simm.s32 $0x7B80;
	v4 =	vmul.f32 v4, v7  }
0x16b: {  	v5 =	vmul.f32 v5, v8;
	[tilespmem:s21+$0x0] =	vst v3  }
0x16c: {  	[tilespmem:s21+$0xFFFFFF00] =	vst v4;
	v3 =	vld [tilespmem:s9+$0x10]  }
0x16d: {  	[tilespmem:s21+$0xFFFFFF80] =	vst v5;
	v4 =	vld [tilespmem:s9+$0xFFFFFF10]  }
0x16e: {  	v5 =	vld [tilespmem:s9+$0xFFFFFF90];
	v2 =	vmul.f32 v2, v6;
	_ =	sdelay $0x1  }
0x16f: {  	[tilespmem:s21+$0x80] =	vst v2  }
0x170: {  	v2 =	vld [tilespmem:s9+$0x90];
	v3 =	vmul.f32 v3, v9  }
0x171: {  	v4 =	vmul.f32 v4, v7  }
0x172: {  	v5 =	vmul.f32 v5, v8;
	[tilespmem:s21+$0x10] =	vst v3  }
0x173: {  	[tilespmem:s21+$0xFFFFFF10] =	vst v4;
	v3 =	vld [tilespmem:s9+$0x20]  }
0x174: {  	[tilespmem:s21+$0xFFFFFF90] =	vst v5;
	v4 =	vld [tilespmem:s9+$0xFFFFFF20]  }
0x175: {  	v5 =	vld [tilespmem:s9+$0xFFFFFFA0];
	v2 =	vmul.f32 v2, v6;
	_ =	sdelay $0x1  }
0x176: {  	[tilespmem:s21+$0x90] =	vst v2  }
0x177: {  	s19 =	simm.s32 $0x4;
	v2 =	vld [tilespmem:s9+$0xA0];
	v3 =	vmul.f32 v3, v9  }
0x178: {  	s22 =	simm.s32 $0x5;
	v10 =	vmov s19;
	v4 =	vmul.f32 v4, v7  }
0x179: {  	s19 =	simm.s32 $0x7;
	v11 =	vmov s22;
	v10 =	vand.u32 $0xFFFFFFFC, v10;
	v5 =	vmul.f32 v5, v8;
	[tilespmem:s21+$0x20] =	vst v3  }
0x17a: {  	v11 =	vand.u32 $0xFFFFFFFD, v11;
	v10 =	vbroadcast v10, $0x0;
	v3 =	vmov s19;
	[tilespmem:s21+$0xFFFFFF20] =	vst v4;
	v4 =	vld [tilespmem:s9+$0x30]  }
0x17b: {  	v11 =	vbroadcast v11, $0x0;
	[tilespmem:s21+$0xFFFFFFA0] =	vst v5;
	v12 =	vld [tilespmem:s9+$0xFFFFFF30]  }
0x17c: {  	v13 =	vld [tilespmem:s9+$0xFFFFFFB0];
	v2 =	vmul.f32 v2, v6  }
0x17d: {  	s25 =	simm.s32 $0x6  }
0x17e: {  	[tilespmem:s21+$0xA0] =	vst v2;
	v2 =	vmov s25  }
0x17f: {  	v5 =	vand.u32 $0xFFFFFFFE, v2;
	v2 =	vld.idx.msk [tilespmem:v3+s30+$0x0], $0xffff;
	v4 =	vmul.f32 v4, v9  }
0x180: {  	v3 =	vld.idx.msk [tilespmem:v10+s30+$0x0], $0xffff;
	v10 =	vmul.f32 v12, v7  }
0x181: {  	v15 =	vbroadcast v5, $0x0;
	v5 =	vld.idx.msk [tilespmem:v11+s30+$0x0], $0xffff;
	v11 =	vmul.f32 v13, v8;
	[tilespmem:s21+$0x30] =	vst v4  }
0x182: {  	v14 =	vld [tilespmem:s9+$0xB0];
	[tilespmem:s21+$0xFFFFFF30] =	vst v10  }
0x183: {  	[tilespmem:s21+$0xFFFFFFB0] =	vst v11;
	v10 =	vld [tilespmem:s9+$0x40]  }
0x184: {  	s22 =	simm.s32 $0x2D80;
	v11 =	vld [tilespmem:s9+$0xFFFFFFC0]  }
0x185: {  	v13 =	vld [tilespmem:s22+$0x0]  }
0x186: {  	v12 =	vld [tilespmem:s9+$0xFFFFFF40]  }
0x187: {  	v14 =	vmul.f32 v14, v6;
	v4 =	vld.idx.msk [tilespmem:v15+s30+$0x0], $0xffff  }
0x188: {  	v15 =	vld [tilespmem:s22+$0xFFFFFF00];
	v10 =	vmul.f32 v10, v9  }
0x189: {  	v16 =	vld [tilespmem:s22+$0xFFFFFF80];
	[tilespmem:s21+$0xB0] =	vst v14;
	v11 =	vmul.f32 v11, v8  }
0x18a: {  	v17 =	vld [tilespmem:s22+$0x80];
	[tilespmem:s21+$0x40] =	vst v10  }
0x18b: {  	v10 =	vmul.f32 v12, v7;
	[tilespmem:s21+$0xFFFFFFC0] =	vst v11;
	v11 =	vld [tilespmem:s9+$0xC0]  }
0x18c: {  	v12 =	vld [tilespmem:s9+$0x50];
	v13 =	vmul.f32 v13, v4  }
0x18d: {  	s6 =	simm.s32 $0x7D80;
	v14 =	vld [tilespmem:s9+$0xFFFFFFD0];
	[tilespmem:s21+$0xFFFFFF40] =	vst v10;
	v10 =	vmul.f32 v15, v3  }
0x18e: {  	v15 =	vmul.f32 v16, v5;
	[tilespmem:s6+$0x0] =	vst v13;
	v13 =	vld [tilespmem:s9+$0xFFFFFF50]  }
0x18f: {  	v16 =	vmul.f32 v17, v2;
	[tilespmem:s6+$0xFFFFFF00] =	vst v10;
	v10 =	vld [tilespmem:s22+$0x10]  }
0x190: {  	[tilespmem:s6+$0xFFFFFF80] =	vst v15;
	v17 =	vld [tilespmem:s22+$0xFFFFFF10];
	v11 =	vmul.f32 v11, v6  }
0x191: {  	[tilespmem:s6+$0x80] =	vst v16;
	v15 =	vld [tilespmem:s22+$0xFFFFFF90];
	v12 =	vmul.f32 v12, v9  }
0x192: {  	v16 =	vld [tilespmem:s22+$0x90];
	v14 =	vmul.f32 v14, v8;
	[tilespmem:s21+$0xC0] =	vst v11  }
0x193: {  	[tilespmem:s21+$0x50] =	vst v12;
	v12 =	vmul.f32 v13, v7;
	v11 =	vld [tilespmem:s9+$0xD0]  }
0x194: {  	[tilespmem:s21+$0xFFFFFFD0] =	vst v14;
	v13 =	vld [tilespmem:s9+$0x60];
	v10 =	vmul.f32 v10, v4  }
0x195: {  	v14 =	vmul.f32 v17, v3;
	[tilespmem:s21+$0xFFFFFF50] =	vst v12;
	v12 =	vld [tilespmem:s9+$0xFFFFFFE0]  }
0x196: {  	v15 =	vmul.f32 v15, v5;
	[tilespmem:s6+$0x10] =	vst v10;
	v10 =	vld [tilespmem:s9+$0xFFFFFF60]  }
0x197: {  	v16 =	vmul.f32 v16, v2;
	[tilespmem:s6+$0xFFFFFF10] =	vst v14;
	v14 =	vld [tilespmem:s22+$0x20]  }
0x198: {  	[tilespmem:s6+$0xFFFFFF90] =	vst v15;
	v17 =	vld [tilespmem:s22+$0xFFFFFF20];
	v11 =	vmul.f32 v11, v6  }
0x199: {  	[tilespmem:s6+$0x90] =	vst v16;
	v13 =	vmul.f32 v13, v9  }
0x19a: {  	v18 =	vld [tilespmem:s22+$0xFFFFFFA0];
	v12 =	vmul.f32 v12, v8;
	[tilespmem:s21+$0xD0] =	vst v11  }
0x19b: {  	v19 =	vld [tilespmem:s22+$0xA0];
	[tilespmem:s21+$0x60] =	vst v13;
	v10 =	vmul.f32 v10, v7  }
0x19c: {  	v20 =	vld [tilespmem:s9+$0x70];
	v11 =	vmul.f32 v14, v4;
	[tilespmem:s21+$0xFFFFFFE0] =	vst v12  }
0x19d: {  	s29 =	simm.s32 $0x8;
	s25 =	simm.s32 $0x9;
	v21 =	vld [tilespmem:s9+$0xE0];
	v12 =	vmul.f32 v17, v3;
	[tilespmem:s21+$0xFFFFFF60] =	vst v10  }
0x19e: {  	v13 =	vmov s25;
	v15 =	vld [tilespmem:s9+$0xFFFFFFF0];
	v10 =	vmov s29;
	s29 =	simm.s32 $0xB;
	[tilespmem:s6+$0x20] =	vst v11  }
0x19f: {  	v14 =	vmul.f32 v18, v5;
	v16 =	vld [tilespmem:s9+$0xFFFFFF70];
	v10 =	vand.u32 $0xFFFFFFFC, v10;
	[tilespmem:s6+$0xFFFFFF20] =	vst v12;
	v12 =	vmov s29  }
0x1a0: {  	v18 =	vmul.f32 v19, v2;
	v11 =	vand.u32 $0xFFFFFFFD, v13;
	v17 =	vld [tilespmem:s22+$0x30];
	v10 =	vbroadcast v10, $0x0  }
0x1a1: {  	v11 =	vbroadcast v11, $0x0;
	[tilespmem:s6+$0xFFFFFFA0] =	vst v14;
	v13 =	vld [tilespmem:s22+$0xFFFFFF30];
	v19 =	vmul.f32 v20, v9  }
0x1a2: {  	s19 =	simm.s32 $0xA;
	s25 =	simm.s32 $0xC;
	[tilespmem:s6+$0xA0] =	vst v18;
	v14 =	vld [tilespmem:s22+$0xFFFFFFB0];
	v18 =	vmul.f32 v21, v6  }
.LBB2_13:
0x1a3: {  	p2 =	slt.u32 s25, $0x4C;
	v9 =	vmov s19;
	v20 =	vld [tilespmem:s22+$0xB0];
	v15 =	vmul.f32 v15, v8;
	[tilespmem:s21+$0x70] =	vst v19;
	v8 =	vmov v5  }
0x1a4: {  	v5 =	vand.u32 $0xFFFFFFFE, v9;
	v9 =	vld.idx.msk [tilespmem:v12+s30+$0x0], $0xffff;
	v12 =	vmul.f32 v16, v7;
	[tilespmem:s21+$0xE0] =	vst v18;
	v7 =	vmov v3  }
0x1a5: {  	v16 =	vbroadcast v5, $0x0;
	v17 =	vmul.f32 v17, v4;
	[tilespmem:s21+$0xFFFFFFF0] =	vst v15;
	v15 =	vld [tilespmem:s9+$0xF0];
	s9 =	smov.u32 s22  }
0x1a6: {  	v3 =	vld.idx.msk [tilespmem:v10+s30+$0x0], $0xffff;
	v10 =	vmul.f32 v13, v7;
	[tilespmem:s21+$0xFFFFFF70] =	vst v12  }
0x1a7: {  	v5 =	vld.idx.msk [tilespmem:v11+s30+$0x0], $0xffff;
	v11 =	vmul.f32 v14, v8;
	[tilespmem:s6+$0x30] =	vst v17  }
0x1a8: {  	[tilespmem:s6+$0xFFFFFF30] =	vst v10;
	v10 =	vld [tilespmem:s22+$0x40];
	v12 =	vmul.f32 v20, v2  }
0x1a9: {  	v13 =	vld [tilespmem:s22+$0xFFFFFF40];
	[tilespmem:s6+$0xFFFFFFB0] =	vst v11  }
0x1aa: {  	v11 =	vld [tilespmem:s22+$0xFFFFFFC0];
	[tilespmem:s6+$0xB0] =	vst v12;
	v12 =	vmul.f32 v15, v6;
	v6 =	vmov v2;
	v2 =	vmov v9  }
0x1ab: {  	s22 =	sadd.s32 $0x200, s22;
	v9 =	vld.idx.msk [tilespmem:v16+s30+$0x0], $0xffff  }
0x1ac: {  	v14 =	vld [tilespmem:s22+$0x0];
	[tilespmem:s21+$0xF0] =	vst v12;
	s21 =	smov.u32 s6  }
0x1ad: {  	v12 =	vld [tilespmem:s22+$0xFFFFFF00];
	v10 =	vmul.f32 v10, v4  }
0x1ae: {  	v15 =	vld [tilespmem:s22+$0xFFFFFF80];
	v13 =	vmul.f32 v13, v7  }
0x1af: {  	v16 =	vld [tilespmem:s22+$0x80];
	v11 =	vmul.f32 v11, v8;
	[tilespmem:s6+$0x40] =	vst v10  }
0x1b0: {  	[tilespmem:s6+$0xFFFFFF40] =	vst v13;
	v10 =	vld [tilespmem:s9+$0x50]  }
0x1b1: {  	v13 =	vmul.f32 v14, v9;
	[tilespmem:s6+$0xFFFFFFC0] =	vst v11;
	v11 =	vld [tilespmem:s9+$0xC0]  }
0x1b2: {  	s6 =	sadd.s32 $0x200, s6;
	v12 =	vmul.f32 v12, v3;
	v14 =	vld [tilespmem:s9+$0xFFFFFFD0]  }
0x1b3: {  	v15 =	vmul.f32 v15, v5;
	[tilespmem:s6+$0x0] =	vst v13;
	v13 =	vld [tilespmem:s9+$0xFFFFFF50]  }
0x1b4: {  	[tilespmem:s6+$0xFFFFFF00] =	vst v12;
	v12 =	vld [tilespmem:s22+$0x10];
	v16 =	vmul.f32 v16, v2  }
0x1b5: {  	v17 =	vld [tilespmem:s22+$0xFFFFFF10];
	[tilespmem:s6+$0xFFFFFF80] =	vst v15;
	v10 =	vmul.f32 v10, v4  }
0x1b6: {  	v15 =	vld [tilespmem:s22+$0xFFFFFF90];
	[tilespmem:s6+$0x80] =	vst v16;
	v11 =	vmul.f32 v11, v6  }
0x1b7: {  	v16 =	vld [tilespmem:s22+$0x90];
	v14 =	vmul.f32 v14, v8;
	[tilespmem:s21+$0x50] =	vst v10  }
0x1b8: {  	v10 =	vmul.f32 v13, v7;
	v13 =	vld [tilespmem:s9+$0x60];
	[tilespmem:s21+$0xC0] =	vst v11  }
0x1b9: {  	v11 =	vmul.f32 v12, v9;
	[tilespmem:s21+$0xFFFFFFD0] =	vst v14;
	v12 =	vld [tilespmem:s9+$0xD0]  }
0x1ba: {  	v14 =	vmul.f32 v17, v3;
	[tilespmem:s21+$0xFFFFFF50] =	vst v10;
	v10 =	vld [tilespmem:s9+$0xFFFFFFE0]  }
0x1bb: {  	v15 =	vmul.f32 v15, v5;
	[tilespmem:s6+$0x10] =	vst v11;
	v11 =	vld [tilespmem:s9+$0xFFFFFF60]  }
0x1bc: {  	[tilespmem:s6+$0xFFFFFF10] =	vst v14;
	v14 =	vld [tilespmem:s22+$0x20];
	v16 =	vmul.f32 v16, v2  }
0x1bd: {  	v17 =	vld [tilespmem:s22+$0xFFFFFF20];
	[tilespmem:s6+$0xFFFFFF90] =	vst v15;
	v13 =	vmul.f32 v13, v4  }
0x1be: {  	v18 =	vld [tilespmem:s22+$0xFFFFFFA0];
	[tilespmem:s6+$0x90] =	vst v16;
	v12 =	vmul.f32 v12, v6  }
0x1bf: {  	v19 =	vld [tilespmem:s22+$0xA0];
	v10 =	vmul.f32 v10, v8;
	[tilespmem:s21+$0x60] =	vst v13  }
0x1c0: {  	v11 =	vmul.f32 v11, v7;
	v20 =	vld [tilespmem:s9+$0x70];
	[tilespmem:s21+$0xD0] =	vst v12  }
0x1c1: {  	s19 =	sadd.s32 $0x3, s25;
	v13 =	vmul.f32 v14, v9;
	[tilespmem:s21+$0xFFFFFFE0] =	vst v10;
	v21 =	vld [tilespmem:s9+$0xE0]  }
.Ltmp7:
0x1c2: {  	s29 =	sadd.s32 $0x1, s25;
	v12 =	vmov s19;
	v10 =	vmov s25;
	v14 =	vmul.f32 v17, v3;
	[tilespmem:s21+$0xFFFFFF60] =	vst v11;
	v15 =	vld [tilespmem:s9+$0xFFFFFFF0];
	(pc) =	sbr.rel @p2 .LBB2_13-.Ltmp7, $4  }
0x1c3: {  	v10 =	vand.u32 $0xFFFFFFFC, v10;
	v11 =	vmov s29;
	v18 =	vmul.f32 v18, v5;
	[tilespmem:s6+$0x20] =	vst v13;
	v16 =	vld [tilespmem:s9+$0xFFFFFF70]  }
0x1c4: {  	v10 =	vbroadcast v10, $0x0;
	v11 =	vand.u32 $0xFFFFFFFD, v11;
	[tilespmem:s6+$0xFFFFFF20] =	vst v14;
	v17 =	vld [tilespmem:s22+$0x30];
	v22 =	vmul.f32 v19, v2  }
0x1c5: {  	v11 =	vbroadcast v11, $0x0;
	v13 =	vld [tilespmem:s22+$0xFFFFFF30];
	[tilespmem:s6+$0xFFFFFFA0] =	vst v18;
	v19 =	vmul.f32 v20, v4;
	v4 =	vmov v9  }
0x1c6: {  	s19 =	sadd.s32 $0x2, s25;
	s25 =	sadd.s32 $0x4, s25;
	v14 =	vld [tilespmem:s22+$0xFFFFFFB0];
	[tilespmem:s6+$0xA0] =	vst v22;
	v18 =	vmul.f32 v21, v6  }
0x1c7: {  	_ = 	snop  }
0x1c8: {  	v9 =	vmov s19  }
0x1c9: {  	v9 =	vand.u32 $0xFFFFFFFE, v9  }
0x1ca: {  	v20 =	vbroadcast v9, $0x0  }
0x1cb: {  	v10 =	vld.idx.msk [tilespmem:v10+s30+$0x0], $0xffff  }
0x1cc: {  	v11 =	vld.idx.msk [tilespmem:v11+s30+$0x0], $0xffff;
	s29 =	sadd.s32 $0x200, s22  }
0x1cd: {  	v49 =	vld [tilespmem:s29+$0x0]  }
0x1ce: {  	v21 =	vld [tilespmem:s29+$0xFFFFFF80]  }
0x1cf: {  	v9 =	vld.idx.msk [tilespmem:v12+s30+$0x0], $0xffff  }
0x1d0: {  	v12 =	vld.idx.msk [tilespmem:v20+s30+$0x0], $0xffff  }
0x1d1: {  	v23 =	vld [tilespmem:s29+$0x80]  }
0x1d2: {  	v22 =	vld [tilespmem:s29+$0xFFFFFF00];
	_ =	sdelay $0x1  }
0x1d3: {  	v21 =	vmul.f32 v21, v11  }
0x1d4: {  	s25 =	sadd.s32 $0x200, s6;
	v20 =	vmul.f32 v49, v12  }
0x1d5: {  	v23 =	vmul.f32 v23, v9;
	[tilespmem:s25+$0xFFFFFF80] =	vst v21  }
0x1d6: {  	v22 =	vmul.f32 v22, v10;
	v21 =	vld [tilespmem:s29+$0xFFFFFF90];
	[tilespmem:s25+$0x0] =	vst v20  }
0x1d7: {  	[tilespmem:s25+$0x80] =	vst v23;
	v20 =	vld [tilespmem:s29+$0x10]  }
0x1d8: {  	[tilespmem:s25+$0xFFFFFF00] =	vst v22;
	v23 =	vld [tilespmem:s29+$0x90]  }
0x1d9: {  	v22 =	vld [tilespmem:s29+$0xFFFFFF10];
	_ =	sdelay $0x1  }
0x1da: {  	v50 =	vmul.f32 v21, v11  }
0x1db: {  	[tilespmem:s21+$0x70] =	vst v19;
	v20 =	vmul.f32 v20, v12  }
0x1dc: {  	v53 =	vmul.f32 v23, v9;
	[tilespmem:s25+$0xFFFFFF90] =	vst v50  }
0x1dd: {  	v51 =	vmul.f32 v22, v10;
	v54 =	vld [tilespmem:s29+$0xFFFFFFA0];
	[tilespmem:s25+$0x10] =	vst v20  }
0x1de: {  	[tilespmem:s25+$0x90] =	vst v53;
	v52 =	vld [tilespmem:s29+$0x20]  }
0x1df: {  	v8 =	vmul.f32 v15, v8;
	[tilespmem:s25+$0xFFFFFF10] =	vst v51;
	v56 =	vld [tilespmem:s29+$0xA0]  }
0x1e0: {  	v7 =	vmul.f32 v16, v7;
	[tilespmem:s21+$0xE0] =	vst v18;
	v55 =	vld [tilespmem:s29+$0xFFFFFF20]  }
0x1e1: {  	v58 =	vld [tilespmem:s22+$0xB0];
	v17 =	vmul.f32 v17, v4;
	[tilespmem:s21+$0xFFFFFFF0] =	vst v8  }
0x1e2: {  	[tilespmem:s21+$0xFFFFFF70] =	vst v7;
	v59 =	vmul.f32 v54, v11  }
0x1e3: {  	[tilespmem:s6+$0x30] =	vst v17;
	v57 =	vmul.f32 v52, v12  }
0x1e4: {  	v18 =	vld [tilespmem:s9+$0xF0];
	v16 =	vmul.f32 v56, v9;
	[tilespmem:s25+$0xFFFFFFA0] =	vst v59  }
0x1e5: {  	v15 =	vmul.f32 v55, v10;
	v60 =	vld [tilespmem:s29+$0xFFFFFFB0];
	[tilespmem:s25+$0x20] =	vst v57  }
0x1e6: {  	v8 =	vmul.f32 v58, v2;
	[tilespmem:s25+$0xA0] =	vst v16;
	v7 =	vld [tilespmem:s29+$0x30]  }
0x1e7: {  	v13 =	vmul.f32 v13, v3;
	[tilespmem:s25+$0xFFFFFF20] =	vst v15;
	v62 =	vld [tilespmem:s29+$0xB0]  }
0x1e8: {  	v14 =	vmul.f32 v14, v5;
	[tilespmem:s6+$0xB0] =	vst v8;
	v61 =	vld [tilespmem:s29+$0xFFFFFF30]  }
0x1e9: {  	[tilespmem:s6+$0xFFFFFF30] =	vst v13;
	v6 =	vmul.f32 v18, v6;
	v22 =	vld [tilespmem:s22+$0xC0]  }
0x1ea: {  	v63 =	vld [tilespmem:s22+$0x40];
	[tilespmem:s6+$0xFFFFFFB0] =	vst v14;
	v21 =	vmul.f32 v60, v11  }
0x1eb: {  	v14 =	vld [tilespmem:s22+$0xFFFFFFC0];
	[tilespmem:s21+$0xF0] =	vst v6;
	v7 =	vmul.f32 v7, v12  }
0x1ec: {  	v20 =	vld [tilespmem:s22+$0xFFFFFF40];
	v13 =	vmul.f32 v62, v9;
	[tilespmem:s25+$0xFFFFFFB0] =	vst v21  }
0x1ed: {  	v17 =	vmul.f32 v61, v10;
	v24 =	vld [tilespmem:s29+$0xFFFFFFC0];
	[tilespmem:s25+$0x30] =	vst v7  }
0x1ee: {  	v27 =	vmul.f32 v22, v2;
	[tilespmem:s25+$0xB0] =	vst v13;
	v7 =	vld [tilespmem:s29+$0x40]  }
0x1ef: {  	v23 =	vmul.f32 v63, v4;
	[tilespmem:s25+$0xFFFFFF30] =	vst v17;
	v25 =	vld [tilespmem:s29+$0xC0]  }
0x1f0: {  	v14 =	vmul.f32 v14, v5;
	[tilespmem:s6+$0xC0] =	vst v27;
	v17 =	vld [tilespmem:s29+$0xFFFFFF40]  }
0x1f1: {  	[tilespmem:s6+$0x40] =	vst v23;
	v31 =	vld [tilespmem:s22+$0xD0];
	v8 =	vmul.f32 v20, v3  }
0x1f2: {  	[tilespmem:s6+$0xFFFFFFC0] =	vst v14;
	v26 =	vld [tilespmem:s22+$0x50];
	v30 =	vmul.f32 v24, v11  }
0x1f3: {  	v28 =	vld [tilespmem:s22+$0xFFFFFFD0];
	[tilespmem:s6+$0xFFFFFF40] =	vst v8;
	v7 =	vmul.f32 v7, v12  }
0x1f4: {  	v29 =	vld [tilespmem:s22+$0xFFFFFF50];
	v6 =	vmul.f32 v25, v9;
	[tilespmem:s25+$0xFFFFFFC0] =	vst v30  }
0x1f5: {  	v17 =	vmul.f32 v17, v10;
	v14 =	vld [tilespmem:s29+$0xFFFFFFD0];
	[tilespmem:s25+$0x40] =	vst v7  }
0x1f6: {  	v35 =	vmul.f32 v31, v2;
	[tilespmem:s25+$0xC0] =	vst v6;
	v7 =	vld [tilespmem:s29+$0x50]  }
0x1f7: {  	v13 =	vmul.f32 v26, v4;
	[tilespmem:s25+$0xFFFFFF40] =	vst v17;
	v33 =	vld [tilespmem:s29+$0xD0]  }
0x1f8: {  	[tilespmem:s6+$0xD0] =	vst v35;
	v8 =	vmul.f32 v28, v5;
	v17 =	vld [tilespmem:s29+$0xFFFFFF50]  }
0x1f9: {  	v39 =	vld [tilespmem:s22+$0xE0];
	[tilespmem:s6+$0x50] =	vst v13;
	v32 =	vmul.f32 v29, v3  }
0x1fa: {  	[tilespmem:s6+$0xFFFFFFD0] =	vst v8;
	v34 =	vld [tilespmem:s22+$0x60];
	v38 =	vmul.f32 v14, v11  }
0x1fb: {  	v36 =	vld [tilespmem:s22+$0xFFFFFFE0];
	[tilespmem:s6+$0xFFFFFF50] =	vst v32;
	v7 =	vmul.f32 v7, v12  }
0x1fc: {  	v37 =	vld [tilespmem:s22+$0xFFFFFF60];
	v42 =	vmul.f32 v33, v9;
	[tilespmem:s25+$0xFFFFFFD0] =	vst v38  }
0x1fd: {  	v40 =	vmul.f32 v17, v10;
	v44 =	vld [tilespmem:s29+$0xFFFFFFE0];
	[tilespmem:s25+$0x50] =	vst v7  }
0x1fe: {  	v49 =	vmul.f32 v39, v2;
	[tilespmem:s25+$0xD0] =	vst v42;
	v41 =	vld [tilespmem:s29+$0x60]  }
0x1ff: {  	v43 =	vmul.f32 v34, v4;
	[tilespmem:s25+$0xFFFFFF50] =	vst v40;
	v47 =	vld [tilespmem:s29+$0xE0]  }
0x200: {  	[tilespmem:s6+$0xE0] =	vst v49;
	v6 =	vmul.f32 v36, v5;
	v45 =	vld [tilespmem:s29+$0xFFFFFF60]  }
0x201: {  	v54 =	vld [tilespmem:s22+$0xF0];
	[tilespmem:s6+$0x60] =	vst v43;
	v46 =	vmul.f32 v37, v3  }
0x202: {  	[tilespmem:s6+$0xFFFFFFE0] =	vst v6;
	v48 =	vld [tilespmem:s22+$0x70];
	v53 =	vmul.f32 v44, v11  }
0x203: {  	v50 =	vld [tilespmem:s22+$0xFFFFFFF0];
	[tilespmem:s6+$0xFFFFFF60] =	vst v46;
	v51 =	vmul.f32 v41, v12  }
0x204: {  	v52 =	vld [tilespmem:s22+$0xFFFFFF70];
	v57 =	vmul.f32 v47, v9;
	[tilespmem:s25+$0xFFFFFFE0] =	vst v53  }
0x205: {  	v55 =	vmul.f32 v45, v10;
	v59 =	vld [tilespmem:s29+$0xFFFFFFF0];
	[tilespmem:s25+$0x60] =	vst v51  }
0x206: {  	v2 =	vmul.f32 v54, v2;
	[tilespmem:s25+$0xE0] =	vst v57;
	v56 =	vld [tilespmem:s29+$0x70]  }
0x207: {  	v58 =	vmul.f32 v48, v4;
	[tilespmem:s25+$0xFFFFFF60] =	vst v55;
	v62 =	vld [tilespmem:s29+$0xF0]  }
0x208: {  	[tilespmem:s6+$0xF0] =	vst v2;
	v60 =	vmul.f32 v50, v5;
	v61 =	vld [tilespmem:s29+$0xFFFFFF70]  }
0x209: {  	[tilespmem:s6+$0x70] =	vst v58;
	v3 =	vmul.f32 v52, v3  }
0x20a: {  	[tilespmem:s6+$0xFFFFFFF0] =	vst v60;
	v2 =	vmul.f32 v59, v11  }
0x20b: {  	[tilespmem:s6+$0xFFFFFF70] =	vst v3;
	v3 =	vmul.f32 v56, v12  }
0x20c: {  	[tilespmem:s25+$0xFFFFFFF0] =	vst v2;
	v2 =	vmul.f32 v62, v9  }
0x20d: {  	[tilespmem:s25+$0x70] =	vst v3;
	v3 =	vmul.f32 v61, v10  }
0x20e: {  	[tilespmem:s25+$0xF0] =	vst v2  }
0x20f: {  	[tilespmem:s25+$0xFFFFFF70] =	vst v3  }
0x210: {  	v2 =	vld [tilespmem:$0xF0]  }
0x211: {  	v3 =	vld [tilespmem:$0x100]  }
0x212: {  	v63 =	vld [tilespmem:$0x110]  }
0x213: {  	v5 =	vld [tilespmem:$0x120]  }
0x214: {  	v6 =	vld [tilespmem:$0x130]  }
0x215: {  	p2 =	seq.s32 s10, $0x7C;
	[tilespmem:$0x230] =	vst v2  }
.Ltmp8:
0x216: {  	[tilespmem:$0x240] =	vst v3;
	(pc) =	sbr.rel @p2 .LBB2_16-.Ltmp8, $4  }
0x217: {  	[tilespmem:$0x250] =	vst v63  }
0x218: {  	[tilespmem:$0x260] =	vst v5  }
0x219: {  	[tilespmem:$0x270] =	vst v6  }
0x21a: {  	[spmem:s3] =	stream.indirect.scatter.add.f32 [tilespmem:s16], [sflag:$0x6], $0x80, s15, s28, $0xb8;
	[tilespmem:$0x1DB00] =	vst v63  }
0x21b: {  	s6 =	sadd.s32 s18, s20  }
0x21c: {  	s6 =	smul.u32 $0xA, s6;
	_ =	sdelay $0x1  }
0x21d: {  	s9 =	sadd.s32 s5, s6  }
0x21e: {  	[tilespmem:s28], [sflag:$0x2] =	stream.linear.gather [hbm4b:s9+s4], $0x50, $0x38;
	[tilespmem:$0x1DB00] =	vst v63  }
.Ltmp9:
0x21f: {  	_ = 	snop;
	(pc) =	sbr.rel .LBB2_6-.Ltmp9, $4  }
0x220: {  	s29 =	simm.s32 $0xF0;
	s25 =	sadd.s32 s2, s6  }
0x221: {  	[tilespmem:s29], [sflag:$0x2] =	stream.linear.gather [hbm4b:s25+s4], $0x50, $0x38;
	[tilespmem:$0x1DB00] =	vst v63  }
0x222: {  	s10 =	sadd.s32 $0x1, s10;
	s6 =	sadd.s32 s7, s6  }
0x223: {  	[tilespmem:s30], [sflag:$0x2] =	stream.linear.gather [hbm4b:s6+s4], $0x50, $0x38;
	[tilespmem:$0x1DB00] =	vst v63  }
.LBB2_16:
0x224: {  	s6 =	simm.s32 $0x5  }
0x225: {  	_ =	swait.ge [sflag:s6], $0x2800  }
0x226: {  	[sflag:s6] =	ssyncset.done $0x0  }
0x227: {  	[sflag:s6] =	ssyncadd.s32 $0xFFFFD800  }
0x228: {  	_ =	swait.ge [sflag:s14], $0x2800  }
0x229: {  	[sflag:s14] =	ssyncset.done $0x0  }
0x22a: {  	[sflag:s14] =	ssyncadd.s32 $0xFFFFD800  }
0x22b: {  	s29 =	stileid.u32;
	[bflag:$0x0] =	sbarrier.arrive $0xFFFF  }
.Ltmp10:
0x22c: {  	s6 =	sshll.u32 s29, $0x6;
	s22 =	rddreg [dreg:$0x10];
	(pc) =	sbr.rel @!p1 .LBB2_18-.Ltmp10, $4  }
0x22d: {  	s9 =	sor.u32 $0x1C07, s6;
	s17 =	rddreg [dreg:$0xd];
	s10 =	sshrl.u32 s22, $0x3  }
0x22e: {  	[hbm:s17], [sflag:s9] =	dma.local [spmem:s10], $0x500  }
0x22f: {  	s18 =	smov.u32 s22;
	s21 =	rddreg [dreg:$0x4]  }
0x230: {  	s17 =	sadd.s32 $0x500, s17;
	_ =	swait.ge [sflag:s24], $0x500;
	s10 =	sadd.s32 $0xFFFFFFFF, s21  }
.LBB2_17:
0x231: {  	[sflag:s24] =	ssyncset.done $0x0  }
0x232: {  	s18 =	sadd.s32 $0x2800, s18;
	s9 =	sor.u32 $0x1C07, s6;
	p1 =	sne.s32 s10, $0x1  }
.Ltmp11:
0x233: {  	s19 =	sshrl.u32 s18, $0x3;
	[sflag:s24] =	ssyncadd.s32 $0xFFFFFB00;
	(pc) =	sbr.rel @p1 .LBB2_17-.Ltmp11, $3  }
0x234: {  	[hbm:s17], [sflag:s9] =	dma.local [spmem:s19], $0x500  }
0x235: {  	s10 =	sadd.s32 $0xFFFFFFFF, s10;
	_ =	sdelay $0x1  }
0x236: {  	s17 =	sadd.s32 $0x500, s17;
	_ =	swait.ge [sflag:s24], $0x500  }
.LBB2_18:
0x237: {  	[sflag:s24] =	ssyncset.done $0x0;
	s17 =	rddreg [dreg:$0x5]  }
0x238: {  	s10 =	rddreg [dreg:$0xa];
	[sflag:s24] =	ssyncadd.s32 $0xFFFFFB00;
	s6 =	sshrl.u32 @!p0 s17, $0x3  }
0x239: {  	[hbm:s10], [sflag:s9] =	dma.local @!p0 [spmem:s6], $0x400  }
0x23a: {  	s6 =	simm.s32 @!p0 $0x7  }
0x23b: {  	_ =	swait.ge @!p0 [sflag:s6], $0x400  }
0x23c: {  	s25 =	rddreg [dreg:$0x11]  }
0x23d: {  	s29 =	rddreg [dreg:$0xf];
	s10 =	sadd.s32 $0x1, s25  }
0x23e: {  	p1 =	sne.s32 s10, s29  }
.Ltmp12:
0x23f: {  	_ = 	snop;
	(pc) =	sbr.rel @p1 .LBB2_1-.Ltmp12, $3  }
0x240: {  	_ =	sdelay $0x1  }
0x241: {  	[sflag:s6] =	ssyncset.done @!p0 $0x0  }
0x242: {  	[sflag:s6] =	ssyncadd.s32 @!p0 $0xFFFFFC00  }
0x243: {  	_ =	sfence.sel $0x180000  }
0x244: {  	[bflag:$0x0] =	sbarrier.arrive $0xFFFF  }
0x245: {  	_ =	strace $0x90000050  }
0x246: {  	s0 =	stileid.u32;
	[bflag:$0x2] =	sbarrier.arrive $0xFFFF  }
0x247: {  	p0 =	sne.s32 s0, $0x0;
	s0 =	rddreg [dreg:$0x3]  }
0x248: {  	s0 =	sadd.s32 @!p0 $0x100000, s0  }
0x249: {  	[sflag:s0] =	ssyncadd.tile.s32 @!p0 $0x1;
	_ =	shalt  }
.Lfunc_end2:
_tile_overlayer_lowered:
.L_overlay_start_2:
0x24a: {  	(tag) =	ssettag $0x2  }
0x24b: {  	s0 =	rddreg [dreg:$0x0];
	s2 =	stileid.u32  }
0x24c: {  	s1 =	rddreg [dreg:$0x1];
	p0 =	sne.s32 s2, $0x0  }
0x24d: {  	s3 =	rddreg [dreg:$0x2];
	[bflag:$0x3] =	sbarrier.arrive $0xFFFF;
	s2 =	simm.s32 @!p0 $0x1C07  }
0x24e: {  	[timem:s3], [sflag:s2] =	dma.local @!p0 [hbm:s0], s1  }
0x24f: {  	s0 =	simm.s32 @!p0 $0x7  }
0x250: {  	_ =	swait.ge @!p0 [sflag:s0], s1  }
0x251: {  	s1 =	ssub.s32 @!p0 $0x0, s1;
	[sflag:s0] =	ssyncset.done @!p0 $0x0  }
0x252: {  	[sflag:s0] =	ssyncadd.s32 @!p0 s1  }
0x253: {  	[bflag:$0x3] =	sbarrier.arrive $0xFFFF  }
0x254: {  	_ =	shalt  }

// kernel: kernel.9.cloned.1.call-start
scs
__scs_entry_jumppad:
0x0: {  	(pc) =	sbr.rel $0x88, $3  }
0x1: {  	(tag) =	ssettag $0x0;
	lr =	simm.s32 $0x1  }
0x2: {  	[smem:$0x3F97] =	sst lr;
	_ =	strace $0xD0000000  }
0x3: {  	_ = 	snop  }
0x4: {  	_ = 	snop  }
0x5: {  	_ = 	snop  }
0x6: {  	_ = 	snop  }
0x7: {  	_ = 	snop  }
__scs_overlays_trampoline_lowered:
0x8: {  	[smem:$0x3FA6] =	sst s0  }
0x9: {  	[smem:$0x3FA7] =	sst s1  }
0xa: {  	[smem:$0x3FA8] =	sst s2  }
0xb: {  	[smem:$0x3FA9] =	sst s3  }
0xc: {  	[smem:$0x3FAA] =	sst s4  }
0xd: {  	[smem:$0x3FAB] =	sst s5  }
0xe: {  	[smem:$0x3FAC] =	sst s6  }
0xf: {  	[smem:$0x3FAD] =	sst s7  }
0x10: {  	[smem:$0x3FAE] =	sst s8  }
0x11: {  	[smem:$0x3FAF] =	sst s9;
	s0 =	simm.s32 @!p0 $0x0  }
0x12: {  	s1 =	sld [smem:$0x3F95];
	s0 =	simm.s32 @p0 $0x1  }
0x13: {  	[smem:$0x3FB0] =	sst s0;
	s0 =	simm.s32 @!p1 $0x0  }
0x14: {  	s2 =	sld [smem:$0x3F94];
	s0 =	simm.s32 @p1 $0x1  }
0x15: {  	[smem:$0x3FB1] =	sst s0;
	s0 =	simm.s32 @!p2 $0x0  }
0x16: {  	s3 =	sld [smem:$0x3FDB];
	s0 =	simm.s32 @p2 $0x1  }
0x17: {  	s4 =	simm.s32 $0x1BF5;
	[smem:$0x3FB3] =	sst s0  }
0x18: {  	s0 =	sld [smem:$0x3F96];
	_ =	swait.ge [sflag:s4], $0x0  }
0x19: {  	s7 =	sld [smem:$0x3F97]  }
0x1a: {  	s8 =	sadd.s32 $0xFFFFE003, lr  }
0x1b: {  	s9 =	sadd.s32 $0xFFFFFEF7, lr;
	s5 =	simm.s32 $0xFFFFFFFF;
	p2 =	slt.u32 s8, $0xFFFFF086  }
0x1c: {  	p1 =	slt.u32 s9, $0xF7A;
	s5 =	simm.s32 @!p2 $0x0  }
0x1d: {  	s5 =	simm.s32 @p1 $0x1;
	p0 =	seq.s32 s7, s2  }
0x1e: {  	s7 =	smul.u32 @!p0 $0xF7A, s2;
	p2 =	seq.s32 @!p0 s5, $0x0  }
0x1f: {  	s9 =	smul.u32 $0xF7A, s1;
	s8 =	simm.s32 @!p0 $0x1BF5;
	p2 =	por !p2, p0  }
0x20: {  	[sflag:s8] =	ssyncset.s32 @!p0 $0xFFFFF086;
	s6 =	sadd.s32 @!p0 s3, s7;
	s7 =	simm.s32 @!p0 $0x108  }
0x21: {  	s3 =	sadd.s32 s3, s9;
	s6 =	sadd.s32 @!p0 $0x88, s6;
	s7 =	simm.s32 @p2 $0x1082  }
0x22: {  	[simem:s7], [sflag:s8] =	dma.local @!p0 [hbm:s6], $0xF7A  }
0x23: {  	s9 =	sor.u32 $0xD0000000, s2;
	s6 =	simm.s32 $0x108;
	_ =	swait.ge @!p0 [sflag:s8], $0x0  }
0x24: {  	s3 =	sadd.s32 $0x88, s3;
	s6 =	simm.s32 @!p1 $0x1082;
	[sflag:s4] =	ssyncset.s32 $0xFFFFF086  }
0x25: {  	[simem:s6], [sflag:s4] =	dma.local [hbm:s3], $0xF7A  }
0x26: {  	[smem:$0x3F97] =	sst s1;
	(tag) =	ssettag s2;
	_ =	strace s9  }
0x27: {  	s1 =	sld [smem:$0x3FA7]  }
0x28: {  	s2 =	sld [smem:$0x3FA8]  }
0x29: {  	s4 =	sld [smem:$0x3FAA]  }
0x2a: {  	p0 =	seq.s32 s5, $0x0;
	s5 =	sld [smem:$0x3FAB]  }
0x2b: {  	s6 =	sld [smem:$0x3FAC]  }
0x2c: {  	s7 =	sld [smem:$0x3FAD]  }
0x2d: {  	s3 =	simm.s32 $0x108;
	s8 =	sld [smem:$0x3FAE]  }
0x2e: {  	s3 =	simm.s32 @!p0 $0x1082;
	s9 =	sld [smem:$0x3FAF]  }
0x2f: {  	lr =	sadd.s32 s0, s3;
	s0 =	sld [smem:$0x3FA6]  }
0x30: {  	s3 =	sld [smem:$0x3FA9]  }
0x31: {  	[smem:$0x3FB2] =	sst s10  }
0x32: {  	s10 =	sld [smem:$0x3FB0];
	_ =	sdelay $0x3  }
0x33: {  	p0 =	seq.s32 s10, $0x1;
	s10 =	sld [smem:$0x3FB2];
	_ =	sdelay $0x3  }
0x34: {  	[smem:$0x3FB2] =	sst s10  }
0x35: {  	s10 =	sld [smem:$0x3FB1];
	_ =	sdelay $0x3  }
0x36: {  	p1 =	seq.s32 s10, $0x1;
	s10 =	sld [smem:$0x3FB2];
	_ =	sdelay $0x3  }
0x37: {  	[smem:$0x3FB2] =	sst s10  }
0x38: {  	s10 =	sld [smem:$0x3FB3]  }
0x39: {  	_ = 	snop;
	(pc) =	sbr.ind lr, $3  }
0x3a: {  	_ = 	snop  }
0x3b: {  	_ = 	snop  }
0x3c: {  	p2 =	seq.s32 s10, $0x1;
	s10 =	sld [smem:$0x3FB2]  }
0x3d: {  	_ =	shalt  }
0x3e: {  	_ =	shalt  }
0x3f: {  	_ =	shalt  }
0x40: {  	_ =	shalt  }
0x41: {  	_ =	shalt  }
0x42: {  	_ =	shalt  }
0x43: {  	_ =	shalt  }
0x44: {  	_ =	shalt  }
0x45: {  	_ =	shalt  }
0x46: {  	_ =	shalt  }
0x47: {  	_ =	shalt  }
0x48: {  	_ =	shalt  }
0x49: {  	_ =	shalt  }
0x4a: {  	_ =	shalt  }
0x4b: {  	_ =	shalt  }
0x4c: {  	_ =	shalt  }
0x4d: {  	_ =	shalt  }
0x4e: {  	_ =	shalt  }
0x4f: {  	_ =	shalt  }
0x50: {  	_ =	shalt  }
0x51: {  	_ =	shalt  }
0x52: {  	_ =	shalt  }
0x53: {  	_ =	shalt  }
0x54: {  	_ =	shalt  }
0x55: {  	_ =	shalt  }
0x56: {  	_ =	shalt  }
0x57: {  	_ =	shalt  }
0x58: {  	_ =	shalt  }
0x59: {  	_ =	shalt  }
0x5a: {  	_ =	shalt  }
0x5b: {  	_ =	shalt  }
0x5c: {  	_ =	shalt  }
0x5d: {  	_ =	shalt  }
0x5e: {  	_ =	shalt  }
0x5f: {  	_ =	shalt  }
0x60: {  	_ =	shalt  }
0x61: {  	_ =	shalt  }
0x62: {  	_ =	shalt  }
0x63: {  	_ =	shalt  }
0x64: {  	_ =	shalt  }
0x65: {  	_ =	shalt  }
0x66: {  	_ =	shalt  }
0x67: {  	_ =	shalt  }
0x68: {  	_ =	shalt  }
0x69: {  	_ =	shalt  }
0x6a: {  	_ =	shalt  }
0x6b: {  	_ =	shalt  }
0x6c: {  	_ =	shalt  }
0x6d: {  	_ =	shalt  }
0x6e: {  	_ =	shalt  }
0x6f: {  	_ =	shalt  }
0x70: {  	_ =	shalt  }
0x71: {  	_ =	shalt  }
0x72: {  	_ =	shalt  }
0x73: {  	_ =	shalt  }
0x74: {  	_ =	shalt  }
0x75: {  	_ =	shalt  }
0x76: {  	_ =	shalt  }
0x77: {  	_ =	shalt  }
0x78: {  	_ =	shalt  }
0x79: {  	_ =	shalt  }
0x7a: {  	_ =	shalt  }
0x7b: {  	_ =	shalt  }
0x7c: {  	_ =	shalt  }
0x7d: {  	_ =	shalt  }
0x7e: {  	_ =	shalt  }
0x7f: {  	_ =	shalt  }
0x80: {  	_ =	shalt  }
0x81: {  	_ =	shalt  }
0x82: {  	_ =	shalt  }
0x83: {  	_ =	shalt  }
0x84: {  	_ =	shalt  }
0x85: {  	_ =	shalt  }
0x86: {  	_ =	shalt  }
0x87: {  	_ =	shalt  }
.Lfunc_end0:
.L_simem_size_0:
called_computation_lowered:
.L_overlay_start_0:
0x88: {  	s2 =	sld [smem:$0x3FD9]  }
0x89: {  	s3 =	sld [smem:$0x3FFE];
	_ =	sdelay $0x1  }
0x8a: {  	s1 =	srdreg.scid  }
0x8b: {  	s0 =	sand.u32 $0x1, s1  }
0x8c: {  	s17 =	sshll.u32 s0, $0xA;
	s2 =	sadd.s32 s3, s2  }
0x8d: {  	s2 =	sadd.s32 s2, s17  }
0x8e: {  	[smem:$0x3FBE] =	sst s2  }
0x8f: {  	_ = 	snop  }
0x90: {  	s2 =	sld [smem:$0x3FD0];
	(tm) =	ssettm $0x1  }
0x91: {  	s18 =	sld [smem:$0x3FFB];
	_ =	sdelay $0x3  }
0x92: {  	_ =	strace s18  }
0x93: {  	s3 =	sld [smem:$0x3FFC];
	_ =	sdelay $0x3  }
0x94: {  	_ =	strace s3  }
0x95: {  	s3 =	sld [smem:$0x3FFD];
	_ =	sdelay $0x3  }
0x96: {  	_ =	strace s3  }
0x97: {  	_ =	strace $0x8FFFFFFF  }
0x98: {  	s19 =	sld [smem:$0x3FDB];
	_ =	sdelay $0x1  }
0x99: {  	s4 =	simm.s32 $_scs_section_size  }
0x9a: {  	s5 =	simm.s32 $_size__tile_overlayer_lowered;
	s6 =	simm.s32 $_tile_overlayer_lowered  }
0x9b: {  	s22 =	simm.s32 $0x1BFF;
	s21 =	sshll.u32 s6, $0x1;
	s3 =	sadd.s32 s4, s19  }
0x9c: {  	s7 =	simm.s32 $0x0;
	s20 =	sshll.u32 s5, $0x1;
	s5 =	sadd.s32 s21, s3  }
0x9d: {  	[timem:s7], [sflag:s22] =	dma.local [hbm:s5], s20  }
0x9e: {  	_ =	swait.ge [sflag:s22], s20  }
0x9f: {  	s4 =	ssub.s32 $0x0, s20;
	[sflag:s22] =	ssyncset.done $0x0  }
0xa0: {  	[sflag:s22] =	ssyncadd.s32 s4;
	_ =	sdelay $0x1  }
0xa1: {  	s23 =	simm.s32 $0x1B8B  }
0xa2: {  	_ =	swait.ge [sflag:s23], $0x1  }
0xa3: {  	[sflag:s23] =	ssyncset.done $0x0  }
0xa4: {  	s25 =	simm.s32 $0x1B8E;
	s24 =	sld [smem:$0x3FFE];
	[sflag:s23] =	ssyncadd.s32 $0xFFFFFFFF  }
0xa5: {  	s26 =	simm.s32 $execute0_lowered;
	[smem:$0x3FD2] =	sst s25  }
0xa6: {  	s5 =	sshll.u32 s26, $0x1;
	_ =	strace $0x80000046;
	[dreg:$0x1] =	wrdreg $0xFFFFFFFF  }
0xa7: {  	s28 =	simm.s32 $_size_execute0_lowered;
	s3 =	sadd.s32 s3, s5;
	[dreg:$0x0] =	wrdreg $0x0  }
0xa8: {  	s5 =	sshll.u32 s28, $0x1;
	[dreg:$0x2] =	wrdreg s3  }
0xa9: {  	[dreg:$0x3] =	wrdreg s5  }
0xaa: {  	[dreg:$0x4] =	wrdreg $0xC0  }
0xab: {  	_ =	task [dreg:s7], $0x5FFFF  }
0xac: {  	[dreg:$0x1] =	wrdreg $0xFFFFFFFF  }
0xad: {  	[dreg:$0x0] =	wrdreg $0x60  }
0xae: {  	[dreg:$0x2] =	wrdreg s24  }
0xaf: {  	[dreg:$0x3] =	wrdreg s2  }
0xb0: {  	[dreg:$0x4] =	wrdreg $0x9  }
0xb1: {  	_ =	task.clear_ibuf [dreg:s7], $0x5FFFF;
	_ =	strace $0x90000046  }
0xb2: {  	s29 =	simm.s32 $0x9;
	_ =	strace $0x80000048  }
0xb3: {  	_ =	swait.ge [sflag:s29], $0x1  }
0xb4: {  	[sflag:s29] =	ssyncadd.s32 $0xFFFFFFFF  }
0xb5: {  	_ =	strace $0x90000048  }
0xb6: {  	_ =	sfence  }
0xb7: {  	s30 =	sld [smem:$0x0];
	_ =	sdelay $0x2  }
0xb8: {  	s31 =	sshll.u32 s1, $0xD;
	s1 =	sshrl.u32 s1, $0x2  }
0xb9: {  	s3 =	sand.u32 $0x4000, s31;
	s1 =	sadd.s32 s1, s30  }
0xba: {  	s0 =	sor.u32 s3, s0;
	s1 =	sshll.u32 s1, $0x11  }
0xbb: {  	s0 =	sor.u32 s1, s0  }
0xbc: {  	s0 =	sadd.s32 $0x8F2B, s0  }
0xbd: {  	[sflag:s0] =	ssyncadd.remote.s32 $0x1  }
0xbe: {  	_ =	sfence.sel $0xFFFF  }
0xbf: {  	[dreg:$0x0] =	wrdreg $0xFFFFFFFF;
	(pc) =	sbr.abs _section_cstart, $3  }
0xc0: {  	[dreg:$0x1] =	wrdreg $0xFFFFFFFF  }
0xc1: {  	_ =	task.clear_ibuf [dreg:s7], $0x2FFFF;
	_ =	strace $0x9FFFFFFF  }
0xc2: {  	(tm) =	ssettm $0x7FFFFFFF  }
0xc3: {  	_ =	shalt  }
tec
execute0_lowered:
.L_overlay_start_1:
0x0: {  	(tag) =	ssettag $0x1  }
0x1: {  	s0 =	srdreg.scid;
	s4 =	rddreg [dreg:$0x0]  }
0x2: {  	s6 =	rddreg [dreg:$0x1];
	s1 =	stileid.u32  }
0x3: {  	s2 =	simm.s32 $0x0;
	s10 =	simm.s32 $0x2710;
	s3 =	sand.u32 $0x1, s0  }
0x4: {  	s11 =	simm.s32 $0x4E20;
	s12 =	simm.s32 $0x7530;
	s5 =	sshll.u32 s3, $0x4  }
0x5: {  	s13 =	simm.s32 $0x9C40;
	s14 =	simm.s32 $0x0;
	s5 =	sor.u32 s1, s5  }
0x6: {  	[smem:$0x7FF] =	sst s2;
	s31 =	ssub.s32 $0x2, s3;
	s7 =	smul.u32 $0x4E2, s5  }
0x7: {  	s0 =	rddreg [dreg:$0x2];
	_ =	strace $0x80000047;
	s9 =	sshrl.u32 s31, $0x1  }
0x8: {  	s3 =	sadd.s32 $0x9D200, s4;
	s9 =	ssub.s32 s31, s9;
	s8 =	sadd.s32 s7, s4  }
0x9: {  	s4 =	sadd.s32 $0x9CC00, s4;
	s6 =	sadd.s32 s6, s7;
	s5 =	sadd.s32 $0x9D800, s8  }
0xa: {  	s7 =	sadd.s32 $0xA7600, s8;
	s8 =	smax.u32 s9, $0x1;
	s9 =	simm.s32 $0x1  }
.LBB2_1:
0xb: {  	[tilespmem:s2], [sflag:$0x1] =	stream.linear.gather [hbm4b:s3+s2], $0x2710, $0x38;
	[tilespmem:$0xC350] =	vst v63  }
0xc: {  	_ =	swait.ge [sflag:s9], $0x2710  }
0xd: {  	[sflag:s9] =	ssyncset.done $0x0  }
0xe: {  	[sflag:s9] =	ssyncadd.s32 $0xFFFFD8F0  }
0xf: {  	[tilespmem:s10], [sflag:$0x1] =	stream.linear.gather [hbm4b:s4+s2], $0x2710, $0x38;
	[tilespmem:$0xC350] =	vst v63  }
0x10: {  	_ =	swait.ge [sflag:s9], $0x2710  }
0x11: {  	[sflag:s9] =	ssyncset.done $0x0  }
0x12: {  	[sflag:s9] =	ssyncadd.s32 $0xFFFFD8F0  }
0x13: {  	[tilespmem:s11], [sflag:$0x1] =	stream.linear.gather [hbm4b:s5+s2], $0x2710, $0x38;
	[tilespmem:$0xC350] =	vst v63  }
0x14: {  	_ =	swait.ge [sflag:s9], $0x2710  }
0x15: {  	[sflag:s9] =	ssyncset.done $0x0  }
0x16: {  	[sflag:s9] =	ssyncadd.s32 $0xFFFFD8F0  }
0x17: {  	[tilespmem:s12], [sflag:$0x1] =	stream.linear.gather [hbm4b:s6+s2], $0x2710, $0x38;
	[tilespmem:$0xC350] =	vst v63  }
0x18: {  	_ =	swait.ge [sflag:s9], $0x2710  }
0x19: {  	[sflag:s9] =	ssyncset.done $0x0  }
0x1a: {  	s15 =	simm.s32 $0x0;
	[sflag:s9] =	ssyncadd.s32 $0xFFFFD8F0  }
0x1b: {  	v0 =	vld [tilespmem:s15+$0x4E20]  }
0x1c: {  	v1 =	vld [tilespmem:s15+$0x7530];
	_ =	sdelay $0x6  }
0x1d: {  	v0 =	vld.idx.msk [tilespmem:v0+s2+$0x0], $0xffff  }
0x1e: {  	v1 =	vld.idx.msk [tilespmem:v1+s10+$0x0], $0xffff;
	_ =	sdelay $0x4  }
0x1f: {  	v0 =	vadd.f32 v1, v0;
	_ =	sdelay $0x1  }
0x20: {  	v1 =	vmul.f32 $2.000000030e-01, v0  }
0x21: {  	vm0 =	vgt.f32 v0, $0.0e+00  }
0x22: {  	v0 =	vsel vm0, v0, v1  }
0x23: {  	v0 =	vmul.f32 $1.442695020e+00, v0;
	_ =	sdelay $0x1  }
0x24: {  	(erf) = vpow2.f32 v0;
	_ =	sdelay $0x2  }
0x25: {  	v0 =	vld [tilespmem:s15+$0x4E30]  }
0x26: {  	v1 =	vld [tilespmem:s15+$0x7540];
	_ =	sdelay $0x4  }
0x27: {  	v2 =	vpop (erf)  }
0x28: {  	[tilespmem:s15+$0x9C40] =	vst v2  }
0x29: {  	v0 =	vld.idx.msk [tilespmem:v0+s2+$0x0], $0xffff  }
0x2a: {  	v1 =	vld.idx.msk [tilespmem:v1+s10+$0x0], $0xffff;
	_ =	sdelay $0x4  }
0x2b: {  	v0 =	vadd.f32 v1, v0;
	_ =	sdelay $0x1  }
0x2c: {  	v1 =	vmul.f32 $2.000000030e-01, v0  }
0x2d: {  	vm12 =	vgt.f32 v0, $0.0e+00  }
0x2e: {  	v0 =	vsel vm12, v0, v1  }
0x2f: {  	v0 =	vmul.f32 $1.442695020e+00, v0;
	_ =	sdelay $0x1  }
0x30: {  	(erf) = vpow2.f32 v0;
	_ =	sdelay $0x2  }
0x31: {  	v0 =	vld [tilespmem:s15+$0x4E40]  }
0x32: {  	v1 =	vld [tilespmem:s15+$0x7550];
	_ =	sdelay $0x4  }
0x33: {  	v2 =	vpop (erf)  }
0x34: {  	[tilespmem:s15+$0x9C50] =	vst v2  }
0x35: {  	v0 =	vld.idx.msk [tilespmem:v0+s2+$0x0], $0xffff  }
0x36: {  	v1 =	vld.idx.msk [tilespmem:v1+s10+$0x0], $0xffff;
	_ =	sdelay $0x4  }
0x37: {  	v0 =	vadd.f32 v1, v0;
	_ =	sdelay $0x1  }
0x38: {  	v1 =	vmul.f32 $2.000000030e-01, v0  }
0x39: {  	vm13 =	vgt.f32 v0, $0.0e+00  }
0x3a: {  	v0 =	vsel vm13, v0, v1  }
0x3b: {  	v0 =	vmul.f32 $1.442695020e+00, v0;
	_ =	sdelay $0x1  }
0x3c: {  	(erf) = vpow2.f32 v0;
	_ =	sdelay $0x2  }
0x3d: {  	v0 =	vld [tilespmem:s15+$0x4E50]  }
0x3e: {  	v1 =	vld [tilespmem:s15+$0x7560];
	_ =	sdelay $0x4  }
0x3f: {  	v2 =	vpop (erf)  }
0x40: {  	[tilespmem:s15+$0x9C60] =	vst v2  }
0x41: {  	v0 =	vld.idx.msk [tilespmem:v0+s2+$0x0], $0xffff  }
0x42: {  	v1 =	vld.idx.msk [tilespmem:v1+s10+$0x0], $0xffff;
	_ =	sdelay $0x4  }
0x43: {  	v0 =	vadd.f32 v1, v0;
	_ =	sdelay $0x1  }
0x44: {  	v1 =	vmul.f32 $2.000000030e-01, v0  }
0x45: {  	vm14 =	vgt.f32 v0, $0.0e+00  }
0x46: {  	v0 =	vsel vm14, v0, v1  }
0x47: {  	v0 =	vmul.f32 $1.442695020e+00, v0;
	_ =	sdelay $0x1  }
0x48: {  	(erf) = vpow2.f32 v0;
	_ =	sdelay $0x2  }
0x49: {  	v0 =	vld [tilespmem:s15+$0x4E60]  }
0x4a: {  	v1 =	vld [tilespmem:s15+$0x7570];
	_ =	sdelay $0x4  }
0x4b: {  	v2 =	vpop (erf)  }
0x4c: {  	[tilespmem:s15+$0x9C70] =	vst v2  }
0x4d: {  	v0 =	vld.idx.msk [tilespmem:v0+s2+$0x0], $0xffff  }
0x4e: {  	v1 =	vld.idx.msk [tilespmem:v1+s10+$0x0], $0xffff;
	_ =	sdelay $0x4  }
0x4f: {  	v0 =	vadd.f32 v1, v0;
	_ =	sdelay $0x1  }
0x50: {  	v1 =	vmul.f32 $2.000000030e-01, v0  }
0x51: {  	vm15 =	vgt.f32 v0, $0.0e+00  }
0x52: {  	v0 =	vsel vm15, v0, v1  }
0x53: {  	v1 =	vmul.f32 $1.442695020e+00, v0;
	_ =	sdelay $0x1  }
0x54: {  	(erf) = vpow2.f32 v1;
	_ =	sdelay $0x1  }
0x55: {  	s18 =	simm.s32 $0x50  }
0x56: {  	v0 =	vld [tilespmem:s18+$0x4E20]  }
0x57: {  	s16 =	simm.s32 $0x280;
	v1 =	vld [tilespmem:s18+$0x7530]  }
.LBB2_2:
0x58: {  	p0 =	sne.s32 s16, $0x9B00;
	s17 =	smov.u32 s16;
	s16 =	sadd.s32 $0x140, s16  }
0x59: {  	_ =	sdelay $0x2  }
0x5a: {  	v2 =	vpop (erf)  }
0x5b: {  	[tilespmem:s15+$0x9C80] =	vst v2;
	s15 =	smov.u32 s18  }
0x5c: {  	v0 =	vld.idx.msk [tilespmem:v0+s2+$0x0], $0xffff  }
0x5d: {  	v1 =	vld.idx.msk [tilespmem:v1+s10+$0x0], $0xffff;
	_ =	sdelay $0x5  }
0x5e: {  	v0 =	vadd.f32 v1, v0;
	_ =	sdelay $0x1  }
0x5f: {  	vm0 =	vgt.f32 v0, $0.0e+00;
	v1 =	vmul.f32 $2.000000030e-01, v0;
	_ =	sdelay $0x1  }
0x60: {  	v0 =	vsel vm0, v0, v1  }
0x61: {  	v0 =	vmul.f32 $1.442695020e+00, v0;
	_ =	sdelay $0x1  }
0x62: {  	(erf) = vpow2.f32 v0;
	_ =	sdelay $0x1  }
0x63: {  	v0 =	vld [tilespmem:s15+$0x7540]  }
0x64: {  	v1 =	vld [tilespmem:s15+$0x4E30];
	_ =	sdelay $0x5  }
0x65: {  	v2 =	vpop (erf)  }
0x66: {  	[tilespmem:s15+$0x9C40] =	vst v2  }
0x67: {  	v1 =	vld.idx.msk [tilespmem:v1+s2+$0x0], $0xffff  }
0x68: {  	v0 =	vld.idx.msk [tilespmem:v0+s10+$0x0], $0xffff;
	_ =	sdelay $0x5  }
0x69: {  	v0 =	vadd.f32 v0, v1;
	_ =	sdelay $0x1  }
0x6a: {  	vm0 =	vgt.f32 v0, $0.0e+00;
	v1 =	vmul.f32 $2.000000030e-01, v0;
	_ =	sdelay $0x1  }
0x6b: {  	v0 =	vsel vm0, v0, v1  }
0x6c: {  	v0 =	vmul.f32 $1.442695020e+00, v0;
	_ =	sdelay $0x1  }
0x6d: {  	(erf) = vpow2.f32 v0;
	_ =	sdelay $0x1  }
0x6e: {  	v0 =	vld [tilespmem:s15+$0x7550]  }
0x6f: {  	v1 =	vld [tilespmem:s15+$0x4E40];
	_ =	sdelay $0x5  }
0x70: {  	v2 =	vpop (erf)  }
0x71: {  	[tilespmem:s15+$0x9C50] =	vst v2  }
0x72: {  	v1 =	vld.idx.msk [tilespmem:v1+s2+$0x0], $0xffff  }
0x73: {  	v0 =	vld.idx.msk [tilespmem:v0+s10+$0x0], $0xffff;
	_ =	sdelay $0x5  }
0x74: {  	v0 =	vadd.f32 v0, v1;
	_ =	sdelay $0x1  }
0x75: {  	vm0 =	vgt.f32 v0, $0.0e+00;
	v1 =	vmul.f32 $2.000000030e-01, v0;
	_ =	sdelay $0x1  }
0x76: {  	v0 =	vsel vm0, v0, v1  }
0x77: {  	v0 =	vmul.f32 $1.442695020e+00, v0;
	_ =	sdelay $0x1  }
0x78: {  	(erf) = vpow2.f32 v0;
	_ =	sdelay $0x1  }
0x79: {  	v0 =	vld [tilespmem:s15+$0x7560]  }
0x7a: {  	v1 =	vld [tilespmem:s15+$0x4E50];
	_ =	sdelay $0x5  }
0x7b: {  	v2 =	vpop (erf)  }
0x7c: {  	[tilespmem:s15+$0x9C60] =	vst v2  }
0x7d: {  	v1 =	vld.idx.msk [tilespmem:v1+s2+$0x0], $0xffff  }
0x7e: {  	v0 =	vld.idx.msk [tilespmem:v0+s10+$0x0], $0xffff;
	_ =	sdelay $0x5  }
0x7f: {  	v0 =	vadd.f32 v0, v1;
	_ =	sdelay $0x1  }
0x80: {  	vm0 =	vgt.f32 v0, $0.0e+00;
	v1 =	vmul.f32 $2.000000030e-01, v0;
	_ =	sdelay $0x1  }
0x81: {  	v0 =	vsel vm0, v0, v1  }
0x82: {  	v0 =	vmul.f32 $1.442695020e+00, v0;
	_ =	sdelay $0x1  }
0x83: {  	(erf) = vpow2.f32 v0;
	_ =	sdelay $0x1  }
0x84: {  	v0 =	vld [tilespmem:s15+$0x7570]  }
0x85: {  	v1 =	vld [tilespmem:s15+$0x4E60];
	_ =	sdelay $0x5  }
0x86: {  	v2 =	vpop (erf)  }
0x87: {  	[tilespmem:s15+$0x9C70] =	vst v2  }
0x88: {  	v1 =	vld.idx.msk [tilespmem:v1+s2+$0x0], $0xffff  }
0x89: {  	v0 =	vld.idx.msk [tilespmem:v0+s10+$0x0], $0xffff;
	_ =	sdelay $0x5  }
0x8a: {  	v0 =	vadd.f32 v0, v1;
	_ =	sdelay $0x1  }
0x8b: {  	vm0 =	vgt.f32 v0, $0.0e+00;
	v1 =	vmul.f32 $2.000000030e-01, v0;
	_ =	sdelay $0x1  }
0x8c: {  	v0 =	vsel vm0, v0, v1  }
0x8d: {  	v0 =	vmul.f32 $1.442695020e+00, v0;
	_ =	sdelay $0x1  }
.Ltmp0:
0x8e: {  	(erf) = vpow2.f32 v0;
	(pc) =	sbr.rel @p0 .LBB2_2-.Ltmp0, $4  }
0x8f: {  	_ = 	snop  }
0x90: {  	s18 =	sshra.s32 s17, $0x2  }
0x91: {  	v0 =	vld [tilespmem:s18+$0x4E20]  }
0x92: {  	v1 =	vld [tilespmem:s18+$0x7530]  }
0x93: {  	_ =	sdelay $0x4  }
0x94: {  	v2 =	vpop (erf)  }
0x95: {  	[tilespmem:s15+$0x9C80] =	vst v2  }
0x96: {  	v0 =	vld.idx.msk [tilespmem:v0+s2+$0x0], $0xffff  }
0x97: {  	v1 =	vld.idx.msk [tilespmem:v1+s10+$0x0], $0xffff;
	_ =	sdelay $0x4  }
0x98: {  	v0 =	vadd.f32 v1, v0;
	_ =	sdelay $0x1  }
0x99: {  	v1 =	vmul.f32 $2.000000030e-01, v0  }
0x9a: {  	vm0 =	vgt.f32 v0, $0.0e+00  }
0x9b: {  	v0 =	vsel vm0, v0, v1  }
0x9c: {  	v0 =	vmul.f32 $1.442695020e+00, v0;
	_ =	sdelay $0x1  }
0x9d: {  	(erf) = vpow2.f32 v0;
	_ =	sdelay $0x2  }
0x9e: {  	v52 =	vld [tilespmem:s18+$0x4E30]  }
0x9f: {  	v53 =	vld [tilespmem:s18+$0x7540];
	_ =	sdelay $0x4  }
0xa0: {  	v54 =	vpop (erf)  }
0xa1: {  	[tilespmem:s18+$0x9C40] =	vst v54  }
0xa2: {  	v0 =	vld.idx.msk [tilespmem:v52+s2+$0x0], $0xffff  }
0xa3: {  	v1 =	vld.idx.msk [tilespmem:v53+s10+$0x0], $0xffff;
	_ =	sdelay $0x4  }
0xa4: {  	v0 =	vadd.f32 v1, v0;
	_ =	sdelay $0x1  }
0xa5: {  	v1 =	vmul.f32 $2.000000030e-01, v0  }
0xa6: {  	vm12 =	vgt.f32 v0, $0.0e+00  }
0xa7: {  	v0 =	vsel vm12, v0, v1  }
0xa8: {  	v0 =	vmul.f32 $1.442695020e+00, v0;
	_ =	sdelay $0x1  }
0xa9: {  	(erf) = vpow2.f32 v0;
	_ =	sdelay $0x2  }
0xaa: {  	v55 =	vld [tilespmem:s18+$0x4E40]  }
0xab: {  	v56 =	vld [tilespmem:s18+$0x7550];
	_ =	sdelay $0x4  }
0xac: {  	v57 =	vpop (erf)  }
0xad: {  	[tilespmem:s18+$0x9C50] =	vst v57  }
0xae: {  	v0 =	vld.idx.msk [tilespmem:v55+s2+$0x0], $0xffff  }
0xaf: {  	v1 =	vld.idx.msk [tilespmem:v56+s10+$0x0], $0xffff;
	_ =	sdelay $0x4  }
0xb0: {  	v0 =	vadd.f32 v1, v0;
	_ =	sdelay $0x1  }
0xb1: {  	v1 =	vmul.f32 $2.000000030e-01, v0  }
0xb2: {  	vm13 =	vgt.f32 v0, $0.0e+00  }
0xb3: {  	v0 =	vsel vm13, v0, v1  }
0xb4: {  	v0 =	vmul.f32 $1.442695020e+00, v0;
	_ =	sdelay $0x1  }
0xb5: {  	(erf) = vpow2.f32 v0;
	_ =	sdelay $0x2  }
0xb6: {  	v58 =	vld [tilespmem:s18+$0x4E50]  }
0xb7: {  	v59 =	vld [tilespmem:s18+$0x7560];
	_ =	sdelay $0x4  }
0xb8: {  	v60 =	vpop (erf)  }
0xb9: {  	[tilespmem:s18+$0x9C60] =	vst v60  }
0xba: {  	v0 =	vld.idx.msk [tilespmem:v58+s2+$0x0], $0xffff  }
0xbb: {  	v1 =	vld.idx.msk [tilespmem:v59+s10+$0x0], $0xffff;
	_ =	sdelay $0x4  }
0xbc: {  	v0 =	vadd.f32 v1, v0;
	_ =	sdelay $0x1  }
0xbd: {  	v1 =	vmul.f32 $2.000000030e-01, v0  }
0xbe: {  	vm14 =	vgt.f32 v0, $0.0e+00  }
0xbf: {  	v0 =	vsel vm14, v0, v1  }
0xc0: {  	v0 =	vmul.f32 $1.442695020e+00, v0;
	_ =	sdelay $0x1  }
0xc1: {  	(erf) = vpow2.f32 v0;
	_ =	sdelay $0x2  }
0xc2: {  	v61 =	vld [tilespmem:s18+$0x4E60]  }
0xc3: {  	v62 =	vld [tilespmem:s18+$0x7570];
	_ =	sdelay $0x4  }
0xc4: {  	v63 =	vpop (erf)  }
0xc5: {  	[tilespmem:s18+$0x9C70] =	vst v63  }
0xc6: {  	v0 =	vld.idx.msk [tilespmem:v61+s2+$0x0], $0xffff  }
0xc7: {  	v1 =	vld.idx.msk [tilespmem:v62+s10+$0x0], $0xffff;
	_ =	sdelay $0x4  }
0xc8: {  	v0 =	vadd.f32 v1, v0;
	_ =	sdelay $0x1  }
0xc9: {  	v1 =	vmul.f32 $2.000000030e-01, v0  }
0xca: {  	vm15 =	vgt.f32 v0, $0.0e+00  }
0xcb: {  	v0 =	vsel vm15, v0, v1  }
0xcc: {  	v0 =	vmul.f32 $1.442695020e+00, v0;
	_ =	sdelay $0x1  }
0xcd: {  	(erf) = vpow2.f32 v0;
	_ =	sdelay $0x7  }
0xce: {  	s14 =	sadd.s32 $0x1, s14  }
0xcf: {  	p0 =	sne.s32 s14, s8;
	v0 =	vpop (erf)  }
.Ltmp1:
0xd0: {  	[tilespmem:s18+$0x9C80] =	vst v0;
	(pc) =	sbr.rel @p0 .LBB2_1-.Ltmp1, $4  }
0xd1: {  	[hbm4b:s7+s2] =	stream.linear.scatter [tilespmem:s13], [sflag:$0x1], $0x2710, $0x38;
	[tilespmem:$0xC350] =	vst v63  }
0xd2: {  	_ =	swait.ge [sflag:s9], $0x2710  }
0xd3: {  	[sflag:s9] =	ssyncset.done $0x0  }
0xd4: {  	[sflag:s9] =	ssyncadd.s32 $0xFFFFD8F0  }
0xd5: {  	_ =	sfence.sel $0x180000  }
0xd6: {  	[bflag:$0x0] =	sbarrier.arrive $0xFFFF  }
0xd7: {  	p0 =	sne.s32 s1, $0x0;
	_ =	strace $0x90000047  }
0xd8: {  	s0 =	sadd.s32 @!p0 $0x100000, s0;
	[bflag:$0x2] =	sbarrier.arrive $0xFFFF  }
0xd9: {  	[sflag:s0] =	ssyncadd.tile.s32 @!p0 $0x1;
	_ =	shalt  }
.Lfunc_end2:
_tile_overlayer_lowered:
.L_overlay_start_2:
0xda: {  	(tag) =	ssettag $0x2  }
0xdb: {  	s0 =	rddreg [dreg:$0x0];
	s2 =	stileid.u32  }
0xdc: {  	s1 =	rddreg [dreg:$0x1];
	p0 =	sne.s32 s2, $0x0  }
0xdd: {  	s3 =	rddreg [dreg:$0x2];
	[bflag:$0x3] =	sbarrier.arrive $0xFFFF;
	s2 =	simm.s32 @!p0 $0x1C01  }
0xde: {  	[timem:s3], [sflag:s2] =	dma.local @!p0 [hbm:s0], s1  }
0xdf: {  	s0 =	simm.s32 @!p0 $0x1  }
0xe0: {  	_ =	swait.ge @!p0 [sflag:s0], s1  }
0xe1: {  	s1 =	ssub.s32 @!p0 $0x0, s1;
	[sflag:s0] =	ssyncset.done @!p0 $0x0  }
0xe2: {  	[sflag:s0] =	ssyncadd.s32 @!p0 s1  }
0xe3: {  	[bflag:$0x3] =	sbarrier.arrive $0xFFFF  }
0xe4: {  	_ =	shalt  }

</sc_bundles>
